<compile_context>
chip_gen: v7x
topology: tpu7x:2x2x1
jax: 0.10.2.dev20260603
libtpu: 0.0.44.dev20260713+nightly
codegen_flags: <defaults>
</compile_context>

<pallas_src>
import functools

import jax
import jax.numpy as jnp
import numpy as np
from jax import lax
from jax.experimental import pallas as pl
from jax.experimental.pallas import tpu as pltpu
from jax.experimental.pallas import tpu_sc as plsc

N = 50000
E = 800000
D_IN = 15
D_EDGE = 5
NUM_RBF = 8
HID = 32
HEADS = 4
HEAD_DIM = HID // HEADS
CUTOFF = 8.0

NUM_CORES = 2
NUM_SUBCORES = 16
NW = NUM_CORES * NUM_SUBCORES
EPT = E // NW
GMAC = 250
NGMAC = EPT // GMAC
MAC = 250
SUB = 125
NSUB = MAC // SUB
GSUB = GMAC // SUB
AUG = 48
GW = 128
ACC_W = 48

HN = N // 2
NTRASH = 128
ER = E // 2
EPR = ER // NUM_SUBCORES
NMAC2 = EPR // MAC
ZR2 = (HN + NTRASH) // 8
OR2 = HN // 8

_GAMMA = CUTOFF / NUM_RBF
_SCALE = 1.0 / np.sqrt(float(HEAD_DIM))


@functools.cache
def _mesh():
  return plsc.VectorSubcoreMesh(
      core_axis_name="c", subcore_axis_name="s",
      num_cores=NUM_CORES, num_subcores=NUM_SUBCORES,
  )


def _centers_row():
  i = lax.broadcasted_iota(jnp.int32, (1, NUM_RBF), 1)
  return i.astype(jnp.float32) * (CUTOFF / (NUM_RBF - 1))


def _sel():
  r = lax.broadcasted_iota(jnp.int32, (HID, HEADS), 0) // HEAD_DIM
  c = lax.broadcasted_iota(jnp.int32, (HID, HEADS), 1)
  return (r == c).astype(jnp.float32)


def _selt():
  r = lax.broadcasted_iota(jnp.int32, (HEADS, HID), 0)
  c = lax.broadcasted_iota(jnp.int32, (HEADS, HID), 1) // HEAD_DIM
  return (r == c).astype(jnp.float32)


def _gather_call(src2d, dst2d, tq, tk, tv):
  widths = (AUG, AUG, HID)
  offs = (0, AUG, 2 * AUG)
  use_dst = (True, False, False)

  @functools.partial(
      pl.kernel,
      out_type=jax.ShapeDtypeStruct((E, GW), jnp.float32),
      mesh=_mesh(),
      compiler_params=pltpu.CompilerParams(use_tc_tiling_on_sc=False),
      scratch_types=[
          pltpu.VMEM((GSUB, SUB), jnp.int32),
          pltpu.VMEM((GSUB, SUB), jnp.int32),
          pltpu.VMEM((GSUB, SUB), jnp.int32),
          pltpu.VMEM((GSUB, SUB), jnp.int32),
          pltpu.VMEM((GMAC, AUG), jnp.float32),
          pltpu.VMEM((GMAC, AUG), jnp.float32),
          pltpu.VMEM((GMAC, HID), jnp.float32),
          pltpu.VMEM((GMAC, AUG), jnp.float32),
          pltpu.VMEM((GMAC, AUG), jnp.float32),
          pltpu.VMEM((GMAC, HID), jnp.float32),
          pltpu.SemaphoreType.DMA,
          pltpu.SemaphoreType.DMA,
          pltpu.SemaphoreType.DMA,
          pltpu.SemaphoreType.DMA,
      ],
  )
  def gather_kernel(src2d_h, dst2d_h, tq_h, tk_h, tv_h, g_out,
                    is0, id0, is1, id1, bq0, bk0, bv0, bq1, bk1, bv1,
                    gsem0, gsem1, wsem0, wsem1):
    c = lax.axis_index("c")
    s = lax.axis_index("s")
    wid = s * NUM_CORES + c
    tables = (tq_h, tk_h, tv_h)
    slot_bufs = ((bq0, bk0, bv0), (bq1, bk1, bv1))
    slot_idx = ((is0, id0), (is1, id1))
    gsems = (gsem0, gsem1)
    wsems = (wsem0, wsem1)

    def fire(m, slot):
      r0 = wid * (EPT // SUB) + m * GSUB
      isrc, idst = slot_idx[slot]
      pltpu.sync_copy(src2d_h.at[pl.ds(r0, GSUB)], isrc)
      pltpu.sync_copy(dst2d_h.at[pl.ds(r0, GSUB)], idst)
      copies = []
      for j in range(GSUB):
        for tab, buf, dflag in zip(tables, slot_bufs[slot], use_dst):
          idx = (idst if dflag else isrc).at[j]
          copies.append(pltpu.async_copy(
              tab.at[idx], buf.at[pl.ds(j * SUB, SUB)], gsems[slot]))
      return copies

    def fire_writes(m, slot):
      base = wid * EPT + m * GMAC
      for buf, off, w in zip(slot_bufs[slot], offs, widths):
        pltpu.async_copy(buf, g_out.at[pl.ds(base, GMAC), pl.ds(off, w)],
                         wsems[slot])

    def drain_writes(m, slot):
      base = wid * EPT + m * GMAC
      for buf, off, w in zip(slot_bufs[slot], offs, widths):
        pltpu.make_async_copy(
            buf, g_out.at[pl.ds(base, GMAC), pl.ds(off, w)],
            wsems[slot]).wait()

    def body(i, carry):
      m0 = 2 * i
      m1 = 2 * i + 1

      @pl.when(i > 0)
      def _():
        drain_writes(m0 - 2, 0)

      g0 = fire(m0, 0)

      @pl.when(i > 0)
      def _():
        drain_writes(m1 - 2, 1)

      g1 = fire(m1, 1)
      for cp in g0:
        cp.wait()
      fire_writes(m0, 0)
      for cp in g1:
        cp.wait()
      fire_writes(m1, 1)
      return carry

    lax.fori_loop(0, NGMAC // 2, body, 0)
    drain_writes(NGMAC - 2, 0)
    drain_writes(NGMAC - 1, 1)

  return gather_kernel(src2d, dst2d, tq, tk, tv)


def _scatter_call(dstc2d, rows, zeros):

  @functools.partial(
      pl.kernel,
      out_type=jax.ShapeDtypeStruct((N, ACC_W), jnp.float32),
      mesh=_mesh(),
      compiler_params=pltpu.CompilerParams(use_tc_tiling_on_sc=False),
      scratch_types=[
          pltpu.VMEM((NSUB, SUB), jnp.int32),
          pltpu.VMEM((NSUB, SUB), jnp.int32),
          pltpu.VMEM((NSUB, SUB), jnp.int32),
          pltpu.VMEM((NSUB, SUB), jnp.int32),
          pltpu.VMEM((MAC, ACC_W), jnp.float32),
          pltpu.VMEM((MAC, ACC_W), jnp.float32),
          pltpu.VMEM((MAC, ACC_W), jnp.float32),
          pltpu.VMEM((MAC, ACC_W), jnp.float32),
          pltpu.VMEM_SHARED((HN + NTRASH, ACC_W), jnp.float32),
          pltpu.SemaphoreType.DMA,
          pltpu.SemaphoreType.DMA,
          pltpu.SemaphoreType.DMA,
      ],
  )
  def scatter_kernel(dstc2d_h, rows_h, zeros_h, out, ia0, ib0, ia1, ib1,
                     ra0, rb0, ra1, rb1, acc, lsem0, lsem1, asem):
    c = lax.axis_index("c")
    s = lax.axis_index("s")
    slot_refs = ((ia0, ib0, ra0, rb0, lsem0), (ia1, ib1, ra1, rb1, lsem1))

    @pl.when(s < 8)
    def _zero():
      pltpu.sync_copy(zeros_h, acc.at[pl.ds(s * ZR2, ZR2)])

    plsc.subcore_barrier()

    def fire_loads(m, slot):
      ia, ib, ra, rb, lsem = slot_refs[slot]
      base = s * EPR + m * MAC
      r0 = s * (EPR // SUB) + m * NSUB
      return [
          pltpu.async_copy(dstc2d_h.at[c, pl.ds(r0, NSUB)], ia, lsem),
          pltpu.async_copy(dstc2d_h.at[c, pl.ds(r0 + ER // SUB, NSUB)], ib,
                           lsem),
          pltpu.async_copy(rows_h.at[pl.ds(base, MAC), pl.ds(0, ACC_W)], ra,
                           lsem),
          pltpu.async_copy(rows_h.at[pl.ds(base, MAC), pl.ds(ACC_W, ACC_W)],
                           rb, lsem),
      ]

    def fire_adds(slot):
      ia, ib, ra, rb, _ = slot_refs[slot]
      copies = []
      for j in range(NSUB):
        copies.append(pltpu.async_copy(
            ra.at[pl.ds(j * SUB, SUB)], acc.at[ia.at[j]], asem, add=True))
        copies.append(pltpu.async_copy(
            rb.at[pl.ds(j * SUB, SUB)], acc.at[ib.at[j]], asem, add=True))
      return copies

    def body(i, carry):
      l0 = fire_loads(2 * i, 0)
      l1 = fire_loads(2 * i + 1, 1)
      for cp in l0:
        cp.wait()
      a0 = fire_adds(0)
      for cp in l1:
        cp.wait()
      a1 = fire_adds(1)
      for cp in a0:
        cp.wait()
      for cp in a1:
        cp.wait()
      return carry

    lax.fori_loop(0, NMAC2 // 2, body, 0)
    plsc.subcore_barrier()

    @pl.when(s < 8)
    def _out():
      pltpu.sync_copy(acc.at[pl.ds(s * OR2, OR2)],
                      out.at[pl.ds(c * HN + s * OR2, OR2)])

  return scatter_kernel(dstc2d, rows, zeros)


def _dstidx_call(dst):
  rows = E // 128

  def body(dst_ref, out_ref):
    dv = dst_ref[...]
    in0 = dv < HN
    trash = HN + (lax.broadcasted_iota(jnp.int32, dv.shape, 1)
                  % jnp.int32(NTRASH))
    out_ref[0] = jnp.where(in0, dv, trash)
    out_ref[1] = jnp.where(in0, trash, dv - HN)

  return pl.pallas_call(
      body,
      grid=(1,),
      in_specs=[pl.BlockSpec((rows, 128), lambda i: (0, 0))],
      out_specs=pl.BlockSpec((NUM_CORES, rows, 128), lambda i: (0, 0, 0)),
      out_shape=jax.ShapeDtypeStruct((NUM_CORES, rows, 128), jnp.int32),
  )(dst.reshape(rows, 128))


def _prep_call(x, pos, Wq, Wkt, Wvt):
  d_in = x.shape[1]
  bn = 5000

  def body(x_ref, pos_ref, wq, wk, wv, q_ref, k_ref, v_ref):
    xb = x_ref[...]
    pb = pos_ref[...]
    pad = jnp.zeros((bn, AUG - HID - 3), jnp.float32)
    q = jnp.dot(xb, wq[...], preferred_element_type=jnp.float32)
    k = jnp.dot(xb, wk[...], preferred_element_type=jnp.float32)
    q_ref[...] = jnp.concatenate([q, pb, pad], axis=1)
    k_ref[...] = jnp.concatenate([k, pb, pad], axis=1)
    v_ref[...] = jnp.dot(xb, wv[...], preferred_element_type=jnp.float32)

  return pl.pallas_call(
      body,
      grid=(N // bn,),
      in_specs=[
          pl.BlockSpec((bn, d_in), lambda i: (i, 0)),
          pl.BlockSpec((bn, 3), lambda i: (i, 0)),
          pl.BlockSpec((d_in, HID), lambda i: (0, 0)),
          pl.BlockSpec((d_in, HID), lambda i: (0, 0)),
          pl.BlockSpec((d_in, HID), lambda i: (0, 0)),
      ],
      out_specs=[
          pl.BlockSpec((bn, AUG), lambda i: (i, 0)),
          pl.BlockSpec((bn, AUG), lambda i: (i, 0)),
          pl.BlockSpec((bn, HID), lambda i: (i, 0)),
      ],
      out_shape=[
          jax.ShapeDtypeStruct((N, AUG), jnp.float32),
          jax.ShapeDtypeStruct((N, AUG), jnp.float32),
          jax.ShapeDtypeStruct((N, HID), jnp.float32),
      ],
  )(x, pos, Wq, Wkt, Wvt)


def _iota2(shape, dim):
  return lax.broadcasted_iota(jnp.int32, shape, dim)


def _mm(a, b):
  return jnp.dot(a, b, preferred_element_type=jnp.float32)


def _edge_rows(gb, eatb, wkva, wkvr, off):
  r128 = _iota2((GW, 4), 0)
  c4 = _iota2((GW, 4), 1)
  dif = ((r128 == c4 + HID).astype(jnp.float32)
         - (r128 == c4 + AUG + HID).astype(jnp.float32))
  r = _iota2((GW, 2 * HID), 0)
  c = _iota2((GW, 2 * HID), 1)
  sel_kv = (r == jnp.where(c < HID, c + AUG, c + 2 * AUG - HID)
            ).astype(jnp.float32)
  ones41 = jnp.ones((4, 1), jnp.float32)

  diff4 = _mm(gb, dif)
  dist = jnp.sqrt(_mm(diff4 * diff4, ones41) + 1e-9)
  rbf = jnp.exp(-((dist - _centers_row()) ** 2) / (_GAMMA ** 2))
  ea_kv = lax.dot_general(eatb, wkva, (((0,), (0,)), ((), ())),
                          preferred_element_type=jnp.float32)
  kv = _mm(gb, sel_kv) + ea_kv + _mm(rbf, wkvr)
  t32 = gb[:, 0:HID] * kv[:, 0:HID]
  p = jnp.exp(_mm(t32, _sel()) * _SCALE)
  pv32 = _mm(p, _selt()) * kv[:, HID:2 * HID]
  rp = _iota2((4, GW), 0)
  cp = _iota2((4, GW), 1)
  place_p = (cp == rp + off).astype(jnp.float32)
  rv = _iota2((HID, GW), 0)
  cv = _iota2((HID, GW), 1)
  place_v = (cv == rv + off + 8).astype(jnp.float32)
  return _mm(p, place_p) + _mm(pv32, place_v)


def _edge_call(g, eat, Wkva, Wkvr):
  be = 3200
  nblk = ER // be

  def body(ga_ref, gb_ref, eat_a, eat_b, wkva, wkvr, rows_ref):
    rows_ref[...] = (
        _edge_rows(ga_ref[...], eat_a[...], wkva[...], wkvr[...], 0)
        + _edge_rows(gb_ref[...], eat_b[...], wkva[...], wkvr[...], ACC_W))

  return pl.pallas_call(
      body,
      grid=(nblk,),
      in_specs=[
          pl.BlockSpec((be, GW), lambda i: (i, 0)),
          pl.BlockSpec((be, GW), lambda i: (i + nblk, 0)),
          pl.BlockSpec((D_EDGE, be), lambda i: (0, i)),
          pl.BlockSpec((D_EDGE, be), lambda i: (0, i + nblk)),
          pl.BlockSpec((D_EDGE, 2 * HID), lambda i: (0, 0)),
          pl.BlockSpec((NUM_RBF, 2 * HID), lambda i: (0, 0)),
      ],
      out_specs=pl.BlockSpec((be, GW), lambda i: (i, 0)),
      out_shape=jax.ShapeDtypeStruct((ER, GW), jnp.float32),
  )(g, g, eat, eat, Wkva, Wkvr)


def _combine1_call(part, pos, Wq, Wkt, Wvt):
  bn = 5000

  def body(part_ref, pos_ref, wq, wk, wv, q_ref, k_ref, v_ref):
    a = part_ref[...]
    den = jnp.dot(a[:, 0:4], _selt(), preferred_element_type=jnp.float32) + 1e-9
    h = jnp.maximum(a[:, 8:40] / den, 0.0)
    pb = pos_ref[...]
    pad = jnp.zeros((bn, AUG - HID - 3), jnp.float32)
    q = jnp.dot(h, wq[...], preferred_element_type=jnp.float32)
    k = jnp.dot(h, wk[...], preferred_element_type=jnp.float32)
    q_ref[...] = jnp.concatenate([q, pb, pad], axis=1)
    k_ref[...] = jnp.concatenate([k, pb, pad], axis=1)
    v_ref[...] = jnp.dot(h, wv[...], preferred_element_type=jnp.float32)

  return pl.pallas_call(
      body,
      grid=(N // bn,),
      in_specs=[
          pl.BlockSpec((bn, ACC_W), lambda i: (i, 0)),
          pl.BlockSpec((bn, 3), lambda i: (i, 0)),
          pl.BlockSpec((HID, HID), lambda i: (0, 0)),
          pl.BlockSpec((HID, HID), lambda i: (0, 0)),
          pl.BlockSpec((HID, HID), lambda i: (0, 0)),
      ],
      out_specs=[
          pl.BlockSpec((bn, AUG), lambda i: (i, 0)),
          pl.BlockSpec((bn, AUG), lambda i: (i, 0)),
          pl.BlockSpec((bn, HID), lambda i: (i, 0)),
      ],
      out_shape=[
          jax.ShapeDtypeStruct((N, AUG), jnp.float32),
          jax.ShapeDtypeStruct((N, AUG), jnp.float32),
          jax.ShapeDtypeStruct((N, HID), jnp.float32),
      ],
  )(part, pos, Wq, Wkt, Wvt)


def _combine2_call(part):
  bn = 5000

  def body(part_ref, h_ref):
    a = part_ref[...]
    den = jnp.dot(a[:, 0:4], _selt(), preferred_element_type=jnp.float32) + 1e-9
    h_ref[...] = a[:, 8:40] / den

  return pl.pallas_call(
      body,
      grid=(N // bn,),
      in_specs=[pl.BlockSpec((bn, ACC_W), lambda i: (i, 0))],
      out_specs=pl.BlockSpec((bn, HID), lambda i: (i, 0)),
      out_shape=jax.ShapeDtypeStruct((N, HID), jnp.float32),
  )(part)


def kernel(x, edge_index, edge_attr, pos, Wq1, Wk1, Wv1, Wq2, Wk2, Wv2):
  src2d = edge_index[0].reshape(E // SUB, SUB)
  dst2d = edge_index[1].reshape(E // SUB, SUB)
  eat = edge_attr.T

  Wk1t, Wk1a, Wk1r = Wk1[:D_IN], Wk1[D_IN:D_IN + D_EDGE], Wk1[D_IN + D_EDGE:]
  Wv1t, Wv1a, Wv1r = Wv1[:D_IN], Wv1[D_IN:D_IN + D_EDGE], Wv1[D_IN + D_EDGE:]
  Wk2t, Wk2a, Wk2r = Wk2[:HID], Wk2[HID:HID + D_EDGE], Wk2[HID + D_EDGE:]
  Wv2t, Wv2a, Wv2r = Wv2[:HID], Wv2[HID:HID + D_EDGE], Wv2[HID + D_EDGE:]

  zeros = jnp.zeros((ZR2, ACC_W), jnp.float32)
  dstc2d = _dstidx_call(edge_index[1]).reshape(NUM_CORES, E // SUB, SUB)

  Wkv1a = jnp.concatenate([Wk1a, Wv1a], axis=1)
  Wkv1r = jnp.concatenate([Wk1r, Wv1r], axis=1)
  Wkv2a = jnp.concatenate([Wk2a, Wv2a], axis=1)
  Wkv2r = jnp.concatenate([Wk2r, Wv2r], axis=1)

  tq1, tk1, tv1 = _prep_call(x, pos, Wq1, Wk1t, Wv1t)
  g1 = _gather_call(src2d, dst2d, tq1, tk1, tv1)
  rows1 = _edge_call(g1, eat, Wkv1a, Wkv1r)
  part1 = _scatter_call(dstc2d, rows1, zeros)

  tq2, tk2, tv2 = _combine1_call(part1, pos, Wq2, Wk2t, Wv2t)
  g2 = _gather_call(src2d, dst2d, tq2, tk2, tv2)
  rows2 = _edge_call(g2, eat, Wkv2a, Wkv2r)
  part2 = _scatter_call(dstc2d, rows2, zeros)
  return _combine2_call(part2)

# --- scband reference (transcript-rebuilt; emitter-appended) ---
"""Pipeline reference for scband-ligand-se3-18580028522894 (READ-ONLY COPY).

The authoritative reference and input builder live on the scoring server;
editing this copy changes nothing except your own understanding.
"""

import jax, jax.numpy as jnp
import numpy as np

N = 50000
E = 800000
D_IN = 15
D_EDGE = 5
NUM_RBF = 8
HID = 32
HEADS = 4
HEAD_DIM = HID // HEADS
CUTOFF = 8.0


def rbf_expand(d):
    centers = jnp.linspace(0.0, CUTOFF, NUM_RBF)
    gamma = CUTOFF / NUM_RBF
    return jnp.exp(-((d[:, None] - centers[None, :]) ** 2) / (gamma ** 2))


def attn_layer(h, src, dst, eall, Wq, Wk, Wv, n):
    q = (h @ Wq).reshape(n, HEADS, HEAD_DIM)
    ein = jnp.concatenate([h[src], eall], axis=1)
    k = (ein @ Wk).reshape(-1, HEADS, HEAD_DIM)
    v = (ein @ Wv).reshape(-1, HEADS, HEAD_DIM)
    logits = (q[dst] * k).sum(-1) / jnp.sqrt(float(HEAD_DIM))
    m = jax.ops.segment_max(logits, dst, num_segments=n)
    m = jax.lax.stop_gradient(jnp.where(jnp.isfinite(m), m, 0.0))
    p = jnp.exp(logits - m[dst])
    denom = jax.ops.segment_sum(p, dst, num_segments=n) + 1e-9
    w = p / denom[dst]
    agg = jax.ops.segment_sum(w[..., None] * v, dst, num_segments=n)
    return agg.reshape(n, HID)


def setup_inputs(seed: int = 0):
    key = jax.random.key(seed)
    ks = jax.random.split(key, 12)
    x = jax.random.normal(ks[0], (N, D_IN), dtype=jnp.float32)
    edge_index = jax.random.randint(ks[1], (2, E), 0, N, dtype=jnp.int32)
    edge_attr = jax.random.uniform(ks[2], (E, D_EDGE), dtype=jnp.float32)
    pos = jax.random.normal(ks[3], (N, 3), dtype=jnp.float32) * 5.0
    kin1 = D_IN + D_EDGE + NUM_RBF
    kin2 = HID + D_EDGE + NUM_RBF
    Wq1 = jax.random.normal(ks[4], (D_IN, HID), dtype=jnp.float32) * 0.1
    Wk1 = jax.random.normal(ks[5], (kin1, HID), dtype=jnp.float32) * 0.1
    Wv1 = jax.random.normal(ks[6], (kin1, HID), dtype=jnp.float32) * 0.1
    Wq2 = jax.random.normal(ks[7], (HID, HID), dtype=jnp.float32) * 0.1
    Wk2 = jax.random.normal(ks[8], (kin2, HID), dtype=jnp.float32) * 0.1
    Wv2 = jax.random.normal(ks[9], (kin2, HID), dtype=jnp.float32) * 0.1
    return {"x": x, "edge_index": edge_index, "edge_attr": edge_attr, "pos": pos,
            "Wq1": Wq1, "Wk1": Wk1, "Wv1": Wv1, "Wq2": Wq2, "Wk2": Wk2, "Wv2": Wv2}


def reference(x, edge_index, edge_attr, pos, Wq1, Wk1, Wv1, Wq2, Wk2, Wv2):
    src = edge_index[0]
    dst = edge_index[1]
    n = x.shape[0]
    diff = pos[dst] - pos[src]
    d = jnp.sqrt((diff * diff).sum(-1) + 1e-9)
    eall = jnp.concatenate([edge_attr, rbf_expand(d)], axis=1)
    h1 = jax.nn.relu(attn_layer(x, src, dst, eall, Wq1, Wk1, Wv1, n))
    h2 = attn_layer(h1, src, dst, eall, Wq2, Wk2, Wv2, n)
    return h2

if __name__ == "__main__":
    import jax
    _d = setup_inputs()
    print(jax.jit(kernel)(*tuple(_d.values())))

</pallas_src>

<mosaic_0001>
#map = affine_map<(d0, d1) -> (0, 0)>
module attributes {stable_mosaic.version = 14 : i64} {
  func.func @gather_kernel(%arg0: i32, %arg1: i32, %arg2: memref<6400x125xi32, #tpu.memory_space<hbm>>, %arg3: memref<6400x125xi32, #tpu.memory_space<hbm>>, %arg4: memref<50000x48xf32, #tpu.memory_space<hbm>>, %arg5: memref<50000x48xf32, #tpu.memory_space<hbm>>, %arg6: memref<50000x32xf32, #tpu.memory_space<hbm>>, %arg7: memref<800000x128xf32, #tpu.memory_space<hbm>>, %arg8: memref<2x125xi32, #tpu.memory_space<vmem>>, %arg9: memref<2x125xi32, #tpu.memory_space<vmem>>, %arg10: memref<2x125xi32, #tpu.memory_space<vmem>>, %arg11: memref<2x125xi32, #tpu.memory_space<vmem>>, %arg12: memref<250x48xf32, #tpu.memory_space<vmem>>, %arg13: memref<250x48xf32, #tpu.memory_space<vmem>>, %arg14: memref<250x32xf32, #tpu.memory_space<vmem>>, %arg15: memref<250x48xf32, #tpu.memory_space<vmem>>, %arg16: memref<250x48xf32, #tpu.memory_space<vmem>>, %arg17: memref<250x32xf32, #tpu.memory_space<vmem>>, %arg18: memref<!tpu.dma_semaphore, #tpu.memory_space<semaphore_mem>>, %arg19: memref<!tpu.dma_semaphore, #tpu.memory_space<semaphore_mem>>, %arg20: memref<!tpu.dma_semaphore, #tpu.memory_space<semaphore_mem>>, %arg21: memref<!tpu.dma_semaphore, #tpu.memory_space<semaphore_mem>>) attributes {dimension_semantics = [#tpu.dimension_semantics<core_parallel>, #tpu.dimension_semantics<subcore_parallel>], iteration_bounds = array<i64: 2, 16>, scalar_prefetch = 0 : i64, scratch_operands = 14 : i64, tpu.core_type = #tpu.core_type<sc_vector_subcore>, window_params = [{transform_indices = #map}, {transform_indices = #map}, {transform_indices = #map}, {transform_indices = #map}, {transform_indices = #map}, {transform_indices = #map}]} {
    %mul3A = arith.constant 2 : i32
    %mul3A_0 = arith.muli %arg1, %mul3A : i32
    %add3A = arith.addi %mul3A_0, %arg0 : i32
    %scan3A = arith.constant 0 : i32
    %scan3A_1 = arith.constant 0 : i32
    %scan3A_2 = arith.constant 50 : i32
    %scan3A_3 = arith.addi %scan3A_1, %scan3A_2 : i32
    %scan3A_4 = arith.constant 1 : i32
    scf.for %scan3A_37 = %scan3A_1 to %scan3A_3 step %scan3A_4  : i32 {
      %mul3A_38 = arith.constant 2 : i32
      %mul3A_39 = arith.muli %mul3A_38, %scan3A_37 : i32
      %mul3A_40 = arith.constant 2 : i32
      %mul3A_41 = arith.muli %mul3A_40, %scan3A_37 : i32
      %add3A_42 = arith.constant 1 : i32
      %add3A_43 = arith.addi %mul3A_41, %add3A_42 : i32
      %gt3A = arith.constant 0 : i32
      %gt3A_44 = arith.cmpi sgt, %scan3A_37, %gt3A : i32
      %convert_element_type3A = arith.extui %gt3A_44 : i1 to i32
      %cond3A = arith.constant 0 : i32
      %cond3A_45 = arith.cmpi ne, %convert_element_type3A, %cond3A : i32
      scf.if %cond3A_45 {
        %sub3A = arith.constant 2 : i32
        %sub3A_334 = arith.subi %mul3A_39, %sub3A : i32
        %mul3A_335 = arith.constant 25000 : i32
        %mul3A_336 = arith.muli %add3A, %mul3A_335 : i32
        %mul3A_337 = arith.constant 250 : i32
        %mul3A_338 = arith.muli %sub3A_334, %mul3A_337 : i32
        %add3A_339 = arith.addi %mul3A_336, %mul3A_338 : i32
        %dma_wait3A_340 = arith.constant 0 : i32
        %dma_wait3A_341 = tpu.memref_slice %arg7[%add3A_339, %dma_wait3A_340] : memref<800000x128xf32, #tpu.memory_space<hbm>> -> memref<250x48xf32, #tpu.memory_space<hbm>>
        %dma_wait3A_342 = arith.constant 0 : i32
        %dma_wait3A_343 = tpu.memref_slice %arg7[%add3A_339, %dma_wait3A_342] : memref<800000x128xf32, #tpu.memory_space<hbm>> -> memref<250x48xf32, #tpu.memory_space<hbm>>
        tpu.wait_dma2 semaphore(%arg20 : memref<!tpu.dma_semaphore, #tpu.memory_space<semaphore_mem>>) src(%arg12 : memref<250x48xf32, #tpu.memory_space<vmem>>) dst(%dma_wait3A_343 : memref<250x48xf32, #tpu.memory_space<hbm>>)
        %dma_wait3A_344 = arith.constant 48 : i32
        %dma_wait3A_345 = tpu.memref_slice %arg7[%add3A_339, %dma_wait3A_344] : memref<800000x128xf32, #tpu.memory_space<hbm>> -> memref<250x48xf32, #tpu.memory_space<hbm>>
        %dma_wait3A_346 = arith.constant 48 : i32
        %dma_wait3A_347 = tpu.memref_slice %arg7[%add3A_339, %dma_wait3A_346] : memref<800000x128xf32, #tpu.memory_space<hbm>> -> memref<250x48xf32, #tpu.memory_space<hbm>>
        tpu.wait_dma2 semaphore(%arg20 : memref<!tpu.dma_semaphore, #tpu.memory_space<semaphore_mem>>) src(%arg13 : memref<250x48xf32, #tpu.memory_space<vmem>>) dst(%dma_wait3A_347 : memref<250x48xf32, #tpu.memory_space<hbm>>)
        %dma_wait3A_348 = arith.constant 96 : i32
        %dma_wait3A_349 = tpu.memref_slice %arg7[%add3A_339, %dma_wait3A_348] : memref<800000x128xf32, #tpu.memory_space<hbm>> -> memref<250x32xf32, #tpu.memory_space<hbm>>
        %dma_wait3A_350 = arith.constant 96 : i32
        %dma_wait3A_351 = tpu.memref_slice %arg7[%add3A_339, %dma_wait3A_350] : memref<800000x128xf32, #tpu.memory_space<hbm>> -> memref<250x32xf32, #tpu.memory_space<hbm>>
        tpu.wait_dma2 semaphore(%arg20 : memref<!tpu.dma_semaphore, #tpu.memory_space<semaphore_mem>>) src(%arg14 : memref<250x32xf32, #tpu.memory_space<vmem>>) dst(%dma_wait3A_351 : memref<250x32xf32, #tpu.memory_space<hbm>>)
      } else {
      }
      %mul3A_46 = arith.constant 200 : i32
      %mul3A_47 = arith.muli %add3A, %mul3A_46 : i32
      %mul3A_48 = arith.constant 2 : i32
      %mul3A_49 = arith.muli %mul3A_39, %mul3A_48 : i32
      %add3A_50 = arith.addi %mul3A_47, %mul3A_49 : i32
      "tpu.region"() ({
        %run_scoped3A = tpu.sem_alloc : memref<!tpu.dma_semaphore, #tpu.memory_space<semaphore_mem>>
        %dma_start3A_334 = arith.constant 0 : i32
        %dma_start3A_335 = tpu.memref_slice %arg2[%add3A_50, %dma_start3A_334] : memref<6400x125xi32, #tpu.memory_space<hbm>> -> memref<2x125xi32, #tpu.memory_space<hbm>>
        %dma_start3A_336 = arith.constant 0 : i32
        %dma_start3A_337 = tpu.memref_slice %arg2[%add3A_50, %dma_start3A_336] : memref<6400x125xi32, #tpu.memory_space<hbm>> -> memref<2x125xi32, #tpu.memory_space<hbm>>
        tpu.enqueue_dma source(%dma_start3A_337 : memref<2x125xi32, #tpu.memory_space<hbm>>) target(%arg8 : memref<2x125xi32, #tpu.memory_space<vmem>>) target_semaphore(%run_scoped3A : memref<!tpu.dma_semaphore, #tpu.memory_space<semaphore_mem>>)
        %dma_wait3A_338 = arith.constant 0 : i32
        %dma_wait3A_339 = tpu.memref_slice %arg2[%add3A_50, %dma_wait3A_338] : memref<6400x125xi32, #tpu.memory_space<hbm>> -> memref<2x125xi32, #tpu.memory_space<hbm>>
        %dma_wait3A_340 = arith.constant 0 : i32
        %dma_wait3A_341 = tpu.memref_slice %arg2[%add3A_50, %dma_wait3A_340] : memref<6400x125xi32, #tpu.memory_space<hbm>> -> memref<2x125xi32, #tpu.memory_space<hbm>>
        tpu.wait_dma2 semaphore(%run_scoped3A : memref<!tpu.dma_semaphore, #tpu.memory_space<semaphore_mem>>) src(%dma_wait3A_341 : memref<2x125xi32, #tpu.memory_space<hbm>>) dst(%arg8 : memref<2x125xi32, #tpu.memory_space<vmem>>)
        tpu.yield
      }) : () -> ()
      "tpu.region"() ({
        %run_scoped3A = tpu.sem_alloc : memref<!tpu.dma_semaphore, #tpu.memory_space<semaphore_mem>>
        %dma_start3A_334 = arith.constant 0 : i32
        %dma_start3A_335 = tpu.memref_slice %arg3[%add3A_50, %dma_start3A_334] : memref<6400x125xi32, #tpu.memory_space<hbm>> -> memref<2x125xi32, #tpu.memory_space<hbm>>
        %dma_start3A_336 = arith.constant 0 : i32
        %dma_start3A_337 = tpu.memref_slice %arg3[%add3A_50, %dma_start3A_336] : memref<6400x125xi32, #tpu.memory_space<hbm>> -> memref<2x125xi32, #tpu.memory_space<hbm>>
        tpu.enqueue_dma source(%dma_start3A_337 : memref<2x125xi32, #tpu.memory_space<hbm>>) target(%arg9 : memref<2x125xi32, #tpu.memory_space<vmem>>) target_semaphore(%run_scoped3A : memref<!tpu.dma_semaphore, #tpu.memory_space<semaphore_mem>>)
        %dma_wait3A_338 = arith.constant 0 : i32
        %dma_wait3A_339 = tpu.memref_slice %arg3[%add3A_50, %dma_wait3A_338] : memref<6400x125xi32, #tpu.memory_space<hbm>> -> memref<2x125xi32, #tpu.memory_space<hbm>>
        %dma_wait3A_340 = arith.constant 0 : i32
        %dma_wait3A_341 = tpu.memref_slice %arg3[%add3A_50, %dma_wait3A_340] : memref<6400x125xi32, #tpu.memory_space<hbm>> -> memref<2x125xi32, #tpu.memory_space<hbm>>
        tpu.wait_dma2 semaphore(%run_scoped3A : memref<!tpu.dma_semaphore, #tpu.memory_space<semaphore_mem>>) src(%dma_wait3A_341 : memref<2x125xi32, #tpu.memory_space<hbm>>) dst(%arg9 : memref<2x125xi32, #tpu.memory_space<vmem>>)
        tpu.yield
      }) : () -> ()
      %dma_start3A = arith.constant 0 : i32
      %dma_start3A_51 = arith.constant 0 : i32
      %dma_start3A_52 = arith.constant 0 : i32
      %dma_start3A_53 = tpu.memref_slice %arg12[%dma_start3A_51, %dma_start3A_52] : memref<250x48xf32, #tpu.memory_space<vmem>> -> memref<125x48xf32, #tpu.memory_space<vmem>>
      %dma_start3A_54 = arith.constant 0 : i32
      %dma_start3A_55 = tpu.memref_slice %arg9[%dma_start3A, %dma_start3A_54] : memref<2x125xi32, #tpu.memory_space<vmem>> -> memref<1x125xi32, #tpu.memory_space<vmem>>
      %dma_start3A_56 = tpu.memref_squeeze %dma_start3A_55 : memref<1x125xi32, #tpu.memory_space<vmem>> -> memref<125xi32, #tpu.memory_space<vmem>>
      %dma_start3A_57 = arith.constant 0 : i32
      %dma_start3A_58 = arith.constant 0 : i32
      %dma_start3A_59 = tpu.memref_slice %arg4[%dma_start3A_57, %dma_start3A_58] : memref<50000x48xf32, #tpu.memory_space<hbm>> -> memref<50000x48xf32, #tpu.memory_space<hbm>>
      tpu.enqueue_indirect_dma source(%dma_start3A_59 : memref<50000x48xf32, #tpu.memory_space<hbm>>) target(%dma_start3A_53 : memref<125x48xf32, #tpu.memory_space<vmem>>) offsets(%dma_start3A_56 : memref<125xi32, #tpu.memory_space<vmem>>) semaphore(%arg18 : memref<!tpu.dma_semaphore, #tpu.memory_space<semaphore_mem>>)
      %dma_start3A_60 = arith.constant 0 : i32
      %dma_start3A_61 = arith.constant 0 : i32
      %dma_start3A_62 = arith.constant 0 : i32
      %dma_start3A_63 = tpu.memref_slice %arg13[%dma_start3A_61, %dma_start3A_62] : memref<250x48xf32, #tpu.memory_space<vmem>> -> memref<125x48xf32, #tpu.memory_space<vmem>>
      %dma_start3A_64 = arith.constant 0 : i32
      %dma_start3A_65 = tpu.memref_slice %arg8[%dma_start3A_60, %dma_start3A_64] : memref<2x125xi32, #tpu.memory_space<vmem>> -> memref<1x125xi32, #tpu.memory_space<vmem>>
      %dma_start3A_66 = tpu.memref_squeeze %dma_start3A_65 : memref<1x125xi32, #tpu.memory_space<vmem>> -> memref<125xi32, #tpu.memory_space<vmem>>
      %dma_start3A_67 = arith.constant 0 : i32
      %dma_start3A_68 = arith.constant 0 : i32
      %dma_start3A_69 = tpu.memref_slice %arg5[%dma_start3A_67, %dma_start3A_68] : memref<50000x48xf32, #tpu.memory_space<hbm>> -> memref<50000x48xf32, #tpu.memory_space<hbm>>
      tpu.enqueue_indirect_dma source(%dma_start3A_69 : memref<50000x48xf32, #tpu.memory_space<hbm>>) target(%dma_start3A_63 : memref<125x48xf32, #tpu.memory_space<vmem>>) offsets(%dma_start3A_66 : memref<125xi32, #tpu.memory_space<vmem>>) semaphore(%arg18 : memref<!tpu.dma_semaphore, #tpu.memory_space<semaphore_mem>>)
      %dma_start3A_70 = arith.constant 0 : i32
      %dma_start3A_71 = arith.constant 0 : i32
      %dma_start3A_72 = arith.constant 0 : i32
      %dma_start3A_73 = tpu.memref_slice %arg14[%dma_start3A_71, %dma_start3A_72] : memref<250x32xf32, #tpu.memory_space<vmem>> -> memref<125x32xf32, #tpu.memory_space<vmem>>
      %dma_start3A_74 = arith.constant 0 : i32
      %dma_start3A_75 = tpu.memref_slice %arg8[%dma_start3A_70, %dma_start3A_74] : memref<2x125xi32, #tpu.memory_space<vmem>> -> memref<1x125xi32, #tpu.memory_space<vmem>>
      %dma_start3A_76 = tpu.memref_squeeze %dma_start3A_75 : memref<1x125xi32, #tpu.memory_space<vmem>> -> memref<125xi32, #tpu.memory_space<vmem>>
      %dma_start3A_77 = arith.constant 0 : i32
      %dma_start3A_78 = arith.constant 0 : i32
      %dma_start3A_79 = tpu.memref_slice %arg6[%dma_start3A_77, %dma_start3A_78] : memref<50000x32xf32, #tpu.memory_space<hbm>> -> memref<50000x32xf32, #tpu.memory_space<hbm>>
      tpu.enqueue_indirect_dma source(%dma_start3A_79 : memref<50000x32xf32, #tpu.memory_space<hbm>>) target(%dma_start3A_73 : memref<125x32xf32, #tpu.memory_space<vmem>>) offsets(%dma_start3A_76 : memref<125xi32, #tpu.memory_space<vmem>>) semaphore(%arg18 : memref<!tpu.dma_semaphore, #tpu.memory_space<semaphore_mem>>)
      %dma_start3A_80 = arith.constant 1 : i32
      %dma_start3A_81 = arith.constant 125 : i32
      %dma_start3A_82 = arith.constant 0 : i32
      %dma_start3A_83 = tpu.memref_slice %arg12[%dma_start3A_81, %dma_start3A_82] : memref<250x48xf32, #tpu.memory_space<vmem>> -> memref<125x48xf32, #tpu.memory_space<vmem>>
      %dma_start3A_84 = arith.constant 0 : i32
      %dma_start3A_85 = tpu.memref_slice %arg9[%dma_start3A_80, %dma_start3A_84] : memref<2x125xi32, #tpu.memory_space<vmem>> -> memref<1x125xi32, #tpu.memory_space<vmem>>
      %dma_start3A_86 = tpu.memref_squeeze %dma_start3A_85 : memref<1x125xi32, #tpu.memory_space<vmem>> -> memref<125xi32, #tpu.memory_space<vmem>>
      %dma_start3A_87 = arith.constant 0 : i32
      %dma_start3A_88 = arith.constant 0 : i32
      %dma_start3A_89 = tpu.memref_slice %arg4[%dma_start3A_87, %dma_start3A_88] : memref<50000x48xf32, #tpu.memory_space<hbm>> -> memref<50000x48xf32, #tpu.memory_space<hbm>>
      tpu.enqueue_indirect_dma source(%dma_start3A_89 : memref<50000x48xf32, #tpu.memory_space<hbm>>) target(%dma_start3A_83 : memref<125x48xf32, #tpu.memory_space<vmem>>) offsets(%dma_start3A_86 : memref<125xi32, #tpu.memory_space<vmem>>) semaphore(%arg18 : memref<!tpu.dma_semaphore, #tpu.memory_space<semaphore_mem>>)
      %dma_start3A_90 = arith.constant 1 : i32
      %dma_start3A_91 = arith.constant 125 : i32
      %dma_start3A_92 = arith.constant 0 : i32
      %dma_start3A_93 = tpu.memref_slice %arg13[%dma_start3A_91, %dma_start3A_92] : memref<250x48xf32, #tpu.memory_space<vmem>> -> memref<125x48xf32, #tpu.memory_space<vmem>>
      %dma_start3A_94 = arith.constant 0 : i32
      %dma_start3A_95 = tpu.memref_slice %arg8[%dma_start3A_90, %dma_start3A_94] : memref<2x125xi32, #tpu.memory_space<vmem>> -> memref<1x125xi32, #tpu.memory_space<vmem>>
      %dma_start3A_96 = tpu.memref_squeeze %dma_start3A_95 : memref<1x125xi32, #tpu.memory_space<vmem>> -> memref<125xi32, #tpu.memory_space<vmem>>
      %dma_start3A_97 = arith.constant 0 : i32
      %dma_start3A_98 = arith.constant 0 : i32
      %dma_start3A_99 = tpu.memref_slice %arg5[%dma_start3A_97, %dma_start3A_98] : memref<50000x48xf32, #tpu.memory_space<hbm>> -> memref<50000x48xf32, #tpu.memory_space<hbm>>
      tpu.enqueue_indirect_dma source(%dma_start3A_99 : memref<50000x48xf32, #tpu.memory_space<hbm>>) target(%dma_start3A_93 : memref<125x48xf32, #tpu.memory_space<vmem>>) offsets(%dma_start3A_96 : memref<125xi32, #tpu.memory_space<vmem>>) semaphore(%arg18 : memref<!tpu.dma_semaphore, #tpu.memory_space<semaphore_mem>>)
      %dma_start3A_100 = arith.constant 1 : i32
      %dma_start3A_101 = arith.constant 125 : i32
      %dma_start3A_102 = arith.constant 0 : i32
      %dma_start3A_103 = tpu.memref_slice %arg14[%dma_start3A_101, %dma_start3A_102] : memref<250x32xf32, #tpu.memory_space<vmem>> -> memref<125x32xf32, #tpu.memory_space<vmem>>
      %dma_start3A_104 = arith.constant 0 : i32
      %dma_start3A_105 = tpu.memref_slice %arg8[%dma_start3A_100, %dma_start3A_104] : memref<2x125xi32, #tpu.memory_space<vmem>> -> memref<1x125xi32, #tpu.memory_space<vmem>>
      %dma_start3A_106 = tpu.memref_squeeze %dma_start3A_105 : memref<1x125xi32, #tpu.memory_space<vmem>> -> memref<125xi32, #tpu.memory_space<vmem>>
      %dma_start3A_107 = arith.constant 0 : i32
      %dma_start3A_108 = arith.constant 0 : i32
      %dma_start3A_109 = tpu.memref_slice %arg6[%dma_start3A_107, %dma_start3A_108] : memref<50000x32xf32, #tpu.memory_space<hbm>> -> memref<50000x32xf32, #tpu.memory_space<hbm>>
      tpu.enqueue_indirect_dma source(%dma_start3A_109 : memref<50000x32xf32, #tpu.memory_space<hbm>>) target(%dma_start3A_103 : memref<125x32xf32, #tpu.memory_space<vmem>>) offsets(%dma_start3A_106 : memref<125xi32, #tpu.memory_space<vmem>>) semaphore(%arg18 : memref<!tpu.dma_semaphore, #tpu.memory_space<semaphore_mem>>)
      %gt3A_110 = arith.constant 0 : i32
      %gt3A_111 = arith.cmpi sgt, %scan3A_37, %gt3A_110 : i32
      %convert_element_type3A_112 = arith.extui %gt3A_111 : i1 to i32
      %cond3A_113 = arith.constant 0 : i32
      %cond3A_114 = arith.cmpi ne, %convert_element_type3A_112, %cond3A_113 : i32
      scf.if %cond3A_114 {
        %sub3A = arith.constant 2 : i32
        %sub3A_334 = arith.subi %add3A_43, %sub3A : i32
        %mul3A_335 = arith.constant 25000 : i32
        %mul3A_336 = arith.muli %add3A, %mul3A_335 : i32
        %mul3A_337 = arith.constant 250 : i32
        %mul3A_338 = arith.muli %sub3A_334, %mul3A_337 : i32
        %add3A_339 = arith.addi %mul3A_336, %mul3A_338 : i32
        %dma_wait3A_340 = arith.constant 0 : i32
        %dma_wait3A_341 = tpu.memref_slice %arg7[%add3A_339, %dma_wait3A_340] : memref<800000x128xf32, #tpu.memory_space<hbm>> -> memref<250x48xf32, #tpu.memory_space<hbm>>
        %dma_wait3A_342 = arith.constant 0 : i32
        %dma_wait3A_343 = tpu.memref_slice %arg7[%add3A_339, %dma_wait3A_342] : memref<800000x128xf32, #tpu.memory_space<hbm>> -> memref<250x48xf32, #tpu.memory_space<hbm>>
        tpu.wait_dma2 semaphore(%arg21 : memref<!tpu.dma_semaphore, #tpu.memory_space<semaphore_mem>>) src(%arg15 : memref<250x48xf32, #tpu.memory_space<vmem>>) dst(%dma_wait3A_343 : memref<250x48xf32, #tpu.memory_space<hbm>>)
        %dma_wait3A_344 = arith.constant 48 : i32
        %dma_wait3A_345 = tpu.memref_slice %arg7[%add3A_339, %dma_wait3A_344] : memref<800000x128xf32, #tpu.memory_space<hbm>> -> memref<250x48xf32, #tpu.memory_space<hbm>>
        %dma_wait3A_346 = arith.constant 48 : i32
        %dma_wait3A_347 = tpu.memref_slice %arg7[%add3A_339, %dma_wait3A_346] : memref<800000x128xf32, #tpu.memory_space<hbm>> -> memref<250x48xf32, #tpu.memory_space<hbm>>
        tpu.wait_dma2 semaphore(%arg21 : memref<!tpu.dma_semaphore, #tpu.memory_space<semaphore_mem>>) src(%arg16 : memref<250x48xf32, #tpu.memory_space<vmem>>) dst(%dma_wait3A_347 : memref<250x48xf32, #tpu.memory_space<hbm>>)
        %dma_wait3A_348 = arith.constant 96 : i32
        %dma_wait3A_349 = tpu.memref_slice %arg7[%add3A_339, %dma_wait3A_348] : memref<800000x128xf32, #tpu.memory_space<hbm>> -> memref<250x32xf32, #tpu.memory_space<hbm>>
        %dma_wait3A_350 = arith.constant 96 : i32
        %dma_wait3A_351 = tpu.memref_slice %arg7[%add3A_339, %dma_wait3A_350] : memref<800000x128xf32, #tpu.memory_space<hbm>> -> memref<250x32xf32, #tpu.memory_space<hbm>>
        tpu.wait_dma2 semaphore(%arg21 : memref<!tpu.dma_semaphore, #tpu.memory_space<semaphore_mem>>) src(%arg17 : memref<250x32xf32, #tpu.memory_space<vmem>>) dst(%dma_wait3A_351 : memref<250x32xf32, #tpu.memory_space<hbm>>)
      } else {
      }
      %mul3A_115 = arith.constant 200 : i32
      %mul3A_116 = arith.muli %add3A, %mul3A_115 : i32
      %mul3A_117 = arith.constant 2 : i32
      %mul3A_118 = arith.muli %add3A_43, %mul3A_117 : i32
      %add3A_119 = arith.addi %mul3A_116, %mul3A_118 : i32
      "tpu.region"() ({
        %run_scoped3A = tpu.sem_alloc : memref<!tpu.dma_semaphore, #tpu.memory_space<semaphore_mem>>
        %dma_start3A_334 = arith.constant 0 : i32
        %dma_start3A_335 = tpu.memref_slice %arg2[%add3A_119, %dma_start3A_334] : memref<6400x125xi32, #tpu.memory_space<hbm>> -> memref<2x125xi32, #tpu.memory_space<hbm>>
        %dma_start3A_336 = arith.constant 0 : i32
        %dma_start3A_337 = tpu.memref_slice %arg2[%add3A_119, %dma_start3A_336] : memref<6400x125xi32, #tpu.memory_space<hbm>> -> memref<2x125xi32, #tpu.memory_space<hbm>>
        tpu.enqueue_dma source(%dma_start3A_337 : memref<2x125xi32, #tpu.memory_space<hbm>>) target(%arg10 : memref<2x125xi32, #tpu.memory_space<vmem>>) target_semaphore(%run_scoped3A : memref<!tpu.dma_semaphore, #tpu.memory_space<semaphore_mem>>)
        %dma_wait3A_338 = arith.constant 0 : i32
        %dma_wait3A_339 = tpu.memref_slice %arg2[%add3A_119, %dma_wait3A_338] : memref<6400x125xi32, #tpu.memory_space<hbm>> -> memref<2x125xi32, #tpu.memory_space<hbm>>
        %dma_wait3A_340 = arith.constant 0 : i32
        %dma_wait3A_341 = tpu.memref_slice %arg2[%add3A_119, %dma_wait3A_340] : memref<6400x125xi32, #tpu.memory_space<hbm>> -> memref<2x125xi32, #tpu.memory_space<hbm>>
        tpu.wait_dma2 semaphore(%run_scoped3A : memref<!tpu.dma_semaphore, #tpu.memory_space<semaphore_mem>>) src(%dma_wait3A_341 : memref<2x125xi32, #tpu.memory_space<hbm>>) dst(%arg10 : memref<2x125xi32, #tpu.memory_space<vmem>>)
        tpu.yield
      }) : () -> ()
      "tpu.region"() ({
        %run_scoped3A = tpu.sem_alloc : memref<!tpu.dma_semaphore, #tpu.memory_space<semaphore_mem>>
        %dma_start3A_334 = arith.constant 0 : i32
        %dma_start3A_335 = tpu.memref_slice %arg3[%add3A_119, %dma_start3A_334] : memref<6400x125xi32, #tpu.memory_space<hbm>> -> memref<2x125xi32, #tpu.memory_space<hbm>>
        %dma_start3A_336 = arith.constant 0 : i32
        %dma_start3A_337 = tpu.memref_slice %arg3[%add3A_119, %dma_start3A_336] : memref<6400x125xi32, #tpu.memory_space<hbm>> -> memref<2x125xi32, #tpu.memory_space<hbm>>
        tpu.enqueue_dma source(%dma_start3A_337 : memref<2x125xi32, #tpu.memory_space<hbm>>) target(%arg11 : memref<2x125xi32, #tpu.memory_space<vmem>>) target_semaphore(%run_scoped3A : memref<!tpu.dma_semaphore, #tpu.memory_space<semaphore_mem>>)
        %dma_wait3A_338 = arith.constant 0 : i32
        %dma_wait3A_339 = tpu.memref_slice %arg3[%add3A_119, %dma_wait3A_338] : memref<6400x125xi32, #tpu.memory_space<hbm>> -> memref<2x125xi32, #tpu.memory_space<hbm>>
        %dma_wait3A_340 = arith.constant 0 : i32
        %dma_wait3A_341 = tpu.memref_slice %arg3[%add3A_119, %dma_wait3A_340] : memref<6400x125xi32, #tpu.memory_space<hbm>> -> memref<2x125xi32, #tpu.memory_space<hbm>>
        tpu.wait_dma2 semaphore(%run_scoped3A : memref<!tpu.dma_semaphore, #tpu.memory_space<semaphore_mem>>) src(%dma_wait3A_341 : memref<2x125xi32, #tpu.memory_space<hbm>>) dst(%arg11 : memref<2x125xi32, #tpu.memory_space<vmem>>)
        tpu.yield
      }) : () -> ()
      %dma_start3A_120 = arith.constant 0 : i32
      %dma_start3A_121 = arith.constant 0 : i32
      %dma_start3A_122 = arith.constant 0 : i32
      %dma_start3A_123 = tpu.memref_slice %arg15[%dma_start3A_121, %dma_start3A_122] : memref<250x48xf32, #tpu.memory_space<vmem>> -> memref<125x48xf32, #tpu.memory_space<vmem>>
      %dma_start3A_124 = arith.constant 0 : i32
      %dma_start3A_125 = tpu.memref_slice %arg11[%dma_start3A_120, %dma_start3A_124] : memref<2x125xi32, #tpu.memory_space<vmem>> -> memref<1x125xi32, #tpu.memory_space<vmem>>
      %dma_start3A_126 = tpu.memref_squeeze %dma_start3A_125 : memref<1x125xi32, #tpu.memory_space<vmem>> -> memref<125xi32, #tpu.memory_space<vmem>>
      %dma_start3A_127 = arith.constant 0 : i32
      %dma_start3A_128 = arith.constant 0 : i32
      %dma_start3A_129 = tpu.memref_slice %arg4[%dma_start3A_127, %dma_start3A_128] : memref<50000x48xf32, #tpu.memory_space<hbm>> -> memref<50000x48xf32, #tpu.memory_space<hbm>>
      tpu.enqueue_indirect_dma source(%dma_start3A_129 : memref<50000x48xf32, #tpu.memory_space<hbm>>) target(%dma_start3A_123 : memref<125x48xf32, #tpu.memory_space<vmem>>) offsets(%dma_start3A_126 : memref<125xi32, #tpu.memory_space<vmem>>) semaphore(%arg19 : memref<!tpu.dma_semaphore, #tpu.memory_space<semaphore_mem>>)
      %dma_start3A_130 = arith.constant 0 : i32
      %dma_start3A_131 = arith.constant 0 : i32
      %dma_start3A_132 = arith.constant 0 : i32
      %dma_start3A_133 = tpu.memref_slice %arg16[%dma_start3A_131, %dma_start3A_132] : memref<250x48xf32, #tpu.memory_space<vmem>> -> memref<125x48xf32, #tpu.memory_space<vmem>>
      %dma_start3A_134 = arith.constant 0 : i32
      %dma_start3A_135 = tpu.memref_slice %arg10[%dma_start3A_130, %dma_start3A_134] : memref<2x125xi32, #tpu.memory_space<vmem>> -> memref<1x125xi32, #tpu.memory_space<vmem>>
      %dma_start3A_136 = tpu.memref_squeeze %dma_start3A_135 : memref<1x125xi32, #tpu.memory_space<vmem>> -> memref<125xi32, #tpu.memory_space<vmem>>
      %dma_start3A_137 = arith.constant 0 : i32
      %dma_start3A_138 = arith.constant 0 : i32
      %dma_start3A_139 = tpu.memref_slice %arg5[%dma_start3A_137, %dma_start3A_138] : memref<50000x48xf32, #tpu.memory_space<hbm>> -> memref<50000x48xf32, #tpu.memory_space<hbm>>
      tpu.enqueue_indirect_dma source(%dma_start3A_139 : memref<50000x48xf32, #tpu.memory_space<hbm>>) target(%dma_start3A_133 : memref<125x48xf32, #tpu.memory_space<vmem>>) offsets(%dma_start3A_136 : memref<125xi32, #tpu.memory_space<vmem>>) semaphore(%arg19 : memref<!tpu.dma_semaphore, #tpu.memory_space<semaphore_mem>>)
      %dma_start3A_140 = arith.constant 0 : i32
      %dma_start3A_141 = arith.constant 0 : i32
      %dma_start3A_142 = arith.constant 0 : i32
      %dma_start3A_143 = tpu.memref_slice %arg17[%dma_start3A_141, %dma_start3A_142] : memref<250x32xf32, #tpu.memory_space<vmem>> -> memref<125x32xf32, #tpu.memory_space<vmem>>
      %dma_start3A_144 = arith.constant 0 : i32
      %dma_start3A_145 = tpu.memref_slice %arg10[%dma_start3A_140, %dma_start3A_144] : memref<2x125xi32, #tpu.memory_space<vmem>> -> memref<1x125xi32, #tpu.memory_space<vmem>>
      %dma_start3A_146 = tpu.memref_squeeze %dma_start3A_145 : memref<1x125xi32, #tpu.memory_space<vmem>> -> memref<125xi32, #tpu.memory_space<vmem>>
      %dma_start3A_147 = arith.constant 0 : i32
      %dma_start3A_148 = arith.constant 0 : i32
      %dma_start3A_149 = tpu.memref_slice %arg6[%dma_start3A_147, %dma_start3A_148] : memref<50000x32xf32, #tpu.memory_space<hbm>> -> memref<50000x32xf32, #tpu.memory_space<hbm>>
      tpu.enqueue_indirect_dma source(%dma_start3A_149 : memref<50000x32xf32, #tpu.memory_space<hbm>>) target(%dma_start3A_143 : memref<125x32xf32, #tpu.memory_space<vmem>>) offsets(%dma_start3A_146 : memref<125xi32, #tpu.memory_space<vmem>>) semaphore(%arg19 : memref<!tpu.dma_semaphore, #tpu.memory_space<semaphore_mem>>)
      %dma_start3A_150 = arith.constant 1 : i32
      %dma_start3A_151 = arith.constant 125 : i32
      %dma_start3A_152 = arith.constant 0 : i32
      %dma_start3A_153 = tpu.memref_slice %arg15[%dma_start3A_151, %dma_start3A_152] : memref<250x48xf32, #tpu.memory_space<vmem>> -> memref<125x48xf32, #tpu.memory_space<vmem>>
      %dma_start3A_154 = arith.constant 0 : i32
      %dma_start3A_155 = tpu.memref_slice %arg11[%dma_start3A_150, %dma_start3A_154] : memref<2x125xi32, #tpu.memory_space<vmem>> -> memref<1x125xi32, #tpu.memory_space<vmem>>
      %dma_start3A_156 = tpu.memref_squeeze %dma_start3A_155 : memref<1x125xi32, #tpu.memory_space<vmem>> -> memref<125xi32, #tpu.memory_space<vmem>>
      %dma_start3A_157 = arith.constant 0 : i32
      %dma_start3A_158 = arith.constant 0 : i32
      %dma_start3A_159 = tpu.memref_slice %arg4[%dma_start3A_157, %dma_start3A_158] : memref<50000x48xf32, #tpu.memory_space<hbm>> -> memref<50000x48xf32, #tpu.memory_space<hbm>>
      tpu.enqueue_indirect_dma source(%dma_start3A_159 : memref<50000x48xf32, #tpu.memory_space<hbm>>) target(%dma_start3A_153 : memref<125x48xf32, #tpu.memory_space<vmem>>) offsets(%dma_start3A_156 : memref<125xi32, #tpu.memory_space<vmem>>) semaphore(%arg19 : memref<!tpu.dma_semaphore, #tpu.memory_space<semaphore_mem>>)
      %dma_start3A_160 = arith.constant 1 : i32
      %dma_start3A_161 = arith.constant 125 : i32
      %dma_start3A_162 = arith.constant 0 : i32
      %dma_start3A_163 = tpu.memref_slice %arg16[%dma_start3A_161, %dma_start3A_162] : memref<250x48xf32, #tpu.memory_space<vmem>> -> memref<125x48xf32, #tpu.memory_space<vmem>>
      %dma_start3A_164 = arith.constant 0 : i32
      %dma_start3A_165 = tpu.memref_slice %arg10[%dma_start3A_160, %dma_start3A_164] : memref<2x125xi32, #tpu.memory_space<vmem>> -> memref<1x125xi32, #tpu.memory_space<vmem>>
      %dma_start3A_166 = tpu.memref_squeeze %dma_start3A_165 : memref<1x125xi32, #tpu.memory_space<vmem>> -> memref<125xi32, #tpu.memory_space<vmem>>
      %dma_start3A_167 = arith.constant 0 : i32
      %dma_start3A_168 = arith.constant 0 : i32
      %dma_start3A_169 = tpu.memref_slice %arg5[%dma_start3A_167, %dma_start3A_168] : memref<50000x48xf32, #tpu.memory_space<hbm>> -> memref<50000x48xf32, #tpu.memory_space<hbm>>
      tpu.enqueue_indirect_dma source(%dma_start3A_169 : memref<50000x48xf32, #tpu.memory_space<hbm>>) target(%dma_start3A_163 : memref<125x48xf32, #tpu.memory_space<vmem>>) offsets(%dma_start3A_166 : memref<125xi32, #tpu.memory_space<vmem>>) semaphore(%arg19 : memref<!tpu.dma_semaphore, #tpu.memory_space<semaphore_mem>>)
      %dma_start3A_170 = arith.constant 1 : i32
      %dma_start3A_171 = arith.constant 125 : i32
      %dma_start3A_172 = arith.constant 0 : i32
      %dma_start3A_173 = tpu.memref_slice %arg17[%dma_start3A_171, %dma_start3A_172] : memref<250x32xf32, #tpu.memory_space<vmem>> -> memref<125x32xf32, #tpu.memory_space<vmem>>
      %dma_start3A_174 = arith.constant 0 : i32
      %dma_start3A_175 = tpu.memref_slice %arg10[%dma_start3A_170, %dma_start3A_174] : memref<2x125xi32, #tpu.memory_space<vmem>> -> memref<1x125xi32, #tpu.memory_space<vmem>>
      %dma_start3A_176 = tpu.memref_squeeze %dma_start3A_175 : memref<1x125xi32, #tpu.memory_space<vmem>> -> memref<125xi32, #tpu.memory_space<vmem>>
      %dma_start3A_177 = arith.constant 0 : i32
      %dma_start3A_178 = arith.constant 0 : i32
      %dma_start3A_179 = tpu.memref_slice %arg6[%dma_start3A_177, %dma_start3A_178] : memref<50000x32xf32, #tpu.memory_space<hbm>> -> memref<50000x32xf32, #tpu.memory_space<hbm>>
      tpu.enqueue_indirect_dma source(%dma_start3A_179 : memref<50000x32xf32, #tpu.memory_space<hbm>>) target(%dma_start3A_173 : memref<125x32xf32, #tpu.memory_space<vmem>>) offsets(%dma_start3A_176 : memref<125xi32, #tpu.memory_space<vmem>>) semaphore(%arg19 : memref<!tpu.dma_semaphore, #tpu.memory_space<semaphore_mem>>)
      %dma_wait3A_180 = arith.constant 0 : i32
      %dma_wait3A_181 = arith.constant 0 : i32
      %dma_wait3A_182 = arith.constant 0 : i32
      %dma_wait3A_183 = tpu.memref_slice %arg12[%dma_wait3A_181, %dma_wait3A_182] : memref<250x48xf32, #tpu.memory_space<vmem>> -> memref<125x48xf32, #tpu.memory_space<vmem>>
      %dma_wait3A_184 = arith.constant 0 : i32
      %dma_wait3A_185 = tpu.memref_slice %arg9[%dma_wait3A_180, %dma_wait3A_184] : memref<2x125xi32, #tpu.memory_space<vmem>> -> memref<1x125xi32, #tpu.memory_space<vmem>>
      %dma_wait3A_186 = tpu.memref_squeeze %dma_wait3A_185 : memref<1x125xi32, #tpu.memory_space<vmem>> -> memref<125xi32, #tpu.memory_space<vmem>>
      %dma_wait3A_187 = arith.constant 0 : i32
      %dma_wait3A_188 = arith.constant 0 : i32
      %dma_wait3A_189 = tpu.memref_slice %arg4[%dma_wait3A_187, %dma_wait3A_188] : memref<50000x48xf32, #tpu.memory_space<hbm>> -> memref<50000x48xf32, #tpu.memory_space<hbm>>
      tpu.wait_indirect_dma semaphore(%arg18 : memref<!tpu.dma_semaphore, #tpu.memory_space<semaphore_mem>>) src(%dma_wait3A_189 : memref<50000x48xf32, #tpu.memory_space<hbm>>) dst(%dma_wait3A_183 : memref<125x48xf32, #tpu.memory_space<vmem>>)
      %dma_wait3A_190 = arith.constant 0 : i32
      %dma_wait3A_191 = arith.constant 0 : i32
      %dma_wait3A_192 = arith.constant 0 : i32
      %dma_wait3A_193 = tpu.memref_slice %arg13[%dma_wait3A_191, %dma_wait3A_192] : memref<250x48xf32, #tpu.memory_space<vmem>> -> memref<125x48xf32, #tpu.memory_space<vmem>>
      %dma_wait3A_194 = arith.constant 0 : i32
      %dma_wait3A_195 = tpu.memref_slice %arg8[%dma_wait3A_190, %dma_wait3A_194] : memref<2x125xi32, #tpu.memory_space<vmem>> -> memref<1x125xi32, #tpu.memory_space<vmem>>
      %dma_wait3A_196 = tpu.memref_squeeze %dma_wait3A_195 : memref<1x125xi32, #tpu.memory_space<vmem>> -> memref<125xi32, #tpu.memory_space<vmem>>
      %dma_wait3A_197 = arith.constant 0 : i32
      %dma_wait3A_198 = arith.constant 0 : i32
      %dma_wait3A_199 = tpu.memref_slice %arg5[%dma_wait3A_197, %dma_wait3A_198] : memref<50000x48xf32, #tpu.memory_space<hbm>> -> memref<50000x48xf32, #tpu.memory_space<hbm>>
      tpu.wait_indirect_dma semaphore(%arg18 : memref<!tpu.dma_semaphore, #tpu.memory_space<semaphore_mem>>) src(%dma_wait3A_199 : memref<50000x48xf32, #tpu.memory_space<hbm>>) dst(%dma_wait3A_193 : memref<125x48xf32, #tpu.memory_space<vmem>>)
      %dma_wait3A_200 = arith.constant 0 : i32
      %dma_wait3A_201 = arith.constant 0 : i32
      %dma_wait3A_202 = arith.constant 0 : i32
      %dma_wait3A_203 = tpu.memref_slice %arg14[%dma_wait3A_201, %dma_wait3A_202] : memref<250x32xf32, #tpu.memory_space<vmem>> -> memref<125x32xf32, #tpu.memory_space<vmem>>
      %dma_wait3A_204 = arith.constant 0 : i32
      %dma_wait3A_205 = tpu.memref_slice %arg8[%dma_wait3A_200, %dma_wait3A_204] : memref<2x125xi32, #tpu.memory_space<vmem>> -> memref<1x125xi32, #tpu.memory_space<vmem>>
      %dma_wait3A_206 = tpu.memref_squeeze %dma_wait3A_205 : memref<1x125xi32, #tpu.memory_space<vmem>> -> memref<125xi32, #tpu.memory_space<vmem>>
      %dma_wait3A_207 = arith.constant 0 : i32
      %dma_wait3A_208 = arith.constant 0 : i32
      %dma_wait3A_209 = tpu.memref_slice %arg6[%dma_wait3A_207, %dma_wait3A_208] : memref<50000x32xf32, #tpu.memory_space<hbm>> -> memref<50000x32xf32, #tpu.memory_space<hbm>>
      tpu.wait_indirect_dma semaphore(%arg18 : memref<!tpu.dma_semaphore, #tpu.memory_space<semaphore_mem>>) src(%dma_wait3A_209 : memref<50000x32xf32, #tpu.memory_space<hbm>>) dst(%dma_wait3A_203 : memref<125x32xf32, #tpu.memory_space<vmem>>)
      %dma_wait3A_210 = arith.constant 1 : i32
      %dma_wait3A_211 = arith.constant 125 : i32
      %dma_wait3A_212 = arith.constant 0 : i32
      %dma_wait3A_213 = tpu.memref_slice %arg12[%dma_wait3A_211, %dma_wait3A_212] : memref<250x48xf32, #tpu.memory_space<vmem>> -> memref<125x48xf32, #tpu.memory_space<vmem>>
      %dma_wait3A_214 = arith.constant 0 : i32
      %dma_wait3A_215 = tpu.memref_slice %arg9[%dma_wait3A_210, %dma_wait3A_214] : memref<2x125xi32, #tpu.memory_space<vmem>> -> memref<1x125xi32, #tpu.memory_space<vmem>>
      %dma_wait3A_216 = tpu.memref_squeeze %dma_wait3A_215 : memref<1x125xi32, #tpu.memory_space<vmem>> -> memref<125xi32, #tpu.memory_space<vmem>>
      %dma_wait3A_217 = arith.constant 0 : i32
      %dma_wait3A_218 = arith.constant 0 : i32
      %dma_wait3A_219 = tpu.memref_slice %arg4[%dma_wait3A_217, %dma_wait3A_218] : memref<50000x48xf32, #tpu.memory_space<hbm>> -> memref<50000x48xf32, #tpu.memory_space<hbm>>
      tpu.wait_indirect_dma semaphore(%arg18 : memref<!tpu.dma_semaphore, #tpu.memory_space<semaphore_mem>>) src(%dma_wait3A_219 : memref<50000x48xf32, #tpu.memory_space<hbm>>) dst(%dma_wait3A_213 : memref<125x48xf32, #tpu.memory_space<vmem>>)
      %dma_wait3A_220 = arith.constant 1 : i32
      %dma_wait3A_221 = arith.constant 125 : i32
      %dma_wait3A_222 = arith.constant 0 : i32
      %dma_wait3A_223 = tpu.memref_slice %arg13[%dma_wait3A_221, %dma_wait3A_222] : memref<250x48xf32, #tpu.memory_space<vmem>> -> memref<125x48xf32, #tpu.memory_space<vmem>>
      %dma_wait3A_224 = arith.constant 0 : i32
      %dma_wait3A_225 = tpu.memref_slice %arg8[%dma_wait3A_220, %dma_wait3A_224] : memref<2x125xi32, #tpu.memory_space<vmem>> -> memref<1x125xi32, #tpu.memory_space<vmem>>
      %dma_wait3A_226 = tpu.memref_squeeze %dma_wait3A_225 : memref<1x125xi32, #tpu.memory_space<vmem>> -> memref<125xi32, #tpu.memory_space<vmem>>
      %dma_wait3A_227 = arith.constant 0 : i32
      %dma_wait3A_228 = arith.constant 0 : i32
      %dma_wait3A_229 = tpu.memref_slice %arg5[%dma_wait3A_227, %dma_wait3A_228] : memref<50000x48xf32, #tpu.memory_space<hbm>> -> memref<50000x48xf32, #tpu.memory_space<hbm>>
      tpu.wait_indirect_dma semaphore(%arg18 : memref<!tpu.dma_semaphore, #tpu.memory_space<semaphore_mem>>) src(%dma_wait3A_229 : memref<50000x48xf32, #tpu.memory_space<hbm>>) dst(%dma_wait3A_223 : memref<125x48xf32, #tpu.memory_space<vmem>>)
      %dma_wait3A_230 = arith.constant 1 : i32
      %dma_wait3A_231 = arith.constant 125 : i32
      %dma_wait3A_232 = arith.constant 0 : i32
      %dma_wait3A_233 = tpu.memref_slice %arg14[%dma_wait3A_231, %dma_wait3A_232] : memref<250x32xf32, #tpu.memory_space<vmem>> -> memref<125x32xf32, #tpu.memory_space<vmem>>
      %dma_wait3A_234 = arith.constant 0 : i32
      %dma_wait3A_235 = tpu.memref_slice %arg8[%dma_wait3A_230, %dma_wait3A_234] : memref<2x125xi32, #tpu.memory_space<vmem>> -> memref<1x125xi32, #tpu.memory_space<vmem>>
      %dma_wait3A_236 = tpu.memref_squeeze %dma_wait3A_235 : memref<1x125xi32, #tpu.memory_space<vmem>> -> memref<125xi32, #tpu.memory_space<vmem>>
      %dma_wait3A_237 = arith.constant 0 : i32
      %dma_wait3A_238 = arith.constant 0 : i32
      %dma_wait3A_239 = tpu.memref_slice %arg6[%dma_wait3A_237, %dma_wait3A_238] : memref<50000x32xf32, #tpu.memory_space<hbm>> -> memref<50000x32xf32, #tpu.memory_space<hbm>>
      tpu.wait_indirect_dma semaphore(%arg18 : memref<!tpu.dma_semaphore, #tpu.memory_space<semaphore_mem>>) src(%dma_wait3A_239 : memref<50000x32xf32, #tpu.memory_space<hbm>>) dst(%dma_wait3A_233 : memref<125x32xf32, #tpu.memory_space<vmem>>)
      %mul3A_240 = arith.constant 25000 : i32
      %mul3A_241 = arith.muli %add3A, %mul3A_240 : i32
      %mul3A_242 = arith.constant 250 : i32
      %mul3A_243 = arith.muli %mul3A_39, %mul3A_242 : i32
      %add3A_244 = arith.addi %mul3A_241, %mul3A_243 : i32
      %dma_start3A_245 = arith.constant 0 : i32
      %dma_start3A_246 = tpu.memref_slice %arg7[%add3A_244, %dma_start3A_245] : memref<800000x128xf32, #tpu.memory_space<hbm>> -> memref<250x48xf32, #tpu.memory_space<hbm>>
      %dma_start3A_247 = arith.constant 0 : i32
      %dma_start3A_248 = tpu.memref_slice %arg7[%add3A_244, %dma_start3A_247] : memref<800000x128xf32, #tpu.memory_space<hbm>> -> memref<250x48xf32, #tpu.memory_space<hbm>>
      tpu.enqueue_dma source(%arg12 : memref<250x48xf32, #tpu.memory_space<vmem>>) target(%dma_start3A_248 : memref<250x48xf32, #tpu.memory_space<hbm>>) target_semaphore(%arg20 : memref<!tpu.dma_semaphore, #tpu.memory_space<semaphore_mem>>)
      %dma_start3A_249 = arith.constant 48 : i32
      %dma_start3A_250 = tpu.memref_slice %arg7[%add3A_244, %dma_start3A_249] : memref<800000x128xf32, #tpu.memory_space<hbm>> -> memref<250x48xf32, #tpu.memory_space<hbm>>
      %dma_start3A_251 = arith.constant 48 : i32
      %dma_start3A_252 = tpu.memref_slice %arg7[%add3A_244, %dma_start3A_251] : memref<800000x128xf32, #tpu.memory_space<hbm>> -> memref<250x48xf32, #tpu.memory_space<hbm>>
      tpu.enqueue_dma source(%arg13 : memref<250x48xf32, #tpu.memory_space<vmem>>) target(%dma_start3A_252 : memref<250x48xf32, #tpu.memory_space<hbm>>) target_semaphore(%arg20 : memref<!tpu.dma_semaphore, #tpu.memory_space<semaphore_mem>>)
      %dma_start3A_253 = arith.constant 96 : i32
      %dma_start3A_254 = tpu.memref_slice %arg7[%add3A_244, %dma_start3A_253] : memref<800000x128xf32, #tpu.memory_space<hbm>> -> memref<250x32xf32, #tpu.memory_space<hbm>>
      %dma_start3A_255 = arith.constant 96 : i32
      %dma_start3A_256 = tpu.memref_slice %arg7[%add3A_244, %dma_start3A_255] : memref<800000x128xf32, #tpu.memory_space<hbm>> -> memref<250x32xf32, #tpu.memory_space<hbm>>
      tpu.enqueue_dma source(%arg14 : memref<250x32xf32, #tpu.memory_space<vmem>>) target(%dma_start3A_256 : memref<250x32xf32, #tpu.memory_space<hbm>>) target_semaphore(%arg20 : memref<!tpu.dma_semaphore, #tpu.memory_space<semaphore_mem>>)
      %dma_wait3A_257 = arith.constant 0 : i32
      %dma_wait3A_258 = arith.constant 0 : i32
      %dma_wait3A_259 = arith.constant 0 : i32
      %dma_wait3A_260 = tpu.memref_slice %arg15[%dma_wait3A_258, %dma_wait3A_259] : memref<250x48xf32, #tpu.memory_space<vmem>> -> memref<125x48xf32, #tpu.memory_space<vmem>>
      %dma_wait3A_261 = arith.constant 0 : i32
      %dma_wait3A_262 = tpu.memref_slice %arg11[%dma_wait3A_257, %dma_wait3A_261] : memref<2x125xi32, #tpu.memory_space<vmem>> -> memref<1x125xi32, #tpu.memory_space<vmem>>
      %dma_wait3A_263 = tpu.memref_squeeze %dma_wait3A_262 : memref<1x125xi32, #tpu.memory_space<vmem>> -> memref<125xi32, #tpu.memory_space<vmem>>
      %dma_wait3A_264 = arith.constant 0 : i32
      %dma_wait3A_265 = arith.constant 0 : i32
      %dma_wait3A_266 = tpu.memref_slice %arg4[%dma_wait3A_264, %dma_wait3A_265] : memref<50000x48xf32, #tpu.memory_space<hbm>> -> memref<50000x48xf32, #tpu.memory_space<hbm>>
      tpu.wait_indirect_dma semaphore(%arg19 : memref<!tpu.dma_semaphore, #tpu.memory_space<semaphore_mem>>) src(%dma_wait3A_266 : memref<50000x48xf32, #tpu.memory_space<hbm>>) dst(%dma_wait3A_260 : memref<125x48xf32, #tpu.memory_space<vmem>>)
      %dma_wait3A_267 = arith.constant 0 : i32
      %dma_wait3A_268 = arith.constant 0 : i32
      %dma_wait3A_269 = arith.constant 0 : i32
      %dma_wait3A_270 = tpu.memref_slice %arg16[%dma_wait3A_268, %dma_wait3A_269] : memref<250x48xf32, #tpu.memory_space<vmem>> -> memref<125x48xf32, #tpu.memory_space<vmem>>
      %dma_wait3A_271 = arith.constant 0 : i32
      %dma_wait3A_272 = tpu.memref_slice %arg10[%dma_wait3A_267, %dma_wait3A_271] : memref<2x125xi32, #tpu.memory_space<vmem>> -> memref<1x125xi32, #tpu.memory_space<vmem>>
      %dma_wait3A_273 = tpu.memref_squeeze %dma_wait3A_272 : memref<1x125xi32, #tpu.memory_space<vmem>> -> memref<125xi32, #tpu.memory_space<vmem>>
      %dma_wait3A_274 = arith.constant 0 : i32
      %dma_wait3A_275 = arith.constant 0 : i32
      %dma_wait3A_276 = tpu.memref_slice %arg5[%dma_wait3A_274, %dma_wait3A_275] : memref<50000x48xf32, #tpu.memory_space<hbm>> -> memref<50000x48xf32, #tpu.memory_space<hbm>>
      tpu.wait_indirect_dma semaphore(%arg19 : memref<!tpu.dma_semaphore, #tpu.memory_space<semaphore_mem>>) src(%dma_wait3A_276 : memref<50000x48xf32, #tpu.memory_space<hbm>>) dst(%dma_wait3A_270 : memref<125x48xf32, #tpu.memory_space<vmem>>)
      %dma_wait3A_277 = arith.constant 0 : i32
      %dma_wait3A_278 = arith.constant 0 : i32
      %dma_wait3A_279 = arith.constant 0 : i32
      %dma_wait3A_280 = tpu.memref_slice %arg17[%dma_wait3A_278, %dma_wait3A_279] : memref<250x32xf32, #tpu.memory_space<vmem>> -> memref<125x32xf32, #tpu.memory_space<vmem>>
      %dma_wait3A_281 = arith.constant 0 : i32
      %dma_wait3A_282 = tpu.memref_slice %arg10[%dma_wait3A_277, %dma_wait3A_281] : memref<2x125xi32, #tpu.memory_space<vmem>> -> memref<1x125xi32, #tpu.memory_space<vmem>>
      %dma_wait3A_283 = tpu.memref_squeeze %dma_wait3A_282 : memref<1x125xi32, #tpu.memory_space<vmem>> -> memref<125xi32, #tpu.memory_space<vmem>>
      %dma_wait3A_284 = arith.constant 0 : i32
      %dma_wait3A_285 = arith.constant 0 : i32
      %dma_wait3A_286 = tpu.memref_slice %arg6[%dma_wait3A_284, %dma_wait3A_285] : memref<50000x32xf32, #tpu.memory_space<hbm>> -> memref<50000x32xf32, #tpu.memory_space<hbm>>
      tpu.wait_indirect_dma semaphore(%arg19 : memref<!tpu.dma_semaphore, #tpu.memory_space<semaphore_mem>>) src(%dma_wait3A_286 : memref<50000x32xf32, #tpu.memory_space<hbm>>) dst(%dma_wait3A_280 : memref<125x32xf32, #tpu.memory_space<vmem>>)
      %dma_wait3A_287 = arith.constant 1 : i32
      %dma_wait3A_288 = arith.constant 125 : i32
      %dma_wait3A_289 = arith.constant 0 : i32
      %dma_wait3A_290 = tpu.memref_slice %arg15[%dma_wait3A_288, %dma_wait3A_289] : memref<250x48xf32, #tpu.memory_space<vmem>> -> memref<125x48xf32, #tpu.memory_space<vmem>>
      %dma_wait3A_291 = arith.constant 0 : i32
      %dma_wait3A_292 = tpu.memref_slice %arg11[%dma_wait3A_287, %dma_wait3A_291] : memref<2x125xi32, #tpu.memory_space<vmem>> -> memref<1x125xi32, #tpu.memory_space<vmem>>
      %dma_wait3A_293 = tpu.memref_squeeze %dma_wait3A_292 : memref<1x125xi32, #tpu.memory_space<vmem>> -> memref<125xi32, #tpu.memory_space<vmem>>
      %dma_wait3A_294 = arith.constant 0 : i32
      %dma_wait3A_295 = arith.constant 0 : i32
      %dma_wait3A_296 = tpu.memref_slice %arg4[%dma_wait3A_294, %dma_wait3A_295] : memref<50000x48xf32, #tpu.memory_space<hbm>> -> memref<50000x48xf32, #tpu.memory_space<hbm>>
      tpu.wait_indirect_dma semaphore(%arg19 : memref<!tpu.dma_semaphore, #tpu.memory_space<semaphore_mem>>) src(%dma_wait3A_296 : memref<50000x48xf32, #tpu.memory_space<hbm>>) dst(%dma_wait3A_290 : memref<125x48xf32, #tpu.memory_space<vmem>>)
      %dma_wait3A_297 = arith.constant 1 : i32
      %dma_wait3A_298 = arith.constant 125 : i32
      %dma_wait3A_299 = arith.constant 0 : i32
      %dma_wait3A_300 = tpu.memref_slice %arg16[%dma_wait3A_298, %dma_wait3A_299] : memref<250x48xf32, #tpu.memory_space<vmem>> -> memref<125x48xf32, #tpu.memory_space<vmem>>
      %dma_wait3A_301 = arith.constant 0 : i32
      %dma_wait3A_302 = tpu.memref_slice %arg10[%dma_wait3A_297, %dma_wait3A_301] : memref<2x125xi32, #tpu.memory_space<vmem>> -> memref<1x125xi32, #tpu.memory_space<vmem>>
      %dma_wait3A_303 = tpu.memref_squeeze %dma_wait3A_302 : memref<1x125xi32, #tpu.memory_space<vmem>> -> memref<125xi32, #tpu.memory_space<vmem>>
      %dma_wait3A_304 = arith.constant 0 : i32
      %dma_wait3A_305 = arith.constant 0 : i32
      %dma_wait3A_306 = tpu.memref_slice %arg5[%dma_wait3A_304, %dma_wait3A_305] : memref<50000x48xf32, #tpu.memory_space<hbm>> -> memref<50000x48xf32, #tpu.memory_space<hbm>>
      tpu.wait_indirect_dma semaphore(%arg19 : memref<!tpu.dma_semaphore, #tpu.memory_space<semaphore_mem>>) src(%dma_wait3A_306 : memref<50000x48xf32, #tpu.memory_space<hbm>>) dst(%dma_wait3A_300 : memref<125x48xf32, #tpu.memory_space<vmem>>)
      %dma_wait3A_307 = arith.constant 1 : i32
      %dma_wait3A_308 = arith.constant 125 : i32
      %dma_wait3A_309 = arith.constant 0 : i32
      %dma_wait3A_310 = tpu.memref_slice %arg17[%dma_wait3A_308, %dma_wait3A_309] : memref<250x32xf32, #tpu.memory_space<vmem>> -> memref<125x32xf32, #tpu.memory_space<vmem>>
      %dma_wait3A_311 = arith.constant 0 : i32
      %dma_wait3A_312 = tpu.memref_slice %arg10[%dma_wait3A_307, %dma_wait3A_311] : memref<2x125xi32, #tpu.memory_space<vmem>> -> memref<1x125xi32, #tpu.memory_space<vmem>>
      %dma_wait3A_313 = tpu.memref_squeeze %dma_wait3A_312 : memref<1x125xi32, #tpu.memory_space<vmem>> -> memref<125xi32, #tpu.memory_space<vmem>>
      %dma_wait3A_314 = arith.constant 0 : i32
      %dma_wait3A_315 = arith.constant 0 : i32
      %dma_wait3A_316 = tpu.memref_slice %arg6[%dma_wait3A_314, %dma_wait3A_315] : memref<50000x32xf32, #tpu.memory_space<hbm>> -> memref<50000x32xf32, #tpu.memory_space<hbm>>
      tpu.wait_indirect_dma semaphore(%arg19 : memref<!tpu.dma_semaphore, #tpu.memory_space<semaphore_mem>>) src(%dma_wait3A_316 : memref<50000x32xf32, #tpu.memory_space<hbm>>) dst(%dma_wait3A_310 : memref<125x32xf32, #tpu.memory_space<vmem>>)
      %mul3A_317 = arith.constant 25000 : i32
      %mul3A_318 = arith.muli %add3A, %mul3A_317 : i32
      %mul3A_319 = arith.constant 250 : i32
      %mul3A_320 = arith.muli %add3A_43, %mul3A_319 : i32
      %add3A_321 = arith.addi %mul3A_318, %mul3A_320 : i32
      %dma_start3A_322 = arith.constant 0 : i32
      %dma_start3A_323 = tpu.memref_slice %arg7[%add3A_321, %dma_start3A_322] : memref<800000x128xf32, #tpu.memory_space<hbm>> -> memref<250x48xf32, #tpu.memory_space<hbm>>
      %dma_start3A_324 = arith.constant 0 : i32
      %dma_start3A_325 = tpu.memref_slice %arg7[%add3A_321, %dma_start3A_324] : memref<800000x128xf32, #tpu.memory_space<hbm>> -> memref<250x48xf32, #tpu.memory_space<hbm>>
      tpu.enqueue_dma source(%arg15 : memref<250x48xf32, #tpu.memory_space<vmem>>) target(%dma_start3A_325 : memref<250x48xf32, #tpu.memory_space<hbm>>) target_semaphore(%arg21 : memref<!tpu.dma_semaphore, #tpu.memory_space<semaphore_mem>>)
      %dma_start3A_326 = arith.constant 48 : i32
      %dma_start3A_327 = tpu.memref_slice %arg7[%add3A_321, %dma_start3A_326] : memref<800000x128xf32, #tpu.memory_space<hbm>> -> memref<250x48xf32, #tpu.memory_space<hbm>>
      %dma_start3A_328 = arith.constant 48 : i32
      %dma_start3A_329 = tpu.memref_slice %arg7[%add3A_321, %dma_start3A_328] : memref<800000x128xf32, #tpu.memory_space<hbm>> -> memref<250x48xf32, #tpu.memory_space<hbm>>
      tpu.enqueue_dma source(%arg16 : memref<250x48xf32, #tpu.memory_space<vmem>>) target(%dma_start3A_329 : memref<250x48xf32, #tpu.memory_space<hbm>>) target_semaphore(%arg21 : memref<!tpu.dma_semaphore, #tpu.memory_space<semaphore_mem>>)
      %dma_start3A_330 = arith.constant 96 : i32
      %dma_start3A_331 = tpu.memref_slice %arg7[%add3A_321, %dma_start3A_330] : memref<800000x128xf32, #tpu.memory_space<hbm>> -> memref<250x32xf32, #tpu.memory_space<hbm>>
      %dma_start3A_332 = arith.constant 96 : i32
      %dma_start3A_333 = tpu.memref_slice %arg7[%add3A_321, %dma_start3A_332] : memref<800000x128xf32, #tpu.memory_space<hbm>> -> memref<250x32xf32, #tpu.memory_space<hbm>>
      tpu.enqueue_dma source(%arg17 : memref<250x32xf32, #tpu.memory_space<vmem>>) target(%dma_start3A_333 : memref<250x32xf32, #tpu.memory_space<hbm>>) target_semaphore(%arg21 : memref<!tpu.dma_semaphore, #tpu.memory_space<semaphore_mem>>)
    }
    %scan3A_5 = arith.constant 50 : i32
    %mul3A_6 = arith.constant 25000 : i32
    %mul3A_7 = arith.muli %add3A, %mul3A_6 : i32
    %add3A_8 = arith.constant 24500 : i32
    %add3A_9 = arith.addi %mul3A_7, %add3A_8 : i32
    %dma_wait3A = arith.constant 0 : i32
    %dma_wait3A_10 = tpu.memref_slice %arg7[%add3A_9, %dma_wait3A] : memref<800000x128xf32, #tpu.memory_space<hbm>> -> memref<250x48xf32, #tpu.memory_space<hbm>>
    %dma_wait3A_11 = arith.constant 0 : i32
    %dma_wait3A_12 = tpu.memref_slice %arg7[%add3A_9, %dma_wait3A_11] : memref<800000x128xf32, #tpu.memory_space<hbm>> -> memref<250x48xf32, #tpu.memory_space<hbm>>
    tpu.wait_dma2 semaphore(%arg20 : memref<!tpu.dma_semaphore, #tpu.memory_space<semaphore_mem>>) src(%arg12 : memref<250x48xf32, #tpu.memory_space<vmem>>) dst(%dma_wait3A_12 : memref<250x48xf32, #tpu.memory_space<hbm>>)
    %dma_wait3A_13 = arith.constant 48 : i32
    %dma_wait3A_14 = tpu.memref_slice %arg7[%add3A_9, %dma_wait3A_13] : memref<800000x128xf32, #tpu.memory_space<hbm>> -> memref<250x48xf32, #tpu.memory_space<hbm>>
    %dma_wait3A_15 = arith.constant 48 : i32
    %dma_wait3A_16 = tpu.memref_slice %arg7[%add3A_9, %dma_wait3A_15] : memref<800000x128xf32, #tpu.memory_space<hbm>> -> memref<250x48xf32, #tpu.memory_space<hbm>>
    tpu.wait_dma2 semaphore(%arg20 : memref<!tpu.dma_semaphore, #tpu.memory_space<semaphore_mem>>) src(%arg13 : memref<250x48xf32, #tpu.memory_space<vmem>>) dst(%dma_wait3A_16 : memref<250x48xf32, #tpu.memory_space<hbm>>)
    %dma_wait3A_17 = arith.constant 96 : i32
    %dma_wait3A_18 = tpu.memref_slice %arg7[%add3A_9, %dma_wait3A_17] : memref<800000x128xf32, #tpu.memory_space<hbm>> -> memref<250x32xf32, #tpu.memory_space<hbm>>
    %dma_wait3A_19 = arith.constant 96 : i32
    %dma_wait3A_20 = tpu.memref_slice %arg7[%add3A_9, %dma_wait3A_19] : memref<800000x128xf32, #tpu.memory_space<hbm>> -> memref<250x32xf32, #tpu.memory_space<hbm>>
    tpu.wait_dma2 semaphore(%arg20 : memref<!tpu.dma_semaphore, #tpu.memory_space<semaphore_mem>>) src(%arg14 : memref<250x32xf32, #tpu.memory_space<vmem>>) dst(%dma_wait3A_20 : memref<250x32xf32, #tpu.memory_space<hbm>>)
    %mul3A_21 = arith.constant 25000 : i32
    %mul3A_22 = arith.muli %add3A, %mul3A_21 : i32
    %add3A_23 = arith.constant 24750 : i32
    %add3A_24 = arith.addi %mul3A_22, %add3A_23 : i32
    %dma_wait3A_25 = arith.constant 0 : i32
    %dma_wait3A_26 = tpu.memref_slice %arg7[%add3A_24, %dma_wait3A_25] : memref<800000x128xf32, #tpu.memory_space<hbm>> -> memref<250x48xf32, #tpu.memory_space<hbm>>
    %dma_wait3A_27 = arith.constant 0 : i32
    %dma_wait3A_28 = tpu.memref_slice %arg7[%add3A_24, %dma_wait3A_27] : memref<800000x128xf32, #tpu.memory_space<hbm>> -> memref<250x48xf32, #tpu.memory_space<hbm>>
    tpu.wait_dma2 semaphore(%arg21 : memref<!tpu.dma_semaphore, #tpu.memory_space<semaphore_mem>>) src(%arg15 : memref<250x48xf32, #tpu.memory_space<vmem>>) dst(%dma_wait3A_28 : memref<250x48xf32, #tpu.memory_space<hbm>>)
    %dma_wait3A_29 = arith.constant 48 : i32
    %dma_wait3A_30 = tpu.memref_slice %arg7[%add3A_24, %dma_wait3A_29] : memref<800000x128xf32, #tpu.memory_space<hbm>> -> memref<250x48xf32, #tpu.memory_space<hbm>>
    %dma_wait3A_31 = arith.constant 48 : i32
    %dma_wait3A_32 = tpu.memref_slice %arg7[%add3A_24, %dma_wait3A_31] : memref<800000x128xf32, #tpu.memory_space<hbm>> -> memref<250x48xf32, #tpu.memory_space<hbm>>
    tpu.wait_dma2 semaphore(%arg21 : memref<!tpu.dma_semaphore, #tpu.memory_space<semaphore_mem>>) src(%arg16 : memref<250x48xf32, #tpu.memory_space<vmem>>) dst(%dma_wait3A_32 : memref<250x48xf32, #tpu.memory_space<hbm>>)
    %dma_wait3A_33 = arith.constant 96 : i32
    %dma_wait3A_34 = tpu.memref_slice %arg7[%add3A_24, %dma_wait3A_33] : memref<800000x128xf32, #tpu.memory_space<hbm>> -> memref<250x32xf32, #tpu.memory_space<hbm>>
    %dma_wait3A_35 = arith.constant 96 : i32
    %dma_wait3A_36 = tpu.memref_slice %arg7[%add3A_24, %dma_wait3A_35] : memref<800000x128xf32, #tpu.memory_space<hbm>> -> memref<250x32xf32, #tpu.memory_space<hbm>>
    tpu.wait_dma2 semaphore(%arg21 : memref<!tpu.dma_semaphore, #tpu.memory_space<semaphore_mem>>) src(%arg17 : memref<250x32xf32, #tpu.memory_space<vmem>>) dst(%dma_wait3A_36 : memref<250x32xf32, #tpu.memory_space<hbm>>)
    return
  }
}

#map = affine_map<(d0, d1) -> (0, 0, 0)>
#map1 = affine_map<(d0, d1) -> (0, 0)>
module attributes {stable_mosaic.version = 14 : i64} {
  func.func @scatter_kernel(%arg0: i32, %arg1: i32, %arg2: memref<2x6400x125xi32, #tpu.memory_space<hbm>>, %arg3: memref<400000x128xf32, #tpu.memory_space<hbm>>, %arg4: memref<3141x48xf32, #tpu.memory_space<hbm>>, %arg5: memref<50000x48xf32, #tpu.memory_space<hbm>>, %arg6: memref<2x125xi32, #tpu.memory_space<vmem>>, %arg7: memref<2x125xi32, #tpu.memory_space<vmem>>, %arg8: memref<2x125xi32, #tpu.memory_space<vmem>>, %arg9: memref<2x125xi32, #tpu.memory_space<vmem>>, %arg10: memref<250x48xf32, #tpu.memory_space<vmem>>, %arg11: memref<250x48xf32, #tpu.memory_space<vmem>>, %arg12: memref<250x48xf32, #tpu.memory_space<vmem>>, %arg13: memref<250x48xf32, #tpu.memory_space<vmem>>, %arg14: memref<25128x48xf32, #tpu.memory_space<vmem_shared>>, %arg15: memref<!tpu.dma_semaphore, #tpu.memory_space<semaphore_mem>>, %arg16: memref<!tpu.dma_semaphore, #tpu.memory_space<semaphore_mem>>, %arg17: memref<!tpu.dma_semaphore, #tpu.memory_space<semaphore_mem>>) attributes {dimension_semantics = [#tpu.dimension_semantics<core_parallel>, #tpu.dimension_semantics<subcore_parallel>], iteration_bounds = array<i64: 2, 16>, scalar_prefetch = 0 : i64, scratch_operands = 12 : i64, tpu.core_type = #tpu.core_type<sc_vector_subcore>, window_params = [{transform_indices = #map}, {transform_indices = #map1}, {transform_indices = #map1}, {transform_indices = #map1}]} {
    %lt3A = arith.constant 8 : i32
    %lt3A_0 = arith.cmpi slt, %arg1, %lt3A : i32
    %convert_element_type3A = arith.extui %lt3A_0 : i1 to i32
    %cond3A = arith.constant 0 : i32
    %cond3A_1 = arith.cmpi ne, %convert_element_type3A, %cond3A : i32
    scf.if %cond3A_1 {
      %mul3A = arith.constant 3141 : i32
      %mul3A_13 = arith.muli %arg1, %mul3A : i32
      "tpu.region"() ({
        %run_scoped3A = tpu.sem_alloc : memref<!tpu.dma_semaphore, #tpu.memory_space<semaphore_mem>>
        %dma_start3A = arith.constant 0 : i32
        %dma_start3A_14 = tpu.memref_slice %arg14[%mul3A_13, %dma_start3A] : memref<25128x48xf32, #tpu.memory_space<vmem_shared>> -> memref<3141x48xf32, #tpu.memory_space<vmem_shared>>
        tpu.enqueue_dma source(%arg4 : memref<3141x48xf32, #tpu.memory_space<hbm>>) target(%dma_start3A_14 : memref<3141x48xf32, #tpu.memory_space<vmem_shared>>) target_semaphore(%run_scoped3A : memref<!tpu.dma_semaphore, #tpu.memory_space<semaphore_mem>>)
        %dma_wait3A = arith.constant 0 : i32
        %dma_wait3A_15 = tpu.memref_slice %arg14[%mul3A_13, %dma_wait3A] : memref<25128x48xf32, #tpu.memory_space<vmem_shared>> -> memref<3141x48xf32, #tpu.memory_space<vmem_shared>>
        tpu.wait_dma2 semaphore(%run_scoped3A : memref<!tpu.dma_semaphore, #tpu.memory_space<semaphore_mem>>) src(%arg4 : memref<3141x48xf32, #tpu.memory_space<hbm>>) dst(%dma_wait3A_15 : memref<3141x48xf32, #tpu.memory_space<vmem_shared>>)
        tpu.yield
      }) : () -> ()
    } else {
    }
    %barrier3A = arith.constant 0 : index
    tpu.barrier barrier_id(%barrier3A)
    %scan3A = arith.constant 0 : i32
    %scan3A_2 = arith.constant 0 : i32
    %scan3A_3 = arith.constant 50 : i32
    %scan3A_4 = arith.addi %scan3A_2, %scan3A_3 : i32
    %scan3A_5 = arith.constant 1 : i32
    scf.for %scan3A_13 = %scan3A_2 to %scan3A_4 step %scan3A_5  : i32 {
      %mul3A = arith.constant 2 : i32
      %mul3A_14 = arith.muli %mul3A, %scan3A_13 : i32
      %mul3A_15 = arith.constant 25000 : i32
      %mul3A_16 = arith.muli %arg1, %mul3A_15 : i32
      %mul3A_17 = arith.constant 250 : i32
      %mul3A_18 = arith.muli %mul3A_14, %mul3A_17 : i32
      %add3A = arith.addi %mul3A_16, %mul3A_18 : i32
      %mul3A_19 = arith.constant 200 : i32
      %mul3A_20 = arith.muli %arg1, %mul3A_19 : i32
      %mul3A_21 = arith.constant 2 : i32
      %mul3A_22 = arith.muli %mul3A_14, %mul3A_21 : i32
      %add3A_23 = arith.addi %mul3A_20, %mul3A_22 : i32
      %dma_start3A = arith.constant 0 : i32
      %dma_start3A_24 = tpu.memref_slice %arg2[%arg0, %add3A_23, %dma_start3A] : memref<2x6400x125xi32, #tpu.memory_space<hbm>> -> memref<1x2x125xi32, #tpu.memory_space<hbm>>
      %dma_start3A_25 = tpu.memref_squeeze %dma_start3A_24 : memref<1x2x125xi32, #tpu.memory_space<hbm>> -> memref<2x125xi32, #tpu.memory_space<hbm>>
      %dma_start3A_26 = arith.constant 0 : i32
      %dma_start3A_27 = tpu.memref_slice %arg2[%arg0, %add3A_23, %dma_start3A_26] : memref<2x6400x125xi32, #tpu.memory_space<hbm>> -> memref<1x2x125xi32, #tpu.memory_space<hbm>>
      %dma_start3A_28 = tpu.memref_squeeze %dma_start3A_27 : memref<1x2x125xi32, #tpu.memory_space<hbm>> -> memref<2x125xi32, #tpu.memory_space<hbm>>
      tpu.enqueue_dma source(%dma_start3A_28 : memref<2x125xi32, #tpu.memory_space<hbm>>) target(%arg6 : memref<2x125xi32, #tpu.memory_space<vmem>>) target_semaphore(%arg15 : memref<!tpu.dma_semaphore, #tpu.memory_space<semaphore_mem>>)
      %add3A_29 = arith.constant 3200 : i32
      %add3A_30 = arith.addi %add3A_23, %add3A_29 : i32
      %dma_start3A_31 = arith.constant 0 : i32
      %dma_start3A_32 = tpu.memref_slice %arg2[%arg0, %add3A_30, %dma_start3A_31] : memref<2x6400x125xi32, #tpu.memory_space<hbm>> -> memref<1x2x125xi32, #tpu.memory_space<hbm>>
      %dma_start3A_33 = tpu.memref_squeeze %dma_start3A_32 : memref<1x2x125xi32, #tpu.memory_space<hbm>> -> memref<2x125xi32, #tpu.memory_space<hbm>>
      %dma_start3A_34 = arith.constant 0 : i32
      %dma_start3A_35 = tpu.memref_slice %arg2[%arg0, %add3A_30, %dma_start3A_34] : memref<2x6400x125xi32, #tpu.memory_space<hbm>> -> memref<1x2x125xi32, #tpu.memory_space<hbm>>
      %dma_start3A_36 = tpu.memref_squeeze %dma_start3A_35 : memref<1x2x125xi32, #tpu.memory_space<hbm>> -> memref<2x125xi32, #tpu.memory_space<hbm>>
      tpu.enqueue_dma source(%dma_start3A_36 : memref<2x125xi32, #tpu.memory_space<hbm>>) target(%arg7 : memref<2x125xi32, #tpu.memory_space<vmem>>) target_semaphore(%arg15 : memref<!tpu.dma_semaphore, #tpu.memory_space<semaphore_mem>>)
      %dma_start3A_37 = arith.constant 0 : i32
      %dma_start3A_38 = tpu.memref_slice %arg3[%add3A, %dma_start3A_37] : memref<400000x128xf32, #tpu.memory_space<hbm>> -> memref<250x48xf32, #tpu.memory_space<hbm>>
      %dma_start3A_39 = arith.constant 0 : i32
      %dma_start3A_40 = tpu.memref_slice %arg3[%add3A, %dma_start3A_39] : memref<400000x128xf32, #tpu.memory_space<hbm>> -> memref<250x48xf32, #tpu.memory_space<hbm>>
      tpu.enqueue_dma source(%dma_start3A_40 : memref<250x48xf32, #tpu.memory_space<hbm>>) target(%arg10 : memref<250x48xf32, #tpu.memory_space<vmem>>) target_semaphore(%arg15 : memref<!tpu.dma_semaphore, #tpu.memory_space<semaphore_mem>>)
      %dma_start3A_41 = arith.constant 48 : i32
      %dma_start3A_42 = tpu.memref_slice %arg3[%add3A, %dma_start3A_41] : memref<400000x128xf32, #tpu.memory_space<hbm>> -> memref<250x48xf32, #tpu.memory_space<hbm>>
      %dma_start3A_43 = arith.constant 48 : i32
      %dma_start3A_44 = tpu.memref_slice %arg3[%add3A, %dma_start3A_43] : memref<400000x128xf32, #tpu.memory_space<hbm>> -> memref<250x48xf32, #tpu.memory_space<hbm>>
      tpu.enqueue_dma source(%dma_start3A_44 : memref<250x48xf32, #tpu.memory_space<hbm>>) target(%arg11 : memref<250x48xf32, #tpu.memory_space<vmem>>) target_semaphore(%arg15 : memref<!tpu.dma_semaphore, #tpu.memory_space<semaphore_mem>>)
      %mul3A_45 = arith.constant 2 : i32
      %mul3A_46 = arith.muli %mul3A_45, %scan3A_13 : i32
      %add3A_47 = arith.constant 1 : i32
      %add3A_48 = arith.addi %mul3A_46, %add3A_47 : i32
      %mul3A_49 = arith.constant 25000 : i32
      %mul3A_50 = arith.muli %arg1, %mul3A_49 : i32
      %mul3A_51 = arith.constant 250 : i32
      %mul3A_52 = arith.muli %add3A_48, %mul3A_51 : i32
      %add3A_53 = arith.addi %mul3A_50, %mul3A_52 : i32
      %mul3A_54 = arith.constant 200 : i32
      %mul3A_55 = arith.muli %arg1, %mul3A_54 : i32
      %mul3A_56 = arith.constant 2 : i32
      %mul3A_57 = arith.muli %add3A_48, %mul3A_56 : i32
      %add3A_58 = arith.addi %mul3A_55, %mul3A_57 : i32
      %dma_start3A_59 = arith.constant 0 : i32
      %dma_start3A_60 = tpu.memref_slice %arg2[%arg0, %add3A_58, %dma_start3A_59] : memref<2x6400x125xi32, #tpu.memory_space<hbm>> -> memref<1x2x125xi32, #tpu.memory_space<hbm>>
      %dma_start3A_61 = tpu.memref_squeeze %dma_start3A_60 : memref<1x2x125xi32, #tpu.memory_space<hbm>> -> memref<2x125xi32, #tpu.memory_space<hbm>>
      %dma_start3A_62 = arith.constant 0 : i32
      %dma_start3A_63 = tpu.memref_slice %arg2[%arg0, %add3A_58, %dma_start3A_62] : memref<2x6400x125xi32, #tpu.memory_space<hbm>> -> memref<1x2x125xi32, #tpu.memory_space<hbm>>
      %dma_start3A_64 = tpu.memref_squeeze %dma_start3A_63 : memref<1x2x125xi32, #tpu.memory_space<hbm>> -> memref<2x125xi32, #tpu.memory_space<hbm>>
      tpu.enqueue_dma source(%dma_start3A_64 : memref<2x125xi32, #tpu.memory_space<hbm>>) target(%arg8 : memref<2x125xi32, #tpu.memory_space<vmem>>) target_semaphore(%arg16 : memref<!tpu.dma_semaphore, #tpu.memory_space<semaphore_mem>>)
      %add3A_65 = arith.constant 3200 : i32
      %add3A_66 = arith.addi %add3A_58, %add3A_65 : i32
      %dma_start3A_67 = arith.constant 0 : i32
      %dma_start3A_68 = tpu.memref_slice %arg2[%arg0, %add3A_66, %dma_start3A_67] : memref<2x6400x125xi32, #tpu.memory_space<hbm>> -> memref<1x2x125xi32, #tpu.memory_space<hbm>>
      %dma_start3A_69 = tpu.memref_squeeze %dma_start3A_68 : memref<1x2x125xi32, #tpu.memory_space<hbm>> -> memref<2x125xi32, #tpu.memory_space<hbm>>
      %dma_start3A_70 = arith.constant 0 : i32
      %dma_start3A_71 = tpu.memref_slice %arg2[%arg0, %add3A_66, %dma_start3A_70] : memref<2x6400x125xi32, #tpu.memory_space<hbm>> -> memref<1x2x125xi32, #tpu.memory_space<hbm>>
      %dma_start3A_72 = tpu.memref_squeeze %dma_start3A_71 : memref<1x2x125xi32, #tpu.memory_space<hbm>> -> memref<2x125xi32, #tpu.memory_space<hbm>>
      tpu.enqueue_dma source(%dma_start3A_72 : memref<2x125xi32, #tpu.memory_space<hbm>>) target(%arg9 : memref<2x125xi32, #tpu.memory_space<vmem>>) target_semaphore(%arg16 : memref<!tpu.dma_semaphore, #tpu.memory_space<semaphore_mem>>)
      %dma_start3A_73 = arith.constant 0 : i32
      %dma_start3A_74 = tpu.memref_slice %arg3[%add3A_53, %dma_start3A_73] : memref<400000x128xf32, #tpu.memory_space<hbm>> -> memref<250x48xf32, #tpu.memory_space<hbm>>
      %dma_start3A_75 = arith.constant 0 : i32
      %dma_start3A_76 = tpu.memref_slice %arg3[%add3A_53, %dma_start3A_75] : memref<400000x128xf32, #tpu.memory_space<hbm>> -> memref<250x48xf32, #tpu.memory_space<hbm>>
      tpu.enqueue_dma source(%dma_start3A_76 : memref<250x48xf32, #tpu.memory_space<hbm>>) target(%arg12 : memref<250x48xf32, #tpu.memory_space<vmem>>) target_semaphore(%arg16 : memref<!tpu.dma_semaphore, #tpu.memory_space<semaphore_mem>>)
      %dma_start3A_77 = arith.constant 48 : i32
      %dma_start3A_78 = tpu.memref_slice %arg3[%add3A_53, %dma_start3A_77] : memref<400000x128xf32, #tpu.memory_space<hbm>> -> memref<250x48xf32, #tpu.memory_space<hbm>>
      %dma_start3A_79 = arith.constant 48 : i32
      %dma_start3A_80 = tpu.memref_slice %arg3[%add3A_53, %dma_start3A_79] : memref<400000x128xf32, #tpu.memory_space<hbm>> -> memref<250x48xf32, #tpu.memory_space<hbm>>
      tpu.enqueue_dma source(%dma_start3A_80 : memref<250x48xf32, #tpu.memory_space<hbm>>) target(%arg13 : memref<250x48xf32, #tpu.memory_space<vmem>>) target_semaphore(%arg16 : memref<!tpu.dma_semaphore, #tpu.memory_space<semaphore_mem>>)
      %dma_wait3A = arith.constant 0 : i32
      %dma_wait3A_81 = tpu.memref_slice %arg2[%arg0, %add3A_23, %dma_wait3A] : memref<2x6400x125xi32, #tpu.memory_space<hbm>> -> memref<1x2x125xi32, #tpu.memory_space<hbm>>
      %dma_wait3A_82 = tpu.memref_squeeze %dma_wait3A_81 : memref<1x2x125xi32, #tpu.memory_space<hbm>> -> memref<2x125xi32, #tpu.memory_space<hbm>>
      %dma_wait3A_83 = arith.constant 0 : i32
      %dma_wait3A_84 = tpu.memref_slice %arg2[%arg0, %add3A_23, %dma_wait3A_83] : memref<2x6400x125xi32, #tpu.memory_space<hbm>> -> memref<1x2x125xi32, #tpu.memory_space<hbm>>
      %dma_wait3A_85 = tpu.memref_squeeze %dma_wait3A_84 : memref<1x2x125xi32, #tpu.memory_space<hbm>> -> memref<2x125xi32, #tpu.memory_space<hbm>>
      tpu.wait_dma2 semaphore(%arg15 : memref<!tpu.dma_semaphore, #tpu.memory_space<semaphore_mem>>) src(%dma_wait3A_85 : memref<2x125xi32, #tpu.memory_space<hbm>>) dst(%arg6 : memref<2x125xi32, #tpu.memory_space<vmem>>)
      %dma_wait3A_86 = arith.constant 0 : i32
      %dma_wait3A_87 = tpu.memref_slice %arg2[%arg0, %add3A_30, %dma_wait3A_86] : memref<2x6400x125xi32, #tpu.memory_space<hbm>> -> memref<1x2x125xi32, #tpu.memory_space<hbm>>
      %dma_wait3A_88 = tpu.memref_squeeze %dma_wait3A_87 : memref<1x2x125xi32, #tpu.memory_space<hbm>> -> memref<2x125xi32, #tpu.memory_space<hbm>>
      %dma_wait3A_89 = arith.constant 0 : i32
      %dma_wait3A_90 = tpu.memref_slice %arg2[%arg0, %add3A_30, %dma_wait3A_89] : memref<2x6400x125xi32, #tpu.memory_space<hbm>> -> memref<1x2x125xi32, #tpu.memory_space<hbm>>
      %dma_wait3A_91 = tpu.memref_squeeze %dma_wait3A_90 : memref<1x2x125xi32, #tpu.memory_space<hbm>> -> memref<2x125xi32, #tpu.memory_space<hbm>>
      tpu.wait_dma2 semaphore(%arg15 : memref<!tpu.dma_semaphore, #tpu.memory_space<semaphore_mem>>) src(%dma_wait3A_91 : memref<2x125xi32, #tpu.memory_space<hbm>>) dst(%arg7 : memref<2x125xi32, #tpu.memory_space<vmem>>)
      %dma_wait3A_92 = arith.constant 0 : i32
      %dma_wait3A_93 = tpu.memref_slice %arg3[%add3A, %dma_wait3A_92] : memref<400000x128xf32, #tpu.memory_space<hbm>> -> memref<250x48xf32, #tpu.memory_space<hbm>>
      %dma_wait3A_94 = arith.constant 0 : i32
      %dma_wait3A_95 = tpu.memref_slice %arg3[%add3A, %dma_wait3A_94] : memref<400000x128xf32, #tpu.memory_space<hbm>> -> memref<250x48xf32, #tpu.memory_space<hbm>>
      tpu.wait_dma2 semaphore(%arg15 : memref<!tpu.dma_semaphore, #tpu.memory_space<semaphore_mem>>) src(%dma_wait3A_95 : memref<250x48xf32, #tpu.memory_space<hbm>>) dst(%arg10 : memref<250x48xf32, #tpu.memory_space<vmem>>)
      %dma_wait3A_96 = arith.constant 48 : i32
      %dma_wait3A_97 = tpu.memref_slice %arg3[%add3A, %dma_wait3A_96] : memref<400000x128xf32, #tpu.memory_space<hbm>> -> memref<250x48xf32, #tpu.memory_space<hbm>>
      %dma_wait3A_98 = arith.constant 48 : i32
      %dma_wait3A_99 = tpu.memref_slice %arg3[%add3A, %dma_wait3A_98] : memref<400000x128xf32, #tpu.memory_space<hbm>> -> memref<250x48xf32, #tpu.memory_space<hbm>>
      tpu.wait_dma2 semaphore(%arg15 : memref<!tpu.dma_semaphore, #tpu.memory_space<semaphore_mem>>) src(%dma_wait3A_99 : memref<250x48xf32, #tpu.memory_space<hbm>>) dst(%arg11 : memref<250x48xf32, #tpu.memory_space<vmem>>)
      %dma_start3A_100 = arith.constant 0 : i32
      %dma_start3A_101 = arith.constant 0 : i32
      %dma_start3A_102 = arith.constant 0 : i32
      %dma_start3A_103 = tpu.memref_slice %arg10[%dma_start3A_101, %dma_start3A_102] : memref<250x48xf32, #tpu.memory_space<vmem>> -> memref<125x48xf32, #tpu.memory_space<vmem>>
      %dma_start3A_104 = arith.constant 0 : i32
      %dma_start3A_105 = tpu.memref_slice %arg6[%dma_start3A_100, %dma_start3A_104] : memref<2x125xi32, #tpu.memory_space<vmem>> -> memref<1x125xi32, #tpu.memory_space<vmem>>
      %dma_start3A_106 = tpu.memref_squeeze %dma_start3A_105 : memref<1x125xi32, #tpu.memory_space<vmem>> -> memref<125xi32, #tpu.memory_space<vmem>>
      %dma_start3A_107 = arith.constant 0 : i32
      %dma_start3A_108 = arith.constant 0 : i32
      %dma_start3A_109 = tpu.memref_slice %arg14[%dma_start3A_107, %dma_start3A_108] : memref<25128x48xf32, #tpu.memory_space<vmem_shared>> -> memref<25128x48xf32, #tpu.memory_space<vmem_shared>>
      tpu.enqueue_indirect_dma source(%dma_start3A_103 : memref<125x48xf32, #tpu.memory_space<vmem>>) target(%dma_start3A_109 : memref<25128x48xf32, #tpu.memory_space<vmem_shared>>) offsets(%dma_start3A_106 : memref<125xi32, #tpu.memory_space<vmem>>) semaphore(%arg17 : memref<!tpu.dma_semaphore, #tpu.memory_space<semaphore_mem>>) {add = true}
      %dma_start3A_110 = arith.constant 0 : i32
      %dma_start3A_111 = arith.constant 0 : i32
      %dma_start3A_112 = arith.constant 0 : i32
      %dma_start3A_113 = tpu.memref_slice %arg11[%dma_start3A_111, %dma_start3A_112] : memref<250x48xf32, #tpu.memory_space<vmem>> -> memref<125x48xf32, #tpu.memory_space<vmem>>
      %dma_start3A_114 = arith.constant 0 : i32
      %dma_start3A_115 = tpu.memref_slice %arg7[%dma_start3A_110, %dma_start3A_114] : memref<2x125xi32, #tpu.memory_space<vmem>> -> memref<1x125xi32, #tpu.memory_space<vmem>>
      %dma_start3A_116 = tpu.memref_squeeze %dma_start3A_115 : memref<1x125xi32, #tpu.memory_space<vmem>> -> memref<125xi32, #tpu.memory_space<vmem>>
      %dma_start3A_117 = arith.constant 0 : i32
      %dma_start3A_118 = arith.constant 0 : i32
      %dma_start3A_119 = tpu.memref_slice %arg14[%dma_start3A_117, %dma_start3A_118] : memref<25128x48xf32, #tpu.memory_space<vmem_shared>> -> memref<25128x48xf32, #tpu.memory_space<vmem_shared>>
      tpu.enqueue_indirect_dma source(%dma_start3A_113 : memref<125x48xf32, #tpu.memory_space<vmem>>) target(%dma_start3A_119 : memref<25128x48xf32, #tpu.memory_space<vmem_shared>>) offsets(%dma_start3A_116 : memref<125xi32, #tpu.memory_space<vmem>>) semaphore(%arg17 : memref<!tpu.dma_semaphore, #tpu.memory_space<semaphore_mem>>) {add = true}
      %dma_start3A_120 = arith.constant 1 : i32
      %dma_start3A_121 = arith.constant 125 : i32
      %dma_start3A_122 = arith.constant 0 : i32
      %dma_start3A_123 = tpu.memref_slice %arg10[%dma_start3A_121, %dma_start3A_122] : memref<250x48xf32, #tpu.memory_space<vmem>> -> memref<125x48xf32, #tpu.memory_space<vmem>>
      %dma_start3A_124 = arith.constant 0 : i32
      %dma_start3A_125 = tpu.memref_slice %arg6[%dma_start3A_120, %dma_start3A_124] : memref<2x125xi32, #tpu.memory_space<vmem>> -> memref<1x125xi32, #tpu.memory_space<vmem>>
      %dma_start3A_126 = tpu.memref_squeeze %dma_start3A_125 : memref<1x125xi32, #tpu.memory_space<vmem>> -> memref<125xi32, #tpu.memory_space<vmem>>
      %dma_start3A_127 = arith.constant 0 : i32
      %dma_start3A_128 = arith.constant 0 : i32
      %dma_start3A_129 = tpu.memref_slice %arg14[%dma_start3A_127, %dma_start3A_128] : memref<25128x48xf32, #tpu.memory_space<vmem_shared>> -> memref<25128x48xf32, #tpu.memory_space<vmem_shared>>
      tpu.enqueue_indirect_dma source(%dma_start3A_123 : memref<125x48xf32, #tpu.memory_space<vmem>>) target(%dma_start3A_129 : memref<25128x48xf32, #tpu.memory_space<vmem_shared>>) offsets(%dma_start3A_126 : memref<125xi32, #tpu.memory_space<vmem>>) semaphore(%arg17 : memref<!tpu.dma_semaphore, #tpu.memory_space<semaphore_mem>>) {add = true}
      %dma_start3A_130 = arith.constant 1 : i32
      %dma_start3A_131 = arith.constant 125 : i32
      %dma_start3A_132 = arith.constant 0 : i32
      %dma_start3A_133 = tpu.memref_slice %arg11[%dma_start3A_131, %dma_start3A_132] : memref<250x48xf32, #tpu.memory_space<vmem>> -> memref<125x48xf32, #tpu.memory_space<vmem>>
      %dma_start3A_134 = arith.constant 0 : i32
      %dma_start3A_135 = tpu.memref_slice %arg7[%dma_start3A_130, %dma_start3A_134] : memref<2x125xi32, #tpu.memory_space<vmem>> -> memref<1x125xi32, #tpu.memory_space<vmem>>
      %dma_start3A_136 = tpu.memref_squeeze %dma_start3A_135 : memref<1x125xi32, #tpu.memory_space<vmem>> -> memref<125xi32, #tpu.memory_space<vmem>>
      %dma_start3A_137 = arith.constant 0 : i32
      %dma_start3A_138 = arith.constant 0 : i32
      %dma_start3A_139 = tpu.memref_slice %arg14[%dma_start3A_137, %dma_start3A_138] : memref<25128x48xf32, #tpu.memory_space<vmem_shared>> -> memref<25128x48xf32, #tpu.memory_space<vmem_shared>>
      tpu.enqueue_indirect_dma source(%dma_start3A_133 : memref<125x48xf32, #tpu.memory_space<vmem>>) target(%dma_start3A_139 : memref<25128x48xf32, #tpu.memory_space<vmem_shared>>) offsets(%dma_start3A_136 : memref<125xi32, #tpu.memory_space<vmem>>) semaphore(%arg17 : memref<!tpu.dma_semaphore, #tpu.memory_space<semaphore_mem>>) {add = true}
      %dma_wait3A_140 = arith.constant 0 : i32
      %dma_wait3A_141 = tpu.memref_slice %arg2[%arg0, %add3A_58, %dma_wait3A_140] : memref<2x6400x125xi32, #tpu.memory_space<hbm>> -> memref<1x2x125xi32, #tpu.memory_space<hbm>>
      %dma_wait3A_142 = tpu.memref_squeeze %dma_wait3A_141 : memref<1x2x125xi32, #tpu.memory_space<hbm>> -> memref<2x125xi32, #tpu.memory_space<hbm>>
      %dma_wait3A_143 = arith.constant 0 : i32
      %dma_wait3A_144 = tpu.memref_slice %arg2[%arg0, %add3A_58, %dma_wait3A_143] : memref<2x6400x125xi32, #tpu.memory_space<hbm>> -> memref<1x2x125xi32, #tpu.memory_space<hbm>>
      %dma_wait3A_145 = tpu.memref_squeeze %dma_wait3A_144 : memref<1x2x125xi32, #tpu.memory_space<hbm>> -> memref<2x125xi32, #tpu.memory_space<hbm>>
      tpu.wait_dma2 semaphore(%arg16 : memref<!tpu.dma_semaphore, #tpu.memory_space<semaphore_mem>>) src(%dma_wait3A_145 : memref<2x125xi32, #tpu.memory_space<hbm>>) dst(%arg8 : memref<2x125xi32, #tpu.memory_space<vmem>>)
      %dma_wait3A_146 = arith.constant 0 : i32
      %dma_wait3A_147 = tpu.memref_slice %arg2[%arg0, %add3A_66, %dma_wait3A_146] : memref<2x6400x125xi32, #tpu.memory_space<hbm>> -> memref<1x2x125xi32, #tpu.memory_space<hbm>>
      %dma_wait3A_148 = tpu.memref_squeeze %dma_wait3A_147 : memref<1x2x125xi32, #tpu.memory_space<hbm>> -> memref<2x125xi32, #tpu.memory_space<hbm>>
      %dma_wait3A_149 = arith.constant 0 : i32
      %dma_wait3A_150 = tpu.memref_slice %arg2[%arg0, %add3A_66, %dma_wait3A_149] : memref<2x6400x125xi32, #tpu.memory_space<hbm>> -> memref<1x2x125xi32, #tpu.memory_space<hbm>>
      %dma_wait3A_151 = tpu.memref_squeeze %dma_wait3A_150 : memref<1x2x125xi32, #tpu.memory_space<hbm>> -> memref<2x125xi32, #tpu.memory_space<hbm>>
      tpu.wait_dma2 semaphore(%arg16 : memref<!tpu.dma_semaphore, #tpu.memory_space<semaphore_mem>>) src(%dma_wait3A_151 : memref<2x125xi32, #tpu.memory_space<hbm>>) dst(%arg9 : memref<2x125xi32, #tpu.memory_space<vmem>>)
      %dma_wait3A_152 = arith.constant 0 : i32
      %dma_wait3A_153 = tpu.memref_slice %arg3[%add3A_53, %dma_wait3A_152] : memref<400000x128xf32, #tpu.memory_space<hbm>> -> memref<250x48xf32, #tpu.memory_space<hbm>>
      %dma_wait3A_154 = arith.constant 0 : i32
      %dma_wait3A_155 = tpu.memref_slice %arg3[%add3A_53, %dma_wait3A_154] : memref<400000x128xf32, #tpu.memory_space<hbm>> -> memref<250x48xf32, #tpu.memory_space<hbm>>
      tpu.wait_dma2 semaphore(%arg16 : memref<!tpu.dma_semaphore, #tpu.memory_space<semaphore_mem>>) src(%dma_wait3A_155 : memref<250x48xf32, #tpu.memory_space<hbm>>) dst(%arg12 : memref<250x48xf32, #tpu.memory_space<vmem>>)
      %dma_wait3A_156 = arith.constant 48 : i32
      %dma_wait3A_157 = tpu.memref_slice %arg3[%add3A_53, %dma_wait3A_156] : memref<400000x128xf32, #tpu.memory_space<hbm>> -> memref<250x48xf32, #tpu.memory_space<hbm>>
      %dma_wait3A_158 = arith.constant 48 : i32
      %dma_wait3A_159 = tpu.memref_slice %arg3[%add3A_53, %dma_wait3A_158] : memref<400000x128xf32, #tpu.memory_space<hbm>> -> memref<250x48xf32, #tpu.memory_space<hbm>>
      tpu.wait_dma2 semaphore(%arg16 : memref<!tpu.dma_semaphore, #tpu.memory_space<semaphore_mem>>) src(%dma_wait3A_159 : memref<250x48xf32, #tpu.memory_space<hbm>>) dst(%arg13 : memref<250x48xf32, #tpu.memory_space<vmem>>)
      %dma_start3A_160 = arith.constant 0 : i32
      %dma_start3A_161 = arith.constant 0 : i32
      %dma_start3A_162 = arith.constant 0 : i32
      %dma_start3A_163 = tpu.memref_slice %arg12[%dma_start3A_161, %dma_start3A_162] : memref<250x48xf32, #tpu.memory_space<vmem>> -> memref<125x48xf32, #tpu.memory_space<vmem>>
      %dma_start3A_164 = arith.constant 0 : i32
      %dma_start3A_165 = tpu.memref_slice %arg8[%dma_start3A_160, %dma_start3A_164] : memref<2x125xi32, #tpu.memory_space<vmem>> -> memref<1x125xi32, #tpu.memory_space<vmem>>
      %dma_start3A_166 = tpu.memref_squeeze %dma_start3A_165 : memref<1x125xi32, #tpu.memory_space<vmem>> -> memref<125xi32, #tpu.memory_space<vmem>>
      %dma_start3A_167 = arith.constant 0 : i32
      %dma_start3A_168 = arith.constant 0 : i32
      %dma_start3A_169 = tpu.memref_slice %arg14[%dma_start3A_167, %dma_start3A_168] : memref<25128x48xf32, #tpu.memory_space<vmem_shared>> -> memref<25128x48xf32, #tpu.memory_space<vmem_shared>>
      tpu.enqueue_indirect_dma source(%dma_start3A_163 : memref<125x48xf32, #tpu.memory_space<vmem>>) target(%dma_start3A_169 : memref<25128x48xf32, #tpu.memory_space<vmem_shared>>) offsets(%dma_start3A_166 : memref<125xi32, #tpu.memory_space<vmem>>) semaphore(%arg17 : memref<!tpu.dma_semaphore, #tpu.memory_space<semaphore_mem>>) {add = true}
      %dma_start3A_170 = arith.constant 0 : i32
      %dma_start3A_171 = arith.constant 0 : i32
      %dma_start3A_172 = arith.constant 0 : i32
      %dma_start3A_173 = tpu.memref_slice %arg13[%dma_start3A_171, %dma_start3A_172] : memref<250x48xf32, #tpu.memory_space<vmem>> -> memref<125x48xf32, #tpu.memory_space<vmem>>
      %dma_start3A_174 = arith.constant 0 : i32
      %dma_start3A_175 = tpu.memref_slice %arg9[%dma_start3A_170, %dma_start3A_174] : memref<2x125xi32, #tpu.memory_space<vmem>> -> memref<1x125xi32, #tpu.memory_space<vmem>>
      %dma_start3A_176 = tpu.memref_squeeze %dma_start3A_175 : memref<1x125xi32, #tpu.memory_space<vmem>> -> memref<125xi32, #tpu.memory_space<vmem>>
      %dma_start3A_177 = arith.constant 0 : i32
      %dma_start3A_178 = arith.constant 0 : i32
      %dma_start3A_179 = tpu.memref_slice %arg14[%dma_start3A_177, %dma_start3A_178] : memref<25128x48xf32, #tpu.memory_space<vmem_shared>> -> memref<25128x48xf32, #tpu.memory_space<vmem_shared>>
      tpu.enqueue_indirect_dma source(%dma_start3A_173 : memref<125x48xf32, #tpu.memory_space<vmem>>) target(%dma_start3A_179 : memref<25128x48xf32, #tpu.memory_space<vmem_shared>>) offsets(%dma_start3A_176 : memref<125xi32, #tpu.memory_space<vmem>>) semaphore(%arg17 : memref<!tpu.dma_semaphore, #tpu.memory_space<semaphore_mem>>) {add = true}
      %dma_start3A_180 = arith.constant 1 : i32
      %dma_start3A_181 = arith.constant 125 : i32
      %dma_start3A_182 = arith.constant 0 : i32
      %dma_start3A_183 = tpu.memref_slice %arg12[%dma_start3A_181, %dma_start3A_182] : memref<250x48xf32, #tpu.memory_space<vmem>> -> memref<125x48xf32, #tpu.memory_space<vmem>>
      %dma_start3A_184 = arith.constant 0 : i32
      %dma_start3A_185 = tpu.memref_slice %arg8[%dma_start3A_180, %dma_start3A_184] : memref<2x125xi32, #tpu.memory_space<vmem>> -> memref<1x125xi32, #tpu.memory_space<vmem>>
      %dma_start3A_186 = tpu.memref_squeeze %dma_start3A_185 : memref<1x125xi32, #tpu.memory_space<vmem>> -> memref<125xi32, #tpu.memory_space<vmem>>
      %dma_start3A_187 = arith.constant 0 : i32
      %dma_start3A_188 = arith.constant 0 : i32
      %dma_start3A_189 = tpu.memref_slice %arg14[%dma_start3A_187, %dma_start3A_188] : memref<25128x48xf32, #tpu.memory_space<vmem_shared>> -> memref<25128x48xf32, #tpu.memory_space<vmem_shared>>
      tpu.enqueue_indirect_dma source(%dma_start3A_183 : memref<125x48xf32, #tpu.memory_space<vmem>>) target(%dma_start3A_189 : memref<25128x48xf32, #tpu.memory_space<vmem_shared>>) offsets(%dma_start3A_186 : memref<125xi32, #tpu.memory_space<vmem>>) semaphore(%arg17 : memref<!tpu.dma_semaphore, #tpu.memory_space<semaphore_mem>>) {add = true}
      %dma_start3A_190 = arith.constant 1 : i32
      %dma_start3A_191 = arith.constant 125 : i32
      %dma_start3A_192 = arith.constant 0 : i32
      %dma_start3A_193 = tpu.memref_slice %arg13[%dma_start3A_191, %dma_start3A_192] : memref<250x48xf32, #tpu.memory_space<vmem>> -> memref<125x48xf32, #tpu.memory_space<vmem>>
      %dma_start3A_194 = arith.constant 0 : i32
      %dma_start3A_195 = tpu.memref_slice %arg9[%dma_start3A_190, %dma_start3A_194] : memref<2x125xi32, #tpu.memory_space<vmem>> -> memref<1x125xi32, #tpu.memory_space<vmem>>
      %dma_start3A_196 = tpu.memref_squeeze %dma_start3A_195 : memref<1x125xi32, #tpu.memory_space<vmem>> -> memref<125xi32, #tpu.memory_space<vmem>>
      %dma_start3A_197 = arith.constant 0 : i32
      %dma_start3A_198 = arith.constant 0 : i32
      %dma_start3A_199 = tpu.memref_slice %arg14[%dma_start3A_197, %dma_start3A_198] : memref<25128x48xf32, #tpu.memory_space<vmem_shared>> -> memref<25128x48xf32, #tpu.memory_space<vmem_shared>>
      tpu.enqueue_indirect_dma source(%dma_start3A_193 : memref<125x48xf32, #tpu.memory_space<vmem>>) target(%dma_start3A_199 : memref<25128x48xf32, #tpu.memory_space<vmem_shared>>) offsets(%dma_start3A_196 : memref<125xi32, #tpu.memory_space<vmem>>) semaphore(%arg17 : memref<!tpu.dma_semaphore, #tpu.memory_space<semaphore_mem>>) {add = true}
      %dma_wait3A_200 = arith.constant 0 : i32
      %dma_wait3A_201 = arith.constant 0 : i32
      %dma_wait3A_202 = arith.constant 0 : i32
      %dma_wait3A_203 = tpu.memref_slice %arg10[%dma_wait3A_201, %dma_wait3A_202] : memref<250x48xf32, #tpu.memory_space<vmem>> -> memref<125x48xf32, #tpu.memory_space<vmem>>
      %dma_wait3A_204 = arith.constant 0 : i32
      %dma_wait3A_205 = tpu.memref_slice %arg6[%dma_wait3A_200, %dma_wait3A_204] : memref<2x125xi32, #tpu.memory_space<vmem>> -> memref<1x125xi32, #tpu.memory_space<vmem>>
      %dma_wait3A_206 = tpu.memref_squeeze %dma_wait3A_205 : memref<1x125xi32, #tpu.memory_space<vmem>> -> memref<125xi32, #tpu.memory_space<vmem>>
      %dma_wait3A_207 = arith.constant 0 : i32
      %dma_wait3A_208 = arith.constant 0 : i32
      %dma_wait3A_209 = tpu.memref_slice %arg14[%dma_wait3A_207, %dma_wait3A_208] : memref<25128x48xf32, #tpu.memory_space<vmem_shared>> -> memref<25128x48xf32, #tpu.memory_space<vmem_shared>>
      tpu.wait_indirect_dma semaphore(%arg17 : memref<!tpu.dma_semaphore, #tpu.memory_space<semaphore_mem>>) src(%dma_wait3A_203 : memref<125x48xf32, #tpu.memory_space<vmem>>) dst(%dma_wait3A_209 : memref<25128x48xf32, #tpu.memory_space<vmem_shared>>)
      %dma_wait3A_210 = arith.constant 0 : i32
      %dma_wait3A_211 = arith.constant 0 : i32
      %dma_wait3A_212 = arith.constant 0 : i32
      %dma_wait3A_213 = tpu.memref_slice %arg11[%dma_wait3A_211, %dma_wait3A_212] : memref<250x48xf32, #tpu.memory_space<vmem>> -> memref<125x48xf32, #tpu.memory_space<vmem>>
      %dma_wait3A_214 = arith.constant 0 : i32
      %dma_wait3A_215 = tpu.memref_slice %arg7[%dma_wait3A_210, %dma_wait3A_214] : memref<2x125xi32, #tpu.memory_space<vmem>> -> memref<1x125xi32, #tpu.memory_space<vmem>>
      %dma_wait3A_216 = tpu.memref_squeeze %dma_wait3A_215 : memref<1x125xi32, #tpu.memory_space<vmem>> -> memref<125xi32, #tpu.memory_space<vmem>>
      %dma_wait3A_217 = arith.constant 0 : i32
      %dma_wait3A_218 = arith.constant 0 : i32
      %dma_wait3A_219 = tpu.memref_slice %arg14[%dma_wait3A_217, %dma_wait3A_218] : memref<25128x48xf32, #tpu.memory_space<vmem_shared>> -> memref<25128x48xf32, #tpu.memory_space<vmem_shared>>
      tpu.wait_indirect_dma semaphore(%arg17 : memref<!tpu.dma_semaphore, #tpu.memory_space<semaphore_mem>>) src(%dma_wait3A_213 : memref<125x48xf32, #tpu.memory_space<vmem>>) dst(%dma_wait3A_219 : memref<25128x48xf32, #tpu.memory_space<vmem_shared>>)
      %dma_wait3A_220 = arith.constant 1 : i32
      %dma_wait3A_221 = arith.constant 125 : i32
      %dma_wait3A_222 = arith.constant 0 : i32
      %dma_wait3A_223 = tpu.memref_slice %arg10[%dma_wait3A_221, %dma_wait3A_222] : memref<250x48xf32, #tpu.memory_space<vmem>> -> memref<125x48xf32, #tpu.memory_space<vmem>>
      %dma_wait3A_224 = arith.constant 0 : i32
      %dma_wait3A_225 = tpu.memref_slice %arg6[%dma_wait3A_220, %dma_wait3A_224] : memref<2x125xi32, #tpu.memory_space<vmem>> -> memref<1x125xi32, #tpu.memory_space<vmem>>
      %dma_wait3A_226 = tpu.memref_squeeze %dma_wait3A_225 : memref<1x125xi32, #tpu.memory_space<vmem>> -> memref<125xi32, #tpu.memory_space<vmem>>
      %dma_wait3A_227 = arith.constant 0 : i32
      %dma_wait3A_228 = arith.constant 0 : i32
      %dma_wait3A_229 = tpu.memref_slice %arg14[%dma_wait3A_227, %dma_wait3A_228] : memref<25128x48xf32, #tpu.memory_space<vmem_shared>> -> memref<25128x48xf32, #tpu.memory_space<vmem_shared>>
      tpu.wait_indirect_dma semaphore(%arg17 : memref<!tpu.dma_semaphore, #tpu.memory_space<semaphore_mem>>) src(%dma_wait3A_223 : memref<125x48xf32, #tpu.memory_space<vmem>>) dst(%dma_wait3A_229 : memref<25128x48xf32, #tpu.memory_space<vmem_shared>>)
      %dma_wait3A_230 = arith.constant 1 : i32
      %dma_wait3A_231 = arith.constant 125 : i32
      %dma_wait3A_232 = arith.constant 0 : i32
      %dma_wait3A_233 = tpu.memref_slice %arg11[%dma_wait3A_231, %dma_wait3A_232] : memref<250x48xf32, #tpu.memory_space<vmem>> -> memref<125x48xf32, #tpu.memory_space<vmem>>
      %dma_wait3A_234 = arith.constant 0 : i32
      %dma_wait3A_235 = tpu.memref_slice %arg7[%dma_wait3A_230, %dma_wait3A_234] : memref<2x125xi32, #tpu.memory_space<vmem>> -> memref<1x125xi32, #tpu.memory_space<vmem>>
      %dma_wait3A_236 = tpu.memref_squeeze %dma_wait3A_235 : memref<1x125xi32, #tpu.memory_space<vmem>> -> memref<125xi32, #tpu.memory_space<vmem>>
      %dma_wait3A_237 = arith.constant 0 : i32
      %dma_wait3A_238 = arith.constant 0 : i32
      %dma_wait3A_239 = tpu.memref_slice %arg14[%dma_wait3A_237, %dma_wait3A_238] : memref<25128x48xf32, #tpu.memory_space<vmem_shared>> -> memref<25128x48xf32, #tpu.memory_space<vmem_shared>>
      tpu.wait_indirect_dma semaphore(%arg17 : memref<!tpu.dma_semaphore, #tpu.memory_space<semaphore_mem>>) src(%dma_wait3A_233 : memref<125x48xf32, #tpu.memory_space<vmem>>) dst(%dma_wait3A_239 : memref<25128x48xf32, #tpu.memory_space<vmem_shared>>)
      %dma_wait3A_240 = arith.constant 0 : i32
      %dma_wait3A_241 = arith.constant 0 : i32
      %dma_wait3A_242 = arith.constant 0 : i32
      %dma_wait3A_243 = tpu.memref_slice %arg12[%dma_wait3A_241, %dma_wait3A_242] : memref<250x48xf32, #tpu.memory_space<vmem>> -> memref<125x48xf32, #tpu.memory_space<vmem>>
      %dma_wait3A_244 = arith.constant 0 : i32
      %dma_wait3A_245 = tpu.memref_slice %arg8[%dma_wait3A_240, %dma_wait3A_244] : memref<2x125xi32, #tpu.memory_space<vmem>> -> memref<1x125xi32, #tpu.memory_space<vmem>>
      %dma_wait3A_246 = tpu.memref_squeeze %dma_wait3A_245 : memref<1x125xi32, #tpu.memory_space<vmem>> -> memref<125xi32, #tpu.memory_space<vmem>>
      %dma_wait3A_247 = arith.constant 0 : i32
      %dma_wait3A_248 = arith.constant 0 : i32
      %dma_wait3A_249 = tpu.memref_slice %arg14[%dma_wait3A_247, %dma_wait3A_248] : memref<25128x48xf32, #tpu.memory_space<vmem_shared>> -> memref<25128x48xf32, #tpu.memory_space<vmem_shared>>
      tpu.wait_indirect_dma semaphore(%arg17 : memref<!tpu.dma_semaphore, #tpu.memory_space<semaphore_mem>>) src(%dma_wait3A_243 : memref<125x48xf32, #tpu.memory_space<vmem>>) dst(%dma_wait3A_249 : memref<25128x48xf32, #tpu.memory_space<vmem_shared>>)
      %dma_wait3A_250 = arith.constant 0 : i32
      %dma_wait3A_251 = arith.constant 0 : i32
      %dma_wait3A_252 = arith.constant 0 : i32
      %dma_wait3A_253 = tpu.memref_slice %arg13[%dma_wait3A_251, %dma_wait3A_252] : memref<250x48xf32, #tpu.memory_space<vmem>> -> memref<125x48xf32, #tpu.memory_space<vmem>>
      %dma_wait3A_254 = arith.constant 0 : i32
      %dma_wait3A_255 = tpu.memref_slice %arg9[%dma_wait3A_250, %dma_wait3A_254] : memref<2x125xi32, #tpu.memory_space<vmem>> -> memref<1x125xi32, #tpu.memory_space<vmem>>
      %dma_wait3A_256 = tpu.memref_squeeze %dma_wait3A_255 : memref<1x125xi32, #tpu.memory_space<vmem>> -> memref<125xi32, #tpu.memory_space<vmem>>
      %dma_wait3A_257 = arith.constant 0 : i32
      %dma_wait3A_258 = arith.constant 0 : i32
      %dma_wait3A_259 = tpu.memref_slice %arg14[%dma_wait3A_257, %dma_wait3A_258] : memref<25128x48xf32, #tpu.memory_space<vmem_shared>> -> memref<25128x48xf32, #tpu.memory_space<vmem_shared>>
      tpu.wait_indirect_dma semaphore(%arg17 : memref<!tpu.dma_semaphore, #tpu.memory_space<semaphore_mem>>) src(%dma_wait3A_253 : memref<125x48xf32, #tpu.memory_space<vmem>>) dst(%dma_wait3A_259 : memref<25128x48xf32, #tpu.memory_space<vmem_shared>>)
      %dma_wait3A_260 = arith.constant 1 : i32
      %dma_wait3A_261 = arith.constant 125 : i32
      %dma_wait3A_262 = arith.constant 0 : i32
      %dma_wait3A_263 = tpu.memref_slice %arg12[%dma_wait3A_261, %dma_wait3A_262] : memref<250x48xf32, #tpu.memory_space<vmem>> -> memref<125x48xf32, #tpu.memory_space<vmem>>
      %dma_wait3A_264 = arith.constant 0 : i32
      %dma_wait3A_265 = tpu.memref_slice %arg8[%dma_wait3A_260, %dma_wait3A_264] : memref<2x125xi32, #tpu.memory_space<vmem>> -> memref<1x125xi32, #tpu.memory_space<vmem>>
      %dma_wait3A_266 = tpu.memref_squeeze %dma_wait3A_265 : memref<1x125xi32, #tpu.memory_space<vmem>> -> memref<125xi32, #tpu.memory_space<vmem>>
      %dma_wait3A_267 = arith.constant 0 : i32
      %dma_wait3A_268 = arith.constant 0 : i32
      %dma_wait3A_269 = tpu.memref_slice %arg14[%dma_wait3A_267, %dma_wait3A_268] : memref<25128x48xf32, #tpu.memory_space<vmem_shared>> -> memref<25128x48xf32, #tpu.memory_space<vmem_shared>>
      tpu.wait_indirect_dma semaphore(%arg17 : memref<!tpu.dma_semaphore, #tpu.memory_space<semaphore_mem>>) src(%dma_wait3A_263 : memref<125x48xf32, #tpu.memory_space<vmem>>) dst(%dma_wait3A_269 : memref<25128x48xf32, #tpu.memory_space<vmem_shared>>)
      %dma_wait3A_270 = arith.constant 1 : i32
      %dma_wait3A_271 = arith.constant 125 : i32
      %dma_wait3A_272 = arith.constant 0 : i32
      %dma_wait3A_273 = tpu.memref_slice %arg13[%dma_wait3A_271, %dma_wait3A_272] : memref<250x48xf32, #tpu.memory_space<vmem>> -> memref<125x48xf32, #tpu.memory_space<vmem>>
      %dma_wait3A_274 = arith.constant 0 : i32
      %dma_wait3A_275 = tpu.memref_slice %arg9[%dma_wait3A_270, %dma_wait3A_274] : memref<2x125xi32, #tpu.memory_space<vmem>> -> memref<1x125xi32, #tpu.memory_space<vmem>>
      %dma_wait3A_276 = tpu.memref_squeeze %dma_wait3A_275 : memref<1x125xi32, #tpu.memory_space<vmem>> -> memref<125xi32, #tpu.memory_space<vmem>>
      %dma_wait3A_277 = arith.constant 0 : i32
      %dma_wait3A_278 = arith.constant 0 : i32
      %dma_wait3A_279 = tpu.memref_slice %arg14[%dma_wait3A_277, %dma_wait3A_278] : memref<25128x48xf32, #tpu.memory_space<vmem_shared>> -> memref<25128x48xf32, #tpu.memory_space<vmem_shared>>
      tpu.wait_indirect_dma semaphore(%arg17 : memref<!tpu.dma_semaphore, #tpu.memory_space<semaphore_mem>>) src(%dma_wait3A_273 : memref<125x48xf32, #tpu.memory_space<vmem>>) dst(%dma_wait3A_279 : memref<25128x48xf32, #tpu.memory_space<vmem_shared>>)
    }
    %scan3A_6 = arith.constant 50 : i32
    %barrier3A_7 = arith.constant 0 : index
    tpu.barrier barrier_id(%barrier3A_7)
    %lt3A_8 = arith.constant 8 : i32
    %lt3A_9 = arith.cmpi slt, %arg1, %lt3A_8 : i32
    %convert_element_type3A_10 = arith.extui %lt3A_9 : i1 to i32
    %cond3A_11 = arith.constant 0 : i32
    %cond3A_12 = arith.cmpi ne, %convert_element_type3A_10, %cond3A_11 : i32
    scf.if %cond3A_12 {
      %mul3A = arith.constant 3125 : i32
      %mul3A_13 = arith.muli %arg1, %mul3A : i32
      %mul3A_14 = arith.constant 25000 : i32
      %mul3A_15 = arith.muli %arg0, %mul3A_14 : i32
      %mul3A_16 = arith.constant 3125 : i32
      %mul3A_17 = arith.muli %arg1, %mul3A_16 : i32
      %add3A = arith.addi %mul3A_15, %mul3A_17 : i32
      "tpu.region"() ({
        %run_scoped3A = tpu.sem_alloc : memref<!tpu.dma_semaphore, #tpu.memory_space<semaphore_mem>>
        %dma_start3A = arith.constant 0 : i32
        %dma_start3A_18 = tpu.memref_slice %arg5[%add3A, %dma_start3A] : memref<50000x48xf32, #tpu.memory_space<hbm>> -> memref<3125x48xf32, #tpu.memory_space<hbm>>
        %dma_start3A_19 = arith.constant 0 : i32
        %dma_start3A_20 = tpu.memref_slice %arg14[%mul3A_13, %dma_start3A_19] : memref<25128x48xf32, #tpu.memory_space<vmem_shared>> -> memref<3125x48xf32, #tpu.memory_space<vmem_shared>>
        tpu.enqueue_dma source(%dma_start3A_20 : memref<3125x48xf32, #tpu.memory_space<vmem_shared>>) target(%dma_start3A_18 : memref<3125x48xf32, #tpu.memory_space<hbm>>) target_semaphore(%run_scoped3A : memref<!tpu.dma_semaphore, #tpu.memory_space<semaphore_mem>>)
        %dma_wait3A = arith.constant 0 : i32
        %dma_wait3A_21 = tpu.memref_slice %arg5[%add3A, %dma_wait3A] : memref<50000x48xf32, #tpu.memory_space<hbm>> -> memref<3125x48xf32, #tpu.memory_space<hbm>>
        %dma_wait3A_22 = arith.constant 0 : i32
        %dma_wait3A_23 = tpu.memref_slice %arg14[%mul3A_13, %dma_wait3A_22] : memref<25128x48xf32, #tpu.memory_space<vmem_shared>> -> memref<3125x48xf32, #tpu.memory_space<vmem_shared>>
        tpu.wait_dma2 semaphore(%run_scoped3A : memref<!tpu.dma_semaphore, #tpu.memory_space<semaphore_mem>>) src(%dma_wait3A_23 : memref<3125x48xf32, #tpu.memory_space<vmem_shared>>) dst(%dma_wait3A_21 : memref<3125x48xf32, #tpu.memory_space<hbm>>)
        tpu.yield
      }) : () -> ()
    } else {
    }
    return
  }
}

#map = affine_map<(d0, d1) -> (0, 0)>
module attributes {stable_mosaic.version = 14 : i64} {
  func.func @gather_kernel(%arg0: i32, %arg1: i32, %arg2: memref<6400x125xi32, #tpu.memory_space<hbm>>, %arg3: memref<6400x125xi32, #tpu.memory_space<hbm>>, %arg4: memref<50000x48xf32, #tpu.memory_space<hbm>>, %arg5: memref<50000x48xf32, #tpu.memory_space<hbm>>, %arg6: memref<50000x32xf32, #tpu.memory_space<hbm>>, %arg7: memref<800000x128xf32, #tpu.memory_space<hbm>>, %arg8: memref<2x125xi32, #tpu.memory_space<vmem>>, %arg9: memref<2x125xi32, #tpu.memory_space<vmem>>, %arg10: memref<2x125xi32, #tpu.memory_space<vmem>>, %arg11: memref<2x125xi32, #tpu.memory_space<vmem>>, %arg12: memref<250x48xf32, #tpu.memory_space<vmem>>, %arg13: memref<250x48xf32, #tpu.memory_space<vmem>>, %arg14: memref<250x32xf32, #tpu.memory_space<vmem>>, %arg15: memref<250x48xf32, #tpu.memory_space<vmem>>, %arg16: memref<250x48xf32, #tpu.memory_space<vmem>>, %arg17: memref<250x32xf32, #tpu.memory_space<vmem>>, %arg18: memref<!tpu.dma_semaphore, #tpu.memory_space<semaphore_mem>>, %arg19: memref<!tpu.dma_semaphore, #tpu.memory_space<semaphore_mem>>, %arg20: memref<!tpu.dma_semaphore, #tpu.memory_space<semaphore_mem>>, %arg21: memref<!tpu.dma_semaphore, #tpu.memory_space<semaphore_mem>>) attributes {dimension_semantics = [#tpu.dimension_semantics<core_parallel>, #tpu.dimension_semantics<subcore_parallel>], iteration_bounds = array<i64: 2, 16>, scalar_prefetch = 0 : i64, scratch_operands = 14 : i64, tpu.core_type = #tpu.core_type<sc_vector_subcore>, window_params = [{transform_indices = #map}, {transform_indices = #map}, {transform_indices = #map}, {transform_indices = #map}, {transform_indices = #map}, {transform_indices = #map}]} {
    %mul3A = arith.constant 2 : i32
    %mul3A_0 = arith.muli %arg1, %mul3A : i32
    %add3A = arith.addi %mul3A_0, %arg0 : i32
    %scan3A = arith.constant 0 : i32
    %scan3A_1 = arith.constant 0 : i32
    %scan3A_2 = arith.constant 50 : i32
    %scan3A_3 = arith.addi %scan3A_1, %scan3A_2 : i32
    %scan3A_4 = arith.constant 1 : i32
    scf.for %scan3A_37 = %scan3A_1 to %scan3A_3 step %scan3A_4  : i32 {
      %mul3A_38 = arith.constant 2 : i32
      %mul3A_39 = arith.muli %mul3A_38, %scan3A_37 : i32
      %mul3A_40 = arith.constant 2 : i32
      %mul3A_41 = arith.muli %mul3A_40, %scan3A_37 : i32
      %add3A_42 = arith.constant 1 : i32
      %add3A_43 = arith.addi %mul3A_41, %add3A_42 : i32
      %gt3A = arith.constant 0 : i32
      %gt3A_44 = arith.cmpi sgt, %scan3A_37, %gt3A : i32
      %convert_element_type3A = arith.extui %gt3A_44 : i1 to i32
      %cond3A = arith.constant 0 : i32
      %cond3A_45 = arith.cmpi ne, %convert_element_type3A, %cond3A : i32
      scf.if %cond3A_45 {
        %sub3A = arith.constant 2 : i32
        %sub3A_334 = arith.subi %mul3A_39, %sub3A : i32
        %mul3A_335 = arith.constant 25000 : i32
        %mul3A_336 = arith.muli %add3A, %mul3A_335 : i32
        %mul3A_337 = arith.constant 250 : i32
        %mul3A_338 = arith.muli %sub3A_334, %mul3A_337 : i32
        %add3A_339 = arith.addi %mul3A_336, %mul3A_338 : i32
        %dma_wait3A_340 = arith.constant 0 : i32
        %dma_wait3A_341 = tpu.memref_slice %arg7[%add3A_339, %dma_wait3A_340] : memref<800000x128xf32, #tpu.memory_space<hbm>> -> memref<250x48xf32, #tpu.memory_space<hbm>>
        %dma_wait3A_342 = arith.constant 0 : i32
        %dma_wait3A_343 = tpu.memref_slice %arg7[%add3A_339, %dma_wait3A_342] : memref<800000x128xf32, #tpu.memory_space<hbm>> -> memref<250x48xf32, #tpu.memory_space<hbm>>
        tpu.wait_dma2 semaphore(%arg20 : memref<!tpu.dma_semaphore, #tpu.memory_space<semaphore_mem>>) src(%arg12 : memref<250x48xf32, #tpu.memory_space<vmem>>) dst(%dma_wait3A_343 : memref<250x48xf32, #tpu.memory_space<hbm>>)
        %dma_wait3A_344 = arith.constant 48 : i32
        %dma_wait3A_345 = tpu.memref_slice %arg7[%add3A_339, %dma_wait3A_344] : memref<800000x128xf32, #tpu.memory_space<hbm>> -> memref<250x48xf32, #tpu.memory_space<hbm>>
        %dma_wait3A_346 = arith.constant 48 : i32
        %dma_wait3A_347 = tpu.memref_slice %arg7[%add3A_339, %dma_wait3A_346] : memref<800000x128xf32, #tpu.memory_space<hbm>> -> memref<250x48xf32, #tpu.memory_space<hbm>>
        tpu.wait_dma2 semaphore(%arg20 : memref<!tpu.dma_semaphore, #tpu.memory_space<semaphore_mem>>) src(%arg13 : memref<250x48xf32, #tpu.memory_space<vmem>>) dst(%dma_wait3A_347 : memref<250x48xf32, #tpu.memory_space<hbm>>)
        %dma_wait3A_348 = arith.constant 96 : i32
        %dma_wait3A_349 = tpu.memref_slice %arg7[%add3A_339, %dma_wait3A_348] : memref<800000x128xf32, #tpu.memory_space<hbm>> -> memref<250x32xf32, #tpu.memory_space<hbm>>
        %dma_wait3A_350 = arith.constant 96 : i32
        %dma_wait3A_351 = tpu.memref_slice %arg7[%add3A_339, %dma_wait3A_350] : memref<800000x128xf32, #tpu.memory_space<hbm>> -> memref<250x32xf32, #tpu.memory_space<hbm>>
        tpu.wait_dma2 semaphore(%arg20 : memref<!tpu.dma_semaphore, #tpu.memory_space<semaphore_mem>>) src(%arg14 : memref<250x32xf32, #tpu.memory_space<vmem>>) dst(%dma_wait3A_351 : memref<250x32xf32, #tpu.memory_space<hbm>>)
      } else {
      }
      %mul3A_46 = arith.constant 200 : i32
      %mul3A_47 = arith.muli %add3A, %mul3A_46 : i32
      %mul3A_48 = arith.constant 2 : i32
      %mul3A_49 = arith.muli %mul3A_39, %mul3A_48 : i32
      %add3A_50 = arith.addi %mul3A_47, %mul3A_49 : i32
      "tpu.region"() ({
        %run_scoped3A = tpu.sem_alloc : memref<!tpu.dma_semaphore, #tpu.memory_space<semaphore_mem>>
        %dma_start3A_334 = arith.constant 0 : i32
        %dma_start3A_335 = tpu.memref_slice %arg2[%add3A_50, %dma_start3A_334] : memref<6400x125xi32, #tpu.memory_space<hbm>> -> memref<2x125xi32, #tpu.memory_space<hbm>>
        %dma_start3A_336 = arith.constant 0 : i32
        %dma_start3A_337 = tpu.memref_slice %arg2[%add3A_50, %dma_start3A_336] : memref<6400x125xi32, #tpu.memory_space<hbm>> -> memref<2x125xi32, #tpu.memory_space<hbm>>
        tpu.enqueue_dma source(%dma_start3A_337 : memref<2x125xi32, #tpu.memory_space<hbm>>) target(%arg8 : memref<2x125xi32, #tpu.memory_space<vmem>>) target_semaphore(%run_scoped3A : memref<!tpu.dma_semaphore, #tpu.memory_space<semaphore_mem>>)
        %dma_wait3A_338 = arith.constant 0 : i32
        %dma_wait3A_339 = tpu.memref_slice %arg2[%add3A_50, %dma_wait3A_338] : memref<6400x125xi32, #tpu.memory_space<hbm>> -> memref<2x125xi32, #tpu.memory_space<hbm>>
        %dma_wait3A_340 = arith.constant 0 : i32
        %dma_wait3A_341 = tpu.memref_slice %arg2[%add3A_50, %dma_wait3A_340] : memref<6400x125xi32, #tpu.memory_space<hbm>> -> memref<2x125xi32, #tpu.memory_space<hbm>>
        tpu.wait_dma2 semaphore(%run_scoped3A : memref<!tpu.dma_semaphore, #tpu.memory_space<semaphore_mem>>) src(%dma_wait3A_341 : memref<2x125xi32, #tpu.memory_space<hbm>>) dst(%arg8 : memref<2x125xi32, #tpu.memory_space<vmem>>)
        tpu.yield
      }) : () -> ()
      "tpu.region"() ({
        %run_scoped3A = tpu.sem_alloc : memref<!tpu.dma_semaphore, #tpu.memory_space<semaphore_mem>>
        %dma_start3A_334 = arith.constant 0 : i32
        %dma_start3A_335 = tpu.memref_slice %arg3[%add3A_50, %dma_start3A_334] : memref<6400x125xi32, #tpu.memory_space<hbm>> -> memref<2x125xi32, #tpu.memory_space<hbm>>
        %dma_start3A_336 = arith.constant 0 : i32
        %dma_start3A_337 = tpu.memref_slice %arg3[%add3A_50, %dma_start3A_336] : memref<6400x125xi32, #tpu.memory_space<hbm>> -> memref<2x125xi32, #tpu.memory_space<hbm>>
        tpu.enqueue_dma source(%dma_start3A_337 : memref<2x125xi32, #tpu.memory_space<hbm>>) target(%arg9 : memref<2x125xi32, #tpu.memory_space<vmem>>) target_semaphore(%run_scoped3A : memref<!tpu.dma_semaphore, #tpu.memory_space<semaphore_mem>>)
        %dma_wait3A_338 = arith.constant 0 : i32
        %dma_wait3A_339 = tpu.memref_slice %arg3[%add3A_50, %dma_wait3A_338] : memref<6400x125xi32, #tpu.memory_space<hbm>> -> memref<2x125xi32, #tpu.memory_space<hbm>>
        %dma_wait3A_340 = arith.constant 0 : i32
        %dma_wait3A_341 = tpu.memref_slice %arg3[%add3A_50, %dma_wait3A_340] : memref<6400x125xi32, #tpu.memory_space<hbm>> -> memref<2x125xi32, #tpu.memory_space<hbm>>
        tpu.wait_dma2 semaphore(%run_scoped3A : memref<!tpu.dma_semaphore, #tpu.memory_space<semaphore_mem>>) src(%dma_wait3A_341 : memref<2x125xi32, #tpu.memory_space<hbm>>) dst(%arg9 : memref<2x125xi32, #tpu.memory_space<vmem>>)
        tpu.yield
      }) : () -> ()
      %dma_start3A = arith.constant 0 : i32
      %dma_start3A_51 = arith.constant 0 : i32
      %dma_start3A_52 = arith.constant 0 : i32
      %dma_start3A_53 = tpu.memref_slice %arg12[%dma_start3A_51, %dma_start3A_52] : memref<250x48xf32, #tpu.memory_space<vmem>> -> memref<125x48xf32, #tpu.memory_space<vmem>>
      %dma_start3A_54 = arith.constant 0 : i32
      %dma_start3A_55 = tpu.memref_slice %arg9[%dma_start3A, %dma_start3A_54] : memref<2x125xi32, #tpu.memory_space<vmem>> -> memref<1x125xi32, #tpu.memory_space<vmem>>
      %dma_start3A_56 = tpu.memref_squeeze %dma_start3A_55 : memref<1x125xi32, #tpu.memory_space<vmem>> -> memref<125xi32, #tpu.memory_space<vmem>>
      %dma_start3A_57 = arith.constant 0 : i32
      %dma_start3A_58 = arith.constant 0 : i32
      %dma_start3A_59 = tpu.memref_slice %arg4[%dma_start3A_57, %dma_start3A_58] : memref<50000x48xf32, #tpu.memory_space<hbm>> -> memref<50000x48xf32, #tpu.memory_space<hbm>>
      tpu.enqueue_indirect_dma source(%dma_start3A_59 : memref<50000x48xf32, #tpu.memory_space<hbm>>) target(%dma_start3A_53 : memref<125x48xf32, #tpu.memory_space<vmem>>) offsets(%dma_start3A_56 : memref<125xi32, #tpu.memory_space<vmem>>) semaphore(%arg18 : memref<!tpu.dma_semaphore, #tpu.memory_space<semaphore_mem>>)
      %dma_start3A_60 = arith.constant 0 : i32
      %dma_start3A_61 = arith.constant 0 : i32
      %dma_start3A_62 = arith.constant 0 : i32
      %dma_start3A_63 = tpu.memref_slice %arg13[%dma_start3A_61, %dma_start3A_62] : memref<250x48xf32, #tpu.memory_space<vmem>> -> memref<125x48xf32, #tpu.memory_space<vmem>>
      %dma_start3A_64 = arith.constant 0 : i32
      %dma_start3A_65 = tpu.memref_slice %arg8[%dma_start3A_60, %dma_start3A_64] : memref<2x125xi32, #tpu.memory_space<vmem>> -> memref<1x125xi32, #tpu.memory_space<vmem>>
      %dma_start3A_66 = tpu.memref_squeeze %dma_start3A_65 : memref<1x125xi32, #tpu.memory_space<vmem>> -> memref<125xi32, #tpu.memory_space<vmem>>
      %dma_start3A_67 = arith.constant 0 : i32
      %dma_start3A_68 = arith.constant 0 : i32
      %dma_start3A_69 = tpu.memref_slice %arg5[%dma_start3A_67, %dma_start3A_68] : memref<50000x48xf32, #tpu.memory_space<hbm>> -> memref<50000x48xf32, #tpu.memory_space<hbm>>
      tpu.enqueue_indirect_dma source(%dma_start3A_69 : memref<50000x48xf32, #tpu.memory_space<hbm>>) target(%dma_start3A_63 : memref<125x48xf32, #tpu.memory_space<vmem>>) offsets(%dma_start3A_66 : memref<125xi32, #tpu.memory_space<vmem>>) semaphore(%arg18 : memref<!tpu.dma_semaphore, #tpu.memory_space<semaphore_mem>>)
      %dma_start3A_70 = arith.constant 0 : i32
      %dma_start3A_71 = arith.constant 0 : i32
      %dma_start3A_72 = arith.constant 0 : i32
      %dma_start3A_73 = tpu.memref_slice %arg14[%dma_start3A_71, %dma_start3A_72] : memref<250x32xf32, #tpu.memory_space<vmem>> -> memref<125x32xf32, #tpu.memory_space<vmem>>
      %dma_start3A_74 = arith.constant 0 : i32
      %dma_start3A_75 = tpu.memref_slice %arg8[%dma_start3A_70, %dma_start3A_74] : memref<2x125xi32, #tpu.memory_space<vmem>> -> memref<1x125xi32, #tpu.memory_space<vmem>>
      %dma_start3A_76 = tpu.memref_squeeze %dma_start3A_75 : memref<1x125xi32, #tpu.memory_space<vmem>> -> memref<125xi32, #tpu.memory_space<vmem>>
      %dma_start3A_77 = arith.constant 0 : i32
      %dma_start3A_78 = arith.constant 0 : i32
      %dma_start3A_79 = tpu.memref_slice %arg6[%dma_start3A_77, %dma_start3A_78] : memref<50000x32xf32, #tpu.memory_space<hbm>> -> memref<50000x32xf32, #tpu.memory_space<hbm>>
      tpu.enqueue_indirect_dma source(%dma_start3A_79 : memref<50000x32xf32, #tpu.memory_space<hbm>>) target(%dma_start3A_73 : memref<125x32xf32, #tpu.memory_space<vmem>>) offsets(%dma_start3A_76 : memref<125xi32, #tpu.memory_space<vmem>>) semaphore(%arg18 : memref<!tpu.dma_semaphore, #tpu.memory_space<semaphore_mem>>)
      %dma_start3A_80 = arith.constant 1 : i32
      %dma_start3A_81 = arith.constant 125 : i32
      %dma_start3A_82 = arith.constant 0 : i32
      %dma_start3A_83 = tpu.memref_slice %arg12[%dma_start3A_81, %dma_start3A_82] : memref<250x48xf32, #tpu.memory_space<vmem>> -> memref<125x48xf32, #tpu.memory_space<vmem>>
      %dma_start3A_84 = arith.constant 0 : i32
      %dma_start3A_85 = tpu.memref_slice %arg9[%dma_start3A_80, %dma_start3A_84] : memref<2x125xi32, #tpu.memory_space<vmem>> -> memref<1x125xi32, #tpu.memory_space<vmem>>
      %dma_start3A_86 = tpu.memref_squeeze %dma_start3A_85 : memref<1x125xi32, #tpu.memory_space<vmem>> -> memref<125xi32, #tpu.memory_space<vmem>>
      %dma_start3A_87 = arith.constant 0 : i32
      %dma_start3A_88 = arith.constant 0 : i32
      %dma_start3A_89 = tpu.memref_slice %arg4[%dma_start3A_87, %dma_start3A_88] : memref<50000x48xf32, #tpu.memory_space<hbm>> -> memref<50000x48xf32, #tpu.memory_space<hbm>>
      tpu.enqueue_indirect_dma source(%dma_start3A_89 : memref<50000x48xf32, #tpu.memory_space<hbm>>) target(%dma_start3A_83 : memref<125x48xf32, #tpu.memory_space<vmem>>) offsets(%dma_start3A_86 : memref<125xi32, #tpu.memory_space<vmem>>) semaphore(%arg18 : memref<!tpu.dma_semaphore, #tpu.memory_space<semaphore_mem>>)
      %dma_start3A_90 = arith.constant 1 : i32
      %dma_start3A_91 = arith.constant 125 : i32
      %dma_start3A_92 = arith.constant 0 : i32
      %dma_start3A_93 = tpu.memref_slice %arg13[%dma_start3A_91, %dma_start3A_92] : memref<250x48xf32, #tpu.memory_space<vmem>> -> memref<125x48xf32, #tpu.memory_space<vmem>>
      %dma_start3A_94 = arith.constant 0 : i32
      %dma_start3A_95 = tpu.memref_slice %arg8[%dma_start3A_90, %dma_start3A_94] : memref<2x125xi32, #tpu.memory_space<vmem>> -> memref<1x125xi32, #tpu.memory_space<vmem>>
      %dma_start3A_96 = tpu.memref_squeeze %dma_start3A_95 : memref<1x125xi32, #tpu.memory_space<vmem>> -> memref<125xi32, #tpu.memory_space<vmem>>
      %dma_start3A_97 = arith.constant 0 : i32
      %dma_start3A_98 = arith.constant 0 : i32
      %dma_start3A_99 = tpu.memref_slice %arg5[%dma_start3A_97, %dma_start3A_98] : memref<50000x48xf32, #tpu.memory_space<hbm>> -> memref<50000x48xf32, #tpu.memory_space<hbm>>
      tpu.enqueue_indirect_dma source(%dma_start3A_99 : memref<50000x48xf32, #tpu.memory_space<hbm>>) target(%dma_start3A_93 : memref<125x48xf32, #tpu.memory_space<vmem>>) offsets(%dma_start3A_96 : memref<125xi32, #tpu.memory_space<vmem>>) semaphore(%arg18 : memref<!tpu.dma_semaphore, #tpu.memory_space<semaphore_mem>>)
      %dma_start3A_100 = arith.constant 1 : i32
      %dma_start3A_101 = arith.constant 125 : i32
      %dma_start3A_102 = arith.constant 0 : i32
      %dma_start3A_103 = tpu.memref_slice %arg14[%dma_start3A_101, %dma_start3A_102] : memref<250x32xf32, #tpu.memory_space<vmem>> -> memref<125x32xf32, #tpu.memory_space<vmem>>
      %dma_start3A_104 = arith.constant 0 : i32
      %dma_start3A_105 = tpu.memref_slice %arg8[%dma_start3A_100, %dma_start3A_104] : memref<2x125xi32, #tpu.memory_space<vmem>> -> memref<1x125xi32, #tpu.memory_space<vmem>>
      %dma_start3A_106 = tpu.memref_squeeze %dma_start3A_105 : memref<1x125xi32, #tpu.memory_space<vmem>> -> memref<125xi32, #tpu.memory_space<vmem>>
      %dma_start3A_107 = arith.constant 0 : i32
      %dma_start3A_108 = arith.constant 0 : i32
      %dma_start3A_109 = tpu.memref_slice %arg6[%dma_start3A_107, %dma_start3A_108] : memref<50000x32xf32, #tpu.memory_space<hbm>> -> memref<50000x32xf32, #tpu.memory_space<hbm>>
      tpu.enqueue_indirect_dma source(%dma_start3A_109 : memref<50000x32xf32, #tpu.memory_space<hbm>>) target(%dma_start3A_103 : memref<125x32xf32, #tpu.memory_space<vmem>>) offsets(%dma_start3A_106 : memref<125xi32, #tpu.memory_space<vmem>>) semaphore(%arg18 : memref<!tpu.dma_semaphore, #tpu.memory_space<semaphore_mem>>)
      %gt3A_110 = arith.constant 0 : i32
      %gt3A_111 = arith.cmpi sgt, %scan3A_37, %gt3A_110 : i32
      %convert_element_type3A_112 = arith.extui %gt3A_111 : i1 to i32
      %cond3A_113 = arith.constant 0 : i32
      %cond3A_114 = arith.cmpi ne, %convert_element_type3A_112, %cond3A_113 : i32
      scf.if %cond3A_114 {
        %sub3A = arith.constant 2 : i32
        %sub3A_334 = arith.subi %add3A_43, %sub3A : i32
        %mul3A_335 = arith.constant 25000 : i32
        %mul3A_336 = arith.muli %add3A, %mul3A_335 : i32
        %mul3A_337 = arith.constant 250 : i32
        %mul3A_338 = arith.muli %sub3A_334, %mul3A_337 : i32
        %add3A_339 = arith.addi %mul3A_336, %mul3A_338 : i32
        %dma_wait3A_340 = arith.constant 0 : i32
        %dma_wait3A_341 = tpu.memref_slice %arg7[%add3A_339, %dma_wait3A_340] : memref<800000x128xf32, #tpu.memory_space<hbm>> -> memref<250x48xf32, #tpu.memory_space<hbm>>
        %dma_wait3A_342 = arith.constant 0 : i32
        %dma_wait3A_343 = tpu.memref_slice %arg7[%add3A_339, %dma_wait3A_342] : memref<800000x128xf32, #tpu.memory_space<hbm>> -> memref<250x48xf32, #tpu.memory_space<hbm>>
        tpu.wait_dma2 semaphore(%arg21 : memref<!tpu.dma_semaphore, #tpu.memory_space<semaphore_mem>>) src(%arg15 : memref<250x48xf32, #tpu.memory_space<vmem>>) dst(%dma_wait3A_343 : memref<250x48xf32, #tpu.memory_space<hbm>>)
        %dma_wait3A_344 = arith.constant 48 : i32
        %dma_wait3A_345 = tpu.memref_slice %arg7[%add3A_339, %dma_wait3A_344] : memref<800000x128xf32, #tpu.memory_space<hbm>> -> memref<250x48xf32, #tpu.memory_space<hbm>>
        %dma_wait3A_346 = arith.constant 48 : i32
        %dma_wait3A_347 = tpu.memref_slice %arg7[%add3A_339, %dma_wait3A_346] : memref<800000x128xf32, #tpu.memory_space<hbm>> -> memref<250x48xf32, #tpu.memory_space<hbm>>
        tpu.wait_dma2 semaphore(%arg21 : memref<!tpu.dma_semaphore, #tpu.memory_space<semaphore_mem>>) src(%arg16 : memref<250x48xf32, #tpu.memory_space<vmem>>) dst(%dma_wait3A_347 : memref<250x48xf32, #tpu.memory_space<hbm>>)
        %dma_wait3A_348 = arith.constant 96 : i32
        %dma_wait3A_349 = tpu.memref_slice %arg7[%add3A_339, %dma_wait3A_348] : memref<800000x128xf32, #tpu.memory_space<hbm>> -> memref<250x32xf32, #tpu.memory_space<hbm>>
        %dma_wait3A_350 = arith.constant 96 : i32
        %dma_wait3A_351 = tpu.memref_slice %arg7[%add3A_339, %dma_wait3A_350] : memref<800000x128xf32, #tpu.memory_space<hbm>> -> memref<250x32xf32, #tpu.memory_space<hbm>>
        tpu.wait_dma2 semaphore(%arg21 : memref<!tpu.dma_semaphore, #tpu.memory_space<semaphore_mem>>) src(%arg17 : memref<250x32xf32, #tpu.memory_space<vmem>>) dst(%dma_wait3A_351 : memref<250x32xf32, #tpu.memory_space<hbm>>)
      } else {
      }
      %mul3A_115 = arith.constant 200 : i32
      %mul3A_116 = arith.muli %add3A, %mul3A_115 : i32
      %mul3A_117 = arith.constant 2 : i32
      %mul3A_118 = arith.muli %add3A_43, %mul3A_117 : i32
      %add3A_119 = arith.addi %mul3A_116, %mul3A_118 : i32
      "tpu.region"() ({
        %run_scoped3A = tpu.sem_alloc : memref<!tpu.dma_semaphore, #tpu.memory_space<semaphore_mem>>
        %dma_start3A_334 = arith.constant 0 : i32
        %dma_start3A_335 = tpu.memref_slice %arg2[%add3A_119, %dma_start3A_334] : memref<6400x125xi32, #tpu.memory_space<hbm>> -> memref<2x125xi32, #tpu.memory_space<hbm>>
        %dma_start3A_336 = arith.constant 0 : i32
        %dma_start3A_337 = tpu.memref_slice %arg2[%add3A_119, %dma_start3A_336] : memref<6400x125xi32, #tpu.memory_space<hbm>> -> memref<2x125xi32, #tpu.memory_space<hbm>>
        tpu.enqueue_dma source(%dma_start3A_337 : memref<2x125xi32, #tpu.memory_space<hbm>>) target(%arg10 : memref<2x125xi32, #tpu.memory_space<vmem>>) target_semaphore(%run_scoped3A : memref<!tpu.dma_semaphore, #tpu.memory_space<semaphore_mem>>)
        %dma_wait3A_338 = arith.constant 0 : i32
        %dma_wait3A_339 = tpu.memref_slice %arg2[%add3A_119, %dma_wait3A_338] : memref<6400x125xi32, #tpu.memory_space<hbm>> -> memref<2x125xi32, #tpu.memory_space<hbm>>
        %dma_wait3A_340 = arith.constant 0 : i32
        %dma_wait3A_341 = tpu.memref_slice %arg2[%add3A_119, %dma_wait3A_340] : memref<6400x125xi32, #tpu.memory_space<hbm>> -> memref<2x125xi32, #tpu.memory_space<hbm>>
        tpu.wait_dma2 semaphore(%run_scoped3A : memref<!tpu.dma_semaphore, #tpu.memory_space<semaphore_mem>>) src(%dma_wait3A_341 : memref<2x125xi32, #tpu.memory_space<hbm>>) dst(%arg10 : memref<2x125xi32, #tpu.memory_space<vmem>>)
        tpu.yield
      }) : () -> ()
      "tpu.region"() ({
        %run_scoped3A = tpu.sem_alloc : memref<!tpu.dma_semaphore, #tpu.memory_space<semaphore_mem>>
        %dma_start3A_334 = arith.constant 0 : i32
        %dma_start3A_335 = tpu.memref_slice %arg3[%add3A_119, %dma_start3A_334] : memref<6400x125xi32, #tpu.memory_space<hbm>> -> memref<2x125xi32, #tpu.memory_space<hbm>>
        %dma_start3A_336 = arith.constant 0 : i32
        %dma_start3A_337 = tpu.memref_slice %arg3[%add3A_119, %dma_start3A_336] : memref<6400x125xi32, #tpu.memory_space<hbm>> -> memref<2x125xi32, #tpu.memory_space<hbm>>
        tpu.enqueue_dma source(%dma_start3A_337 : memref<2x125xi32, #tpu.memory_space<hbm>>) target(%arg11 : memref<2x125xi32, #tpu.memory_space<vmem>>) target_semaphore(%run_scoped3A : memref<!tpu.dma_semaphore, #tpu.memory_space<semaphore_mem>>)
        %dma_wait3A_338 = arith.constant 0 : i32
        %dma_wait3A_339 = tpu.memref_slice %arg3[%add3A_119, %dma_wait3A_338] : memref<6400x125xi32, #tpu.memory_space<hbm>> -> memref<2x125xi32, #tpu.memory_space<hbm>>
        %dma_wait3A_340 = arith.constant 0 : i32
        %dma_wait3A_341 = tpu.memref_slice %arg3[%add3A_119, %dma_wait3A_340] : memref<6400x125xi32, #tpu.memory_space<hbm>> -> memref<2x125xi32, #tpu.memory_space<hbm>>
        tpu.wait_dma2 semaphore(%run_scoped3A : memref<!tpu.dma_semaphore, #tpu.memory_space<semaphore_mem>>) src(%dma_wait3A_341 : memref<2x125xi32, #tpu.memory_space<hbm>>) dst(%arg11 : memref<2x125xi32, #tpu.memory_space<vmem>>)
        tpu.yield
      }) : () -> ()
      %dma_start3A_120 = arith.constant 0 : i32
      %dma_start3A_121 = arith.constant 0 : i32
      %dma_start3A_122 = arith.constant 0 : i32
      %dma_start3A_123 = tpu.memref_slice %arg15[%dma_start3A_121, %dma_start3A_122] : memref<250x48xf32, #tpu.memory_space<vmem>> -> memref<125x48xf32, #tpu.memory_space<vmem>>
      %dma_start3A_124 = arith.constant 0 : i32
      %dma_start3A_125 = tpu.memref_slice %arg11[%dma_start3A_120, %dma_start3A_124] : memref<2x125xi32, #tpu.memory_space<vmem>> -> memref<1x125xi32, #tpu.memory_space<vmem>>
      %dma_start3A_126 = tpu.memref_squeeze %dma_start3A_125 : memref<1x125xi32, #tpu.memory_space<vmem>> -> memref<125xi32, #tpu.memory_space<vmem>>
      %dma_start3A_127 = arith.constant 0 : i32
      %dma_start3A_128 = arith.constant 0 : i32
      %dma_start3A_129 = tpu.memref_slice %arg4[%dma_start3A_127, %dma_start3A_128] : memref<50000x48xf32, #tpu.memory_space<hbm>> -> memref<50000x48xf32, #tpu.memory_space<hbm>>
      tpu.enqueue_indirect_dma source(%dma_start3A_129 : memref<50000x48xf32, #tpu.memory_space<hbm>>) target(%dma_start3A_123 : memref<125x48xf32, #tpu.memory_space<vmem>>) offsets(%dma_start3A_126 : memref<125xi32, #tpu.memory_space<vmem>>) semaphore(%arg19 : memref<!tpu.dma_semaphore, #tpu.memory_space<semaphore_mem>>)
      %dma_start3A_130 = arith.constant 0 : i32
      %dma_start3A_131 = arith.constant 0 : i32
      %dma_start3A_132 = arith.constant 0 : i32
      %dma_start3A_133 = tpu.memref_slice %arg16[%dma_start3A_131, %dma_start3A_132] : memref<250x48xf32, #tpu.memory_space<vmem>> -> memref<125x48xf32, #tpu.memory_space<vmem>>
      %dma_start3A_134 = arith.constant 0 : i32
      %dma_start3A_135 = tpu.memref_slice %arg10[%dma_start3A_130, %dma_start3A_134] : memref<2x125xi32, #tpu.memory_space<vmem>> -> memref<1x125xi32, #tpu.memory_space<vmem>>
      %dma_start3A_136 = tpu.memref_squeeze %dma_start3A_135 : memref<1x125xi32, #tpu.memory_space<vmem>> -> memref<125xi32, #tpu.memory_space<vmem>>
      %dma_start3A_137 = arith.constant 0 : i32
      %dma_start3A_138 = arith.constant 0 : i32
      %dma_start3A_139 = tpu.memref_slice %arg5[%dma_start3A_137, %dma_start3A_138] : memref<50000x48xf32, #tpu.memory_space<hbm>> -> memref<50000x48xf32, #tpu.memory_space<hbm>>
      tpu.enqueue_indirect_dma source(%dma_start3A_139 : memref<50000x48xf32, #tpu.memory_space<hbm>>) target(%dma_start3A_133 : memref<125x48xf32, #tpu.memory_space<vmem>>) offsets(%dma_start3A_136 : memref<125xi32, #tpu.memory_space<vmem>>) semaphore(%arg19 : memref<!tpu.dma_semaphore, #tpu.memory_space<semaphore_mem>>)
      %dma_start3A_140 = arith.constant 0 : i32
      %dma_start3A_141 = arith.constant 0 : i32
      %dma_start3A_142 = arith.constant 0 : i32
      %dma_start3A_143 = tpu.memref_slice %arg17[%dma_start3A_141, %dma_start3A_142] : memref<250x32xf32, #tpu.memory_space<vmem>> -> memref<125x32xf32, #tpu.memory_space<vmem>>
      %dma_start3A_144 = arith.constant 0 : i32
      %dma_start3A_145 = tpu.memref_slice %arg10[%dma_start3A_140, %dma_start3A_144] : memref<2x125xi32, #tpu.memory_space<vmem>> -> memref<1x125xi32, #tpu.memory_space<vmem>>
      %dma_start3A_146 = tpu.memref_squeeze %dma_start3A_145 : memref<1x125xi32, #tpu.memory_space<vmem>> -> memref<125xi32, #tpu.memory_space<vmem>>
      %dma_start3A_147 = arith.constant 0 : i32
      %dma_start3A_148 = arith.constant 0 : i32
      %dma_start3A_149 = tpu.memref_slice %arg6[%dma_start3A_147, %dma_start3A_148] : memref<50000x32xf32, #tpu.memory_space<hbm>> -> memref<50000x32xf32, #tpu.memory_space<hbm>>
      tpu.enqueue_indirect_dma source(%dma_start3A_149 : memref<50000x32xf32, #tpu.memory_space<hbm>>) target(%dma_start3A_143 : memref<125x32xf32, #tpu.memory_space<vmem>>) offsets(%dma_start3A_146 : memref<125xi32, #tpu.memory_space<vmem>>) semaphore(%arg19 : memref<!tpu.dma_semaphore, #tpu.memory_space<semaphore_mem>>)
      %dma_start3A_150 = arith.constant 1 : i32
      %dma_start3A_151 = arith.constant 125 : i32
      %dma_start3A_152 = arith.constant 0 : i32
      %dma_start3A_153 = tpu.memref_slice %arg15[%dma_start3A_151, %dma_start3A_152] : memref<250x48xf32, #tpu.memory_space<vmem>> -> memref<125x48xf32, #tpu.memory_space<vmem>>
      %dma_start3A_154 = arith.constant 0 : i32
      %dma_start3A_155 = tpu.memref_slice %arg11[%dma_start3A_150, %dma_start3A_154] : memref<2x125xi32, #tpu.memory_space<vmem>> -> memref<1x125xi32, #tpu.memory_space<vmem>>
      %dma_start3A_156 = tpu.memref_squeeze %dma_start3A_155 : memref<1x125xi32, #tpu.memory_space<vmem>> -> memref<125xi32, #tpu.memory_space<vmem>>
      %dma_start3A_157 = arith.constant 0 : i32
      %dma_start3A_158 = arith.constant 0 : i32
      %dma_start3A_159 = tpu.memref_slice %arg4[%dma_start3A_157, %dma_start3A_158] : memref<50000x48xf32, #tpu.memory_space<hbm>> -> memref<50000x48xf32, #tpu.memory_space<hbm>>
      tpu.enqueue_indirect_dma source(%dma_start3A_159 : memref<50000x48xf32, #tpu.memory_space<hbm>>) target(%dma_start3A_153 : memref<125x48xf32, #tpu.memory_space<vmem>>) offsets(%dma_start3A_156 : memref<125xi32, #tpu.memory_space<vmem>>) semaphore(%arg19 : memref<!tpu.dma_semaphore, #tpu.memory_space<semaphore_mem>>)
      %dma_start3A_160 = arith.constant 1 : i32
      %dma_start3A_161 = arith.constant 125 : i32
      %dma_start3A_162 = arith.constant 0 : i32
      %dma_start3A_163 = tpu.memref_slice %arg16[%dma_start3A_161, %dma_start3A_162] : memref<250x48xf32, #tpu.memory_space<vmem>> -> memref<125x48xf32, #tpu.memory_space<vmem>>
      %dma_start3A_164 = arith.constant 0 : i32
      %dma_start3A_165 = tpu.memref_slice %arg10[%dma_start3A_160, %dma_start3A_164] : memref<2x125xi32, #tpu.memory_space<vmem>> -> memref<1x125xi32, #tpu.memory_space<vmem>>
      %dma_start3A_166 = tpu.memref_squeeze %dma_start3A_165 : memref<1x125xi32, #tpu.memory_space<vmem>> -> memref<125xi32, #tpu.memory_space<vmem>>
      %dma_start3A_167 = arith.constant 0 : i32
      %dma_start3A_168 = arith.constant 0 : i32
      %dma_start3A_169 = tpu.memref_slice %arg5[%dma_start3A_167, %dma_start3A_168] : memref<50000x48xf32, #tpu.memory_space<hbm>> -> memref<50000x48xf32, #tpu.memory_space<hbm>>
      tpu.enqueue_indirect_dma source(%dma_start3A_169 : memref<50000x48xf32, #tpu.memory_space<hbm>>) target(%dma_start3A_163 : memref<125x48xf32, #tpu.memory_space<vmem>>) offsets(%dma_start3A_166 : memref<125xi32, #tpu.memory_space<vmem>>) semaphore(%arg19 : memref<!tpu.dma_semaphore, #tpu.memory_space<semaphore_mem>>)
      %dma_start3A_170 = arith.constant 1 : i32
      %dma_start3A_171 = arith.constant 125 : i32
      %dma_start3A_172 = arith.constant 0 : i32
      %dma_start3A_173 = tpu.memref_slice %arg17[%dma_start3A_171, %dma_start3A_172] : memref<250x32xf32, #tpu.memory_space<vmem>> -> memref<125x32xf32, #tpu.memory_space<vmem>>
      %dma_start3A_174 = arith.constant 0 : i32
      %dma_start3A_175 = tpu.memref_slice %arg10[%dma_start3A_170, %dma_start3A_174] : memref<2x125xi32, #tpu.memory_space<vmem>> -> memref<1x125xi32, #tpu.memory_space<vmem>>
      %dma_start3A_176 = tpu.memref_squeeze %dma_start3A_175 : memref<1x125xi32, #tpu.memory_space<vmem>> -> memref<125xi32, #tpu.memory_space<vmem>>
      %dma_start3A_177 = arith.constant 0 : i32
      %dma_start3A_178 = arith.constant 0 : i32
      %dma_start3A_179 = tpu.memref_slice %arg6[%dma_start3A_177, %dma_start3A_178] : memref<50000x32xf32, #tpu.memory_space<hbm>> -> memref<50000x32xf32, #tpu.memory_space<hbm>>
      tpu.enqueue_indirect_dma source(%dma_start3A_179 : memref<50000x32xf32, #tpu.memory_space<hbm>>) target(%dma_start3A_173 : memref<125x32xf32, #tpu.memory_space<vmem>>) offsets(%dma_start3A_176 : memref<125xi32, #tpu.memory_space<vmem>>) semaphore(%arg19 : memref<!tpu.dma_semaphore, #tpu.memory_space<semaphore_mem>>)
      %dma_wait3A_180 = arith.constant 0 : i32
      %dma_wait3A_181 = arith.constant 0 : i32
      %dma_wait3A_182 = arith.constant 0 : i32
      %dma_wait3A_183 = tpu.memref_slice %arg12[%dma_wait3A_181, %dma_wait3A_182] : memref<250x48xf32, #tpu.memory_space<vmem>> -> memref<125x48xf32, #tpu.memory_space<vmem>>
      %dma_wait3A_184 = arith.constant 0 : i32
      %dma_wait3A_185 = tpu.memref_slice %arg9[%dma_wait3A_180, %dma_wait3A_184] : memref<2x125xi32, #tpu.memory_space<vmem>> -> memref<1x125xi32, #tpu.memory_space<vmem>>
      %dma_wait3A_186 = tpu.memref_squeeze %dma_wait3A_185 : memref<1x125xi32, #tpu.memory_space<vmem>> -> memref<125xi32, #tpu.memory_space<vmem>>
      %dma_wait3A_187 = arith.constant 0 : i32
      %dma_wait3A_188 = arith.constant 0 : i32
      %dma_wait3A_189 = tpu.memref_slice %arg4[%dma_wait3A_187, %dma_wait3A_188] : memref<50000x48xf32, #tpu.memory_space<hbm>> -> memref<50000x48xf32, #tpu.memory_space<hbm>>
      tpu.wait_indirect_dma semaphore(%arg18 : memref<!tpu.dma_semaphore, #tpu.memory_space<semaphore_mem>>) src(%dma_wait3A_189 : memref<50000x48xf32, #tpu.memory_space<hbm>>) dst(%dma_wait3A_183 : memref<125x48xf32, #tpu.memory_space<vmem>>)
      %dma_wait3A_190 = arith.constant 0 : i32
      %dma_wait3A_191 = arith.constant 0 : i32
      %dma_wait3A_192 = arith.constant 0 : i32
      %dma_wait3A_193 = tpu.memref_slice %arg13[%dma_wait3A_191, %dma_wait3A_192] : memref<250x48xf32, #tpu.memory_space<vmem>> -> memref<125x48xf32, #tpu.memory_space<vmem>>
      %dma_wait3A_194 = arith.constant 0 : i32
      %dma_wait3A_195 = tpu.memref_slice %arg8[%dma_wait3A_190, %dma_wait3A_194] : memref<2x125xi32, #tpu.memory_space<vmem>> -> memref<1x125xi32, #tpu.memory_space<vmem>>
      %dma_wait3A_196 = tpu.memref_squeeze %dma_wait3A_195 : memref<1x125xi32, #tpu.memory_space<vmem>> -> memref<125xi32, #tpu.memory_space<vmem>>
      %dma_wait3A_197 = arith.constant 0 : i32
      %dma_wait3A_198 = arith.constant 0 : i32
      %dma_wait3A_199 = tpu.memref_slice %arg5[%dma_wait3A_197, %dma_wait3A_198] : memref<50000x48xf32, #tpu.memory_space<hbm>> -> memref<50000x48xf32, #tpu.memory_space<hbm>>
      tpu.wait_indirect_dma semaphore(%arg18 : memref<!tpu.dma_semaphore, #tpu.memory_space<semaphore_mem>>) src(%dma_wait3A_199 : memref<50000x48xf32, #tpu.memory_space<hbm>>) dst(%dma_wait3A_193 : memref<125x48xf32, #tpu.memory_space<vmem>>)
      %dma_wait3A_200 = arith.constant 0 : i32
      %dma_wait3A_201 = arith.constant 0 : i32
      %dma_wait3A_202 = arith.constant 0 : i32
      %dma_wait3A_203 = tpu.memref_slice %arg14[%dma_wait3A_201, %dma_wait3A_202] : memref<250x32xf32, #tpu.memory_space<vmem>> -> memref<125x32xf32, #tpu.memory_space<vmem>>
      %dma_wait3A_204 = arith.constant 0 : i32
      %dma_wait3A_205 = tpu.memref_slice %arg8[%dma_wait3A_200, %dma_wait3A_204] : memref<2x125xi32, #tpu.memory_space<vmem>> -> memref<1x125xi32, #tpu.memory_space<vmem>>
      %dma_wait3A_206 = tpu.memref_squeeze %dma_wait3A_205 : memref<1x125xi32, #tpu.memory_space<vmem>> -> memref<125xi32, #tpu.memory_space<vmem>>
      %dma_wait3A_207 = arith.constant 0 : i32
      %dma_wait3A_208 = arith.constant 0 : i32
      %dma_wait3A_209 = tpu.memref_slice %arg6[%dma_wait3A_207, %dma_wait3A_208] : memref<50000x32xf32, #tpu.memory_space<hbm>> -> memref<50000x32xf32, #tpu.memory_space<hbm>>
      tpu.wait_indirect_dma semaphore(%arg18 : memref<!tpu.dma_semaphore, #tpu.memory_space<semaphore_mem>>) src(%dma_wait3A_209 : memref<50000x32xf32, #tpu.memory_space<hbm>>) dst(%dma_wait3A_203 : memref<125x32xf32, #tpu.memory_space<vmem>>)
      %dma_wait3A_210 = arith.constant 1 : i32
      %dma_wait3A_211 = arith.constant 125 : i32
      %dma_wait3A_212 = arith.constant 0 : i32
      %dma_wait3A_213 = tpu.memref_slice %arg12[%dma_wait3A_211, %dma_wait3A_212] : memref<250x48xf32, #tpu.memory_space<vmem>> -> memref<125x48xf32, #tpu.memory_space<vmem>>
      %dma_wait3A_214 = arith.constant 0 : i32
      %dma_wait3A_215 = tpu.memref_slice %arg9[%dma_wait3A_210, %dma_wait3A_214] : memref<2x125xi32, #tpu.memory_space<vmem>> -> memref<1x125xi32, #tpu.memory_space<vmem>>
      %dma_wait3A_216 = tpu.memref_squeeze %dma_wait3A_215 : memref<1x125xi32, #tpu.memory_space<vmem>> -> memref<125xi32, #tpu.memory_space<vmem>>
      %dma_wait3A_217 = arith.constant 0 : i32
      %dma_wait3A_218 = arith.constant 0 : i32
      %dma_wait3A_219 = tpu.memref_slice %arg4[%dma_wait3A_217, %dma_wait3A_218] : memref<50000x48xf32, #tpu.memory_space<hbm>> -> memref<50000x48xf32, #tpu.memory_space<hbm>>
      tpu.wait_indirect_dma semaphore(%arg18 : memref<!tpu.dma_semaphore, #tpu.memory_space<semaphore_mem>>) src(%dma_wait3A_219 : memref<50000x48xf32, #tpu.memory_space<hbm>>) dst(%dma_wait3A_213 : memref<125x48xf32, #tpu.memory_space<vmem>>)
      %dma_wait3A_220 = arith.constant 1 : i32
      %dma_wait3A_221 = arith.constant 125 : i32
      %dma_wait3A_222 = arith.constant 0 : i32
      %dma_wait3A_223 = tpu.memref_slice %arg13[%dma_wait3A_221, %dma_wait3A_222] : memref<250x48xf32, #tpu.memory_space<vmem>> -> memref<125x48xf32, #tpu.memory_space<vmem>>
      %dma_wait3A_224 = arith.constant 0 : i32
      %dma_wait3A_225 = tpu.memref_slice %arg8[%dma_wait3A_220, %dma_wait3A_224] : memref<2x125xi32, #tpu.memory_space<vmem>> -> memref<1x125xi32, #tpu.memory_space<vmem>>
      %dma_wait3A_226 = tpu.memref_squeeze %dma_wait3A_225 : memref<1x125xi32, #tpu.memory_space<vmem>> -> memref<125xi32, #tpu.memory_space<vmem>>
      %dma_wait3A_227 = arith.constant 0 : i32
      %dma_wait3A_228 = arith.constant 0 : i32
      %dma_wait3A_229 = tpu.memref_slice %arg5[%dma_wait3A_227, %dma_wait3A_228] : memref<50000x48xf32, #tpu.memory_space<hbm>> -> memref<50000x48xf32, #tpu.memory_space<hbm>>
      tpu.wait_indirect_dma semaphore(%arg18 : memref<!tpu.dma_semaphore, #tpu.memory_space<semaphore_mem>>) src(%dma_wait3A_229 : memref<50000x48xf32, #tpu.memory_space<hbm>>) dst(%dma_wait3A_223 : memref<125x48xf32, #tpu.memory_space<vmem>>)
      %dma_wait3A_230 = arith.constant 1 : i32
      %dma_wait3A_231 = arith.constant 125 : i32
      %dma_wait3A_232 = arith.constant 0 : i32
      %dma_wait3A_233 = tpu.memref_slice %arg14[%dma_wait3A_231, %dma_wait3A_232] : memref<250x32xf32, #tpu.memory_space<vmem>> -> memref<125x32xf32, #tpu.memory_space<vmem>>
      %dma_wait3A_234 = arith.constant 0 : i32
      %dma_wait3A_235 = tpu.memref_slice %arg8[%dma_wait3A_230, %dma_wait3A_234] : memref<2x125xi32, #tpu.memory_space<vmem>> -> memref<1x125xi32, #tpu.memory_space<vmem>>
      %dma_wait3A_236 = tpu.memref_squeeze %dma_wait3A_235 : memref<1x125xi32, #tpu.memory_space<vmem>> -> memref<125xi32, #tpu.memory_space<vmem>>
      %dma_wait3A_237 = arith.constant 0 : i32
      %dma_wait3A_238 = arith.constant 0 : i32
      %dma_wait3A_239 = tpu.memref_slice %arg6[%dma_wait3A_237, %dma_wait3A_238] : memref<50000x32xf32, #tpu.memory_space<hbm>> -> memref<50000x32xf32, #tpu.memory_space<hbm>>
      tpu.wait_indirect_dma semaphore(%arg18 : memref<!tpu.dma_semaphore, #tpu.memory_space<semaphore_mem>>) src(%dma_wait3A_239 : memref<50000x32xf32, #tpu.memory_space<hbm>>) dst(%dma_wait3A_233 : memref<125x32xf32, #tpu.memory_space<vmem>>)
      %mul3A_240 = arith.constant 25000 : i32
      %mul3A_241 = arith.muli %add3A, %mul3A_240 : i32
      %mul3A_242 = arith.constant 250 : i32
      %mul3A_243 = arith.muli %mul3A_39, %mul3A_242 : i32
      %add3A_244 = arith.addi %mul3A_241, %mul3A_243 : i32
      %dma_start3A_245 = arith.constant 0 : i32
      %dma_start3A_246 = tpu.memref_slice %arg7[%add3A_244, %dma_start3A_245] : memref<800000x128xf32, #tpu.memory_space<hbm>> -> memref<250x48xf32, #tpu.memory_space<hbm>>
      %dma_start3A_247 = arith.constant 0 : i32
      %dma_start3A_248 = tpu.memref_slice %arg7[%add3A_244, %dma_start3A_247] : memref<800000x128xf32, #tpu.memory_space<hbm>> -> memref<250x48xf32, #tpu.memory_space<hbm>>
      tpu.enqueue_dma source(%arg12 : memref<250x48xf32, #tpu.memory_space<vmem>>) target(%dma_start3A_248 : memref<250x48xf32, #tpu.memory_space<hbm>>) target_semaphore(%arg20 : memref<!tpu.dma_semaphore, #tpu.memory_space<semaphore_mem>>)
      %dma_start3A_249 = arith.constant 48 : i32
      %dma_start3A_250 = tpu.memref_slice %arg7[%add3A_244, %dma_start3A_249] : memref<800000x128xf32, #tpu.memory_space<hbm>> -> memref<250x48xf32, #tpu.memory_space<hbm>>
      %dma_start3A_251 = arith.constant 48 : i32
      %dma_start3A_252 = tpu.memref_slice %arg7[%add3A_244, %dma_start3A_251] : memref<800000x128xf32, #tpu.memory_space<hbm>> -> memref<250x48xf32, #tpu.memory_space<hbm>>
      tpu.enqueue_dma source(%arg13 : memref<250x48xf32, #tpu.memory_space<vmem>>) target(%dma_start3A_252 : memref<250x48xf32, #tpu.memory_space<hbm>>) target_semaphore(%arg20 : memref<!tpu.dma_semaphore, #tpu.memory_space<semaphore_mem>>)
      %dma_start3A_253 = arith.constant 96 : i32
      %dma_start3A_254 = tpu.memref_slice %arg7[%add3A_244, %dma_start3A_253] : memref<800000x128xf32, #tpu.memory_space<hbm>> -> memref<250x32xf32, #tpu.memory_space<hbm>>
      %dma_start3A_255 = arith.constant 96 : i32
      %dma_start3A_256 = tpu.memref_slice %arg7[%add3A_244, %dma_start3A_255] : memref<800000x128xf32, #tpu.memory_space<hbm>> -> memref<250x32xf32, #tpu.memory_space<hbm>>
      tpu.enqueue_dma source(%arg14 : memref<250x32xf32, #tpu.memory_space<vmem>>) target(%dma_start3A_256 : memref<250x32xf32, #tpu.memory_space<hbm>>) target_semaphore(%arg20 : memref<!tpu.dma_semaphore, #tpu.memory_space<semaphore_mem>>)
      %dma_wait3A_257 = arith.constant 0 : i32
      %dma_wait3A_258 = arith.constant 0 : i32
      %dma_wait3A_259 = arith.constant 0 : i32
      %dma_wait3A_260 = tpu.memref_slice %arg15[%dma_wait3A_258, %dma_wait3A_259] : memref<250x48xf32, #tpu.memory_space<vmem>> -> memref<125x48xf32, #tpu.memory_space<vmem>>
      %dma_wait3A_261 = arith.constant 0 : i32
      %dma_wait3A_262 = tpu.memref_slice %arg11[%dma_wait3A_257, %dma_wait3A_261] : memref<2x125xi32, #tpu.memory_space<vmem>> -> memref<1x125xi32, #tpu.memory_space<vmem>>
      %dma_wait3A_263 = tpu.memref_squeeze %dma_wait3A_262 : memref<1x125xi32, #tpu.memory_space<vmem>> -> memref<125xi32, #tpu.memory_space<vmem>>
      %dma_wait3A_264 = arith.constant 0 : i32
      %dma_wait3A_265 = arith.constant 0 : i32
      %dma_wait3A_266 = tpu.memref_slice %arg4[%dma_wait3A_264, %dma_wait3A_265] : memref<50000x48xf32, #tpu.memory_space<hbm>> -> memref<50000x48xf32, #tpu.memory_space<hbm>>
      tpu.wait_indirect_dma semaphore(%arg19 : memref<!tpu.dma_semaphore, #tpu.memory_space<semaphore_mem>>) src(%dma_wait3A_266 : memref<50000x48xf32, #tpu.memory_space<hbm>>) dst(%dma_wait3A_260 : memref<125x48xf32, #tpu.memory_space<vmem>>)
      %dma_wait3A_267 = arith.constant 0 : i32
      %dma_wait3A_268 = arith.constant 0 : i32
      %dma_wait3A_269 = arith.constant 0 : i32
      %dma_wait3A_270 = tpu.memref_slice %arg16[%dma_wait3A_268, %dma_wait3A_269] : memref<250x48xf32, #tpu.memory_space<vmem>> -> memref<125x48xf32, #tpu.memory_space<vmem>>
      %dma_wait3A_271 = arith.constant 0 : i32
      %dma_wait3A_272 = tpu.memref_slice %arg10[%dma_wait3A_267, %dma_wait3A_271] : memref<2x125xi32, #tpu.memory_space<vmem>> -> memref<1x125xi32, #tpu.memory_space<vmem>>
      %dma_wait3A_273 = tpu.memref_squeeze %dma_wait3A_272 : memref<1x125xi32, #tpu.memory_space<vmem>> -> memref<125xi32, #tpu.memory_space<vmem>>
      %dma_wait3A_274 = arith.constant 0 : i32
      %dma_wait3A_275 = arith.constant 0 : i32
      %dma_wait3A_276 = tpu.memref_slice %arg5[%dma_wait3A_274, %dma_wait3A_275] : memref<50000x48xf32, #tpu.memory_space<hbm>> -> memref<50000x48xf32, #tpu.memory_space<hbm>>
      tpu.wait_indirect_dma semaphore(%arg19 : memref<!tpu.dma_semaphore, #tpu.memory_space<semaphore_mem>>) src(%dma_wait3A_276 : memref<50000x48xf32, #tpu.memory_space<hbm>>) dst(%dma_wait3A_270 : memref<125x48xf32, #tpu.memory_space<vmem>>)
      %dma_wait3A_277 = arith.constant 0 : i32
      %dma_wait3A_278 = arith.constant 0 : i32
      %dma_wait3A_279 = arith.constant 0 : i32
      %dma_wait3A_280 = tpu.memref_slice %arg17[%dma_wait3A_278, %dma_wait3A_279] : memref<250x32xf32, #tpu.memory_space<vmem>> -> memref<125x32xf32, #tpu.memory_space<vmem>>
      %dma_wait3A_281 = arith.constant 0 : i32
      %dma_wait3A_282 = tpu.memref_slice %arg10[%dma_wait3A_277, %dma_wait3A_281] : memref<2x125xi32, #tpu.memory_space<vmem>> -> memref<1x125xi32, #tpu.memory_space<vmem>>
      %dma_wait3A_283 = tpu.memref_squeeze %dma_wait3A_282 : memref<1x125xi32, #tpu.memory_space<vmem>> -> memref<125xi32, #tpu.memory_space<vmem>>
      %dma_wait3A_284 = arith.constant 0 : i32
      %dma_wait3A_285 = arith.constant 0 : i32
      %dma_wait3A_286 = tpu.memref_slice %arg6[%dma_wait3A_284, %dma_wait3A_285] : memref<50000x32xf32, #tpu.memory_space<hbm>> -> memref<50000x32xf32, #tpu.memory_space<hbm>>
      tpu.wait_indirect_dma semaphore(%arg19 : memref<!tpu.dma_semaphore, #tpu.memory_space<semaphore_mem>>) src(%dma_wait3A_286 : memref<50000x32xf32, #tpu.memory_space<hbm>>) dst(%dma_wait3A_280 : memref<125x32xf32, #tpu.memory_space<vmem>>)
      %dma_wait3A_287 = arith.constant 1 : i32
      %dma_wait3A_288 = arith.constant 125 : i32
      %dma_wait3A_289 = arith.constant 0 : i32
      %dma_wait3A_290 = tpu.memref_slice %arg15[%dma_wait3A_288, %dma_wait3A_289] : memref<250x48xf32, #tpu.memory_space<vmem>> -> memref<125x48xf32, #tpu.memory_space<vmem>>
      %dma_wait3A_291 = arith.constant 0 : i32
      %dma_wait3A_292 = tpu.memref_slice %arg11[%dma_wait3A_287, %dma_wait3A_291] : memref<2x125xi32, #tpu.memory_space<vmem>> -> memref<1x125xi32, #tpu.memory_space<vmem>>
      %dma_wait3A_293 = tpu.memref_squeeze %dma_wait3A_292 : memref<1x125xi32, #tpu.memory_space<vmem>> -> memref<125xi32, #tpu.memory_space<vmem>>
      %dma_wait3A_294 = arith.constant 0 : i32
      %dma_wait3A_295 = arith.constant 0 : i32
      %dma_wait3A_296 = tpu.memref_slice %arg4[%dma_wait3A_294, %dma_wait3A_295] : memref<50000x48xf32, #tpu.memory_space<hbm>> -> memref<50000x48xf32, #tpu.memory_space<hbm>>
      tpu.wait_indirect_dma semaphore(%arg19 : memref<!tpu.dma_semaphore, #tpu.memory_space<semaphore_mem>>) src(%dma_wait3A_296 : memref<50000x48xf32, #tpu.memory_space<hbm>>) dst(%dma_wait3A_290 : memref<125x48xf32, #tpu.memory_space<vmem>>)
      %dma_wait3A_297 = arith.constant 1 : i32
      %dma_wait3A_298 = arith.constant 125 : i32
      %dma_wait3A_299 = arith.constant 0 : i32
      %dma_wait3A_300 = tpu.memref_slice %arg16[%dma_wait3A_298, %dma_wait3A_299] : memref<250x48xf32, #tpu.memory_space<vmem>> -> memref<125x48xf32, #tpu.memory_space<vmem>>
      %dma_wait3A_301 = arith.constant 0 : i32
      %dma_wait3A_302 = tpu.memref_slice %arg10[%dma_wait3A_297, %dma_wait3A_301] : memref<2x125xi32, #tpu.memory_space<vmem>> -> memref<1x125xi32, #tpu.memory_space<vmem>>
      %dma_wait3A_303 = tpu.memref_squeeze %dma_wait3A_302 : memref<1x125xi32, #tpu.memory_space<vmem>> -> memref<125xi32, #tpu.memory_space<vmem>>
      %dma_wait3A_304 = arith.constant 0 : i32
      %dma_wait3A_305 = arith.constant 0 : i32
      %dma_wait3A_306 = tpu.memref_slice %arg5[%dma_wait3A_304, %dma_wait3A_305] : memref<50000x48xf32, #tpu.memory_space<hbm>> -> memref<50000x48xf32, #tpu.memory_space<hbm>>
      tpu.wait_indirect_dma semaphore(%arg19 : memref<!tpu.dma_semaphore, #tpu.memory_space<semaphore_mem>>) src(%dma_wait3A_306 : memref<50000x48xf32, #tpu.memory_space<hbm>>) dst(%dma_wait3A_300 : memref<125x48xf32, #tpu.memory_space<vmem>>)
      %dma_wait3A_307 = arith.constant 1 : i32
      %dma_wait3A_308 = arith.constant 125 : i32
      %dma_wait3A_309 = arith.constant 0 : i32
      %dma_wait3A_310 = tpu.memref_slice %arg17[%dma_wait3A_308, %dma_wait3A_309] : memref<250x32xf32, #tpu.memory_space<vmem>> -> memref<125x32xf32, #tpu.memory_space<vmem>>
      %dma_wait3A_311 = arith.constant 0 : i32
      %dma_wait3A_312 = tpu.memref_slice %arg10[%dma_wait3A_307, %dma_wait3A_311] : memref<2x125xi32, #tpu.memory_space<vmem>> -> memref<1x125xi32, #tpu.memory_space<vmem>>
      %dma_wait3A_313 = tpu.memref_squeeze %dma_wait3A_312 : memref<1x125xi32, #tpu.memory_space<vmem>> -> memref<125xi32, #tpu.memory_space<vmem>>
      %dma_wait3A_314 = arith.constant 0 : i32
      %dma_wait3A_315 = arith.constant 0 : i32
      %dma_wait3A_316 = tpu.memref_slice %arg6[%dma_wait3A_314, %dma_wait3A_315] : memref<50000x32xf32, #tpu.memory_space<hbm>> -> memref<50000x32xf32, #tpu.memory_space<hbm>>
      tpu.wait_indirect_dma semaphore(%arg19 : memref<!tpu.dma_semaphore, #tpu.memory_space<semaphore_mem>>) src(%dma_wait3A_316 : memref<50000x32xf32, #tpu.memory_space<hbm>>) dst(%dma_wait3A_310 : memref<125x32xf32, #tpu.memory_space<vmem>>)
      %mul3A_317 = arith.constant 25000 : i32
      %mul3A_318 = arith.muli %add3A, %mul3A_317 : i32
      %mul3A_319 = arith.constant 250 : i32
      %mul3A_320 = arith.muli %add3A_43, %mul3A_319 : i32
      %add3A_321 = arith.addi %mul3A_318, %mul3A_320 : i32
      %dma_start3A_322 = arith.constant 0 : i32
      %dma_start3A_323 = tpu.memref_slice %arg7[%add3A_321, %dma_start3A_322] : memref<800000x128xf32, #tpu.memory_space<hbm>> -> memref<250x48xf32, #tpu.memory_space<hbm>>
      %dma_start3A_324 = arith.constant 0 : i32
      %dma_start3A_325 = tpu.memref_slice %arg7[%add3A_321, %dma_start3A_324] : memref<800000x128xf32, #tpu.memory_space<hbm>> -> memref<250x48xf32, #tpu.memory_space<hbm>>
      tpu.enqueue_dma source(%arg15 : memref<250x48xf32, #tpu.memory_space<vmem>>) target(%dma_start3A_325 : memref<250x48xf32, #tpu.memory_space<hbm>>) target_semaphore(%arg21 : memref<!tpu.dma_semaphore, #tpu.memory_space<semaphore_mem>>)
      %dma_start3A_326 = arith.constant 48 : i32
      %dma_start3A_327 = tpu.memref_slice %arg7[%add3A_321, %dma_start3A_326] : memref<800000x128xf32, #tpu.memory_space<hbm>> -> memref<250x48xf32, #tpu.memory_space<hbm>>
      %dma_start3A_328 = arith.constant 48 : i32
      %dma_start3A_329 = tpu.memref_slice %arg7[%add3A_321, %dma_start3A_328] : memref<800000x128xf32, #tpu.memory_space<hbm>> -> memref<250x48xf32, #tpu.memory_space<hbm>>
      tpu.enqueue_dma source(%arg16 : memref<250x48xf32, #tpu.memory_space<vmem>>) target(%dma_start3A_329 : memref<250x48xf32, #tpu.memory_space<hbm>>) target_semaphore(%arg21 : memref<!tpu.dma_semaphore, #tpu.memory_space<semaphore_mem>>)
      %dma_start3A_330 = arith.constant 96 : i32
      %dma_start3A_331 = tpu.memref_slice %arg7[%add3A_321, %dma_start3A_330] : memref<800000x128xf32, #tpu.memory_space<hbm>> -> memref<250x32xf32, #tpu.memory_space<hbm>>
      %dma_start3A_332 = arith.constant 96 : i32
      %dma_start3A_333 = tpu.memref_slice %arg7[%add3A_321, %dma_start3A_332] : memref<800000x128xf32, #tpu.memory_space<hbm>> -> memref<250x32xf32, #tpu.memory_space<hbm>>
      tpu.enqueue_dma source(%arg17 : memref<250x32xf32, #tpu.memory_space<vmem>>) target(%dma_start3A_333 : memref<250x32xf32, #tpu.memory_space<hbm>>) target_semaphore(%arg21 : memref<!tpu.dma_semaphore, #tpu.memory_space<semaphore_mem>>)
    }
    %scan3A_5 = arith.constant 50 : i32
    %mul3A_6 = arith.constant 25000 : i32
    %mul3A_7 = arith.muli %add3A, %mul3A_6 : i32
    %add3A_8 = arith.constant 24500 : i32
    %add3A_9 = arith.addi %mul3A_7, %add3A_8 : i32
    %dma_wait3A = arith.constant 0 : i32
    %dma_wait3A_10 = tpu.memref_slice %arg7[%add3A_9, %dma_wait3A] : memref<800000x128xf32, #tpu.memory_space<hbm>> -> memref<250x48xf32, #tpu.memory_space<hbm>>
    %dma_wait3A_11 = arith.constant 0 : i32
    %dma_wait3A_12 = tpu.memref_slice %arg7[%add3A_9, %dma_wait3A_11] : memref<800000x128xf32, #tpu.memory_space<hbm>> -> memref<250x48xf32, #tpu.memory_space<hbm>>
    tpu.wait_dma2 semaphore(%arg20 : memref<!tpu.dma_semaphore, #tpu.memory_space<semaphore_mem>>) src(%arg12 : memref<250x48xf32, #tpu.memory_space<vmem>>) dst(%dma_wait3A_12 : memref<250x48xf32, #tpu.memory_space<hbm>>)
    %dma_wait3A_13 = arith.constant 48 : i32
    %dma_wait3A_14 = tpu.memref_slice %arg7[%add3A_9, %dma_wait3A_13] : memref<800000x128xf32, #tpu.memory_space<hbm>> -> memref<250x48xf32, #tpu.memory_space<hbm>>
    %dma_wait3A_15 = arith.constant 48 : i32
    %dma_wait3A_16 = tpu.memref_slice %arg7[%add3A_9, %dma_wait3A_15] : memref<800000x128xf32, #tpu.memory_space<hbm>> -> memref<250x48xf32, #tpu.memory_space<hbm>>
    tpu.wait_dma2 semaphore(%arg20 : memref<!tpu.dma_semaphore, #tpu.memory_space<semaphore_mem>>) src(%arg13 : memref<250x48xf32, #tpu.memory_space<vmem>>) dst(%dma_wait3A_16 : memref<250x48xf32, #tpu.memory_space<hbm>>)
    %dma_wait3A_17 = arith.constant 96 : i32
    %dma_wait3A_18 = tpu.memref_slice %arg7[%add3A_9, %dma_wait3A_17] : memref<800000x128xf32, #tpu.memory_space<hbm>> -> memref<250x32xf32, #tpu.memory_space<hbm>>
    %dma_wait3A_19 = arith.constant 96 : i32
    %dma_wait3A_20 = tpu.memref_slice %arg7[%add3A_9, %dma_wait3A_19] : memref<800000x128xf32, #tpu.memory_space<hbm>> -> memref<250x32xf32, #tpu.memory_space<hbm>>
    tpu.wait_dma2 semaphore(%arg20 : memref<!tpu.dma_semaphore, #tpu.memory_space<semaphore_mem>>) src(%arg14 : memref<250x32xf32, #tpu.memory_space<vmem>>) dst(%dma_wait3A_20 : memref<250x32xf32, #tpu.memory_space<hbm>>)
    %mul3A_21 = arith.constant 25000 : i32
    %mul3A_22 = arith.muli %add3A, %mul3A_21 : i32
    %add3A_23 = arith.constant 24750 : i32
    %add3A_24 = arith.addi %mul3A_22, %add3A_23 : i32
    %dma_wait3A_25 = arith.constant 0 : i32
    %dma_wait3A_26 = tpu.memref_slice %arg7[%add3A_24, %dma_wait3A_25] : memref<800000x128xf32, #tpu.memory_space<hbm>> -> memref<250x48xf32, #tpu.memory_space<hbm>>
    %dma_wait3A_27 = arith.constant 0 : i32
    %dma_wait3A_28 = tpu.memref_slice %arg7[%add3A_24, %dma_wait3A_27] : memref<800000x128xf32, #tpu.memory_space<hbm>> -> memref<250x48xf32, #tpu.memory_space<hbm>>
    tpu.wait_dma2 semaphore(%arg21 : memref<!tpu.dma_semaphore, #tpu.memory_space<semaphore_mem>>) src(%arg15 : memref<250x48xf32, #tpu.memory_space<vmem>>) dst(%dma_wait3A_28 : memref<250x48xf32, #tpu.memory_space<hbm>>)
    %dma_wait3A_29 = arith.constant 48 : i32
    %dma_wait3A_30 = tpu.memref_slice %arg7[%add3A_24, %dma_wait3A_29] : memref<800000x128xf32, #tpu.memory_space<hbm>> -> memref<250x48xf32, #tpu.memory_space<hbm>>
    %dma_wait3A_31 = arith.constant 48 : i32
    %dma_wait3A_32 = tpu.memref_slice %arg7[%add3A_24, %dma_wait3A_31] : memref<800000x128xf32, #tpu.memory_space<hbm>> -> memref<250x48xf32, #tpu.memory_space<hbm>>
    tpu.wait_dma2 semaphore(%arg21 : memref<!tpu.dma_semaphore, #tpu.memory_space<semaphore_mem>>) src(%arg16 : memref<250x48xf32, #tpu.memory_space<vmem>>) dst(%dma_wait3A_32 : memref<250x48xf32, #tpu.memory_space<hbm>>)
    %dma_wait3A_33 = arith.constant 96 : i32
    %dma_wait3A_34 = tpu.memref_slice %arg7[%add3A_24, %dma_wait3A_33] : memref<800000x128xf32, #tpu.memory_space<hbm>> -> memref<250x32xf32, #tpu.memory_space<hbm>>
    %dma_wait3A_35 = arith.constant 96 : i32
    %dma_wait3A_36 = tpu.memref_slice %arg7[%add3A_24, %dma_wait3A_35] : memref<800000x128xf32, #tpu.memory_space<hbm>> -> memref<250x32xf32, #tpu.memory_space<hbm>>
    tpu.wait_dma2 semaphore(%arg21 : memref<!tpu.dma_semaphore, #tpu.memory_space<semaphore_mem>>) src(%arg17 : memref<250x32xf32, #tpu.memory_space<vmem>>) dst(%dma_wait3A_36 : memref<250x32xf32, #tpu.memory_space<hbm>>)
    return
  }
}

#map = affine_map<(d0, d1) -> (0, 0, 0)>
#map1 = affine_map<(d0, d1) -> (0, 0)>
module attributes {stable_mosaic.version = 14 : i64} {
  func.func @scatter_kernel(%arg0: i32, %arg1: i32, %arg2: memref<2x6400x125xi32, #tpu.memory_space<hbm>>, %arg3: memref<400000x128xf32, #tpu.memory_space<hbm>>, %arg4: memref<3141x48xf32, #tpu.memory_space<hbm>>, %arg5: memref<50000x48xf32, #tpu.memory_space<hbm>>, %arg6: memref<2x125xi32, #tpu.memory_space<vmem>>, %arg7: memref<2x125xi32, #tpu.memory_space<vmem>>, %arg8: memref<2x125xi32, #tpu.memory_space<vmem>>, %arg9: memref<2x125xi32, #tpu.memory_space<vmem>>, %arg10: memref<250x48xf32, #tpu.memory_space<vmem>>, %arg11: memref<250x48xf32, #tpu.memory_space<vmem>>, %arg12: memref<250x48xf32, #tpu.memory_space<vmem>>, %arg13: memref<250x48xf32, #tpu.memory_space<vmem>>, %arg14: memref<25128x48xf32, #tpu.memory_space<vmem_shared>>, %arg15: memref<!tpu.dma_semaphore, #tpu.memory_space<semaphore_mem>>, %arg16: memref<!tpu.dma_semaphore, #tpu.memory_space<semaphore_mem>>, %arg17: memref<!tpu.dma_semaphore, #tpu.memory_space<semaphore_mem>>) attributes {dimension_semantics = [#tpu.dimension_semantics<core_parallel>, #tpu.dimension_semantics<subcore_parallel>], iteration_bounds = array<i64: 2, 16>, scalar_prefetch = 0 : i64, scratch_operands = 12 : i64, tpu.core_type = #tpu.core_type<sc_vector_subcore>, window_params = [{transform_indices = #map}, {transform_indices = #map1}, {transform_indices = #map1}, {transform_indices = #map1}]} {
    %lt3A = arith.constant 8 : i32
    %lt3A_0 = arith.cmpi slt, %arg1, %lt3A : i32
    %convert_element_type3A = arith.extui %lt3A_0 : i1 to i32
    %cond3A = arith.constant 0 : i32
    %cond3A_1 = arith.cmpi ne, %convert_element_type3A, %cond3A : i32
    scf.if %cond3A_1 {
      %mul3A = arith.constant 3141 : i32
      %mul3A_13 = arith.muli %arg1, %mul3A : i32
      "tpu.region"() ({
        %run_scoped3A = tpu.sem_alloc : memref<!tpu.dma_semaphore, #tpu.memory_space<semaphore_mem>>
        %dma_start3A = arith.constant 0 : i32
        %dma_start3A_14 = tpu.memref_slice %arg14[%mul3A_13, %dma_start3A] : memref<25128x48xf32, #tpu.memory_space<vmem_shared>> -> memref<3141x48xf32, #tpu.memory_space<vmem_shared>>
        tpu.enqueue_dma source(%arg4 : memref<3141x48xf32, #tpu.memory_space<hbm>>) target(%dma_start3A_14 : memref<3141x48xf32, #tpu.memory_space<vmem_shared>>) target_semaphore(%run_scoped3A : memref<!tpu.dma_semaphore, #tpu.memory_space<semaphore_mem>>)
        %dma_wait3A = arith.constant 0 : i32
        %dma_wait3A_15 = tpu.memref_slice %arg14[%mul3A_13, %dma_wait3A] : memref<25128x48xf32, #tpu.memory_space<vmem_shared>> -> memref<3141x48xf32, #tpu.memory_space<vmem_shared>>
        tpu.wait_dma2 semaphore(%run_scoped3A : memref<!tpu.dma_semaphore, #tpu.memory_space<semaphore_mem>>) src(%arg4 : memref<3141x48xf32, #tpu.memory_space<hbm>>) dst(%dma_wait3A_15 : memref<3141x48xf32, #tpu.memory_space<vmem_shared>>)
        tpu.yield
      }) : () -> ()
    } else {
    }
    %barrier3A = arith.constant 0 : index
    tpu.barrier barrier_id(%barrier3A)
    %scan3A = arith.constant 0 : i32
    %scan3A_2 = arith.constant 0 : i32
    %scan3A_3 = arith.constant 50 : i32
    %scan3A_4 = arith.addi %scan3A_2, %scan3A_3 : i32
    %scan3A_5 = arith.constant 1 : i32
    scf.for %scan3A_13 = %scan3A_2 to %scan3A_4 step %scan3A_5  : i32 {
      %mul3A = arith.constant 2 : i32
      %mul3A_14 = arith.muli %mul3A, %scan3A_13 : i32
      %mul3A_15 = arith.constant 25000 : i32
      %mul3A_16 = arith.muli %arg1, %mul3A_15 : i32
      %mul3A_17 = arith.constant 250 : i32
      %mul3A_18 = arith.muli %mul3A_14, %mul3A_17 : i32
      %add3A = arith.addi %mul3A_16, %mul3A_18 : i32
      %mul3A_19 = arith.constant 200 : i32
      %mul3A_20 = arith.muli %arg1, %mul3A_19 : i32
      %mul3A_21 = arith.constant 2 : i32
      %mul3A_22 = arith.muli %mul3A_14, %mul3A_21 : i32
      %add3A_23 = arith.addi %mul3A_20, %mul3A_22 : i32
      %dma_start3A = arith.constant 0 : i32
      %dma_start3A_24 = tpu.memref_slice %arg2[%arg0, %add3A_23, %dma_start3A] : memref<2x6400x125xi32, #tpu.memory_space<hbm>> -> memref<1x2x125xi32, #tpu.memory_space<hbm>>
      %dma_start3A_25 = tpu.memref_squeeze %dma_start3A_24 : memref<1x2x125xi32, #tpu.memory_space<hbm>> -> memref<2x125xi32, #tpu.memory_space<hbm>>
      %dma_start3A_26 = arith.constant 0 : i32
      %dma_start3A_27 = tpu.memref_slice %arg2[%arg0, %add3A_23, %dma_start3A_26] : memref<2x6400x125xi32, #tpu.memory_space<hbm>> -> memref<1x2x125xi32, #tpu.memory_space<hbm>>
      %dma_start3A_28 = tpu.memref_squeeze %dma_start3A_27 : memref<1x2x125xi32, #tpu.memory_space<hbm>> -> memref<2x125xi32, #tpu.memory_space<hbm>>
      tpu.enqueue_dma source(%dma_start3A_28 : memref<2x125xi32, #tpu.memory_space<hbm>>) target(%arg6 : memref<2x125xi32, #tpu.memory_space<vmem>>) target_semaphore(%arg15 : memref<!tpu.dma_semaphore, #tpu.memory_space<semaphore_mem>>)
      %add3A_29 = arith.constant 3200 : i32
      %add3A_30 = arith.addi %add3A_23, %add3A_29 : i32
      %dma_start3A_31 = arith.constant 0 : i32
      %dma_start3A_32 = tpu.memref_slice %arg2[%arg0, %add3A_30, %dma_start3A_31] : memref<2x6400x125xi32, #tpu.memory_space<hbm>> -> memref<1x2x125xi32, #tpu.memory_space<hbm>>
      %dma_start3A_33 = tpu.memref_squeeze %dma_start3A_32 : memref<1x2x125xi32, #tpu.memory_space<hbm>> -> memref<2x125xi32, #tpu.memory_space<hbm>>
      %dma_start3A_34 = arith.constant 0 : i32
      %dma_start3A_35 = tpu.memref_slice %arg2[%arg0, %add3A_30, %dma_start3A_34] : memref<2x6400x125xi32, #tpu.memory_space<hbm>> -> memref<1x2x125xi32, #tpu.memory_space<hbm>>
      %dma_start3A_36 = tpu.memref_squeeze %dma_start3A_35 : memref<1x2x125xi32, #tpu.memory_space<hbm>> -> memref<2x125xi32, #tpu.memory_space<hbm>>
      tpu.enqueue_dma source(%dma_start3A_36 : memref<2x125xi32, #tpu.memory_space<hbm>>) target(%arg7 : memref<2x125xi32, #tpu.memory_space<vmem>>) target_semaphore(%arg15 : memref<!tpu.dma_semaphore, #tpu.memory_space<semaphore_mem>>)
      %dma_start3A_37 = arith.constant 0 : i32
      %dma_start3A_38 = tpu.memref_slice %arg3[%add3A, %dma_start3A_37] : memref<400000x128xf32, #tpu.memory_space<hbm>> -> memref<250x48xf32, #tpu.memory_space<hbm>>
      %dma_start3A_39 = arith.constant 0 : i32
      %dma_start3A_40 = tpu.memref_slice %arg3[%add3A, %dma_start3A_39] : memref<400000x128xf32, #tpu.memory_space<hbm>> -> memref<250x48xf32, #tpu.memory_space<hbm>>
      tpu.enqueue_dma source(%dma_start3A_40 : memref<250x48xf32, #tpu.memory_space<hbm>>) target(%arg10 : memref<250x48xf32, #tpu.memory_space<vmem>>) target_semaphore(%arg15 : memref<!tpu.dma_semaphore, #tpu.memory_space<semaphore_mem>>)
      %dma_start3A_41 = arith.constant 48 : i32
      %dma_start3A_42 = tpu.memref_slice %arg3[%add3A, %dma_start3A_41] : memref<400000x128xf32, #tpu.memory_space<hbm>> -> memref<250x48xf32, #tpu.memory_space<hbm>>
      %dma_start3A_43 = arith.constant 48 : i32
      %dma_start3A_44 = tpu.memref_slice %arg3[%add3A, %dma_start3A_43] : memref<400000x128xf32, #tpu.memory_space<hbm>> -> memref<250x48xf32, #tpu.memory_space<hbm>>
      tpu.enqueue_dma source(%dma_start3A_44 : memref<250x48xf32, #tpu.memory_space<hbm>>) target(%arg11 : memref<250x48xf32, #tpu.memory_space<vmem>>) target_semaphore(%arg15 : memref<!tpu.dma_semaphore, #tpu.memory_space<semaphore_mem>>)
      %mul3A_45 = arith.constant 2 : i32
      %mul3A_46 = arith.muli %mul3A_45, %scan3A_13 : i32
      %add3A_47 = arith.constant 1 : i32
      %add3A_48 = arith.addi %mul3A_46, %add3A_47 : i32
      %mul3A_49 = arith.constant 25000 : i32
      %mul3A_50 = arith.muli %arg1, %mul3A_49 : i32
      %mul3A_51 = arith.constant 250 : i32
      %mul3A_52 = arith.muli %add3A_48, %mul3A_51 : i32
      %add3A_53 = arith.addi %mul3A_50, %mul3A_52 : i32
      %mul3A_54 = arith.constant 200 : i32
      %mul3A_55 = arith.muli %arg1, %mul3A_54 : i32
      %mul3A_56 = arith.constant 2 : i32
      %mul3A_57 = arith.muli %add3A_48, %mul3A_56 : i32
      %add3A_58 = arith.addi %mul3A_55, %mul3A_57 : i32
      %dma_start3A_59 = arith.constant 0 : i32
      %dma_start3A_60 = tpu.memref_slice %arg2[%arg0, %add3A_58, %dma_start3A_59] : memref<2x6400x125xi32, #tpu.memory_space<hbm>> -> memref<1x2x125xi32, #tpu.memory_space<hbm>>
      %dma_start3A_61 = tpu.memref_squeeze %dma_start3A_60 : memref<1x2x125xi32, #tpu.memory_space<hbm>> -> memref<2x125xi32, #tpu.memory_space<hbm>>
      %dma_start3A_62 = arith.constant 0 : i32
      %dma_start3A_63 = tpu.memref_slice %arg2[%arg0, %add3A_58, %dma_start3A_62] : memref<2x6400x125xi32, #tpu.memory_space<hbm>> -> memref<1x2x125xi32, #tpu.memory_space<hbm>>
      %dma_start3A_64 = tpu.memref_squeeze %dma_start3A_63 : memref<1x2x125xi32, #tpu.memory_space<hbm>> -> memref<2x125xi32, #tpu.memory_space<hbm>>
      tpu.enqueue_dma source(%dma_start3A_64 : memref<2x125xi32, #tpu.memory_space<hbm>>) target(%arg8 : memref<2x125xi32, #tpu.memory_space<vmem>>) target_semaphore(%arg16 : memref<!tpu.dma_semaphore, #tpu.memory_space<semaphore_mem>>)
      %add3A_65 = arith.constant 3200 : i32
      %add3A_66 = arith.addi %add3A_58, %add3A_65 : i32
      %dma_start3A_67 = arith.constant 0 : i32
      %dma_start3A_68 = tpu.memref_slice %arg2[%arg0, %add3A_66, %dma_start3A_67] : memref<2x6400x125xi32, #tpu.memory_space<hbm>> -> memref<1x2x125xi32, #tpu.memory_space<hbm>>
      %dma_start3A_69 = tpu.memref_squeeze %dma_start3A_68 : memref<1x2x125xi32, #tpu.memory_space<hbm>> -> memref<2x125xi32, #tpu.memory_space<hbm>>
      %dma_start3A_70 = arith.constant 0 : i32
      %dma_start3A_71 = tpu.memref_slice %arg2[%arg0, %add3A_66, %dma_start3A_70] : memref<2x6400x125xi32, #tpu.memory_space<hbm>> -> memref<1x2x125xi32, #tpu.memory_space<hbm>>
      %dma_start3A_72 = tpu.memref_squeeze %dma_start3A_71 : memref<1x2x125xi32, #tpu.memory_space<hbm>> -> memref<2x125xi32, #tpu.memory_space<hbm>>
      tpu.enqueue_dma source(%dma_start3A_72 : memref<2x125xi32, #tpu.memory_space<hbm>>) target(%arg9 : memref<2x125xi32, #tpu.memory_space<vmem>>) target_semaphore(%arg16 : memref<!tpu.dma_semaphore, #tpu.memory_space<semaphore_mem>>)
      %dma_start3A_73 = arith.constant 0 : i32
      %dma_start3A_74 = tpu.memref_slice %arg3[%add3A_53, %dma_start3A_73] : memref<400000x128xf32, #tpu.memory_space<hbm>> -> memref<250x48xf32, #tpu.memory_space<hbm>>
      %dma_start3A_75 = arith.constant 0 : i32
      %dma_start3A_76 = tpu.memref_slice %arg3[%add3A_53, %dma_start3A_75] : memref<400000x128xf32, #tpu.memory_space<hbm>> -> memref<250x48xf32, #tpu.memory_space<hbm>>
      tpu.enqueue_dma source(%dma_start3A_76 : memref<250x48xf32, #tpu.memory_space<hbm>>) target(%arg12 : memref<250x48xf32, #tpu.memory_space<vmem>>) target_semaphore(%arg16 : memref<!tpu.dma_semaphore, #tpu.memory_space<semaphore_mem>>)
      %dma_start3A_77 = arith.constant 48 : i32
      %dma_start3A_78 = tpu.memref_slice %arg3[%add3A_53, %dma_start3A_77] : memref<400000x128xf32, #tpu.memory_space<hbm>> -> memref<250x48xf32, #tpu.memory_space<hbm>>
      %dma_start3A_79 = arith.constant 48 : i32
      %dma_start3A_80 = tpu.memref_slice %arg3[%add3A_53, %dma_start3A_79] : memref<400000x128xf32, #tpu.memory_space<hbm>> -> memref<250x48xf32, #tpu.memory_space<hbm>>
      tpu.enqueue_dma source(%dma_start3A_80 : memref<250x48xf32, #tpu.memory_space<hbm>>) target(%arg13 : memref<250x48xf32, #tpu.memory_space<vmem>>) target_semaphore(%arg16 : memref<!tpu.dma_semaphore, #tpu.memory_space<semaphore_mem>>)
      %dma_wait3A = arith.constant 0 : i32
      %dma_wait3A_81 = tpu.memref_slice %arg2[%arg0, %add3A_23, %dma_wait3A] : memref<2x6400x125xi32, #tpu.memory_space<hbm>> -> memref<1x2x125xi32, #tpu.memory_space<hbm>>
      %dma_wait3A_82 = tpu.memref_squeeze %dma_wait3A_81 : memref<1x2x125xi32, #tpu.memory_space<hbm>> -> memref<2x125xi32, #tpu.memory_space<hbm>>
      %dma_wait3A_83 = arith.constant 0 : i32
      %dma_wait3A_84 = tpu.memref_slice %arg2[%arg0, %add3A_23, %dma_wait3A_83] : memref<2x6400x125xi32, #tpu.memory_space<hbm>> -> memref<1x2x125xi32, #tpu.memory_space<hbm>>
      %dma_wait3A_85 = tpu.memref_squeeze %dma_wait3A_84 : memref<1x2x125xi32, #tpu.memory_space<hbm>> -> memref<2x125xi32, #tpu.memory_space<hbm>>
      tpu.wait_dma2 semaphore(%arg15 : memref<!tpu.dma_semaphore, #tpu.memory_space<semaphore_mem>>) src(%dma_wait3A_85 : memref<2x125xi32, #tpu.memory_space<hbm>>) dst(%arg6 : memref<2x125xi32, #tpu.memory_space<vmem>>)
      %dma_wait3A_86 = arith.constant 0 : i32
      %dma_wait3A_87 = tpu.memref_slice %arg2[%arg0, %add3A_30, %dma_wait3A_86] : memref<2x6400x125xi32, #tpu.memory_space<hbm>> -> memref<1x2x125xi32, #tpu.memory_space<hbm>>
      %dma_wait3A_88 = tpu.memref_squeeze %dma_wait3A_87 : memref<1x2x125xi32, #tpu.memory_space<hbm>> -> memref<2x125xi32, #tpu.memory_space<hbm>>
      %dma_wait3A_89 = arith.constant 0 : i32
      %dma_wait3A_90 = tpu.memref_slice %arg2[%arg0, %add3A_30, %dma_wait3A_89] : memref<2x6400x125xi32, #tpu.memory_space<hbm>> -> memref<1x2x125xi32, #tpu.memory_space<hbm>>
      %dma_wait3A_91 = tpu.memref_squeeze %dma_wait3A_90 : memref<1x2x125xi32, #tpu.memory_space<hbm>> -> memref<2x125xi32, #tpu.memory_space<hbm>>
      tpu.wait_dma2 semaphore(%arg15 : memref<!tpu.dma_semaphore, #tpu.memory_space<semaphore_mem>>) src(%dma_wait3A_91 : memref<2x125xi32, #tpu.memory_space<hbm>>) dst(%arg7 : memref<2x125xi32, #tpu.memory_space<vmem>>)
      %dma_wait3A_92 = arith.constant 0 : i32
      %dma_wait3A_93 = tpu.memref_slice %arg3[%add3A, %dma_wait3A_92] : memref<400000x128xf32, #tpu.memory_space<hbm>> -> memref<250x48xf32, #tpu.memory_space<hbm>>
      %dma_wait3A_94 = arith.constant 0 : i32
      %dma_wait3A_95 = tpu.memref_slice %arg3[%add3A, %dma_wait3A_94] : memref<400000x128xf32, #tpu.memory_space<hbm>> -> memref<250x48xf32, #tpu.memory_space<hbm>>
      tpu.wait_dma2 semaphore(%arg15 : memref<!tpu.dma_semaphore, #tpu.memory_space<semaphore_mem>>) src(%dma_wait3A_95 : memref<250x48xf32, #tpu.memory_space<hbm>>) dst(%arg10 : memref<250x48xf32, #tpu.memory_space<vmem>>)
      %dma_wait3A_96 = arith.constant 48 : i32
      %dma_wait3A_97 = tpu.memref_slice %arg3[%add3A, %dma_wait3A_96] : memref<400000x128xf32, #tpu.memory_space<hbm>> -> memref<250x48xf32, #tpu.memory_space<hbm>>
      %dma_wait3A_98 = arith.constant 48 : i32
      %dma_wait3A_99 = tpu.memref_slice %arg3[%add3A, %dma_wait3A_98] : memref<400000x128xf32, #tpu.memory_space<hbm>> -> memref<250x48xf32, #tpu.memory_space<hbm>>
      tpu.wait_dma2 semaphore(%arg15 : memref<!tpu.dma_semaphore, #tpu.memory_space<semaphore_mem>>) src(%dma_wait3A_99 : memref<250x48xf32, #tpu.memory_space<hbm>>) dst(%arg11 : memref<250x48xf32, #tpu.memory_space<vmem>>)
      %dma_start3A_100 = arith.constant 0 : i32
      %dma_start3A_101 = arith.constant 0 : i32
      %dma_start3A_102 = arith.constant 0 : i32
      %dma_start3A_103 = tpu.memref_slice %arg10[%dma_start3A_101, %dma_start3A_102] : memref<250x48xf32, #tpu.memory_space<vmem>> -> memref<125x48xf32, #tpu.memory_space<vmem>>
      %dma_start3A_104 = arith.constant 0 : i32
      %dma_start3A_105 = tpu.memref_slice %arg6[%dma_start3A_100, %dma_start3A_104] : memref<2x125xi32, #tpu.memory_space<vmem>> -> memref<1x125xi32, #tpu.memory_space<vmem>>
      %dma_start3A_106 = tpu.memref_squeeze %dma_start3A_105 : memref<1x125xi32, #tpu.memory_space<vmem>> -> memref<125xi32, #tpu.memory_space<vmem>>
      %dma_start3A_107 = arith.constant 0 : i32
      %dma_start3A_108 = arith.constant 0 : i32
      %dma_start3A_109 = tpu.memref_slice %arg14[%dma_start3A_107, %dma_start3A_108] : memref<25128x48xf32, #tpu.memory_space<vmem_shared>> -> memref<25128x48xf32, #tpu.memory_space<vmem_shared>>
      tpu.enqueue_indirect_dma source(%dma_start3A_103 : memref<125x48xf32, #tpu.memory_space<vmem>>) target(%dma_start3A_109 : memref<25128x48xf32, #tpu.memory_space<vmem_shared>>) offsets(%dma_start3A_106 : memref<125xi32, #tpu.memory_space<vmem>>) semaphore(%arg17 : memref<!tpu.dma_semaphore, #tpu.memory_space<semaphore_mem>>) {add = true}
      %dma_start3A_110 = arith.constant 0 : i32
      %dma_start3A_111 = arith.constant 0 : i32
      %dma_start3A_112 = arith.constant 0 : i32
      %dma_start3A_113 = tpu.memref_slice %arg11[%dma_start3A_111, %dma_start3A_112] : memref<250x48xf32, #tpu.memory_space<vmem>> -> memref<125x48xf32, #tpu.memory_space<vmem>>
      %dma_start3A_114 = arith.constant 0 : i32
      %dma_start3A_115 = tpu.memref_slice %arg7[%dma_start3A_110, %dma_start3A_114] : memref<2x125xi32, #tpu.memory_space<vmem>> -> memref<1x125xi32, #tpu.memory_space<vmem>>
      %dma_start3A_116 = tpu.memref_squeeze %dma_start3A_115 : memref<1x125xi32, #tpu.memory_space<vmem>> -> memref<125xi32, #tpu.memory_space<vmem>>
      %dma_start3A_117 = arith.constant 0 : i32
      %dma_start3A_118 = arith.constant 0 : i32
      %dma_start3A_119 = tpu.memref_slice %arg14[%dma_start3A_117, %dma_start3A_118] : memref<25128x48xf32, #tpu.memory_space<vmem_shared>> -> memref<25128x48xf32, #tpu.memory_space<vmem_shared>>
      tpu.enqueue_indirect_dma source(%dma_start3A_113 : memref<125x48xf32, #tpu.memory_space<vmem>>) target(%dma_start3A_119 : memref<25128x48xf32, #tpu.memory_space<vmem_shared>>) offsets(%dma_start3A_116 : memref<125xi32, #tpu.memory_space<vmem>>) semaphore(%arg17 : memref<!tpu.dma_semaphore, #tpu.memory_space<semaphore_mem>>) {add = true}
      %dma_start3A_120 = arith.constant 1 : i32
      %dma_start3A_121 = arith.constant 125 : i32
      %dma_start3A_122 = arith.constant 0 : i32
      %dma_start3A_123 = tpu.memref_slice %arg10[%dma_start3A_121, %dma_start3A_122] : memref<250x48xf32, #tpu.memory_space<vmem>> -> memref<125x48xf32, #tpu.memory_space<vmem>>
      %dma_start3A_124 = arith.constant 0 : i32
      %dma_start3A_125 = tpu.memref_slice %arg6[%dma_start3A_120, %dma_start3A_124] : memref<2x125xi32, #tpu.memory_space<vmem>> -> memref<1x125xi32, #tpu.memory_space<vmem>>
      %dma_start3A_126 = tpu.memref_squeeze %dma_start3A_125 : memref<1x125xi32, #tpu.memory_space<vmem>> -> memref<125xi32, #tpu.memory_space<vmem>>
      %dma_start3A_127 = arith.constant 0 : i32
      %dma_start3A_128 = arith.constant 0 : i32
      %dma_start3A_129 = tpu.memref_slice %arg14[%dma_start3A_127, %dma_start3A_128] : memref<25128x48xf32, #tpu.memory_space<vmem_shared>> -> memref<25128x48xf32, #tpu.memory_space<vmem_shared>>
      tpu.enqueue_indirect_dma source(%dma_start3A_123 : memref<125x48xf32, #tpu.memory_space<vmem>>) target(%dma_start3A_129 : memref<25128x48xf32, #tpu.memory_space<vmem_shared>>) offsets(%dma_start3A_126 : memref<125xi32, #tpu.memory_space<vmem>>) semaphore(%arg17 : memref<!tpu.dma_semaphore, #tpu.memory_space<semaphore_mem>>) {add = true}
      %dma_start3A_130 = arith.constant 1 : i32
      %dma_start3A_131 = arith.constant 125 : i32
      %dma_start3A_132 = arith.constant 0 : i32
      %dma_start3A_133 = tpu.memref_slice %arg11[%dma_start3A_131, %dma_start3A_132] : memref<250x48xf32, #tpu.memory_space<vmem>> -> memref<125x48xf32, #tpu.memory_space<vmem>>
      %dma_start3A_134 = arith.constant 0 : i32
      %dma_start3A_135 = tpu.memref_slice %arg7[%dma_start3A_130, %dma_start3A_134] : memref<2x125xi32, #tpu.memory_space<vmem>> -> memref<1x125xi32, #tpu.memory_space<vmem>>
      %dma_start3A_136 = tpu.memref_squeeze %dma_start3A_135 : memref<1x125xi32, #tpu.memory_space<vmem>> -> memref<125xi32, #tpu.memory_space<vmem>>
      %dma_start3A_137 = arith.constant 0 : i32
      %dma_start3A_138 = arith.constant 0 : i32
      %dma_start3A_139 = tpu.memref_slice %arg14[%dma_start3A_137, %dma_start3A_138] : memref<25128x48xf32, #tpu.memory_space<vmem_shared>> -> memref<25128x48xf32, #tpu.memory_space<vmem_shared>>
      tpu.enqueue_indirect_dma source(%dma_start3A_133 : memref<125x48xf32, #tpu.memory_space<vmem>>) target(%dma_start3A_139 : memref<25128x48xf32, #tpu.memory_space<vmem_shared>>) offsets(%dma_start3A_136 : memref<125xi32, #tpu.memory_space<vmem>>) semaphore(%arg17 : memref<!tpu.dma_semaphore, #tpu.memory_space<semaphore_mem>>) {add = true}
      %dma_wait3A_140 = arith.constant 0 : i32
      %dma_wait3A_141 = tpu.memref_slice %arg2[%arg0, %add3A_58, %dma_wait3A_140] : memref<2x6400x125xi32, #tpu.memory_space<hbm>> -> memref<1x2x125xi32, #tpu.memory_space<hbm>>
      %dma_wait3A_142 = tpu.memref_squeeze %dma_wait3A_141 : memref<1x2x125xi32, #tpu.memory_space<hbm>> -> memref<2x125xi32, #tpu.memory_space<hbm>>
      %dma_wait3A_143 = arith.constant 0 : i32
      %dma_wait3A_144 = tpu.memref_slice %arg2[%arg0, %add3A_58, %dma_wait3A_143] : memref<2x6400x125xi32, #tpu.memory_space<hbm>> -> memref<1x2x125xi32, #tpu.memory_space<hbm>>
      %dma_wait3A_145 = tpu.memref_squeeze %dma_wait3A_144 : memref<1x2x125xi32, #tpu.memory_space<hbm>> -> memref<2x125xi32, #tpu.memory_space<hbm>>
      tpu.wait_dma2 semaphore(%arg16 : memref<!tpu.dma_semaphore, #tpu.memory_space<semaphore_mem>>) src(%dma_wait3A_145 : memref<2x125xi32, #tpu.memory_space<hbm>>) dst(%arg8 : memref<2x125xi32, #tpu.memory_space<vmem>>)
      %dma_wait3A_146 = arith.constant 0 : i32
      %dma_wait3A_147 = tpu.memref_slice %arg2[%arg0, %add3A_66, %dma_wait3A_146] : memref<2x6400x125xi32, #tpu.memory_space<hbm>> -> memref<1x2x125xi32, #tpu.memory_space<hbm>>
      %dma_wait3A_148 = tpu.memref_squeeze %dma_wait3A_147 : memref<1x2x125xi32, #tpu.memory_space<hbm>> -> memref<2x125xi32, #tpu.memory_space<hbm>>
      %dma_wait3A_149 = arith.constant 0 : i32
      %dma_wait3A_150 = tpu.memref_slice %arg2[%arg0, %add3A_66, %dma_wait3A_149] : memref<2x6400x125xi32, #tpu.memory_space<hbm>> -> memref<1x2x125xi32, #tpu.memory_space<hbm>>
      %dma_wait3A_151 = tpu.memref_squeeze %dma_wait3A_150 : memref<1x2x125xi32, #tpu.memory_space<hbm>> -> memref<2x125xi32, #tpu.memory_space<hbm>>
      tpu.wait_dma2 semaphore(%arg16 : memref<!tpu.dma_semaphore, #tpu.memory_space<semaphore_mem>>) src(%dma_wait3A_151 : memref<2x125xi32, #tpu.memory_space<hbm>>) dst(%arg9 : memref<2x125xi32, #tpu.memory_space<vmem>>)
      %dma_wait3A_152 = arith.constant 0 : i32
      %dma_wait3A_153 = tpu.memref_slice %arg3[%add3A_53, %dma_wait3A_152] : memref<400000x128xf32, #tpu.memory_space<hbm>> -> memref<250x48xf32, #tpu.memory_space<hbm>>
      %dma_wait3A_154 = arith.constant 0 : i32
      %dma_wait3A_155 = tpu.memref_slice %arg3[%add3A_53, %dma_wait3A_154] : memref<400000x128xf32, #tpu.memory_space<hbm>> -> memref<250x48xf32, #tpu.memory_space<hbm>>
      tpu.wait_dma2 semaphore(%arg16 : memref<!tpu.dma_semaphore, #tpu.memory_space<semaphore_mem>>) src(%dma_wait3A_155 : memref<250x48xf32, #tpu.memory_space<hbm>>) dst(%arg12 : memref<250x48xf32, #tpu.memory_space<vmem>>)
      %dma_wait3A_156 = arith.constant 48 : i32
      %dma_wait3A_157 = tpu.memref_slice %arg3[%add3A_53, %dma_wait3A_156] : memref<400000x128xf32, #tpu.memory_space<hbm>> -> memref<250x48xf32, #tpu.memory_space<hbm>>
      %dma_wait3A_158 = arith.constant 48 : i32
      %dma_wait3A_159 = tpu.memref_slice %arg3[%add3A_53, %dma_wait3A_158] : memref<400000x128xf32, #tpu.memory_space<hbm>> -> memref<250x48xf32, #tpu.memory_space<hbm>>
      tpu.wait_dma2 semaphore(%arg16 : memref<!tpu.dma_semaphore, #tpu.memory_space<semaphore_mem>>) src(%dma_wait3A_159 : memref<250x48xf32, #tpu.memory_space<hbm>>) dst(%arg13 : memref<250x48xf32, #tpu.memory_space<vmem>>)
      %dma_start3A_160 = arith.constant 0 : i32
      %dma_start3A_161 = arith.constant 0 : i32
      %dma_start3A_162 = arith.constant 0 : i32
      %dma_start3A_163 = tpu.memref_slice %arg12[%dma_start3A_161, %dma_start3A_162] : memref<250x48xf32, #tpu.memory_space<vmem>> -> memref<125x48xf32, #tpu.memory_space<vmem>>
      %dma_start3A_164 = arith.constant 0 : i32
      %dma_start3A_165 = tpu.memref_slice %arg8[%dma_start3A_160, %dma_start3A_164] : memref<2x125xi32, #tpu.memory_space<vmem>> -> memref<1x125xi32, #tpu.memory_space<vmem>>
      %dma_start3A_166 = tpu.memref_squeeze %dma_start3A_165 : memref<1x125xi32, #tpu.memory_space<vmem>> -> memref<125xi32, #tpu.memory_space<vmem>>
      %dma_start3A_167 = arith.constant 0 : i32
      %dma_start3A_168 = arith.constant 0 : i32
      %dma_start3A_169 = tpu.memref_slice %arg14[%dma_start3A_167, %dma_start3A_168] : memref<25128x48xf32, #tpu.memory_space<vmem_shared>> -> memref<25128x48xf32, #tpu.memory_space<vmem_shared>>
      tpu.enqueue_indirect_dma source(%dma_start3A_163 : memref<125x48xf32, #tpu.memory_space<vmem>>) target(%dma_start3A_169 : memref<25128x48xf32, #tpu.memory_space<vmem_shared>>) offsets(%dma_start3A_166 : memref<125xi32, #tpu.memory_space<vmem>>) semaphore(%arg17 : memref<!tpu.dma_semaphore, #tpu.memory_space<semaphore_mem>>) {add = true}
      %dma_start3A_170 = arith.constant 0 : i32
      %dma_start3A_171 = arith.constant 0 : i32
      %dma_start3A_172 = arith.constant 0 : i32
      %dma_start3A_173 = tpu.memref_slice %arg13[%dma_start3A_171, %dma_start3A_172] : memref<250x48xf32, #tpu.memory_space<vmem>> -> memref<125x48xf32, #tpu.memory_space<vmem>>
      %dma_start3A_174 = arith.constant 0 : i32
      %dma_start3A_175 = tpu.memref_slice %arg9[%dma_start3A_170, %dma_start3A_174] : memref<2x125xi32, #tpu.memory_space<vmem>> -> memref<1x125xi32, #tpu.memory_space<vmem>>
      %dma_start3A_176 = tpu.memref_squeeze %dma_start3A_175 : memref<1x125xi32, #tpu.memory_space<vmem>> -> memref<125xi32, #tpu.memory_space<vmem>>
      %dma_start3A_177 = arith.constant 0 : i32
      %dma_start3A_178 = arith.constant 0 : i32
      %dma_start3A_179 = tpu.memref_slice %arg14[%dma_start3A_177, %dma_start3A_178] : memref<25128x48xf32, #tpu.memory_space<vmem_shared>> -> memref<25128x48xf32, #tpu.memory_space<vmem_shared>>
      tpu.enqueue_indirect_dma source(%dma_start3A_173 : memref<125x48xf32, #tpu.memory_space<vmem>>) target(%dma_start3A_179 : memref<25128x48xf32, #tpu.memory_space<vmem_shared>>) offsets(%dma_start3A_176 : memref<125xi32, #tpu.memory_space<vmem>>) semaphore(%arg17 : memref<!tpu.dma_semaphore, #tpu.memory_space<semaphore_mem>>) {add = true}
      %dma_start3A_180 = arith.constant 1 : i32
      %dma_start3A_181 = arith.constant 125 : i32
      %dma_start3A_182 = arith.constant 0 : i32
      %dma_start3A_183 = tpu.memref_slice %arg12[%dma_start3A_181, %dma_start3A_182] : memref<250x48xf32, #tpu.memory_space<vmem>> -> memref<125x48xf32, #tpu.memory_space<vmem>>
      %dma_start3A_184 = arith.constant 0 : i32
      %dma_start3A_185 = tpu.memref_slice %arg8[%dma_start3A_180, %dma_start3A_184] : memref<2x125xi32, #tpu.memory_space<vmem>> -> memref<1x125xi32, #tpu.memory_space<vmem>>
      %dma_start3A_186 = tpu.memref_squeeze %dma_start3A_185 : memref<1x125xi32, #tpu.memory_space<vmem>> -> memref<125xi32, #tpu.memory_space<vmem>>
      %dma_start3A_187 = arith.constant 0 : i32
      %dma_start3A_188 = arith.constant 0 : i32
      %dma_start3A_189 = tpu.memref_slice %arg14[%dma_start3A_187, %dma_start3A_188] : memref<25128x48xf32, #tpu.memory_space<vmem_shared>> -> memref<25128x48xf32, #tpu.memory_space<vmem_shared>>
      tpu.enqueue_indirect_dma source(%dma_start3A_183 : memref<125x48xf32, #tpu.memory_space<vmem>>) target(%dma_start3A_189 : memref<25128x48xf32, #tpu.memory_space<vmem_shared>>) offsets(%dma_start3A_186 : memref<125xi32, #tpu.memory_space<vmem>>) semaphore(%arg17 : memref<!tpu.dma_semaphore, #tpu.memory_space<semaphore_mem>>) {add = true}
      %dma_start3A_190 = arith.constant 1 : i32
      %dma_start3A_191 = arith.constant 125 : i32
      %dma_start3A_192 = arith.constant 0 : i32
      %dma_start3A_193 = tpu.memref_slice %arg13[%dma_start3A_191, %dma_start3A_192] : memref<250x48xf32, #tpu.memory_space<vmem>> -> memref<125x48xf32, #tpu.memory_space<vmem>>
      %dma_start3A_194 = arith.constant 0 : i32
      %dma_start3A_195 = tpu.memref_slice %arg9[%dma_start3A_190, %dma_start3A_194] : memref<2x125xi32, #tpu.memory_space<vmem>> -> memref<1x125xi32, #tpu.memory_space<vmem>>
      %dma_start3A_196 = tpu.memref_squeeze %dma_start3A_195 : memref<1x125xi32, #tpu.memory_space<vmem>> -> memref<125xi32, #tpu.memory_space<vmem>>
      %dma_start3A_197 = arith.constant 0 : i32
      %dma_start3A_198 = arith.constant 0 : i32
      %dma_start3A_199 = tpu.memref_slice %arg14[%dma_start3A_197, %dma_start3A_198] : memref<25128x48xf32, #tpu.memory_space<vmem_shared>> -> memref<25128x48xf32, #tpu.memory_space<vmem_shared>>
      tpu.enqueue_indirect_dma source(%dma_start3A_193 : memref<125x48xf32, #tpu.memory_space<vmem>>) target(%dma_start3A_199 : memref<25128x48xf32, #tpu.memory_space<vmem_shared>>) offsets(%dma_start3A_196 : memref<125xi32, #tpu.memory_space<vmem>>) semaphore(%arg17 : memref<!tpu.dma_semaphore, #tpu.memory_space<semaphore_mem>>) {add = true}
      %dma_wait3A_200 = arith.constant 0 : i32
      %dma_wait3A_201 = arith.constant 0 : i32
      %dma_wait3A_202 = arith.constant 0 : i32
      %dma_wait3A_203 = tpu.memref_slice %arg10[%dma_wait3A_201, %dma_wait3A_202] : memref<250x48xf32, #tpu.memory_space<vmem>> -> memref<125x48xf32, #tpu.memory_space<vmem>>
      %dma_wait3A_204 = arith.constant 0 : i32
      %dma_wait3A_205 = tpu.memref_slice %arg6[%dma_wait3A_200, %dma_wait3A_204] : memref<2x125xi32, #tpu.memory_space<vmem>> -> memref<1x125xi32, #tpu.memory_space<vmem>>
      %dma_wait3A_206 = tpu.memref_squeeze %dma_wait3A_205 : memref<1x125xi32, #tpu.memory_space<vmem>> -> memref<125xi32, #tpu.memory_space<vmem>>
      %dma_wait3A_207 = arith.constant 0 : i32
      %dma_wait3A_208 = arith.constant 0 : i32
      %dma_wait3A_209 = tpu.memref_slice %arg14[%dma_wait3A_207, %dma_wait3A_208] : memref<25128x48xf32, #tpu.memory_space<vmem_shared>> -> memref<25128x48xf32, #tpu.memory_space<vmem_shared>>
      tpu.wait_indirect_dma semaphore(%arg17 : memref<!tpu.dma_semaphore, #tpu.memory_space<semaphore_mem>>) src(%dma_wait3A_203 : memref<125x48xf32, #tpu.memory_space<vmem>>) dst(%dma_wait3A_209 : memref<25128x48xf32, #tpu.memory_space<vmem_shared>>)
      %dma_wait3A_210 = arith.constant 0 : i32
      %dma_wait3A_211 = arith.constant 0 : i32
      %dma_wait3A_212 = arith.constant 0 : i32
      %dma_wait3A_213 = tpu.memref_slice %arg11[%dma_wait3A_211, %dma_wait3A_212] : memref<250x48xf32, #tpu.memory_space<vmem>> -> memref<125x48xf32, #tpu.memory_space<vmem>>
      %dma_wait3A_214 = arith.constant 0 : i32
      %dma_wait3A_215 = tpu.memref_slice %arg7[%dma_wait3A_210, %dma_wait3A_214] : memref<2x125xi32, #tpu.memory_space<vmem>> -> memref<1x125xi32, #tpu.memory_space<vmem>>
      %dma_wait3A_216 = tpu.memref_squeeze %dma_wait3A_215 : memref<1x125xi32, #tpu.memory_space<vmem>> -> memref<125xi32, #tpu.memory_space<vmem>>
      %dma_wait3A_217 = arith.constant 0 : i32
      %dma_wait3A_218 = arith.constant 0 : i32
      %dma_wait3A_219 = tpu.memref_slice %arg14[%dma_wait3A_217, %dma_wait3A_218] : memref<25128x48xf32, #tpu.memory_space<vmem_shared>> -> memref<25128x48xf32, #tpu.memory_space<vmem_shared>>
      tpu.wait_indirect_dma semaphore(%arg17 : memref<!tpu.dma_semaphore, #tpu.memory_space<semaphore_mem>>) src(%dma_wait3A_213 : memref<125x48xf32, #tpu.memory_space<vmem>>) dst(%dma_wait3A_219 : memref<25128x48xf32, #tpu.memory_space<vmem_shared>>)
      %dma_wait3A_220 = arith.constant 1 : i32
      %dma_wait3A_221 = arith.constant 125 : i32
      %dma_wait3A_222 = arith.constant 0 : i32
      %dma_wait3A_223 = tpu.memref_slice %arg10[%dma_wait3A_221, %dma_wait3A_222] : memref<250x48xf32, #tpu.memory_space<vmem>> -> memref<125x48xf32, #tpu.memory_space<vmem>>
      %dma_wait3A_224 = arith.constant 0 : i32
      %dma_wait3A_225 = tpu.memref_slice %arg6[%dma_wait3A_220, %dma_wait3A_224] : memref<2x125xi32, #tpu.memory_space<vmem>> -> memref<1x125xi32, #tpu.memory_space<vmem>>
      %dma_wait3A_226 = tpu.memref_squeeze %dma_wait3A_225 : memref<1x125xi32, #tpu.memory_space<vmem>> -> memref<125xi32, #tpu.memory_space<vmem>>
      %dma_wait3A_227 = arith.constant 0 : i32
      %dma_wait3A_228 = arith.constant 0 : i32
      %dma_wait3A_229 = tpu.memref_slice %arg14[%dma_wait3A_227, %dma_wait3A_228] : memref<25128x48xf32, #tpu.memory_space<vmem_shared>> -> memref<25128x48xf32, #tpu.memory_space<vmem_shared>>
      tpu.wait_indirect_dma semaphore(%arg17 : memref<!tpu.dma_semaphore, #tpu.memory_space<semaphore_mem>>) src(%dma_wait3A_223 : memref<125x48xf32, #tpu.memory_space<vmem>>) dst(%dma_wait3A_229 : memref<25128x48xf32, #tpu.memory_space<vmem_shared>>)
      %dma_wait3A_230 = arith.constant 1 : i32
      %dma_wait3A_231 = arith.constant 125 : i32
      %dma_wait3A_232 = arith.constant 0 : i32
      %dma_wait3A_233 = tpu.memref_slice %arg11[%dma_wait3A_231, %dma_wait3A_232] : memref<250x48xf32, #tpu.memory_space<vmem>> -> memref<125x48xf32, #tpu.memory_space<vmem>>
      %dma_wait3A_234 = arith.constant 0 : i32
      %dma_wait3A_235 = tpu.memref_slice %arg7[%dma_wait3A_230, %dma_wait3A_234] : memref<2x125xi32, #tpu.memory_space<vmem>> -> memref<1x125xi32, #tpu.memory_space<vmem>>
      %dma_wait3A_236 = tpu.memref_squeeze %dma_wait3A_235 : memref<1x125xi32, #tpu.memory_space<vmem>> -> memref<125xi32, #tpu.memory_space<vmem>>
      %dma_wait3A_237 = arith.constant 0 : i32
      %dma_wait3A_238 = arith.constant 0 : i32
      %dma_wait3A_239 = tpu.memref_slice %arg14[%dma_wait3A_237, %dma_wait3A_238] : memref<25128x48xf32, #tpu.memory_space<vmem_shared>> -> memref<25128x48xf32, #tpu.memory_space<vmem_shared>>
      tpu.wait_indirect_dma semaphore(%arg17 : memref<!tpu.dma_semaphore, #tpu.memory_space<semaphore_mem>>) src(%dma_wait3A_233 : memref<125x48xf32, #tpu.memory_space<vmem>>) dst(%dma_wait3A_239 : memref<25128x48xf32, #tpu.memory_space<vmem_shared>>)
      %dma_wait3A_240 = arith.constant 0 : i32
      %dma_wait3A_241 = arith.constant 0 : i32
      %dma_wait3A_242 = arith.constant 0 : i32
      %dma_wait3A_243 = tpu.memref_slice %arg12[%dma_wait3A_241, %dma_wait3A_242] : memref<250x48xf32, #tpu.memory_space<vmem>> -> memref<125x48xf32, #tpu.memory_space<vmem>>
      %dma_wait3A_244 = arith.constant 0 : i32
      %dma_wait3A_245 = tpu.memref_slice %arg8[%dma_wait3A_240, %dma_wait3A_244] : memref<2x125xi32, #tpu.memory_space<vmem>> -> memref<1x125xi32, #tpu.memory_space<vmem>>
      %dma_wait3A_246 = tpu.memref_squeeze %dma_wait3A_245 : memref<1x125xi32, #tpu.memory_space<vmem>> -> memref<125xi32, #tpu.memory_space<vmem>>
      %dma_wait3A_247 = arith.constant 0 : i32
      %dma_wait3A_248 = arith.constant 0 : i32
      %dma_wait3A_249 = tpu.memref_slice %arg14[%dma_wait3A_247, %dma_wait3A_248] : memref<25128x48xf32, #tpu.memory_space<vmem_shared>> -> memref<25128x48xf32, #tpu.memory_space<vmem_shared>>
      tpu.wait_indirect_dma semaphore(%arg17 : memref<!tpu.dma_semaphore, #tpu.memory_space<semaphore_mem>>) src(%dma_wait3A_243 : memref<125x48xf32, #tpu.memory_space<vmem>>) dst(%dma_wait3A_249 : memref<25128x48xf32, #tpu.memory_space<vmem_shared>>)
      %dma_wait3A_250 = arith.constant 0 : i32
      %dma_wait3A_251 = arith.constant 0 : i32
      %dma_wait3A_252 = arith.constant 0 : i32
      %dma_wait3A_253 = tpu.memref_slice %arg13[%dma_wait3A_251, %dma_wait3A_252] : memref<250x48xf32, #tpu.memory_space<vmem>> -> memref<125x48xf32, #tpu.memory_space<vmem>>
      %dma_wait3A_254 = arith.constant 0 : i32
      %dma_wait3A_255 = tpu.memref_slice %arg9[%dma_wait3A_250, %dma_wait3A_254] : memref<2x125xi32, #tpu.memory_space<vmem>> -> memref<1x125xi32, #tpu.memory_space<vmem>>
      %dma_wait3A_256 = tpu.memref_squeeze %dma_wait3A_255 : memref<1x125xi32, #tpu.memory_space<vmem>> -> memref<125xi32, #tpu.memory_space<vmem>>
      %dma_wait3A_257 = arith.constant 0 : i32
      %dma_wait3A_258 = arith.constant 0 : i32
      %dma_wait3A_259 = tpu.memref_slice %arg14[%dma_wait3A_257, %dma_wait3A_258] : memref<25128x48xf32, #tpu.memory_space<vmem_shared>> -> memref<25128x48xf32, #tpu.memory_space<vmem_shared>>
      tpu.wait_indirect_dma semaphore(%arg17 : memref<!tpu.dma_semaphore, #tpu.memory_space<semaphore_mem>>) src(%dma_wait3A_253 : memref<125x48xf32, #tpu.memory_space<vmem>>) dst(%dma_wait3A_259 : memref<25128x48xf32, #tpu.memory_space<vmem_shared>>)
      %dma_wait3A_260 = arith.constant 1 : i32
      %dma_wait3A_261 = arith.constant 125 : i32
      %dma_wait3A_262 = arith.constant 0 : i32
      %dma_wait3A_263 = tpu.memref_slice %arg12[%dma_wait3A_261, %dma_wait3A_262] : memref<250x48xf32, #tpu.memory_space<vmem>> -> memref<125x48xf32, #tpu.memory_space<vmem>>
      %dma_wait3A_264 = arith.constant 0 : i32
      %dma_wait3A_265 = tpu.memref_slice %arg8[%dma_wait3A_260, %dma_wait3A_264] : memref<2x125xi32, #tpu.memory_space<vmem>> -> memref<1x125xi32, #tpu.memory_space<vmem>>
      %dma_wait3A_266 = tpu.memref_squeeze %dma_wait3A_265 : memref<1x125xi32, #tpu.memory_space<vmem>> -> memref<125xi32, #tpu.memory_space<vmem>>
      %dma_wait3A_267 = arith.constant 0 : i32
      %dma_wait3A_268 = arith.constant 0 : i32
      %dma_wait3A_269 = tpu.memref_slice %arg14[%dma_wait3A_267, %dma_wait3A_268] : memref<25128x48xf32, #tpu.memory_space<vmem_shared>> -> memref<25128x48xf32, #tpu.memory_space<vmem_shared>>
      tpu.wait_indirect_dma semaphore(%arg17 : memref<!tpu.dma_semaphore, #tpu.memory_space<semaphore_mem>>) src(%dma_wait3A_263 : memref<125x48xf32, #tpu.memory_space<vmem>>) dst(%dma_wait3A_269 : memref<25128x48xf32, #tpu.memory_space<vmem_shared>>)
      %dma_wait3A_270 = arith.constant 1 : i32
      %dma_wait3A_271 = arith.constant 125 : i32
      %dma_wait3A_272 = arith.constant 0 : i32
      %dma_wait3A_273 = tpu.memref_slice %arg13[%dma_wait3A_271, %dma_wait3A_272] : memref<250x48xf32, #tpu.memory_space<vmem>> -> memref<125x48xf32, #tpu.memory_space<vmem>>
      %dma_wait3A_274 = arith.constant 0 : i32
      %dma_wait3A_275 = tpu.memref_slice %arg9[%dma_wait3A_270, %dma_wait3A_274] : memref<2x125xi32, #tpu.memory_space<vmem>> -> memref<1x125xi32, #tpu.memory_space<vmem>>
      %dma_wait3A_276 = tpu.memref_squeeze %dma_wait3A_275 : memref<1x125xi32, #tpu.memory_space<vmem>> -> memref<125xi32, #tpu.memory_space<vmem>>
      %dma_wait3A_277 = arith.constant 0 : i32
      %dma_wait3A_278 = arith.constant 0 : i32
      %dma_wait3A_279 = tpu.memref_slice %arg14[%dma_wait3A_277, %dma_wait3A_278] : memref<25128x48xf32, #tpu.memory_space<vmem_shared>> -> memref<25128x48xf32, #tpu.memory_space<vmem_shared>>
      tpu.wait_indirect_dma semaphore(%arg17 : memref<!tpu.dma_semaphore, #tpu.memory_space<semaphore_mem>>) src(%dma_wait3A_273 : memref<125x48xf32, #tpu.memory_space<vmem>>) dst(%dma_wait3A_279 : memref<25128x48xf32, #tpu.memory_space<vmem_shared>>)
    }
    %scan3A_6 = arith.constant 50 : i32
    %barrier3A_7 = arith.constant 0 : index
    tpu.barrier barrier_id(%barrier3A_7)
    %lt3A_8 = arith.constant 8 : i32
    %lt3A_9 = arith.cmpi slt, %arg1, %lt3A_8 : i32
    %convert_element_type3A_10 = arith.extui %lt3A_9 : i1 to i32
    %cond3A_11 = arith.constant 0 : i32
    %cond3A_12 = arith.cmpi ne, %convert_element_type3A_10, %cond3A_11 : i32
    scf.if %cond3A_12 {
      %mul3A = arith.constant 3125 : i32
      %mul3A_13 = arith.muli %arg1, %mul3A : i32
      %mul3A_14 = arith.constant 25000 : i32
      %mul3A_15 = arith.muli %arg0, %mul3A_14 : i32
      %mul3A_16 = arith.constant 3125 : i32
      %mul3A_17 = arith.muli %arg1, %mul3A_16 : i32
      %add3A = arith.addi %mul3A_15, %mul3A_17 : i32
      "tpu.region"() ({
        %run_scoped3A = tpu.sem_alloc : memref<!tpu.dma_semaphore, #tpu.memory_space<semaphore_mem>>
        %dma_start3A = arith.constant 0 : i32
        %dma_start3A_18 = tpu.memref_slice %arg5[%add3A, %dma_start3A] : memref<50000x48xf32, #tpu.memory_space<hbm>> -> memref<3125x48xf32, #tpu.memory_space<hbm>>
        %dma_start3A_19 = arith.constant 0 : i32
        %dma_start3A_20 = tpu.memref_slice %arg14[%mul3A_13, %dma_start3A_19] : memref<25128x48xf32, #tpu.memory_space<vmem_shared>> -> memref<3125x48xf32, #tpu.memory_space<vmem_shared>>
        tpu.enqueue_dma source(%dma_start3A_20 : memref<3125x48xf32, #tpu.memory_space<vmem_shared>>) target(%dma_start3A_18 : memref<3125x48xf32, #tpu.memory_space<hbm>>) target_semaphore(%run_scoped3A : memref<!tpu.dma_semaphore, #tpu.memory_space<semaphore_mem>>)
        %dma_wait3A = arith.constant 0 : i32
        %dma_wait3A_21 = tpu.memref_slice %arg5[%add3A, %dma_wait3A] : memref<50000x48xf32, #tpu.memory_space<hbm>> -> memref<3125x48xf32, #tpu.memory_space<hbm>>
        %dma_wait3A_22 = arith.constant 0 : i32
        %dma_wait3A_23 = tpu.memref_slice %arg14[%mul3A_13, %dma_wait3A_22] : memref<25128x48xf32, #tpu.memory_space<vmem_shared>> -> memref<3125x48xf32, #tpu.memory_space<vmem_shared>>
        tpu.wait_dma2 semaphore(%run_scoped3A : memref<!tpu.dma_semaphore, #tpu.memory_space<semaphore_mem>>) src(%dma_wait3A_23 : memref<3125x48xf32, #tpu.memory_space<vmem_shared>>) dst(%dma_wait3A_21 : memref<3125x48xf32, #tpu.memory_space<hbm>>)
        tpu.yield
      }) : () -> ()
    } else {
    }
    return
  }
}

module attributes {stable_mosaic.version = 14 : i64} {
  func.func @body(%arg0: i32, %arg1: memref<5000x15xf32, #tpu.memory_space<vmem>>, %arg2: memref<5000x3xf32, #tpu.memory_space<vmem>>, %arg3: memref<15x32xf32, #tpu.memory_space<vmem>>, %arg4: memref<15x32xf32, #tpu.memory_space<vmem>>, %arg5: memref<15x32xf32, #tpu.memory_space<vmem>>, %arg6: memref<5000x48xf32, #tpu.memory_space<vmem>>, %arg7: memref<5000x48xf32, #tpu.memory_space<vmem>>, %arg8: memref<5000x32xf32, #tpu.memory_space<vmem>>) attributes {dimension_semantics = [#tpu.dimension_semantics<arbitrary>], iteration_bounds = array<i64: 10>, scalar_prefetch = 0 : i64, scratch_operands = 0 : i64, tpu.core_type = #tpu.core_type<tc>, window_params = [{transform_indices = @transform_0, window_bounds = array<i64: 5000, 15>}, {transform_indices = @transform_1, window_bounds = array<i64: 5000, 3>}, {pipeline_mode = #tpu.pipeline_mode<synchronous>, transform_indices = @transform_2, window_bounds = array<i64: 15, 32>}, {pipeline_mode = #tpu.pipeline_mode<synchronous>, transform_indices = @transform_3, window_bounds = array<i64: 15, 32>}, {pipeline_mode = #tpu.pipeline_mode<synchronous>, transform_indices = @transform_4, window_bounds = array<i64: 15, 32>}, {transform_indices = @transform_5, window_bounds = array<i64: 5000, 48>}, {transform_indices = @transform_6, window_bounds = array<i64: 5000, 48>}, {transform_indices = @transform_7, window_bounds = array<i64: 5000, 32>}]} {
    %get3A = arith.constant 0 : index
    %get3A_0 = arith.constant 0 : index
    %get3A_1 = vector.load %arg1[%get3A, %get3A_0] : memref<5000x15xf32, #tpu.memory_space<vmem>>, vector<5000x15xf32>
    %get3A_2 = arith.constant 0 : index
    %get3A_3 = arith.constant 0 : index
    %get3A_4 = vector.load %arg2[%get3A_2, %get3A_3] : memref<5000x3xf32, #tpu.memory_space<vmem>>, vector<5000x3xf32>
    %broadcast_in_dim3A = arith.constant 0.000000e+00 : f32
    %broadcast_in_dim3A_5 = vector.broadcast %broadcast_in_dim3A : f32 to vector<5000x13xf32>
    %get3A_6 = arith.constant 0 : index
    %get3A_7 = arith.constant 0 : index
    %get3A_8 = vector.load %arg3[%get3A_6, %get3A_7] : memref<15x32xf32, #tpu.memory_space<vmem>>, vector<15x32xf32>
    %dot_general3A = arith.constant dense<0.000000e+00> : vector<5000x32xf32>
    %dot_general3A_9 = tpu.matmul %get3A_1, %get3A_8, %dot_general3A {dimension_numbers = #tpu.dot_dimension_numbers<[1], [0], [0], [1], [0, 0, 1, 1], [], []>, transpose_lhs_hint = false} : vector<5000x15xf32>, vector<15x32xf32>, vector<5000x32xf32> -> vector<5000x32xf32>
    %get3A_10 = arith.constant 0 : index
    %get3A_11 = arith.constant 0 : index
    %get3A_12 = vector.load %arg4[%get3A_10, %get3A_11] : memref<15x32xf32, #tpu.memory_space<vmem>>, vector<15x32xf32>
    %dot_general3A_13 = arith.constant dense<0.000000e+00> : vector<5000x32xf32>
    %dot_general3A_14 = tpu.matmul %get3A_1, %get3A_12, %dot_general3A_13 {dimension_numbers = #tpu.dot_dimension_numbers<[1], [0], [0], [1], [0, 0, 1, 1], [], []>, transpose_lhs_hint = false} : vector<5000x15xf32>, vector<15x32xf32>, vector<5000x32xf32> -> vector<5000x32xf32>
    %concatenate3A = tpu.concatenate %dot_general3A_9, %get3A_4, %broadcast_in_dim3A_5 in 1 : vector<5000x32xf32>, vector<5000x3xf32>, vector<5000x13xf32> -> vector<5000x48xf32>
    %swap3A = arith.constant 0 : index
    %swap3A_15 = arith.constant 0 : index
    %swap3A_16 = vector.load %arg6[%swap3A, %swap3A_15] : memref<5000x48xf32, #tpu.memory_space<vmem>>, vector<5000x48xf32>
    tpu.vector_store %arg6[%swap3A, %swap3A_15], %concatenate3A {strides = array<i32>} : memref<5000x48xf32, #tpu.memory_space<vmem>>, vector<5000x48xf32>,
    %concatenate3A_17 = tpu.concatenate %dot_general3A_14, %get3A_4, %broadcast_in_dim3A_5 in 1 : vector<5000x32xf32>, vector<5000x3xf32>, vector<5000x13xf32> -> vector<5000x48xf32>
    %swap3A_18 = arith.constant 0 : index
    %swap3A_19 = arith.constant 0 : index
    %swap3A_20 = vector.load %arg7[%swap3A_18, %swap3A_19] : memref<5000x48xf32, #tpu.memory_space<vmem>>, vector<5000x48xf32>
    tpu.vector_store %arg7[%swap3A_18, %swap3A_19], %concatenate3A_17 {strides = array<i32>} : memref<5000x48xf32, #tpu.memory_space<vmem>>, vector<5000x48xf32>,
    %get3A_21 = arith.constant 0 : index
    %get3A_22 = arith.constant 0 : index
    %get3A_23 = vector.load %arg5[%get3A_21, %get3A_22] : memref<15x32xf32, #tpu.memory_space<vmem>>, vector<15x32xf32>
    %dot_general3A_24 = arith.constant dense<0.000000e+00> : vector<5000x32xf32>
    %dot_general3A_25 = tpu.matmul %get3A_1, %get3A_23, %dot_general3A_24 {dimension_numbers = #tpu.dot_dimension_numbers<[1], [0], [0], [1], [0, 0, 1, 1], [], []>, transpose_lhs_hint = false} : vector<5000x15xf32>, vector<15x32xf32>, vector<5000x32xf32> -> vector<5000x32xf32>
    %swap3A_26 = arith.constant 0 : index
    %swap3A_27 = arith.constant 0 : index
    %swap3A_28 = vector.load %arg8[%swap3A_26, %swap3A_27] : memref<5000x32xf32, #tpu.memory_space<vmem>>, vector<5000x32xf32>
    tpu.vector_store %arg8[%swap3A_26, %swap3A_27], %dot_general3A_25 {strides = array<i32>} : memref<5000x32xf32, #tpu.memory_space<vmem>>, vector<5000x32xf32>,
    return
  }
  func.func @transform_0(%arg0: i32) -> (i32, i32) {
    %c0_i32 = arith.constant 0 : i32
    %c0_i32_0 = arith.constant 0 : i32
    return %arg0, %c0_i32 : i32, i32
  }
  func.func @transform_1(%arg0: i32) -> (i32, i32) {
    %c0_i32 = arith.constant 0 : i32
    %c0_i32_0 = arith.constant 0 : i32
    return %arg0, %c0_i32 : i32, i32
  }
  func.func @transform_2(%arg0: i32) -> (i32, i32) {
    %c0_i32 = arith.constant 0 : i32
    %c0_i32_0 = arith.constant 0 : i32
    %c0_i32_1 = arith.constant 0 : i32
    return %c0_i32, %c0_i32_0 : i32, i32
  }
  func.func @transform_3(%arg0: i32) -> (i32, i32) {
    %c0_i32 = arith.constant 0 : i32
    %c0_i32_0 = arith.constant 0 : i32
    %c0_i32_1 = arith.constant 0 : i32
    return %c0_i32, %c0_i32_0 : i32, i32
  }
  func.func @transform_4(%arg0: i32) -> (i32, i32) {
    %c0_i32 = arith.constant 0 : i32
    %c0_i32_0 = arith.constant 0 : i32
    %c0_i32_1 = arith.constant 0 : i32
    return %c0_i32, %c0_i32_0 : i32, i32
  }
  func.func @transform_5(%arg0: i32) -> (i32, i32) {
    %c0_i32 = arith.constant 0 : i32
    %c0_i32_0 = arith.constant 0 : i32
    return %arg0, %c0_i32 : i32, i32
  }
  func.func @transform_6(%arg0: i32) -> (i32, i32) {
    %c0_i32 = arith.constant 0 : i32
    %c0_i32_0 = arith.constant 0 : i32
    return %arg0, %c0_i32 : i32, i32
  }
  func.func @transform_7(%arg0: i32) -> (i32, i32) {
    %c0_i32 = arith.constant 0 : i32
    %c0_i32_0 = arith.constant 0 : i32
    return %arg0, %c0_i32 : i32, i32
  }
}

module attributes {stable_mosaic.version = 14 : i64} {
  func.func @body(%arg0: i32, %arg1: memref<6250x128xi32, #tpu.memory_space<vmem>>, %arg2: memref<2x6250x128xi32, #tpu.memory_space<vmem>>) attributes {dimension_semantics = [#tpu.dimension_semantics<arbitrary>], iteration_bounds = array<i64: 1>, scalar_prefetch = 0 : i64, scratch_operands = 0 : i64, tpu.core_type = #tpu.core_type<tc>, window_params = [{pipeline_mode = #tpu.pipeline_mode<synchronous>, transform_indices = @transform_0, window_bounds = array<i64: 6250, 128>}, {pipeline_mode = #tpu.pipeline_mode<synchronous>, transform_indices = @transform_1, window_bounds = array<i64: 2, 6250, 128>}]} {
    %get3A = arith.constant 0 : index
    %get3A_0 = arith.constant 0 : index
    %get3A_1 = vector.load %arg1[%get3A, %get3A_0] : memref<6250x128xi32, #tpu.memory_space<vmem>>, vector<6250x128xi32>
    %lt3A = arith.constant 25000 : i32
    %lt3A_2 = vector.broadcast %lt3A : i32 to vector<6250x128xi32>
    %lt3A_3 = arith.cmpi slt, %get3A_1, %lt3A_2 : vector<6250x128xi32>
    %iota3A = tpu.iota {dimensions = array<i32: 1>} : vector<6250x128xi32>
    %jit3A = arith.constant 128 : i32
    %eq3A = arith.constant 0 : i32
    %eq3A_4 = arith.cmpi eq, %jit3A, %eq3A : i32
    %jit3A_5 = arith.constant 1 : i32
    %select_n3A = arith.select %eq3A_4, %jit3A_5, %jit3A : i32
    %rem3A = vector.broadcast %select_n3A : i32 to vector<6250x128xi32>
    %rem3A_6 = arith.remsi %iota3A, %rem3A : vector<6250x128xi32>
    %ne3A = arith.constant 0 : i32
    %ne3A_7 = vector.broadcast %ne3A : i32 to vector<6250x128xi32>
    %ne3A_8 = arith.cmpi ne, %rem3A_6, %ne3A_7 : vector<6250x128xi32>
    %lt3A_9 = arith.constant 0 : i32
    %lt3A_10 = vector.broadcast %lt3A_9 : i32 to vector<6250x128xi32>
    %lt3A_11 = arith.cmpi slt, %rem3A_6, %lt3A_10 : vector<6250x128xi32>
    %lt3A_12 = arith.constant 0 : i32
    %lt3A_13 = arith.cmpi slt, %select_n3A, %lt3A_12 : i32
    %ne3A_14 = vector.broadcast %lt3A_13 : i1 to vector<6250x128xi1>
    %ne3A_15 = vector.broadcast %ne3A_14 : vector<6250x128xi1> to vector<6250x128xi1>
    %ne3A_16 = arith.xori %lt3A_11, %ne3A_15 : vector<6250x128xi1>
    %and3A = arith.andi %ne3A_16, %ne3A_8 : vector<6250x128xi1>
    %add3A = vector.broadcast %select_n3A : i32 to vector<6250x128xi32>
    %add3A_17 = arith.addi %rem3A_6, %add3A : vector<6250x128xi32>
    %select_n3A_18 = arith.select %and3A, %add3A_17, %rem3A_6 : vector<6250x128xi1>, vector<6250x128xi32>
    %add3A_19 = arith.constant 25000 : i32
    %add3A_20 = vector.broadcast %add3A_19 : i32 to vector<6250x128xi32>
    %add3A_21 = arith.addi %add3A_20, %select_n3A_18 : vector<6250x128xi32>
    %select_n3A_22 = arith.select %lt3A_3, %get3A_1, %add3A_21 : vector<6250x128xi1>, vector<6250x128xi32>
    %swap3A = arith.constant 0 : index
    %swap3A_23 = arith.constant 0 : index
    %swap3A_24 = arith.constant 0 : index
    %swap3A_25 = vector.load %arg2[%swap3A, %swap3A_23, %swap3A_24] : memref<2x6250x128xi32, #tpu.memory_space<vmem>>, vector<1x6250x128xi32>
    %swap3A_26 = vector.shape_cast %swap3A_25 : vector<1x6250x128xi32> to vector<6250x128xi32>
    %swap3A_27 = vector.shape_cast %select_n3A_22 : vector<6250x128xi32> to vector<1x6250x128xi32>
    tpu.vector_store %arg2[%swap3A, %swap3A_23, %swap3A_24], %swap3A_27 {strides = array<i32>} : memref<2x6250x128xi32, #tpu.memory_space<vmem>>, vector<1x6250x128xi32>,
    %sub3A = arith.constant 25000 : i32
    %sub3A_28 = vector.broadcast %sub3A : i32 to vector<6250x128xi32>
    %sub3A_29 = arith.subi %get3A_1, %sub3A_28 : vector<6250x128xi32>
    %select_n3A_30 = arith.select %lt3A_3, %add3A_21, %sub3A_29 : vector<6250x128xi1>, vector<6250x128xi32>
    %swap3A_31 = arith.constant 1 : index
    %swap3A_32 = arith.constant 0 : index
    %swap3A_33 = arith.constant 0 : index
    %swap3A_34 = vector.load %arg2[%swap3A_31, %swap3A_32, %swap3A_33] : memref<2x6250x128xi32, #tpu.memory_space<vmem>>, vector<1x6250x128xi32>
    %swap3A_35 = vector.shape_cast %swap3A_34 : vector<1x6250x128xi32> to vector<6250x128xi32>
    %swap3A_36 = vector.shape_cast %select_n3A_30 : vector<6250x128xi32> to vector<1x6250x128xi32>
    tpu.vector_store %arg2[%swap3A_31, %swap3A_32, %swap3A_33], %swap3A_36 {strides = array<i32>} : memref<2x6250x128xi32, #tpu.memory_space<vmem>>, vector<1x6250x128xi32>,
    return
  }
  func.func @transform_0(%arg0: i32) -> (i32, i32) {
    %c0_i32 = arith.constant 0 : i32
    %c0_i32_0 = arith.constant 0 : i32
    %c0_i32_1 = arith.constant 0 : i32
    return %c0_i32, %c0_i32_0 : i32, i32
  }
  func.func @transform_1(%arg0: i32) -> (i32, i32, i32) {
    %c0_i32 = arith.constant 0 : i32
    %c0_i32_0 = arith.constant 0 : i32
    %c0_i32_1 = arith.constant 0 : i32
    %c0_i32_2 = arith.constant 0 : i32
    return %c0_i32, %c0_i32_0, %c0_i32_1 : i32, i32, i32
  }
}

module attributes {stable_mosaic.version = 14 : i64} {
  func.func @body(%arg0: i32, %arg1: memref<3200x128xf32, #tpu.memory_space<vmem>>, %arg2: memref<3200x128xf32, #tpu.memory_space<vmem>>, %arg3: memref<5x3200xf32, #tpu.memory_space<vmem>>, %arg4: memref<5x3200xf32, #tpu.memory_space<vmem>>, %arg5: memref<5x64xf32, #tpu.memory_space<vmem>>, %arg6: memref<8x64xf32, #tpu.memory_space<vmem>>, %arg7: memref<3200x128xf32, #tpu.memory_space<vmem>>) attributes {dimension_semantics = [#tpu.dimension_semantics<arbitrary>], iteration_bounds = array<i64: 125>, scalar_prefetch = 0 : i64, scratch_operands = 0 : i64, tpu.core_type = #tpu.core_type<tc>, window_params = [{transform_indices = @transform_0, window_bounds = array<i64: 3200, 128>}, {transform_indices = @transform_1, window_bounds = array<i64: 3200, 128>}, {transform_indices = @transform_2, window_bounds = array<i64: 5, 3200>}, {transform_indices = @transform_3, window_bounds = array<i64: 5, 3200>}, {pipeline_mode = #tpu.pipeline_mode<synchronous>, transform_indices = @transform_4, window_bounds = array<i64: 5, 64>}, {pipeline_mode = #tpu.pipeline_mode<synchronous>, transform_indices = @transform_5, window_bounds = array<i64: 8, 64>}, {transform_indices = @transform_6, window_bounds = array<i64: 3200, 128>}]} {
    %get3A = arith.constant 0 : index
    %get3A_0 = arith.constant 0 : index
    %get3A_1 = vector.load %arg1[%get3A, %get3A_0] : memref<3200x128xf32, #tpu.memory_space<vmem>>, vector<3200x128xf32>
    %get3A_2 = arith.constant 0 : index
    %get3A_3 = arith.constant 0 : index
    %get3A_4 = vector.load %arg3[%get3A_2, %get3A_3] : memref<5x3200xf32, #tpu.memory_space<vmem>>, vector<5x3200xf32>
    %get3A_5 = arith.constant 0 : index
    %get3A_6 = arith.constant 0 : index
    %get3A_7 = vector.load %arg5[%get3A_5, %get3A_6] : memref<5x64xf32, #tpu.memory_space<vmem>>, vector<5x64xf32>
    %get3A_8 = arith.constant 0 : index
    %get3A_9 = arith.constant 0 : index
    %get3A_10 = vector.load %arg6[%get3A_8, %get3A_9] : memref<8x64xf32, #tpu.memory_space<vmem>>, vector<8x64xf32>
    %iota3A = tpu.iota {dimensions = array<i32: 0>} : vector<128x4xi32>
    %iota3A_11 = tpu.iota {dimensions = array<i32: 1>} : vector<128x4xi32>
    %add3A = arith.constant 32 : i32
    %add3A_12 = vector.broadcast %add3A : i32 to vector<128x4xi32>
    %add3A_13 = arith.addi %iota3A_11, %add3A_12 : vector<128x4xi32>
    %eq3A = arith.cmpi eq, %iota3A, %add3A_13 : vector<128x4xi32>
    %convert_element_type3A = arith.extui %eq3A : vector<128x4xi1> to vector<128x4xi32>
    %convert_element_type3A_14 = arith.sitofp %convert_element_type3A : vector<128x4xi32> to vector<128x4xf32>
    %add3A_15 = arith.constant 48 : i32
    %add3A_16 = vector.broadcast %add3A_15 : i32 to vector<128x4xi32>
    %add3A_17 = arith.addi %iota3A_11, %add3A_16 : vector<128x4xi32>
    %add3A_18 = arith.constant 32 : i32
    %add3A_19 = vector.broadcast %add3A_18 : i32 to vector<128x4xi32>
    %add3A_20 = arith.addi %add3A_17, %add3A_19 : vector<128x4xi32>
    %eq3A_21 = arith.cmpi eq, %iota3A, %add3A_20 : vector<128x4xi32>
    %convert_element_type3A_22 = arith.extui %eq3A_21 : vector<128x4xi1> to vector<128x4xi32>
    %convert_element_type3A_23 = arith.sitofp %convert_element_type3A_22 : vector<128x4xi32> to vector<128x4xf32>
    %sub3A = arith.subf %convert_element_type3A_14, %convert_element_type3A_23 : vector<128x4xf32>
    %iota3A_24 = tpu.iota {dimensions = array<i32: 0>} : vector<128x64xi32>
    %iota3A_25 = tpu.iota {dimensions = array<i32: 1>} : vector<128x64xi32>
    %lt3A = arith.constant 32 : i32
    %lt3A_26 = vector.broadcast %lt3A : i32 to vector<128x64xi32>
    %lt3A_27 = arith.cmpi slt, %iota3A_25, %lt3A_26 : vector<128x64xi32>
    %add3A_28 = arith.constant 48 : i32
    %add3A_29 = vector.broadcast %add3A_28 : i32 to vector<128x64xi32>
    %add3A_30 = arith.addi %iota3A_25, %add3A_29 : vector<128x64xi32>
    %add3A_31 = arith.constant 96 : i32
    %add3A_32 = vector.broadcast %add3A_31 : i32 to vector<128x64xi32>
    %add3A_33 = arith.addi %iota3A_25, %add3A_32 : vector<128x64xi32>
    %sub3A_34 = arith.constant 32 : i32
    %sub3A_35 = vector.broadcast %sub3A_34 : i32 to vector<128x64xi32>
    %sub3A_36 = arith.subi %add3A_33, %sub3A_35 : vector<128x64xi32>
    %select_n3A = arith.select %lt3A_27, %add3A_30, %sub3A_36 : vector<128x64xi1>, vector<128x64xi32>
    %eq3A_37 = arith.cmpi eq, %iota3A_24, %select_n3A : vector<128x64xi32>
    %convert_element_type3A_38 = arith.extui %eq3A_37 : vector<128x64xi1> to vector<128x64xi32>
    %convert_element_type3A_39 = arith.sitofp %convert_element_type3A_38 : vector<128x64xi32> to vector<128x64xf32>
    %broadcast_in_dim3A = arith.constant 1.000000e+00 : f32
    %broadcast_in_dim3A_40 = vector.broadcast %broadcast_in_dim3A : f32 to vector<4x1xf32>
    %dot_general3A = arith.constant dense<0.000000e+00> : vector<3200x4xf32>
    %dot_general3A_41 = tpu.matmul %get3A_1, %sub3A, %dot_general3A {dimension_numbers = #tpu.dot_dimension_numbers<[1], [0], [0], [1], [0, 0, 1, 1], [], []>, transpose_lhs_hint = false} : vector<3200x128xf32>, vector<128x4xf32>, vector<3200x4xf32> -> vector<3200x4xf32>
    %mul3A = arith.mulf %dot_general3A_41, %dot_general3A_41 : vector<3200x4xf32>
    %dot_general3A_42 = arith.constant dense<0.000000e+00> : vector<3200x1xf32>
    %dot_general3A_43 = tpu.matmul %mul3A, %broadcast_in_dim3A_40, %dot_general3A_42 {dimension_numbers = #tpu.dot_dimension_numbers<[1], [0], [0], [1], [0, 0, 1, 1], [], []>, transpose_lhs_hint = false} : vector<3200x4xf32>, vector<4x1xf32>, vector<3200x1xf32> -> vector<3200x1xf32>
    %add3A_44 = arith.constant 9.99999971E-10 : f32
    %add3A_45 = vector.broadcast %add3A_44 : f32 to vector<3200x1xf32>
    %add3A_46 = arith.addf %dot_general3A_43, %add3A_45 : vector<3200x1xf32>
    %sqrt3A = math.sqrt %add3A_46 : vector<3200x1xf32>
    %iota3A_47 = tpu.iota {dimensions = array<i32: 1>} : vector<1x8xi32>
    %convert_element_type3A_48 = arith.sitofp %iota3A_47 : vector<1x8xi32> to vector<1x8xf32>
    %mul3A_49 = arith.constant 1.14285719 : f32
    %mul3A_50 = vector.broadcast %mul3A_49 : f32 to vector<1x8xf32>
    %mul3A_51 = arith.mulf %convert_element_type3A_48, %mul3A_50 : vector<1x8xf32>
    %sub3A_52 = vector.broadcast %sqrt3A : vector<3200x1xf32> to vector<3200x8xf32>
    %sub3A_53 = vector.broadcast %mul3A_51 : vector<1x8xf32> to vector<3200x8xf32>
    %sub3A_54 = arith.subf %sub3A_52, %sub3A_53 : vector<3200x8xf32>
    %integer_pow3A = arith.mulf %sub3A_54, %sub3A_54 : vector<3200x8xf32>
    %neg3A = arith.constant 0.000000e+00 : f32
    %neg3A_55 = vector.broadcast %neg3A : f32 to vector<3200x8xf32>
    %neg3A_56 = arith.subf %neg3A_55, %integer_pow3A : vector<3200x8xf32>
    %div3A = arith.constant 1.000000e+00 : f32
    %div3A_57 = vector.broadcast %div3A : f32 to vector<3200x8xf32>
    %div3A_58 = arith.divf %neg3A_56, %div3A_57 : vector<3200x8xf32>
    %exp3A = math.exp %div3A_58 : vector<3200x8xf32>
    %dot_general3A_59 = arith.constant dense<0.000000e+00> : vector<3200x64xf32>
    %dot_general3A_60 = tpu.matmul %get3A_4, %get3A_7, %dot_general3A_59 {dimension_numbers = #tpu.dot_dimension_numbers<[0], [0], [1], [1], [0, 1, 1, 1], [], []>, transpose_lhs_hint = false} : vector<5x3200xf32>, vector<5x64xf32>, vector<3200x64xf32> -> vector<3200x64xf32>
    %dot_general3A_61 = arith.constant dense<0.000000e+00> : vector<3200x64xf32>
    %dot_general3A_62 = tpu.matmul %get3A_1, %convert_element_type3A_39, %dot_general3A_61 {dimension_numbers = #tpu.dot_dimension_numbers<[1], [0], [0], [1], [0, 0, 1, 1], [], []>, transpose_lhs_hint = false} : vector<3200x128xf32>, vector<128x64xf32>, vector<3200x64xf32> -> vector<3200x64xf32>
    %add3A_63 = arith.addf %dot_general3A_62, %dot_general3A_60 : vector<3200x64xf32>
    %dot_general3A_64 = arith.constant dense<0.000000e+00> : vector<3200x64xf32>
    %dot_general3A_65 = tpu.matmul %exp3A, %get3A_10, %dot_general3A_64 {dimension_numbers = #tpu.dot_dimension_numbers<[1], [0], [0], [1], [0, 0, 1, 1], [], []>, transpose_lhs_hint = false} : vector<3200x8xf32>, vector<8x64xf32>, vector<3200x64xf32> -> vector<3200x64xf32>
    %add3A_66 = arith.addf %add3A_63, %dot_general3A_65 : vector<3200x64xf32>
    %slice3A = vector.extract_strided_slice %get3A_1 {offsets = [0, 0], sizes = [3200, 32], strides = [1, 1]} : vector<3200x128xf32> to vector<3200x32xf32>
    %slice3A_67 = vector.extract_strided_slice %add3A_66 {offsets = [0, 0], sizes = [3200, 32], strides = [1, 1]} : vector<3200x64xf32> to vector<3200x32xf32>
    %mul3A_68 = arith.mulf %slice3A, %slice3A_67 : vector<3200x32xf32>
    %iota3A_69 = tpu.iota {dimensions = array<i32: 0>} : vector<32x4xi32>
    %jit3A = arith.constant 8 : i32
    %div3A_70 = vector.broadcast %jit3A : i32 to vector<32x4xi32>
    %div3A_71 = arith.divsi %iota3A_69, %div3A_70 : vector<32x4xi32>
    %sign3A = arith.constant 0 : i32
    %sign3A_72 = vector.broadcast %sign3A : i32 to vector<32x4xi32>
    %sign3A_73 = arith.cmpi sgt, %iota3A_69, %sign3A_72 : vector<32x4xi32>
    %sign3A_74 = arith.extui %sign3A_73 : vector<32x4xi1> to vector<32x4xi32>
    %sign3A_75 = arith.constant 0 : i32
    %sign3A_76 = vector.broadcast %sign3A_75 : i32 to vector<32x4xi32>
    %sign3A_77 = arith.cmpi slt, %iota3A_69, %sign3A_76 : vector<32x4xi32>
    %sign3A_78 = arith.extui %sign3A_77 : vector<32x4xi1> to vector<32x4xi32>
    %sign3A_79 = arith.subi %sign3A_74, %sign3A_78 : vector<32x4xi32>
    %sign3A_80 = arith.constant 0 : i32
    %sign3A_81 = arith.cmpi sgt, %jit3A, %sign3A_80 : i32
    %sign3A_82 = arith.extui %sign3A_81 : i1 to i32
    %sign3A_83 = arith.constant 0 : i32
    %sign3A_84 = arith.cmpi slt, %jit3A, %sign3A_83 : i32
    %sign3A_85 = arith.extui %sign3A_84 : i1 to i32
    %sign3A_86 = arith.subi %sign3A_82, %sign3A_85 : i32
    %ne3A = vector.broadcast %sign3A_86 : i32 to vector<32x4xi32>
    %ne3A_87 = arith.cmpi ne, %sign3A_79, %ne3A : vector<32x4xi32>
    %rem3A = vector.broadcast %jit3A : i32 to vector<32x4xi32>
    %rem3A_88 = arith.remsi %iota3A_69, %rem3A : vector<32x4xi32>
    %ne3A_89 = arith.constant 0 : i32
    %ne3A_90 = vector.broadcast %ne3A_89 : i32 to vector<32x4xi32>
    %ne3A_91 = arith.cmpi ne, %rem3A_88, %ne3A_90 : vector<32x4xi32>
    %and3A = arith.andi %ne3A_87, %ne3A_91 : vector<32x4xi1>
    %sub3A_92 = arith.constant 1 : i32
    %sub3A_93 = vector.broadcast %sub3A_92 : i32 to vector<32x4xi32>
    %sub3A_94 = arith.subi %div3A_71, %sub3A_93 : vector<32x4xi32>
    %select_n3A_95 = arith.select %and3A, %sub3A_94, %div3A_71 : vector<32x4xi1>, vector<32x4xi32>
    %iota3A_96 = tpu.iota {dimensions = array<i32: 1>} : vector<32x4xi32>
    %eq3A_97 = arith.cmpi eq, %select_n3A_95, %iota3A_96 : vector<32x4xi32>
    %convert_element_type3A_98 = arith.extui %eq3A_97 : vector<32x4xi1> to vector<32x4xi32>
    %convert_element_type3A_99 = arith.sitofp %convert_element_type3A_98 : vector<32x4xi32> to vector<32x4xf32>
    %dot_general3A_100 = arith.constant dense<0.000000e+00> : vector<3200x4xf32>
    %dot_general3A_101 = tpu.matmul %mul3A_68, %convert_element_type3A_99, %dot_general3A_100 {dimension_numbers = #tpu.dot_dimension_numbers<[1], [0], [0], [1], [0, 0, 1, 1], [], []>, transpose_lhs_hint = false} : vector<3200x32xf32>, vector<32x4xf32>, vector<3200x4xf32> -> vector<3200x4xf32>
    %mul3A_102 = arith.constant 0.353553385 : f32
    %mul3A_103 = vector.broadcast %mul3A_102 : f32 to vector<3200x4xf32>
    %mul3A_104 = arith.mulf %dot_general3A_101, %mul3A_103 : vector<3200x4xf32>
    %exp3A_105 = math.exp %mul3A_104 : vector<3200x4xf32>
    %iota3A_106 = tpu.iota {dimensions = array<i32: 0>} : vector<4x32xi32>
    %iota3A_107 = tpu.iota {dimensions = array<i32: 1>} : vector<4x32xi32>
    %jit3A_108 = arith.constant 8 : i32
    %div3A_109 = vector.broadcast %jit3A_108 : i32 to vector<4x32xi32>
    %div3A_110 = arith.divsi %iota3A_107, %div3A_109 : vector<4x32xi32>
    %sign3A_111 = arith.constant 0 : i32
    %sign3A_112 = vector.broadcast %sign3A_111 : i32 to vector<4x32xi32>
    %sign3A_113 = arith.cmpi sgt, %iota3A_107, %sign3A_112 : vector<4x32xi32>
    %sign3A_114 = arith.extui %sign3A_113 : vector<4x32xi1> to vector<4x32xi32>
    %sign3A_115 = arith.constant 0 : i32
    %sign3A_116 = vector.broadcast %sign3A_115 : i32 to vector<4x32xi32>
    %sign3A_117 = arith.cmpi slt, %iota3A_107, %sign3A_116 : vector<4x32xi32>
    %sign3A_118 = arith.extui %sign3A_117 : vector<4x32xi1> to vector<4x32xi32>
    %sign3A_119 = arith.subi %sign3A_114, %sign3A_118 : vector<4x32xi32>
    %sign3A_120 = arith.constant 0 : i32
    %sign3A_121 = arith.cmpi sgt, %jit3A_108, %sign3A_120 : i32
    %sign3A_122 = arith.extui %sign3A_121 : i1 to i32
    %sign3A_123 = arith.constant 0 : i32
    %sign3A_124 = arith.cmpi slt, %jit3A_108, %sign3A_123 : i32
    %sign3A_125 = arith.extui %sign3A_124 : i1 to i32
    %sign3A_126 = arith.subi %sign3A_122, %sign3A_125 : i32
    %ne3A_127 = vector.broadcast %sign3A_126 : i32 to vector<4x32xi32>
    %ne3A_128 = arith.cmpi ne, %sign3A_119, %ne3A_127 : vector<4x32xi32>
    %rem3A_129 = vector.broadcast %jit3A_108 : i32 to vector<4x32xi32>
    %rem3A_130 = arith.remsi %iota3A_107, %rem3A_129 : vector<4x32xi32>
    %ne3A_131 = arith.constant 0 : i32
    %ne3A_132 = vector.broadcast %ne3A_131 : i32 to vector<4x32xi32>
    %ne3A_133 = arith.cmpi ne, %rem3A_130, %ne3A_132 : vector<4x32xi32>
    %and3A_134 = arith.andi %ne3A_128, %ne3A_133 : vector<4x32xi1>
    %sub3A_135 = arith.constant 1 : i32
    %sub3A_136 = vector.broadcast %sub3A_135 : i32 to vector<4x32xi32>
    %sub3A_137 = arith.subi %div3A_110, %sub3A_136 : vector<4x32xi32>
    %select_n3A_138 = arith.select %and3A_134, %sub3A_137, %div3A_110 : vector<4x32xi1>, vector<4x32xi32>
    %eq3A_139 = arith.cmpi eq, %iota3A_106, %select_n3A_138 : vector<4x32xi32>
    %convert_element_type3A_140 = arith.extui %eq3A_139 : vector<4x32xi1> to vector<4x32xi32>
    %convert_element_type3A_141 = arith.sitofp %convert_element_type3A_140 : vector<4x32xi32> to vector<4x32xf32>
    %dot_general3A_142 = arith.constant dense<0.000000e+00> : vector<3200x32xf32>
    %dot_general3A_143 = tpu.matmul %exp3A_105, %convert_element_type3A_141, %dot_general3A_142 {dimension_numbers = #tpu.dot_dimension_numbers<[1], [0], [0], [1], [0, 0, 1, 1], [], []>, transpose_lhs_hint = false} : vector<3200x4xf32>, vector<4x32xf32>, vector<3200x32xf32> -> vector<3200x32xf32>
    %slice3A_144 = vector.extract_strided_slice %add3A_66 {offsets = [0, 32], sizes = [3200, 32], strides = [1, 1]} : vector<3200x64xf32> to vector<3200x32xf32>
    %mul3A_145 = arith.mulf %dot_general3A_143, %slice3A_144 : vector<3200x32xf32>
    %iota3A_146 = tpu.iota {dimensions = array<i32: 0>} : vector<4x128xi32>
    %iota3A_147 = tpu.iota {dimensions = array<i32: 1>} : vector<4x128xi32>
    %add3A_148 = arith.constant 0 : i32
    %add3A_149 = vector.broadcast %add3A_148 : i32 to vector<4x128xi32>
    %add3A_150 = arith.addi %iota3A_146, %add3A_149 : vector<4x128xi32>
    %eq3A_151 = arith.cmpi eq, %iota3A_147, %add3A_150 : vector<4x128xi32>
    %convert_element_type3A_152 = arith.extui %eq3A_151 : vector<4x128xi1> to vector<4x128xi32>
    %convert_element_type3A_153 = arith.sitofp %convert_element_type3A_152 : vector<4x128xi32> to vector<4x128xf32>
    %iota3A_154 = tpu.iota {dimensions = array<i32: 0>} : vector<32x128xi32>
    %iota3A_155 = tpu.iota {dimensions = array<i32: 1>} : vector<32x128xi32>
    %add3A_156 = arith.constant 0 : i32
    %add3A_157 = vector.broadcast %add3A_156 : i32 to vector<32x128xi32>
    %add3A_158 = arith.addi %iota3A_154, %add3A_157 : vector<32x128xi32>
    %add3A_159 = arith.constant 8 : i32
    %add3A_160 = vector.broadcast %add3A_159 : i32 to vector<32x128xi32>
    %add3A_161 = arith.addi %add3A_158, %add3A_160 : vector<32x128xi32>
    %eq3A_162 = arith.cmpi eq, %iota3A_155, %add3A_161 : vector<32x128xi32>
    %convert_element_type3A_163 = arith.extui %eq3A_162 : vector<32x128xi1> to vector<32x128xi32>
    %convert_element_type3A_164 = arith.sitofp %convert_element_type3A_163 : vector<32x128xi32> to vector<32x128xf32>
    %dot_general3A_165 = arith.constant dense<0.000000e+00> : vector<3200x128xf32>
    %dot_general3A_166 = tpu.matmul %exp3A_105, %convert_element_type3A_153, %dot_general3A_165 {dimension_numbers = #tpu.dot_dimension_numbers<[1], [0], [0], [1], [0, 0, 1, 1], [], []>, transpose_lhs_hint = false} : vector<3200x4xf32>, vector<4x128xf32>, vector<3200x128xf32> -> vector<3200x128xf32>
    %dot_general3A_167 = arith.constant dense<0.000000e+00> : vector<3200x128xf32>
    %dot_general3A_168 = tpu.matmul %mul3A_145, %convert_element_type3A_164, %dot_general3A_167 {dimension_numbers = #tpu.dot_dimension_numbers<[1], [0], [0], [1], [0, 0, 1, 1], [], []>, transpose_lhs_hint = false} : vector<3200x32xf32>, vector<32x128xf32>, vector<3200x128xf32> -> vector<3200x128xf32>
    %add3A_169 = arith.addf %dot_general3A_166, %dot_general3A_168 : vector<3200x128xf32>
    %get3A_170 = arith.constant 0 : index
    %get3A_171 = arith.constant 0 : index
    %get3A_172 = vector.load %arg2[%get3A_170, %get3A_171] : memref<3200x128xf32, #tpu.memory_space<vmem>>, vector<3200x128xf32>
    %get3A_173 = arith.constant 0 : index
    %get3A_174 = arith.constant 0 : index
    %get3A_175 = vector.load %arg4[%get3A_173, %get3A_174] : memref<5x3200xf32, #tpu.memory_space<vmem>>, vector<5x3200xf32>
    %get3A_176 = arith.constant 0 : index
    %get3A_177 = arith.constant 0 : index
    %get3A_178 = vector.load %arg5[%get3A_176, %get3A_177] : memref<5x64xf32, #tpu.memory_space<vmem>>, vector<5x64xf32>
    %get3A_179 = arith.constant 0 : index
    %get3A_180 = arith.constant 0 : index
    %get3A_181 = vector.load %arg6[%get3A_179, %get3A_180] : memref<8x64xf32, #tpu.memory_space<vmem>>, vector<8x64xf32>
    %iota3A_182 = tpu.iota {dimensions = array<i32: 0>} : vector<128x4xi32>
    %iota3A_183 = tpu.iota {dimensions = array<i32: 1>} : vector<128x4xi32>
    %add3A_184 = arith.constant 32 : i32
    %add3A_185 = vector.broadcast %add3A_184 : i32 to vector<128x4xi32>
    %add3A_186 = arith.addi %iota3A_183, %add3A_185 : vector<128x4xi32>
    %eq3A_187 = arith.cmpi eq, %iota3A_182, %add3A_186 : vector<128x4xi32>
    %convert_element_type3A_188 = arith.extui %eq3A_187 : vector<128x4xi1> to vector<128x4xi32>
    %convert_element_type3A_189 = arith.sitofp %convert_element_type3A_188 : vector<128x4xi32> to vector<128x4xf32>
    %add3A_190 = arith.constant 48 : i32
    %add3A_191 = vector.broadcast %add3A_190 : i32 to vector<128x4xi32>
    %add3A_192 = arith.addi %iota3A_183, %add3A_191 : vector<128x4xi32>
    %add3A_193 = arith.constant 32 : i32
    %add3A_194 = vector.broadcast %add3A_193 : i32 to vector<128x4xi32>
    %add3A_195 = arith.addi %add3A_192, %add3A_194 : vector<128x4xi32>
    %eq3A_196 = arith.cmpi eq, %iota3A_182, %add3A_195 : vector<128x4xi32>
    %convert_element_type3A_197 = arith.extui %eq3A_196 : vector<128x4xi1> to vector<128x4xi32>
    %convert_element_type3A_198 = arith.sitofp %convert_element_type3A_197 : vector<128x4xi32> to vector<128x4xf32>
    %sub3A_199 = arith.subf %convert_element_type3A_189, %convert_element_type3A_198 : vector<128x4xf32>
    %iota3A_200 = tpu.iota {dimensions = array<i32: 0>} : vector<128x64xi32>
    %iota3A_201 = tpu.iota {dimensions = array<i32: 1>} : vector<128x64xi32>
    %lt3A_202 = arith.constant 32 : i32
    %lt3A_203 = vector.broadcast %lt3A_202 : i32 to vector<128x64xi32>
    %lt3A_204 = arith.cmpi slt, %iota3A_201, %lt3A_203 : vector<128x64xi32>
    %add3A_205 = arith.constant 48 : i32
    %add3A_206 = vector.broadcast %add3A_205 : i32 to vector<128x64xi32>
    %add3A_207 = arith.addi %iota3A_201, %add3A_206 : vector<128x64xi32>
    %add3A_208 = arith.constant 96 : i32
    %add3A_209 = vector.broadcast %add3A_208 : i32 to vector<128x64xi32>
    %add3A_210 = arith.addi %iota3A_201, %add3A_209 : vector<128x64xi32>
    %sub3A_211 = arith.constant 32 : i32
    %sub3A_212 = vector.broadcast %sub3A_211 : i32 to vector<128x64xi32>
    %sub3A_213 = arith.subi %add3A_210, %sub3A_212 : vector<128x64xi32>
    %select_n3A_214 = arith.select %lt3A_204, %add3A_207, %sub3A_213 : vector<128x64xi1>, vector<128x64xi32>
    %eq3A_215 = arith.cmpi eq, %iota3A_200, %select_n3A_214 : vector<128x64xi32>
    %convert_element_type3A_216 = arith.extui %eq3A_215 : vector<128x64xi1> to vector<128x64xi32>
    %convert_element_type3A_217 = arith.sitofp %convert_element_type3A_216 : vector<128x64xi32> to vector<128x64xf32>
    %broadcast_in_dim3A_218 = arith.constant 1.000000e+00 : f32
    %broadcast_in_dim3A_219 = vector.broadcast %broadcast_in_dim3A_218 : f32 to vector<4x1xf32>
    %dot_general3A_220 = arith.constant dense<0.000000e+00> : vector<3200x4xf32>
    %dot_general3A_221 = tpu.matmul %get3A_172, %sub3A_199, %dot_general3A_220 {dimension_numbers = #tpu.dot_dimension_numbers<[1], [0], [0], [1], [0, 0, 1, 1], [], []>, transpose_lhs_hint = false} : vector<3200x128xf32>, vector<128x4xf32>, vector<3200x4xf32> -> vector<3200x4xf32>
    %mul3A_222 = arith.mulf %dot_general3A_221, %dot_general3A_221 : vector<3200x4xf32>
    %dot_general3A_223 = arith.constant dense<0.000000e+00> : vector<3200x1xf32>
    %dot_general3A_224 = tpu.matmul %mul3A_222, %broadcast_in_dim3A_219, %dot_general3A_223 {dimension_numbers = #tpu.dot_dimension_numbers<[1], [0], [0], [1], [0, 0, 1, 1], [], []>, transpose_lhs_hint = false} : vector<3200x4xf32>, vector<4x1xf32>, vector<3200x1xf32> -> vector<3200x1xf32>
    %add3A_225 = arith.constant 9.99999971E-10 : f32
    %add3A_226 = vector.broadcast %add3A_225 : f32 to vector<3200x1xf32>
    %add3A_227 = arith.addf %dot_general3A_224, %add3A_226 : vector<3200x1xf32>
    %sqrt3A_228 = math.sqrt %add3A_227 : vector<3200x1xf32>
    %iota3A_229 = tpu.iota {dimensions = array<i32: 1>} : vector<1x8xi32>
    %convert_element_type3A_230 = arith.sitofp %iota3A_229 : vector<1x8xi32> to vector<1x8xf32>
    %mul3A_231 = arith.constant 1.14285719 : f32
    %mul3A_232 = vector.broadcast %mul3A_231 : f32 to vector<1x8xf32>
    %mul3A_233 = arith.mulf %convert_element_type3A_230, %mul3A_232 : vector<1x8xf32>
    %sub3A_234 = vector.broadcast %sqrt3A_228 : vector<3200x1xf32> to vector<3200x8xf32>
    %sub3A_235 = vector.broadcast %mul3A_233 : vector<1x8xf32> to vector<3200x8xf32>
    %sub3A_236 = arith.subf %sub3A_234, %sub3A_235 : vector<3200x8xf32>
    %integer_pow3A_237 = arith.mulf %sub3A_236, %sub3A_236 : vector<3200x8xf32>
    %neg3A_238 = arith.constant 0.000000e+00 : f32
    %neg3A_239 = vector.broadcast %neg3A_238 : f32 to vector<3200x8xf32>
    %neg3A_240 = arith.subf %neg3A_239, %integer_pow3A_237 : vector<3200x8xf32>
    %div3A_241 = arith.constant 1.000000e+00 : f32
    %div3A_242 = vector.broadcast %div3A_241 : f32 to vector<3200x8xf32>
    %div3A_243 = arith.divf %neg3A_240, %div3A_242 : vector<3200x8xf32>
    %exp3A_244 = math.exp %div3A_243 : vector<3200x8xf32>
    %dot_general3A_245 = arith.constant dense<0.000000e+00> : vector<3200x64xf32>
    %dot_general3A_246 = tpu.matmul %get3A_175, %get3A_178, %dot_general3A_245 {dimension_numbers = #tpu.dot_dimension_numbers<[0], [0], [1], [1], [0, 1, 1, 1], [], []>, transpose_lhs_hint = false} : vector<5x3200xf32>, vector<5x64xf32>, vector<3200x64xf32> -> vector<3200x64xf32>
    %dot_general3A_247 = arith.constant dense<0.000000e+00> : vector<3200x64xf32>
    %dot_general3A_248 = tpu.matmul %get3A_172, %convert_element_type3A_217, %dot_general3A_247 {dimension_numbers = #tpu.dot_dimension_numbers<[1], [0], [0], [1], [0, 0, 1, 1], [], []>, transpose_lhs_hint = false} : vector<3200x128xf32>, vector<128x64xf32>, vector<3200x64xf32> -> vector<3200x64xf32>
    %add3A_249 = arith.addf %dot_general3A_248, %dot_general3A_246 : vector<3200x64xf32>
    %dot_general3A_250 = arith.constant dense<0.000000e+00> : vector<3200x64xf32>
    %dot_general3A_251 = tpu.matmul %exp3A_244, %get3A_181, %dot_general3A_250 {dimension_numbers = #tpu.dot_dimension_numbers<[1], [0], [0], [1], [0, 0, 1, 1], [], []>, transpose_lhs_hint = false} : vector<3200x8xf32>, vector<8x64xf32>, vector<3200x64xf32> -> vector<3200x64xf32>
    %add3A_252 = arith.addf %add3A_249, %dot_general3A_251 : vector<3200x64xf32>
    %slice3A_253 = vector.extract_strided_slice %get3A_172 {offsets = [0, 0], sizes = [3200, 32], strides = [1, 1]} : vector<3200x128xf32> to vector<3200x32xf32>
    %slice3A_254 = vector.extract_strided_slice %add3A_252 {offsets = [0, 0], sizes = [3200, 32], strides = [1, 1]} : vector<3200x64xf32> to vector<3200x32xf32>
    %mul3A_255 = arith.mulf %slice3A_253, %slice3A_254 : vector<3200x32xf32>
    %iota3A_256 = tpu.iota {dimensions = array<i32: 0>} : vector<32x4xi32>
    %jit3A_257 = arith.constant 8 : i32
    %div3A_258 = vector.broadcast %jit3A_257 : i32 to vector<32x4xi32>
    %div3A_259 = arith.divsi %iota3A_256, %div3A_258 : vector<32x4xi32>
    %sign3A_260 = arith.constant 0 : i32
    %sign3A_261 = vector.broadcast %sign3A_260 : i32 to vector<32x4xi32>
    %sign3A_262 = arith.cmpi sgt, %iota3A_256, %sign3A_261 : vector<32x4xi32>
    %sign3A_263 = arith.extui %sign3A_262 : vector<32x4xi1> to vector<32x4xi32>
    %sign3A_264 = arith.constant 0 : i32
    %sign3A_265 = vector.broadcast %sign3A_264 : i32 to vector<32x4xi32>
    %sign3A_266 = arith.cmpi slt, %iota3A_256, %sign3A_265 : vector<32x4xi32>
    %sign3A_267 = arith.extui %sign3A_266 : vector<32x4xi1> to vector<32x4xi32>
    %sign3A_268 = arith.subi %sign3A_263, %sign3A_267 : vector<32x4xi32>
    %sign3A_269 = arith.constant 0 : i32
    %sign3A_270 = arith.cmpi sgt, %jit3A_257, %sign3A_269 : i32
    %sign3A_271 = arith.extui %sign3A_270 : i1 to i32
    %sign3A_272 = arith.constant 0 : i32
    %sign3A_273 = arith.cmpi slt, %jit3A_257, %sign3A_272 : i32
    %sign3A_274 = arith.extui %sign3A_273 : i1 to i32
    %sign3A_275 = arith.subi %sign3A_271, %sign3A_274 : i32
    %ne3A_276 = vector.broadcast %sign3A_275 : i32 to vector<32x4xi32>
    %ne3A_277 = arith.cmpi ne, %sign3A_268, %ne3A_276 : vector<32x4xi32>
    %rem3A_278 = vector.broadcast %jit3A_257 : i32 to vector<32x4xi32>
    %rem3A_279 = arith.remsi %iota3A_256, %rem3A_278 : vector<32x4xi32>
    %ne3A_280 = arith.constant 0 : i32
    %ne3A_281 = vector.broadcast %ne3A_280 : i32 to vector<32x4xi32>
    %ne3A_282 = arith.cmpi ne, %rem3A_279, %ne3A_281 : vector<32x4xi32>
    %and3A_283 = arith.andi %ne3A_277, %ne3A_282 : vector<32x4xi1>
    %sub3A_284 = arith.constant 1 : i32
    %sub3A_285 = vector.broadcast %sub3A_284 : i32 to vector<32x4xi32>
    %sub3A_286 = arith.subi %div3A_259, %sub3A_285 : vector<32x4xi32>
    %select_n3A_287 = arith.select %and3A_283, %sub3A_286, %div3A_259 : vector<32x4xi1>, vector<32x4xi32>
    %iota3A_288 = tpu.iota {dimensions = array<i32: 1>} : vector<32x4xi32>
    %eq3A_289 = arith.cmpi eq, %select_n3A_287, %iota3A_288 : vector<32x4xi32>
    %convert_element_type3A_290 = arith.extui %eq3A_289 : vector<32x4xi1> to vector<32x4xi32>
    %convert_element_type3A_291 = arith.sitofp %convert_element_type3A_290 : vector<32x4xi32> to vector<32x4xf32>
    %dot_general3A_292 = arith.constant dense<0.000000e+00> : vector<3200x4xf32>
    %dot_general3A_293 = tpu.matmul %mul3A_255, %convert_element_type3A_291, %dot_general3A_292 {dimension_numbers = #tpu.dot_dimension_numbers<[1], [0], [0], [1], [0, 0, 1, 1], [], []>, transpose_lhs_hint = false} : vector<3200x32xf32>, vector<32x4xf32>, vector<3200x4xf32> -> vector<3200x4xf32>
    %mul3A_294 = arith.constant 0.353553385 : f32
    %mul3A_295 = vector.broadcast %mul3A_294 : f32 to vector<3200x4xf32>
    %mul3A_296 = arith.mulf %dot_general3A_293, %mul3A_295 : vector<3200x4xf32>
    %exp3A_297 = math.exp %mul3A_296 : vector<3200x4xf32>
    %iota3A_298 = tpu.iota {dimensions = array<i32: 0>} : vector<4x32xi32>
    %iota3A_299 = tpu.iota {dimensions = array<i32: 1>} : vector<4x32xi32>
    %jit3A_300 = arith.constant 8 : i32
    %div3A_301 = vector.broadcast %jit3A_300 : i32 to vector<4x32xi32>
    %div3A_302 = arith.divsi %iota3A_299, %div3A_301 : vector<4x32xi32>
    %sign3A_303 = arith.constant 0 : i32
    %sign3A_304 = vector.broadcast %sign3A_303 : i32 to vector<4x32xi32>
    %sign3A_305 = arith.cmpi sgt, %iota3A_299, %sign3A_304 : vector<4x32xi32>
    %sign3A_306 = arith.extui %sign3A_305 : vector<4x32xi1> to vector<4x32xi32>
    %sign3A_307 = arith.constant 0 : i32
    %sign3A_308 = vector.broadcast %sign3A_307 : i32 to vector<4x32xi32>
    %sign3A_309 = arith.cmpi slt, %iota3A_299, %sign3A_308 : vector<4x32xi32>
    %sign3A_310 = arith.extui %sign3A_309 : vector<4x32xi1> to vector<4x32xi32>
    %sign3A_311 = arith.subi %sign3A_306, %sign3A_310 : vector<4x32xi32>
    %sign3A_312 = arith.constant 0 : i32
    %sign3A_313 = arith.cmpi sgt, %jit3A_300, %sign3A_312 : i32
    %sign3A_314 = arith.extui %sign3A_313 : i1 to i32
    %sign3A_315 = arith.constant 0 : i32
    %sign3A_316 = arith.cmpi slt, %jit3A_300, %sign3A_315 : i32
    %sign3A_317 = arith.extui %sign3A_316 : i1 to i32
    %sign3A_318 = arith.subi %sign3A_314, %sign3A_317 : i32
    %ne3A_319 = vector.broadcast %sign3A_318 : i32 to vector<4x32xi32>
    %ne3A_320 = arith.cmpi ne, %sign3A_311, %ne3A_319 : vector<4x32xi32>
    %rem3A_321 = vector.broadcast %jit3A_300 : i32 to vector<4x32xi32>
    %rem3A_322 = arith.remsi %iota3A_299, %rem3A_321 : vector<4x32xi32>
    %ne3A_323 = arith.constant 0 : i32
    %ne3A_324 = vector.broadcast %ne3A_323 : i32 to vector<4x32xi32>
    %ne3A_325 = arith.cmpi ne, %rem3A_322, %ne3A_324 : vector<4x32xi32>
    %and3A_326 = arith.andi %ne3A_320, %ne3A_325 : vector<4x32xi1>
    %sub3A_327 = arith.constant 1 : i32
    %sub3A_328 = vector.broadcast %sub3A_327 : i32 to vector<4x32xi32>
    %sub3A_329 = arith.subi %div3A_302, %sub3A_328 : vector<4x32xi32>
    %select_n3A_330 = arith.select %and3A_326, %sub3A_329, %div3A_302 : vector<4x32xi1>, vector<4x32xi32>
    %eq3A_331 = arith.cmpi eq, %iota3A_298, %select_n3A_330 : vector<4x32xi32>
    %convert_element_type3A_332 = arith.extui %eq3A_331 : vector<4x32xi1> to vector<4x32xi32>
    %convert_element_type3A_333 = arith.sitofp %convert_element_type3A_332 : vector<4x32xi32> to vector<4x32xf32>
    %dot_general3A_334 = arith.constant dense<0.000000e+00> : vector<3200x32xf32>
    %dot_general3A_335 = tpu.matmul %exp3A_297, %convert_element_type3A_333, %dot_general3A_334 {dimension_numbers = #tpu.dot_dimension_numbers<[1], [0], [0], [1], [0, 0, 1, 1], [], []>, transpose_lhs_hint = false} : vector<3200x4xf32>, vector<4x32xf32>, vector<3200x32xf32> -> vector<3200x32xf32>
    %slice3A_336 = vector.extract_strided_slice %add3A_252 {offsets = [0, 32], sizes = [3200, 32], strides = [1, 1]} : vector<3200x64xf32> to vector<3200x32xf32>
    %mul3A_337 = arith.mulf %dot_general3A_335, %slice3A_336 : vector<3200x32xf32>
    %iota3A_338 = tpu.iota {dimensions = array<i32: 0>} : vector<4x128xi32>
    %iota3A_339 = tpu.iota {dimensions = array<i32: 1>} : vector<4x128xi32>
    %add3A_340 = arith.constant 48 : i32
    %add3A_341 = vector.broadcast %add3A_340 : i32 to vector<4x128xi32>
    %add3A_342 = arith.addi %iota3A_338, %add3A_341 : vector<4x128xi32>
    %eq3A_343 = arith.cmpi eq, %iota3A_339, %add3A_342 : vector<4x128xi32>
    %convert_element_type3A_344 = arith.extui %eq3A_343 : vector<4x128xi1> to vector<4x128xi32>
    %convert_element_type3A_345 = arith.sitofp %convert_element_type3A_344 : vector<4x128xi32> to vector<4x128xf32>
    %iota3A_346 = tpu.iota {dimensions = array<i32: 0>} : vector<32x128xi32>
    %iota3A_347 = tpu.iota {dimensions = array<i32: 1>} : vector<32x128xi32>
    %add3A_348 = arith.constant 48 : i32
    %add3A_349 = vector.broadcast %add3A_348 : i32 to vector<32x128xi32>
    %add3A_350 = arith.addi %iota3A_346, %add3A_349 : vector<32x128xi32>
    %add3A_351 = arith.constant 8 : i32
    %add3A_352 = vector.broadcast %add3A_351 : i32 to vector<32x128xi32>
    %add3A_353 = arith.addi %add3A_350, %add3A_352 : vector<32x128xi32>
    %eq3A_354 = arith.cmpi eq, %iota3A_347, %add3A_353 : vector<32x128xi32>
    %convert_element_type3A_355 = arith.extui %eq3A_354 : vector<32x128xi1> to vector<32x128xi32>
    %convert_element_type3A_356 = arith.sitofp %convert_element_type3A_355 : vector<32x128xi32> to vector<32x128xf32>
    %dot_general3A_357 = arith.constant dense<0.000000e+00> : vector<3200x128xf32>
    %dot_general3A_358 = tpu.matmul %exp3A_297, %convert_element_type3A_345, %dot_general3A_357 {dimension_numbers = #tpu.dot_dimension_numbers<[1], [0], [0], [1], [0, 0, 1, 1], [], []>, transpose_lhs_hint = false} : vector<3200x4xf32>, vector<4x128xf32>, vector<3200x128xf32> -> vector<3200x128xf32>
    %dot_general3A_359 = arith.constant dense<0.000000e+00> : vector<3200x128xf32>
    %dot_general3A_360 = tpu.matmul %mul3A_337, %convert_element_type3A_356, %dot_general3A_359 {dimension_numbers = #tpu.dot_dimension_numbers<[1], [0], [0], [1], [0, 0, 1, 1], [], []>, transpose_lhs_hint = false} : vector<3200x32xf32>, vector<32x128xf32>, vector<3200x128xf32> -> vector<3200x128xf32>
    %add3A_361 = arith.addf %dot_general3A_358, %dot_general3A_360 : vector<3200x128xf32>
    %add3A_362 = arith.addf %add3A_169, %add3A_361 : vector<3200x128xf32>
    %swap3A = arith.constant 0 : index
    %swap3A_363 = arith.constant 0 : index
    %swap3A_364 = vector.load %arg7[%swap3A, %swap3A_363] : memref<3200x128xf32, #tpu.memory_space<vmem>>, vector<3200x128xf32>
    tpu.vector_store %arg7[%swap3A, %swap3A_363], %add3A_362 {strides = array<i32>} : memref<3200x128xf32, #tpu.memory_space<vmem>>, vector<3200x128xf32>,
    return
  }
  func.func @transform_0(%arg0: i32) -> (i32, i32) {
    %c0_i32 = arith.constant 0 : i32
    %c0_i32_0 = arith.constant 0 : i32
    return %arg0, %c0_i32 : i32, i32
  }
  func.func @transform_1(%arg0: i32) -> (i32, i32) {
    %add3A = arith.constant 125 : i32
    %add3A_0 = arith.addi %arg0, %add3A : i32
    %c0_i32 = arith.constant 0 : i32
    %c0_i32_1 = arith.constant 0 : i32
    return %add3A_0, %c0_i32 : i32, i32
  }
  func.func @transform_2(%arg0: i32) -> (i32, i32) {
    %c0_i32 = arith.constant 0 : i32
    %c0_i32_0 = arith.constant 0 : i32
    return %c0_i32, %arg0 : i32, i32
  }
  func.func @transform_3(%arg0: i32) -> (i32, i32) {
    %add3A = arith.constant 125 : i32
    %add3A_0 = arith.addi %arg0, %add3A : i32
    %c0_i32 = arith.constant 0 : i32
    %c0_i32_1 = arith.constant 0 : i32
    return %c0_i32, %add3A_0 : i32, i32
  }
  func.func @transform_4(%arg0: i32) -> (i32, i32) {
    %c0_i32 = arith.constant 0 : i32
    %c0_i32_0 = arith.constant 0 : i32
    %c0_i32_1 = arith.constant 0 : i32
    return %c0_i32, %c0_i32_0 : i32, i32
  }
  func.func @transform_5(%arg0: i32) -> (i32, i32) {
    %c0_i32 = arith.constant 0 : i32
    %c0_i32_0 = arith.constant 0 : i32
    %c0_i32_1 = arith.constant 0 : i32
    return %c0_i32, %c0_i32_0 : i32, i32
  }
  func.func @transform_6(%arg0: i32) -> (i32, i32) {
    %c0_i32 = arith.constant 0 : i32
    %c0_i32_0 = arith.constant 0 : i32
    return %arg0, %c0_i32 : i32, i32
  }
}

module attributes {stable_mosaic.version = 14 : i64} {
  func.func @body(%arg0: i32, %arg1: memref<5000x48xf32, #tpu.memory_space<vmem>>, %arg2: memref<5000x3xf32, #tpu.memory_space<vmem>>, %arg3: memref<32x32xf32, #tpu.memory_space<vmem>>, %arg4: memref<32x32xf32, #tpu.memory_space<vmem>>, %arg5: memref<32x32xf32, #tpu.memory_space<vmem>>, %arg6: memref<5000x48xf32, #tpu.memory_space<vmem>>, %arg7: memref<5000x48xf32, #tpu.memory_space<vmem>>, %arg8: memref<5000x32xf32, #tpu.memory_space<vmem>>) attributes {dimension_semantics = [#tpu.dimension_semantics<arbitrary>], iteration_bounds = array<i64: 10>, scalar_prefetch = 0 : i64, scratch_operands = 0 : i64, tpu.core_type = #tpu.core_type<tc>, window_params = [{transform_indices = @transform_0, window_bounds = array<i64: 5000, 48>}, {transform_indices = @transform_1, window_bounds = array<i64: 5000, 3>}, {pipeline_mode = #tpu.pipeline_mode<synchronous>, transform_indices = @transform_2, window_bounds = array<i64: 32, 32>}, {pipeline_mode = #tpu.pipeline_mode<synchronous>, transform_indices = @transform_3, window_bounds = array<i64: 32, 32>}, {pipeline_mode = #tpu.pipeline_mode<synchronous>, transform_indices = @transform_4, window_bounds = array<i64: 32, 32>}, {transform_indices = @transform_5, window_bounds = array<i64: 5000, 48>}, {transform_indices = @transform_6, window_bounds = array<i64: 5000, 48>}, {transform_indices = @transform_7, window_bounds = array<i64: 5000, 32>}]} {
    %get3A = arith.constant 0 : index
    %get3A_0 = arith.constant 0 : index
    %get3A_1 = vector.load %arg1[%get3A, %get3A_0] : memref<5000x48xf32, #tpu.memory_space<vmem>>, vector<5000x48xf32>
    %slice3A = vector.extract_strided_slice %get3A_1 {offsets = [0, 0], sizes = [5000, 4], strides = [1, 1]} : vector<5000x48xf32> to vector<5000x4xf32>
    %iota3A = tpu.iota {dimensions = array<i32: 0>} : vector<4x32xi32>
    %iota3A_2 = tpu.iota {dimensions = array<i32: 1>} : vector<4x32xi32>
    %jit3A = arith.constant 8 : i32
    %div3A = vector.broadcast %jit3A : i32 to vector<4x32xi32>
    %div3A_3 = arith.divsi %iota3A_2, %div3A : vector<4x32xi32>
    %sign3A = arith.constant 0 : i32
    %sign3A_4 = vector.broadcast %sign3A : i32 to vector<4x32xi32>
    %sign3A_5 = arith.cmpi sgt, %iota3A_2, %sign3A_4 : vector<4x32xi32>
    %sign3A_6 = arith.extui %sign3A_5 : vector<4x32xi1> to vector<4x32xi32>
    %sign3A_7 = arith.constant 0 : i32
    %sign3A_8 = vector.broadcast %sign3A_7 : i32 to vector<4x32xi32>
    %sign3A_9 = arith.cmpi slt, %iota3A_2, %sign3A_8 : vector<4x32xi32>
    %sign3A_10 = arith.extui %sign3A_9 : vector<4x32xi1> to vector<4x32xi32>
    %sign3A_11 = arith.subi %sign3A_6, %sign3A_10 : vector<4x32xi32>
    %sign3A_12 = arith.constant 0 : i32
    %sign3A_13 = arith.cmpi sgt, %jit3A, %sign3A_12 : i32
    %sign3A_14 = arith.extui %sign3A_13 : i1 to i32
    %sign3A_15 = arith.constant 0 : i32
    %sign3A_16 = arith.cmpi slt, %jit3A, %sign3A_15 : i32
    %sign3A_17 = arith.extui %sign3A_16 : i1 to i32
    %sign3A_18 = arith.subi %sign3A_14, %sign3A_17 : i32
    %ne3A = vector.broadcast %sign3A_18 : i32 to vector<4x32xi32>
    %ne3A_19 = arith.cmpi ne, %sign3A_11, %ne3A : vector<4x32xi32>
    %rem3A = vector.broadcast %jit3A : i32 to vector<4x32xi32>
    %rem3A_20 = arith.remsi %iota3A_2, %rem3A : vector<4x32xi32>
    %ne3A_21 = arith.constant 0 : i32
    %ne3A_22 = vector.broadcast %ne3A_21 : i32 to vector<4x32xi32>
    %ne3A_23 = arith.cmpi ne, %rem3A_20, %ne3A_22 : vector<4x32xi32>
    %and3A = arith.andi %ne3A_19, %ne3A_23 : vector<4x32xi1>
    %sub3A = arith.constant 1 : i32
    %sub3A_24 = vector.broadcast %sub3A : i32 to vector<4x32xi32>
    %sub3A_25 = arith.subi %div3A_3, %sub3A_24 : vector<4x32xi32>
    %select_n3A = arith.select %and3A, %sub3A_25, %div3A_3 : vector<4x32xi1>, vector<4x32xi32>
    %eq3A = arith.cmpi eq, %iota3A, %select_n3A : vector<4x32xi32>
    %convert_element_type3A = arith.extui %eq3A : vector<4x32xi1> to vector<4x32xi32>
    %convert_element_type3A_26 = arith.sitofp %convert_element_type3A : vector<4x32xi32> to vector<4x32xf32>
    %dot_general3A = arith.constant dense<0.000000e+00> : vector<5000x32xf32>
    %dot_general3A_27 = tpu.matmul %slice3A, %convert_element_type3A_26, %dot_general3A {dimension_numbers = #tpu.dot_dimension_numbers<[1], [0], [0], [1], [0, 0, 1, 1], [], []>, transpose_lhs_hint = false} : vector<5000x4xf32>, vector<4x32xf32>, vector<5000x32xf32> -> vector<5000x32xf32>
    %add3A = arith.constant 9.99999971E-10 : f32
    %add3A_28 = vector.broadcast %add3A : f32 to vector<5000x32xf32>
    %add3A_29 = arith.addf %dot_general3A_27, %add3A_28 : vector<5000x32xf32>
    %slice3A_30 = vector.extract_strided_slice %get3A_1 {offsets = [0, 8], sizes = [5000, 32], strides = [1, 1]} : vector<5000x48xf32> to vector<5000x32xf32>
    %div3A_31 = arith.divf %slice3A_30, %add3A_29 : vector<5000x32xf32>
    %max3A = arith.constant 0.000000e+00 : f32
    %max3A_32 = vector.broadcast %max3A : f32 to vector<5000x32xf32>
    %max3A_33 = arith.maximumf %div3A_31, %max3A_32 : vector<5000x32xf32>
    %get3A_34 = arith.constant 0 : index
    %get3A_35 = arith.constant 0 : index
    %get3A_36 = vector.load %arg2[%get3A_34, %get3A_35] : memref<5000x3xf32, #tpu.memory_space<vmem>>, vector<5000x3xf32>
    %broadcast_in_dim3A = arith.constant 0.000000e+00 : f32
    %broadcast_in_dim3A_37 = vector.broadcast %broadcast_in_dim3A : f32 to vector<5000x13xf32>
    %get3A_38 = arith.constant 0 : index
    %get3A_39 = arith.constant 0 : index
    %get3A_40 = vector.load %arg3[%get3A_38, %get3A_39] : memref<32x32xf32, #tpu.memory_space<vmem>>, vector<32x32xf32>
    %dot_general3A_41 = arith.constant dense<0.000000e+00> : vector<5000x32xf32>
    %dot_general3A_42 = tpu.matmul %max3A_33, %get3A_40, %dot_general3A_41 {dimension_numbers = #tpu.dot_dimension_numbers<[1], [0], [0], [1], [0, 0, 1, 1], [], []>, transpose_lhs_hint = false} : vector<5000x32xf32>, vector<32x32xf32>, vector<5000x32xf32> -> vector<5000x32xf32>
    %get3A_43 = arith.constant 0 : index
    %get3A_44 = arith.constant 0 : index
    %get3A_45 = vector.load %arg4[%get3A_43, %get3A_44] : memref<32x32xf32, #tpu.memory_space<vmem>>, vector<32x32xf32>
    %dot_general3A_46 = arith.constant dense<0.000000e+00> : vector<5000x32xf32>
    %dot_general3A_47 = tpu.matmul %max3A_33, %get3A_45, %dot_general3A_46 {dimension_numbers = #tpu.dot_dimension_numbers<[1], [0], [0], [1], [0, 0, 1, 1], [], []>, transpose_lhs_hint = false} : vector<5000x32xf32>, vector<32x32xf32>, vector<5000x32xf32> -> vector<5000x32xf32>
    %concatenate3A = tpu.concatenate %dot_general3A_42, %get3A_36, %broadcast_in_dim3A_37 in 1 : vector<5000x32xf32>, vector<5000x3xf32>, vector<5000x13xf32> -> vector<5000x48xf32>
    %swap3A = arith.constant 0 : index
    %swap3A_48 = arith.constant 0 : index
    %swap3A_49 = vector.load %arg6[%swap3A, %swap3A_48] : memref<5000x48xf32, #tpu.memory_space<vmem>>, vector<5000x48xf32>
    tpu.vector_store %arg6[%swap3A, %swap3A_48], %concatenate3A {strides = array<i32>} : memref<5000x48xf32, #tpu.memory_space<vmem>>, vector<5000x48xf32>,
    %concatenate3A_50 = tpu.concatenate %dot_general3A_47, %get3A_36, %broadcast_in_dim3A_37 in 1 : vector<5000x32xf32>, vector<5000x3xf32>, vector<5000x13xf32> -> vector<5000x48xf32>
    %swap3A_51 = arith.constant 0 : index
    %swap3A_52 = arith.constant 0 : index
    %swap3A_53 = vector.load %arg7[%swap3A_51, %swap3A_52] : memref<5000x48xf32, #tpu.memory_space<vmem>>, vector<5000x48xf32>
    tpu.vector_store %arg7[%swap3A_51, %swap3A_52], %concatenate3A_50 {strides = array<i32>} : memref<5000x48xf32, #tpu.memory_space<vmem>>, vector<5000x48xf32>,
    %get3A_54 = arith.constant 0 : index
    %get3A_55 = arith.constant 0 : index
    %get3A_56 = vector.load %arg5[%get3A_54, %get3A_55] : memref<32x32xf32, #tpu.memory_space<vmem>>, vector<32x32xf32>
    %dot_general3A_57 = arith.constant dense<0.000000e+00> : vector<5000x32xf32>
    %dot_general3A_58 = tpu.matmul %max3A_33, %get3A_56, %dot_general3A_57 {dimension_numbers = #tpu.dot_dimension_numbers<[1], [0], [0], [1], [0, 0, 1, 1], [], []>, transpose_lhs_hint = false} : vector<5000x32xf32>, vector<32x32xf32>, vector<5000x32xf32> -> vector<5000x32xf32>
    %swap3A_59 = arith.constant 0 : index
    %swap3A_60 = arith.constant 0 : index
    %swap3A_61 = vector.load %arg8[%swap3A_59, %swap3A_60] : memref<5000x32xf32, #tpu.memory_space<vmem>>, vector<5000x32xf32>
    tpu.vector_store %arg8[%swap3A_59, %swap3A_60], %dot_general3A_58 {strides = array<i32>} : memref<5000x32xf32, #tpu.memory_space<vmem>>, vector<5000x32xf32>,
    return
  }
  func.func @transform_0(%arg0: i32) -> (i32, i32) {
    %c0_i32 = arith.constant 0 : i32
    %c0_i32_0 = arith.constant 0 : i32
    return %arg0, %c0_i32 : i32, i32
  }
  func.func @transform_1(%arg0: i32) -> (i32, i32) {
    %c0_i32 = arith.constant 0 : i32
    %c0_i32_0 = arith.constant 0 : i32
    return %arg0, %c0_i32 : i32, i32
  }
  func.func @transform_2(%arg0: i32) -> (i32, i32) {
    %c0_i32 = arith.constant 0 : i32
    %c0_i32_0 = arith.constant 0 : i32
    %c0_i32_1 = arith.constant 0 : i32
    return %c0_i32, %c0_i32_0 : i32, i32
  }
  func.func @transform_3(%arg0: i32) -> (i32, i32) {
    %c0_i32 = arith.constant 0 : i32
    %c0_i32_0 = arith.constant 0 : i32
    %c0_i32_1 = arith.constant 0 : i32
    return %c0_i32, %c0_i32_0 : i32, i32
  }
  func.func @transform_4(%arg0: i32) -> (i32, i32) {
    %c0_i32 = arith.constant 0 : i32
    %c0_i32_0 = arith.constant 0 : i32
    %c0_i32_1 = arith.constant 0 : i32
    return %c0_i32, %c0_i32_0 : i32, i32
  }
  func.func @transform_5(%arg0: i32) -> (i32, i32) {
    %c0_i32 = arith.constant 0 : i32
    %c0_i32_0 = arith.constant 0 : i32
    return %arg0, %c0_i32 : i32, i32
  }
  func.func @transform_6(%arg0: i32) -> (i32, i32) {
    %c0_i32 = arith.constant 0 : i32
    %c0_i32_0 = arith.constant 0 : i32
    return %arg0, %c0_i32 : i32, i32
  }
  func.func @transform_7(%arg0: i32) -> (i32, i32) {
    %c0_i32 = arith.constant 0 : i32
    %c0_i32_0 = arith.constant 0 : i32
    return %arg0, %c0_i32 : i32, i32
  }
}

module attributes {stable_mosaic.version = 14 : i64} {
  func.func @body(%arg0: i32, %arg1: memref<5000x48xf32, #tpu.memory_space<vmem>>, %arg2: memref<5000x32xf32, #tpu.memory_space<vmem>>) attributes {dimension_semantics = [#tpu.dimension_semantics<arbitrary>], iteration_bounds = array<i64: 10>, scalar_prefetch = 0 : i64, scratch_operands = 0 : i64, tpu.core_type = #tpu.core_type<tc>, window_params = [{transform_indices = @transform_0, window_bounds = array<i64: 5000, 48>}, {transform_indices = @transform_1, window_bounds = array<i64: 5000, 32>}]} {
    %get3A = arith.constant 0 : index
    %get3A_0 = arith.constant 0 : index
    %get3A_1 = vector.load %arg1[%get3A, %get3A_0] : memref<5000x48xf32, #tpu.memory_space<vmem>>, vector<5000x48xf32>
    %slice3A = vector.extract_strided_slice %get3A_1 {offsets = [0, 0], sizes = [5000, 4], strides = [1, 1]} : vector<5000x48xf32> to vector<5000x4xf32>
    %iota3A = tpu.iota {dimensions = array<i32: 0>} : vector<4x32xi32>
    %iota3A_2 = tpu.iota {dimensions = array<i32: 1>} : vector<4x32xi32>
    %jit3A = arith.constant 8 : i32
    %div3A = vector.broadcast %jit3A : i32 to vector<4x32xi32>
    %div3A_3 = arith.divsi %iota3A_2, %div3A : vector<4x32xi32>
    %sign3A = arith.constant 0 : i32
    %sign3A_4 = vector.broadcast %sign3A : i32 to vector<4x32xi32>
    %sign3A_5 = arith.cmpi sgt, %iota3A_2, %sign3A_4 : vector<4x32xi32>
    %sign3A_6 = arith.extui %sign3A_5 : vector<4x32xi1> to vector<4x32xi32>
    %sign3A_7 = arith.constant 0 : i32
    %sign3A_8 = vector.broadcast %sign3A_7 : i32 to vector<4x32xi32>
    %sign3A_9 = arith.cmpi slt, %iota3A_2, %sign3A_8 : vector<4x32xi32>
    %sign3A_10 = arith.extui %sign3A_9 : vector<4x32xi1> to vector<4x32xi32>
    %sign3A_11 = arith.subi %sign3A_6, %sign3A_10 : vector<4x32xi32>
    %sign3A_12 = arith.constant 0 : i32
    %sign3A_13 = arith.cmpi sgt, %jit3A, %sign3A_12 : i32
    %sign3A_14 = arith.extui %sign3A_13 : i1 to i32
    %sign3A_15 = arith.constant 0 : i32
    %sign3A_16 = arith.cmpi slt, %jit3A, %sign3A_15 : i32
    %sign3A_17 = arith.extui %sign3A_16 : i1 to i32
    %sign3A_18 = arith.subi %sign3A_14, %sign3A_17 : i32
    %ne3A = vector.broadcast %sign3A_18 : i32 to vector<4x32xi32>
    %ne3A_19 = arith.cmpi ne, %sign3A_11, %ne3A : vector<4x32xi32>
    %rem3A = vector.broadcast %jit3A : i32 to vector<4x32xi32>
    %rem3A_20 = arith.remsi %iota3A_2, %rem3A : vector<4x32xi32>
    %ne3A_21 = arith.constant 0 : i32
    %ne3A_22 = vector.broadcast %ne3A_21 : i32 to vector<4x32xi32>
    %ne3A_23 = arith.cmpi ne, %rem3A_20, %ne3A_22 : vector<4x32xi32>
    %and3A = arith.andi %ne3A_19, %ne3A_23 : vector<4x32xi1>
    %sub3A = arith.constant 1 : i32
    %sub3A_24 = vector.broadcast %sub3A : i32 to vector<4x32xi32>
    %sub3A_25 = arith.subi %div3A_3, %sub3A_24 : vector<4x32xi32>
    %select_n3A = arith.select %and3A, %sub3A_25, %div3A_3 : vector<4x32xi1>, vector<4x32xi32>
    %eq3A = arith.cmpi eq, %iota3A, %select_n3A : vector<4x32xi32>
    %convert_element_type3A = arith.extui %eq3A : vector<4x32xi1> to vector<4x32xi32>
    %convert_element_type3A_26 = arith.sitofp %convert_element_type3A : vector<4x32xi32> to vector<4x32xf32>
    %dot_general3A = arith.constant dense<0.000000e+00> : vector<5000x32xf32>
    %dot_general3A_27 = tpu.matmul %slice3A, %convert_element_type3A_26, %dot_general3A {dimension_numbers = #tpu.dot_dimension_numbers<[1], [0], [0], [1], [0, 0, 1, 1], [], []>, transpose_lhs_hint = false} : vector<5000x4xf32>, vector<4x32xf32>, vector<5000x32xf32> -> vector<5000x32xf32>
    %add3A = arith.constant 9.99999971E-10 : f32
    %add3A_28 = vector.broadcast %add3A : f32 to vector<5000x32xf32>
    %add3A_29 = arith.addf %dot_general3A_27, %add3A_28 : vector<5000x32xf32>
    %slice3A_30 = vector.extract_strided_slice %get3A_1 {offsets = [0, 8], sizes = [5000, 32], strides = [1, 1]} : vector<5000x48xf32> to vector<5000x32xf32>
    %div3A_31 = arith.divf %slice3A_30, %add3A_29 : vector<5000x32xf32>
    %swap3A = arith.constant 0 : index
    %swap3A_32 = arith.constant 0 : index
    %swap3A_33 = vector.load %arg2[%swap3A, %swap3A_32] : memref<5000x32xf32, #tpu.memory_space<vmem>>, vector<5000x32xf32>
    tpu.vector_store %arg2[%swap3A, %swap3A_32], %div3A_31 {strides = array<i32>} : memref<5000x32xf32, #tpu.memory_space<vmem>>, vector<5000x32xf32>,
    return
  }
  func.func @transform_0(%arg0: i32) -> (i32, i32) {
    %c0_i32 = arith.constant 0 : i32
    %c0_i32_0 = arith.constant 0 : i32
    return %arg0, %c0_i32 : i32, i32
  }
  func.func @transform_1(%arg0: i32) -> (i32, i32) {
    %c0_i32 = arith.constant 0 : i32
    %c0_i32_0 = arith.constant 0 : i32
    return %arg0, %c0_i32 : i32, i32
  }
}

</mosaic_0001>

<sc_bundles>
// kernel: kernel.12.cloned.1.call-start
scs
__scs_entry_jumppad:
0x0: {  	(pc) =	sbr.rel $0x88, $3  }
0x1: {  	(tag) =	ssettag $0x0;
	lr =	simm.s32 $0x1  }
0x2: {  	[smem:$0x3F97] =	sst lr;
	_ =	strace $0xD0000000  }
0x3: {  	_ = 	snop  }
0x4: {  	_ = 	snop  }
0x5: {  	_ = 	snop  }
0x6: {  	_ = 	snop  }
0x7: {  	_ = 	snop  }
__scs_overlays_trampoline_lowered:
0x8: {  	[smem:$0x3FA6] =	sst s0  }
0x9: {  	[smem:$0x3FA7] =	sst s1  }
0xa: {  	[smem:$0x3FA8] =	sst s2  }
0xb: {  	[smem:$0x3FA9] =	sst s3  }
0xc: {  	[smem:$0x3FAA] =	sst s4  }
0xd: {  	[smem:$0x3FAB] =	sst s5  }
0xe: {  	[smem:$0x3FAC] =	sst s6  }
0xf: {  	[smem:$0x3FAD] =	sst s7  }
0x10: {  	[smem:$0x3FAE] =	sst s8  }
0x11: {  	[smem:$0x3FAF] =	sst s9;
	s0 =	simm.s32 @!p0 $0x0  }
0x12: {  	s1 =	sld [smem:$0x3F95];
	s0 =	simm.s32 @p0 $0x1  }
0x13: {  	[smem:$0x3FB0] =	sst s0;
	s0 =	simm.s32 @!p1 $0x0  }
0x14: {  	s2 =	sld [smem:$0x3F94];
	s0 =	simm.s32 @p1 $0x1  }
0x15: {  	[smem:$0x3FB1] =	sst s0;
	s0 =	simm.s32 @!p2 $0x0  }
0x16: {  	s3 =	sld [smem:$0x3FDB];
	s0 =	simm.s32 @p2 $0x1  }
0x17: {  	s4 =	simm.s32 $0x1BF5;
	[smem:$0x3FB3] =	sst s0  }
0x18: {  	s0 =	sld [smem:$0x3F96];
	_ =	swait.ge [sflag:s4], $0x0  }
0x19: {  	s7 =	sld [smem:$0x3F97]  }
0x1a: {  	s8 =	sadd.s32 $0xFFFFE003, lr  }
0x1b: {  	s9 =	sadd.s32 $0xFFFFFEF7, lr;
	s5 =	simm.s32 $0xFFFFFFFF;
	p2 =	slt.u32 s8, $0xFFFFF086  }
0x1c: {  	p1 =	slt.u32 s9, $0xF7A;
	s5 =	simm.s32 @!p2 $0x0  }
0x1d: {  	s5 =	simm.s32 @p1 $0x1;
	p0 =	seq.s32 s7, s2  }
0x1e: {  	s7 =	smul.u32 @!p0 $0xF7A, s2;
	p2 =	seq.s32 @!p0 s5, $0x0  }
0x1f: {  	s9 =	smul.u32 $0xF7A, s1;
	s8 =	simm.s32 @!p0 $0x1BF5;
	p2 =	por !p2, p0  }
0x20: {  	[sflag:s8] =	ssyncset.s32 @!p0 $0xFFFFF086;
	s6 =	sadd.s32 @!p0 s3, s7;
	s7 =	simm.s32 @!p0 $0x108  }
0x21: {  	s3 =	sadd.s32 s3, s9;
	s6 =	sadd.s32 @!p0 $0x88, s6;
	s7 =	simm.s32 @p2 $0x1082  }
0x22: {  	[simem:s7], [sflag:s8] =	dma.local @!p0 [hbm:s6], $0xF7A  }
0x23: {  	s9 =	sor.u32 $0xD0000000, s2;
	s6 =	simm.s32 $0x108;
	_ =	swait.ge @!p0 [sflag:s8], $0x0  }
0x24: {  	s3 =	sadd.s32 $0x88, s3;
	s6 =	simm.s32 @!p1 $0x1082;
	[sflag:s4] =	ssyncset.s32 $0xFFFFF086  }
0x25: {  	[simem:s6], [sflag:s4] =	dma.local [hbm:s3], $0xF7A  }
0x26: {  	[smem:$0x3F97] =	sst s1;
	(tag) =	ssettag s2;
	_ =	strace s9  }
0x27: {  	s1 =	sld [smem:$0x3FA7]  }
0x28: {  	s2 =	sld [smem:$0x3FA8]  }
0x29: {  	s4 =	sld [smem:$0x3FAA]  }
0x2a: {  	p0 =	seq.s32 s5, $0x0;
	s5 =	sld [smem:$0x3FAB]  }
0x2b: {  	s6 =	sld [smem:$0x3FAC]  }
0x2c: {  	s7 =	sld [smem:$0x3FAD]  }
0x2d: {  	s3 =	simm.s32 $0x108;
	s8 =	sld [smem:$0x3FAE]  }
0x2e: {  	s3 =	simm.s32 @!p0 $0x1082;
	s9 =	sld [smem:$0x3FAF]  }
0x2f: {  	lr =	sadd.s32 s0, s3;
	s0 =	sld [smem:$0x3FA6]  }
0x30: {  	s3 =	sld [smem:$0x3FA9]  }
0x31: {  	[smem:$0x3FB2] =	sst s10  }
0x32: {  	s10 =	sld [smem:$0x3FB0];
	_ =	sdelay $0x3  }
0x33: {  	p0 =	seq.s32 s10, $0x1;
	s10 =	sld [smem:$0x3FB2];
	_ =	sdelay $0x3  }
0x34: {  	[smem:$0x3FB2] =	sst s10  }
0x35: {  	s10 =	sld [smem:$0x3FB1];
	_ =	sdelay $0x3  }
0x36: {  	p1 =	seq.s32 s10, $0x1;
	s10 =	sld [smem:$0x3FB2];
	_ =	sdelay $0x3  }
0x37: {  	[smem:$0x3FB2] =	sst s10  }
0x38: {  	s10 =	sld [smem:$0x3FB3]  }
0x39: {  	_ = 	snop;
	(pc) =	sbr.ind lr, $3  }
0x3a: {  	_ = 	snop  }
0x3b: {  	_ = 	snop  }
0x3c: {  	p2 =	seq.s32 s10, $0x1;
	s10 =	sld [smem:$0x3FB2]  }
0x3d: {  	_ =	shalt  }
0x3e: {  	_ =	shalt  }
0x3f: {  	_ =	shalt  }
0x40: {  	_ =	shalt  }
0x41: {  	_ =	shalt  }
0x42: {  	_ =	shalt  }
0x43: {  	_ =	shalt  }
0x44: {  	_ =	shalt  }
0x45: {  	_ =	shalt  }
0x46: {  	_ =	shalt  }
0x47: {  	_ =	shalt  }
0x48: {  	_ =	shalt  }
0x49: {  	_ =	shalt  }
0x4a: {  	_ =	shalt  }
0x4b: {  	_ =	shalt  }
0x4c: {  	_ =	shalt  }
0x4d: {  	_ =	shalt  }
0x4e: {  	_ =	shalt  }
0x4f: {  	_ =	shalt  }
0x50: {  	_ =	shalt  }
0x51: {  	_ =	shalt  }
0x52: {  	_ =	shalt  }
0x53: {  	_ =	shalt  }
0x54: {  	_ =	shalt  }
0x55: {  	_ =	shalt  }
0x56: {  	_ =	shalt  }
0x57: {  	_ =	shalt  }
0x58: {  	_ =	shalt  }
0x59: {  	_ =	shalt  }
0x5a: {  	_ =	shalt  }
0x5b: {  	_ =	shalt  }
0x5c: {  	_ =	shalt  }
0x5d: {  	_ =	shalt  }
0x5e: {  	_ =	shalt  }
0x5f: {  	_ =	shalt  }
0x60: {  	_ =	shalt  }
0x61: {  	_ =	shalt  }
0x62: {  	_ =	shalt  }
0x63: {  	_ =	shalt  }
0x64: {  	_ =	shalt  }
0x65: {  	_ =	shalt  }
0x66: {  	_ =	shalt  }
0x67: {  	_ =	shalt  }
0x68: {  	_ =	shalt  }
0x69: {  	_ =	shalt  }
0x6a: {  	_ =	shalt  }
0x6b: {  	_ =	shalt  }
0x6c: {  	_ =	shalt  }
0x6d: {  	_ =	shalt  }
0x6e: {  	_ =	shalt  }
0x6f: {  	_ =	shalt  }
0x70: {  	_ =	shalt  }
0x71: {  	_ =	shalt  }
0x72: {  	_ =	shalt  }
0x73: {  	_ =	shalt  }
0x74: {  	_ =	shalt  }
0x75: {  	_ =	shalt  }
0x76: {  	_ =	shalt  }
0x77: {  	_ =	shalt  }
0x78: {  	_ =	shalt  }
0x79: {  	_ =	shalt  }
0x7a: {  	_ =	shalt  }
0x7b: {  	_ =	shalt  }
0x7c: {  	_ =	shalt  }
0x7d: {  	_ =	shalt  }
0x7e: {  	_ =	shalt  }
0x7f: {  	_ =	shalt  }
0x80: {  	_ =	shalt  }
0x81: {  	_ =	shalt  }
0x82: {  	_ =	shalt  }
0x83: {  	_ =	shalt  }
0x84: {  	_ =	shalt  }
0x85: {  	_ =	shalt  }
0x86: {  	_ =	shalt  }
0x87: {  	_ =	shalt  }
.Lfunc_end0:
.L_simem_size_0:
called_computation_lowered:
.L_overlay_start_0:
0x88: {  	s2 =	sld [smem:$0x3FD9]  }
0x89: {  	s3 =	sld [smem:$0x3FFE];
	_ =	sdelay $0x1  }
0x8a: {  	s1 =	srdreg.scid  }
0x8b: {  	s0 =	sand.u32 $0x1, s1  }
0x8c: {  	s17 =	sshll.u32 s0, $0xA;
	s2 =	sadd.s32 s3, s2  }
0x8d: {  	s2 =	sadd.s32 s2, s17  }
0x8e: {  	[smem:$0x3FBE] =	sst s2  }
0x8f: {  	_ = 	snop  }
0x90: {  	s2 =	sld [smem:$0x3FD0];
	(tm) =	ssettm $0x1  }
0x91: {  	s18 =	sld [smem:$0x3FFB];
	_ =	sdelay $0x3  }
0x92: {  	_ =	strace s18  }
0x93: {  	s3 =	sld [smem:$0x3FFC];
	_ =	sdelay $0x3  }
0x94: {  	_ =	strace s3  }
0x95: {  	s3 =	sld [smem:$0x3FFD];
	_ =	sdelay $0x3  }
0x96: {  	_ =	strace s3  }
0x97: {  	_ =	strace $0x8FFFFFFF  }
0x98: {  	s19 =	sld [smem:$0x3FDB];
	_ =	sdelay $0x1  }
0x99: {  	s4 =	simm.s32 $_scs_section_size  }
0x9a: {  	s5 =	simm.s32 $_size__tile_overlayer_lowered;
	s6 =	simm.s32 $_tile_overlayer_lowered  }
0x9b: {  	s22 =	simm.s32 $0x1BFF;
	s21 =	sshll.u32 s6, $0x1;
	s3 =	sadd.s32 s4, s19  }
0x9c: {  	s7 =	simm.s32 $0x0;
	s20 =	sshll.u32 s5, $0x1;
	s5 =	sadd.s32 s21, s3  }
0x9d: {  	[timem:s7], [sflag:s22] =	dma.local [hbm:s5], s20  }
0x9e: {  	_ =	swait.ge [sflag:s22], s20  }
0x9f: {  	s4 =	ssub.s32 $0x0, s20;
	[sflag:s22] =	ssyncset.done $0x0  }
0xa0: {  	[sflag:s22] =	ssyncadd.s32 s4;
	_ =	sdelay $0x1  }
0xa1: {  	s23 =	simm.s32 $0x1B8B  }
0xa2: {  	_ =	swait.ge [sflag:s23], $0x1  }
0xa3: {  	[sflag:s23] =	ssyncset.done $0x0  }
0xa4: {  	s25 =	simm.s32 $0x1B8E;
	s24 =	sld [smem:$0x3FFE];
	[sflag:s23] =	ssyncadd.s32 $0xFFFFFFFF  }
0xa5: {  	s26 =	simm.s32 $execute0_lowered;
	[smem:$0x3FD2] =	sst s25  }
0xa6: {  	s5 =	sshll.u32 s26, $0x1;
	_ =	strace $0x80000046;
	[dreg:$0x1] =	wrdreg $0xFFFFFFFF  }
0xa7: {  	s28 =	simm.s32 $_size_execute0_lowered;
	s3 =	sadd.s32 s3, s5;
	[dreg:$0x0] =	wrdreg $0x0  }
0xa8: {  	s5 =	sshll.u32 s28, $0x1;
	[dreg:$0x2] =	wrdreg s3  }
0xa9: {  	[dreg:$0x3] =	wrdreg s5  }
0xaa: {  	[dreg:$0x4] =	wrdreg $0xC0  }
0xab: {  	_ =	task [dreg:s7], $0x5FFFF  }
0xac: {  	[dreg:$0x1] =	wrdreg $0xFFFFFFFF  }
0xad: {  	[dreg:$0x0] =	wrdreg $0x60  }
0xae: {  	[dreg:$0x2] =	wrdreg s24  }
0xaf: {  	[dreg:$0x3] =	wrdreg s2  }
0xb0: {  	[dreg:$0x4] =	wrdreg $0x9  }
0xb1: {  	_ =	task.clear_ibuf [dreg:s7], $0x5FFFF;
	_ =	strace $0x90000046  }
0xb2: {  	s29 =	simm.s32 $0x9;
	_ =	strace $0x80000048  }
0xb3: {  	_ =	swait.ge [sflag:s29], $0x1  }
0xb4: {  	[sflag:s29] =	ssyncadd.s32 $0xFFFFFFFF  }
0xb5: {  	_ =	strace $0x90000048  }
0xb6: {  	_ =	sfence  }
0xb7: {  	s30 =	sld [smem:$0x0];
	_ =	sdelay $0x2  }
0xb8: {  	s31 =	sshll.u32 s1, $0xD;
	s1 =	sshrl.u32 s1, $0x2  }
0xb9: {  	s3 =	sand.u32 $0x4000, s31;
	s1 =	sadd.s32 s1, s30  }
0xba: {  	s0 =	sor.u32 s3, s0;
	s1 =	sshll.u32 s1, $0x11  }
0xbb: {  	s0 =	sor.u32 s1, s0  }
0xbc: {  	s0 =	sadd.s32 $0x8F2B, s0  }
0xbd: {  	[sflag:s0] =	ssyncadd.remote.s32 $0x1  }
0xbe: {  	_ =	sfence.sel $0xFFFF  }
0xbf: {  	[dreg:$0x0] =	wrdreg $0xFFFFFFFF;
	(pc) =	sbr.abs _section_cstart, $3  }
0xc0: {  	[dreg:$0x1] =	wrdreg $0xFFFFFFFF  }
0xc1: {  	_ =	task.clear_ibuf [dreg:s7], $0x2FFFF;
	_ =	strace $0x9FFFFFFF  }
0xc2: {  	(tm) =	ssettm $0x7FFFFFFF  }
0xc3: {  	_ =	shalt  }
tec
execute0_lowered:
.L_overlay_start_1:
0x0: {  	(tag) =	ssettag $0x1  }
0x1: {  	s0 =	rddreg [dreg:$0x0]  }
0x2: {  	s2 =	rddreg [dreg:$0x1]  }
0x3: {  	s3 =	simm.s32 $0x0;
	s5 =	stileid.u32;
	s4 =	srdreg.scid  }
0x4: {  	s11 =	simm.s32 $0x5;
	s12 =	simm.s32 $0x100;
	s22 =	simm.s32 $0x180  }
0x5: {  	s13 =	simm.s32 $0x7D;
	s23 =	simm.s32 $0x1B70;
	s14 =	simm.s32 $0x400  }
0x6: {  	s24 =	simm.s32 $0x4A50;
	s15 =	simm.s32 $0x32E0;
	s25 =	simm.s32 $0x7160  }
0x7: {  	s16 =	simm.s32 $0x61C0;
	[smem:$0x7FF] =	sst s3;
	s6 =	sadd.s32 $0x18A800, s0  }
0x8: {  	s19 =	sadd.s32 $0x171800, s0;
	_ =	strace $0x80000047;
	[dreg:$0xc] =	wrdreg s6  }
0x9: {  	s17 =	simm.s32 $0x80;
	s18 =	simm.s32 $0x200;
	[dreg:$0xd] =	wrdreg s19  }
0xa: {  	s26 =	simm.s32 $0x380;
	s29 =	simm.s32 $0x9870;
	[dreg:$0x4] =	wrdreg s22  }
0xb: {  	s30 =	simm.s32 $0xC750;
	s31 =	simm.s32 $0xEE60;
	[dreg:$0x5] =	wrdreg s23  }
0xc: {  	s28 =	simm.s32 $0x2;
	s1 =	smul.u32 $0xC3500, s5;
	[dreg:$0x6] =	wrdreg s24  }
0xd: {  	s4 =	sand.u32 $0x1, s4;
	s5 =	smul.u32 $0xC800, s5;
	[dreg:$0x7] =	wrdreg s25  }
0xe: {  	s7 =	sadd.s32 $0xC6800, s0;
	s8 =	smul.u32 $0x6400, s4;
	[dreg:$0x8] =	wrdreg s26  }
0xf: {  	s6 =	sadd.s32 $0x10FC00, s0;
	s9 =	ssub.s32 $0x2, s4;
	[dreg:$0x9] =	wrdreg s29  }
0x10: {  	s4 =	smul.u32 $0x61A80, s4;
	s19 =	simm.s32 $0x300;
	[dreg:$0xa] =	wrdreg s30  }
0x11: {  	s22 =	simm.s32 $0xDEC0;
	s23 =	simm.s32 $0x280;
	[dreg:$0xb] =	wrdreg s31  }
0x12: {  	s24 =	simm.s32 $0x1;
	s25 =	simm.s32 $0x30;
	s20 =	sshrl.u32 s9, $0x1  }
0x13: {  	s26 =	simm.s32 $0x20;
	s0 =	sadd.s32 s1, s0;
	s1 =	ssub.s32 s9, s20  }
0x14: {  	s5 =	sadd.s32 s8, s5;
	s0 =	sadd.s32 s4, s0;
	s20 =	simm.s32 $0x8100  }
0x15: {  	s4 =	simm.s32 $0x0;
	s1 =	smax.u32 s1, $0x1;
	s0 =	sadd.s32 $0x1A3800, s0  }
0x16: {  	s21 =	sor.u32 $0x100, s5;
	s9 =	sshrl.u32 s5, $0x3;
	[dreg:$0xe] =	wrdreg s1  }
0x17: {  	[dreg:$0x3] =	wrdreg s0;
	s10 =	sshrl.u32 s21, $0x3;
	s21 =	simm.s32 $0xAFE0  }
.LBB2_1:
0x18: {  	p0 =	por $0x1, $0x1  }
0x19: {  	[dreg:$0xf] =	wrdreg s4;
	s0 =	simm.s32 @!p0 $0x3  }
0x1a: {  	_ =	swait.ge @!p0 [sflag:s0], $0x2EE0  }
0x1b: {  	[sflag:s0] =	ssyncset.done @!p0 $0x0  }
0x1c: {  	[sflag:s0] =	ssyncadd.s32 @!p0 $0xFFFFD120  }
0x1d: {  	_ =	swait.ge @!p0 [sflag:s0], $0x2EE0  }
0x1e: {  	[sflag:s0] =	ssyncset.done @!p0 $0x0  }
0x1f: {  	[sflag:s0] =	ssyncadd.s32 @!p0 $0xFFFFD120  }
0x20: {  	_ =	swait.ge @!p0 [sflag:s0], $0x1F40  }
0x21: {  	[sflag:s0] =	ssyncset.done @!p0 $0x0;
	s8 =	rddreg [dreg:$0xc]  }
0x22: {  	[sflag:s0] =	ssyncadd.s32 @!p0 $0xFFFFE0C0;
	s1 =	sadd.s32 s8, s9  }
0x23: {  	[tilespmem:s3], [sflag:$0x5] =	stream.linear.gather [hbm4b:s1+s3], $0x100, $0x38;
	[tilespmem:$0xFE00] =	vst v63  }
0x24: {  	_ =	swait.ge [sflag:s11], $0x100  }
0x25: {  	[sflag:s11] =	ssyncset.done $0x0;
	s30 =	rddreg [dreg:$0xd]  }
0x26: {  	[sflag:s11] =	ssyncadd.s32 $0xFFFFFF00;
	s4 =	sadd.s32 s30, s9  }
0x27: {  	[tilespmem:s12], [sflag:$0x5] =	stream.linear.gather [hbm4b:s4+s3], $0x100, $0x38;
	[tilespmem:$0xFE00] =	vst v63  }
0x28: {  	_ =	swait.ge [sflag:s11], $0x100  }
0x29: {  	[sflag:s11] =	ssyncset.done $0x0  }
0x2a: {  	[sflag:s11] =	ssyncadd.s32 $0xFFFFFF00  }
0x2b: {  	[tilespmem:s14], [sflag:$0x1] =	stream.indirect.gather [hbm4b:s6+s13], $0x30, s12, s13, $0xb8;
	[tilespmem:$0xFE00] =	vst v63  }
0x2c: {  	_ = 	snop  }
0x2d: {  	[tilespmem:s15], [sflag:$0x1] =	stream.indirect.gather [hbm4b:s7+s13], $0x30, s3, s13, $0xb8;
	[tilespmem:$0xFE00] =	vst v63  }
0x2e: {  	s5 =	rddreg [dreg:$0x5]  }
0x2f: {  	[tilespmem:s16], [sflag:$0x1] =	stream.indirect.gather [hbm4b:s2+s13], $0x20, s3, s13, $0xb8;
	[tilespmem:$0xFE00] =	vst v63  }
0x30: {  	s1 =	rddreg [dreg:$0x4]  }
0x31: {  	[tilespmem:s5], [sflag:$0x1] =	stream.indirect.gather [hbm4b:s6+s13], $0x30, s1, s13, $0xb8;
	[tilespmem:$0xFE00] =	vst v63  }
0x32: {  	s31 =	rddreg [dreg:$0x6]  }
0x33: {  	[tilespmem:s31], [sflag:$0x1] =	stream.indirect.gather [hbm4b:s7+s13], $0x30, s17, s13, $0xb8;
	[tilespmem:$0xFE00] =	vst v63  }
0x34: {  	s5 =	rddreg [dreg:$0x7];
	s1 =	simm.s32 @!p0 $0x4  }
0x35: {  	[tilespmem:s5], [sflag:$0x1] =	stream.indirect.gather [hbm4b:s2+s13], $0x20, s17, s13, $0xb8;
	[tilespmem:$0xFE00] =	vst v63  }
0x36: {  	_ =	swait.ge @!p0 [sflag:s1], $0x2EE0  }
0x37: {  	[sflag:s1] =	ssyncset.done @!p0 $0x0  }
0x38: {  	[sflag:s1] =	ssyncadd.s32 @!p0 $0xFFFFD120  }
0x39: {  	_ =	swait.ge @!p0 [sflag:s1], $0x2EE0  }
0x3a: {  	[sflag:s1] =	ssyncset.done @!p0 $0x0  }
0x3b: {  	[sflag:s1] =	ssyncadd.s32 @!p0 $0xFFFFD120  }
0x3c: {  	_ =	swait.ge @!p0 [sflag:s1], $0x1F40  }
0x3d: {  	[sflag:s1] =	ssyncset.done @!p0 $0x0  }
0x3e: {  	s31 =	sadd.s32 s8, s10;
	[sflag:s1] =	ssyncadd.s32 @!p0 $0xFFFFE0C0  }
0x3f: {  	[tilespmem:s18], [sflag:$0x5] =	stream.linear.gather [hbm4b:s31+s3], $0x100, $0x38;
	[tilespmem:$0xFE00] =	vst v63  }
0x40: {  	_ =	swait.ge [sflag:s11], $0x100  }
0x41: {  	[sflag:s11] =	ssyncset.done $0x0  }
0x42: {  	s1 =	sadd.s32 s30, s10;
	[sflag:s11] =	ssyncadd.s32 $0xFFFFFF00  }
0x43: {  	[tilespmem:s19], [sflag:$0x5] =	stream.linear.gather [hbm4b:s1+s3], $0x100, $0x38;
	[tilespmem:$0xFE00] =	vst v63  }
0x44: {  	_ =	swait.ge [sflag:s11], $0x100  }
0x45: {  	[sflag:s11] =	ssyncset.done $0x0  }
0x46: {  	[sflag:s11] =	ssyncadd.s32 $0xFFFFFF00  }
0x47: {  	[tilespmem:s20], [sflag:$0x2] =	stream.indirect.gather [hbm4b:s6+s13], $0x30, s19, s13, $0xb8;
	[tilespmem:$0xFE00] =	vst v63  }
0x48: {  	_ = 	snop  }
0x49: {  	[tilespmem:s21], [sflag:$0x2] =	stream.indirect.gather [hbm4b:s7+s13], $0x30, s18, s13, $0xb8;
	[tilespmem:$0xFE00] =	vst v63  }
0x4a: {  	s4 =	rddreg [dreg:$0x9]  }
0x4b: {  	[tilespmem:s22], [sflag:$0x2] =	stream.indirect.gather [hbm4b:s2+s13], $0x20, s18, s13, $0xb8;
	[tilespmem:$0xFE00] =	vst v63  }
0x4c: {  	s5 =	rddreg [dreg:$0x8]  }
0x4d: {  	[tilespmem:s4], [sflag:$0x2] =	stream.indirect.gather [hbm4b:s6+s13], $0x30, s5, s13, $0xb8;
	[tilespmem:$0xFE00] =	vst v63  }
0x4e: {  	s31 =	rddreg [dreg:$0xa]  }
0x4f: {  	[tilespmem:s31], [sflag:$0x2] =	stream.indirect.gather [hbm4b:s7+s13], $0x30, s23, s13, $0xb8;
	[tilespmem:$0xFE00] =	vst v63  }
0x50: {  	s5 =	rddreg [dreg:$0xb]  }
0x51: {  	[tilespmem:s5], [sflag:$0x2] =	stream.indirect.gather [hbm4b:s2+s13], $0x20, s23, s13, $0xb8;
	[tilespmem:$0xFE00] =	vst v63  }
0x52: {  	_ =	swait.ge [sflag:s24], $0x1770  }
0x53: {  	[sflag:s24] =	ssyncset.done $0x0  }
0x54: {  	[sflag:s24] =	ssyncadd.s32 $0xFFFFE890  }
0x55: {  	_ =	swait.ge [sflag:s24], $0x1770  }
0x56: {  	[sflag:s24] =	ssyncset.done $0x0  }
0x57: {  	[sflag:s24] =	ssyncadd.s32 $0xFFFFE890  }
0x58: {  	_ =	swait.ge [sflag:s24], $0xFA0  }
0x59: {  	[sflag:s24] =	ssyncset.done $0x0  }
0x5a: {  	[sflag:s24] =	ssyncadd.s32 $0xFFFFF060  }
0x5b: {  	_ =	swait.ge [sflag:s24], $0x1770  }
0x5c: {  	[sflag:s24] =	ssyncset.done $0x0  }
0x5d: {  	[sflag:s24] =	ssyncadd.s32 $0xFFFFE890  }
0x5e: {  	_ =	swait.ge [sflag:s24], $0x1770  }
0x5f: {  	[sflag:s24] =	ssyncset.done $0x0  }
0x60: {  	[sflag:s24] =	ssyncadd.s32 $0xFFFFE890  }
0x61: {  	_ =	swait.ge [sflag:s24], $0xFA0  }
0x62: {  	s31 =	rddreg [dreg:$0x3];
	[sflag:s24] =	ssyncset.done $0x0  }
0x63: {  	[sflag:s24] =	ssyncadd.s32 $0xFFFFF060;
	s5 =	sadd.s32 $0x0, s31  }
0x64: {  	[hbm4b:s5+s25] =	stream.strided.scatter [tilespmem:s14], [sflag:$0x3], $0x2EE0, s17, s25, $0x38;
	[tilespmem:$0xFE00] =	vst v63  }
0x65: {  	s0 =	sadd.s32 $0x6, s5  }
0x66: {  	[hbm4b:s0+s25] =	stream.strided.scatter [tilespmem:s15], [sflag:$0x3], $0x2EE0, s17, s25, $0x38;
	[tilespmem:$0xFE00] =	vst v63  }
0x67: {  	s1 =	sadd.s32 $0xC, s5  }
0x68: {  	[hbm4b:s1+s26] =	stream.strided.scatter [tilespmem:s16], [sflag:$0x3], $0x1F40, s17, s26, $0x38;
	[tilespmem:$0xFE00] =	vst v63  }
0x69: {  	_ =	swait.ge [sflag:s28], $0x1770  }
0x6a: {  	[sflag:s28] =	ssyncset.done $0x0  }
0x6b: {  	[sflag:s28] =	ssyncadd.s32 $0xFFFFE890  }
0x6c: {  	_ =	swait.ge [sflag:s28], $0x1770  }
0x6d: {  	[sflag:s28] =	ssyncset.done $0x0  }
0x6e: {  	[sflag:s28] =	ssyncadd.s32 $0xFFFFE890  }
0x6f: {  	_ =	swait.ge [sflag:s28], $0xFA0  }
0x70: {  	[sflag:s28] =	ssyncset.done $0x0  }
0x71: {  	[sflag:s28] =	ssyncadd.s32 $0xFFFFF060  }
0x72: {  	_ =	swait.ge [sflag:s28], $0x1770  }
0x73: {  	[sflag:s28] =	ssyncset.done $0x0  }
0x74: {  	[sflag:s28] =	ssyncadd.s32 $0xFFFFE890  }
0x75: {  	_ =	swait.ge [sflag:s28], $0x1770  }
0x76: {  	[sflag:s28] =	ssyncset.done $0x0  }
0x77: {  	[sflag:s28] =	ssyncadd.s32 $0xFFFFE890  }
0x78: {  	p1 =	por $0x0, $0x0;
	_ =	swait.ge [sflag:s28], $0xFA0  }
0x79: {  	s4 =	sadd.s32 $0xFA0, s5;
	s31 =	sadd.s32 $0xFA6, s5;
	[sflag:s28] =	ssyncset.done $0x0  }
0x7a: {  	s29 =	sadd.s32 $0xFAC, s5;
	s5 =	smov.u32 s30;
	[sflag:s28] =	ssyncadd.s32 $0xFFFFF060  }
0x7b: {  	[hbm4b:s4+s25] =	stream.strided.scatter [tilespmem:s20], [sflag:$0x4], $0x2EE0, s17, s25, $0x38;
	[tilespmem:$0xFE00] =	vst v63  }
0x7c: {  	s0 =	simm.s32 $0x1F40;
	s1 =	sadd.s32 $0x40, s8;
	s4 =	simm.s32 $0x3E80  }
0x7d: {  	[hbm4b:s31+s25] =	stream.strided.scatter [tilespmem:s21], [sflag:$0x4], $0x2EE0, s17, s25, $0x38;
	[tilespmem:$0xFE00] =	vst v63  }
.LBB2_2:
0x7e: {  	s30 =	simm.s32 @!p1 $0x3  }
0x7f: {  	[hbm4b:s29+s26] =	stream.strided.scatter [tilespmem:s22], [sflag:$0x4], $0x1F40, s17, s26, $0x38;
	[tilespmem:$0xFE00] =	vst v63  }
0x80: {  	_ =	swait.ge @!p1 [sflag:s30], $0x2EE0  }
0x81: {  	[sflag:s30] =	ssyncset.done @!p1 $0x0  }
0x82: {  	[sflag:s30] =	ssyncadd.s32 @!p1 $0xFFFFD120  }
0x83: {  	_ =	swait.ge @!p1 [sflag:s30], $0x2EE0  }
0x84: {  	[sflag:s30] =	ssyncset.done @!p1 $0x0  }
0x85: {  	[sflag:s30] =	ssyncadd.s32 @!p1 $0xFFFFD120  }
0x86: {  	_ =	swait.ge @!p1 [sflag:s30], $0x1F40  }
0x87: {  	[sflag:s30] =	ssyncset.done @!p1 $0x0  }
0x88: {  	s29 =	sadd.s32 s1, s9;
	[sflag:s30] =	ssyncadd.s32 @!p1 $0xFFFFE0C0  }
0x89: {  	[tilespmem:s3], [sflag:$0x5] =	stream.linear.gather [hbm4b:s29+s3], $0x100, $0x38;
	[tilespmem:$0xFE00] =	vst v63  }
0x8a: {  	_ =	swait.ge [sflag:s11], $0x100  }
0x8b: {  	s5 =	sadd.s32 $0x40, s5;
	[sflag:s11] =	ssyncset.done $0x0  }
0x8c: {  	s29 =	sadd.s32 s5, s9;
	[sflag:s11] =	ssyncadd.s32 $0xFFFFFF00  }
0x8d: {  	[tilespmem:s12], [sflag:$0x5] =	stream.linear.gather [hbm4b:s29+s3], $0x100, $0x38;
	[tilespmem:$0xFE00] =	vst v63  }
0x8e: {  	_ =	swait.ge [sflag:s11], $0x100  }
0x8f: {  	[sflag:s11] =	ssyncset.done $0x0  }
0x90: {  	[sflag:s11] =	ssyncadd.s32 $0xFFFFFF00  }
0x91: {  	[tilespmem:s14], [sflag:$0x1] =	stream.indirect.gather [hbm4b:s6+s13], $0x30, s12, s13, $0xb8;
	[tilespmem:$0xFE00] =	vst v63  }
0x92: {  	_ = 	snop  }
0x93: {  	[tilespmem:s15], [sflag:$0x1] =	stream.indirect.gather [hbm4b:s7+s13], $0x30, s3, s13, $0xb8;
	[tilespmem:$0xFE00] =	vst v63  }
0x94: {  	s29 =	rddreg [dreg:$0x5]  }
0x95: {  	[tilespmem:s16], [sflag:$0x1] =	stream.indirect.gather [hbm4b:s2+s13], $0x20, s3, s13, $0xb8;
	[tilespmem:$0xFE00] =	vst v63  }
0x96: {  	s30 =	rddreg [dreg:$0x4]  }
0x97: {  	[tilespmem:s29], [sflag:$0x1] =	stream.indirect.gather [hbm4b:s6+s13], $0x30, s30, s13, $0xb8;
	[tilespmem:$0xFE00] =	vst v63  }
0x98: {  	s31 =	rddreg [dreg:$0x6]  }
0x99: {  	[tilespmem:s31], [sflag:$0x1] =	stream.indirect.gather [hbm4b:s7+s13], $0x30, s17, s13, $0xb8;
	[tilespmem:$0xFE00] =	vst v63  }
0x9a: {  	s29 =	rddreg [dreg:$0x7];
	s30 =	simm.s32 @!p1 $0x4  }
0x9b: {  	[tilespmem:s29], [sflag:$0x1] =	stream.indirect.gather [hbm4b:s2+s13], $0x20, s17, s13, $0xb8;
	[tilespmem:$0xFE00] =	vst v63  }
0x9c: {  	_ =	swait.ge @!p1 [sflag:s30], $0x2EE0  }
0x9d: {  	[sflag:s30] =	ssyncset.done @!p1 $0x0  }
0x9e: {  	[sflag:s30] =	ssyncadd.s32 @!p1 $0xFFFFD120  }
0x9f: {  	_ =	swait.ge @!p1 [sflag:s30], $0x2EE0  }
0xa0: {  	[sflag:s30] =	ssyncset.done @!p1 $0x0  }
0xa1: {  	[sflag:s30] =	ssyncadd.s32 @!p1 $0xFFFFD120  }
0xa2: {  	_ =	swait.ge @!p1 [sflag:s30], $0x1F40  }
0xa3: {  	[sflag:s30] =	ssyncset.done @!p1 $0x0  }
0xa4: {  	s29 =	sadd.s32 s1, s10;
	[sflag:s30] =	ssyncadd.s32 @!p1 $0xFFFFE0C0  }
0xa5: {  	[tilespmem:s18], [sflag:$0x5] =	stream.linear.gather [hbm4b:s29+s3], $0x100, $0x38;
	[tilespmem:$0xFE00] =	vst v63  }
0xa6: {  	_ =	swait.ge [sflag:s11], $0x100  }
0xa7: {  	[sflag:s11] =	ssyncset.done $0x0  }
0xa8: {  	s29 =	sadd.s32 s5, s10;
	[sflag:s11] =	ssyncadd.s32 $0xFFFFFF00  }
0xa9: {  	[tilespmem:s19], [sflag:$0x5] =	stream.linear.gather [hbm4b:s29+s3], $0x100, $0x38;
	[tilespmem:$0xFE00] =	vst v63  }
0xaa: {  	_ =	swait.ge [sflag:s11], $0x100  }
0xab: {  	[sflag:s11] =	ssyncset.done $0x0  }
0xac: {  	[sflag:s11] =	ssyncadd.s32 $0xFFFFFF00  }
0xad: {  	[tilespmem:s20], [sflag:$0x2] =	stream.indirect.gather [hbm4b:s6+s13], $0x30, s19, s13, $0xb8;
	[tilespmem:$0xFE00] =	vst v63  }
0xae: {  	_ = 	snop  }
0xaf: {  	[tilespmem:s21], [sflag:$0x2] =	stream.indirect.gather [hbm4b:s7+s13], $0x30, s18, s13, $0xb8;
	[tilespmem:$0xFE00] =	vst v63  }
0xb0: {  	s29 =	rddreg [dreg:$0x9]  }
0xb1: {  	[tilespmem:s22], [sflag:$0x2] =	stream.indirect.gather [hbm4b:s2+s13], $0x20, s18, s13, $0xb8;
	[tilespmem:$0xFE00] =	vst v63  }
0xb2: {  	s30 =	rddreg [dreg:$0x8]  }
0xb3: {  	[tilespmem:s29], [sflag:$0x2] =	stream.indirect.gather [hbm4b:s6+s13], $0x30, s30, s13, $0xb8;
	[tilespmem:$0xFE00] =	vst v63  }
0xb4: {  	s31 =	rddreg [dreg:$0xa]  }
0xb5: {  	[tilespmem:s31], [sflag:$0x2] =	stream.indirect.gather [hbm4b:s7+s13], $0x30, s23, s13, $0xb8;
	[tilespmem:$0xFE00] =	vst v63  }
0xb6: {  	s29 =	rddreg [dreg:$0xb]  }
0xb7: {  	[tilespmem:s29], [sflag:$0x2] =	stream.indirect.gather [hbm4b:s2+s13], $0x20, s23, s13, $0xb8;
	[tilespmem:$0xFE00] =	vst v63  }
0xb8: {  	_ =	swait.ge [sflag:s24], $0x1770  }
0xb9: {  	[sflag:s24] =	ssyncset.done $0x0  }
0xba: {  	[sflag:s24] =	ssyncadd.s32 $0xFFFFE890  }
0xbb: {  	_ =	swait.ge [sflag:s24], $0x1770  }
0xbc: {  	[sflag:s24] =	ssyncset.done $0x0  }
0xbd: {  	[sflag:s24] =	ssyncadd.s32 $0xFFFFE890  }
0xbe: {  	_ =	swait.ge [sflag:s24], $0xFA0  }
0xbf: {  	[sflag:s24] =	ssyncset.done $0x0  }
0xc0: {  	[sflag:s24] =	ssyncadd.s32 $0xFFFFF060  }
0xc1: {  	_ =	swait.ge [sflag:s24], $0x1770  }
0xc2: {  	[sflag:s24] =	ssyncset.done $0x0  }
0xc3: {  	[sflag:s24] =	ssyncadd.s32 $0xFFFFE890  }
0xc4: {  	_ =	swait.ge [sflag:s24], $0x1770  }
0xc5: {  	[sflag:s24] =	ssyncset.done $0x0  }
0xc6: {  	[sflag:s24] =	ssyncadd.s32 $0xFFFFE890  }
0xc7: {  	_ =	swait.ge [sflag:s24], $0xFA0  }
0xc8: {  	s29 =	rddreg [dreg:$0x3];
	[sflag:s24] =	ssyncset.done $0x0  }
0xc9: {  	[sflag:s24] =	ssyncadd.s32 $0xFFFFF060;
	s29 =	sadd.s32 s0, s29  }
0xca: {  	[hbm4b:s29+s25] =	stream.strided.scatter [tilespmem:s14], [sflag:$0x3], $0x2EE0, s17, s25, $0x38;
	[tilespmem:$0xFE00] =	vst v63  }
0xcb: {  	s30 =	sadd.s32 $0x6, s29  }
0xcc: {  	[hbm4b:s30+s25] =	stream.strided.scatter [tilespmem:s15], [sflag:$0x3], $0x2EE0, s17, s25, $0x38;
	[tilespmem:$0xFE00] =	vst v63  }
0xcd: {  	s31 =	sadd.s32 $0xC, s29  }
0xce: {  	[hbm4b:s31+s26] =	stream.strided.scatter [tilespmem:s16], [sflag:$0x3], $0x1F40, s17, s26, $0x38;
	[tilespmem:$0xFE00] =	vst v63  }
0xcf: {  	_ =	swait.ge [sflag:s28], $0x1770  }
0xd0: {  	[sflag:s28] =	ssyncset.done $0x0  }
0xd1: {  	[sflag:s28] =	ssyncadd.s32 $0xFFFFE890  }
0xd2: {  	_ =	swait.ge [sflag:s28], $0x1770  }
0xd3: {  	[sflag:s28] =	ssyncset.done $0x0  }
0xd4: {  	[sflag:s28] =	ssyncadd.s32 $0xFFFFE890  }
0xd5: {  	_ =	swait.ge [sflag:s28], $0xFA0  }
0xd6: {  	[sflag:s28] =	ssyncset.done $0x0  }
0xd7: {  	[sflag:s28] =	ssyncadd.s32 $0xFFFFF060  }
0xd8: {  	_ =	swait.ge [sflag:s28], $0x1770  }
0xd9: {  	[sflag:s28] =	ssyncset.done $0x0  }
0xda: {  	[sflag:s28] =	ssyncadd.s32 $0xFFFFE890  }
0xdb: {  	_ =	swait.ge [sflag:s28], $0x1770  }
0xdc: {  	[sflag:s28] =	ssyncset.done $0x0  }
0xdd: {  	s8 =	smov.u32 s4;
	s4 =	sadd.s32 $0x1F40, s4;
	[sflag:s28] =	ssyncadd.s32 $0xFFFFE890  }
0xde: {  	p0 =	sne.s32 s4, $0x61A80;
	_ =	swait.ge [sflag:s28], $0xFA0  }
.Ltmp0:
0xdf: {  	s1 =	sadd.s32 $0x40, s1;
	[sflag:s28] =	ssyncset.done $0x0;
	(pc) =	sbr.rel @p0 .LBB2_2-.Ltmp0, $4  }
0xe0: {  	s0 =	smov.u32 s8;
	s30 =	sadd.s32 $0xFA0, s29;
	[sflag:s28] =	ssyncadd.s32 $0xFFFFF060  }
0xe1: {  	[hbm4b:s30+s25] =	stream.strided.scatter [tilespmem:s20], [sflag:$0x4], $0x2EE0, s17, s25, $0x38;
	[tilespmem:$0xFE00] =	vst v63  }
0xe2: {  	p1 =	seq.s32 s0, $0x0;
	s31 =	sadd.s32 $0xFA6, s29;
	s29 =	sadd.s32 $0xFAC, s29  }
0xe3: {  	[hbm4b:s31+s25] =	stream.strided.scatter [tilespmem:s21], [sflag:$0x4], $0x2EE0, s17, s25, $0x38;
	[tilespmem:$0xFE00] =	vst v63  }
0xe4: {  	s4 =	simm.s32 @!p1 $0x3  }
0xe5: {  	[hbm4b:s29+s26] =	stream.strided.scatter [tilespmem:s22], [sflag:$0x4], $0x1F40, s17, s26, $0x38;
	[tilespmem:$0xFE00] =	vst v63  }
0xe6: {  	_ =	swait.ge @!p1 [sflag:s4], $0x2EE0  }
0xe7: {  	[sflag:s4] =	ssyncset.done @!p1 $0x0  }
0xe8: {  	[sflag:s4] =	ssyncadd.s32 @!p1 $0xFFFFD120  }
0xe9: {  	_ =	swait.ge @!p1 [sflag:s4], $0x2EE0  }
0xea: {  	[sflag:s4] =	ssyncset.done @!p1 $0x0  }
0xeb: {  	[sflag:s4] =	ssyncadd.s32 @!p1 $0xFFFFD120  }
0xec: {  	_ =	swait.ge @!p1 [sflag:s4], $0x1F40  }
0xed: {  	[sflag:s4] =	ssyncset.done @!p1 $0x0  }
0xee: {  	s29 =	sadd.s32 s1, s9;
	[sflag:s4] =	ssyncadd.s32 @!p1 $0xFFFFE0C0  }
0xef: {  	[tilespmem:s3], [sflag:$0x5] =	stream.linear.gather [hbm4b:s29+s3], $0x100, $0x38;
	[tilespmem:$0xFE00] =	vst v63  }
0xf0: {  	_ =	swait.ge [sflag:s11], $0x100  }
0xf1: {  	s4 =	sadd.s32 $0x40, s5;
	[sflag:s11] =	ssyncset.done $0x0  }
0xf2: {  	s5 =	sadd.s32 s4, s9;
	[sflag:s11] =	ssyncadd.s32 $0xFFFFFF00  }
0xf3: {  	[tilespmem:s12], [sflag:$0x5] =	stream.linear.gather [hbm4b:s5+s3], $0x100, $0x38;
	[tilespmem:$0xFE00] =	vst v63  }
0xf4: {  	_ =	swait.ge [sflag:s11], $0x100  }
0xf5: {  	[sflag:s11] =	ssyncset.done $0x0  }
0xf6: {  	[sflag:s11] =	ssyncadd.s32 $0xFFFFFF00  }
0xf7: {  	[tilespmem:s14], [sflag:$0x1] =	stream.indirect.gather [hbm4b:s6+s13], $0x30, s12, s13, $0xb8;
	[tilespmem:$0xFE00] =	vst v63  }
0xf8: {  	_ = 	snop  }
0xf9: {  	[tilespmem:s15], [sflag:$0x1] =	stream.indirect.gather [hbm4b:s7+s13], $0x30, s3, s13, $0xb8;
	[tilespmem:$0xFE00] =	vst v63  }
0xfa: {  	s30 =	rddreg [dreg:$0x5]  }
0xfb: {  	[tilespmem:s16], [sflag:$0x1] =	stream.indirect.gather [hbm4b:s2+s13], $0x20, s3, s13, $0xb8;
	[tilespmem:$0xFE00] =	vst v63  }
0xfc: {  	s8 =	rddreg [dreg:$0x4]  }
0xfd: {  	[tilespmem:s30], [sflag:$0x1] =	stream.indirect.gather [hbm4b:s6+s13], $0x30, s8, s13, $0xb8;
	[tilespmem:$0xFE00] =	vst v63  }
0xfe: {  	s31 =	rddreg [dreg:$0x6]  }
0xff: {  	[tilespmem:s31], [sflag:$0x1] =	stream.indirect.gather [hbm4b:s7+s13], $0x30, s17, s13, $0xb8;
	[tilespmem:$0xFE00] =	vst v63  }
0x100: {  	s5 =	simm.s32 @!p1 $0x4;
	s8 =	rddreg [dreg:$0x7]  }
0x101: {  	[tilespmem:s8], [sflag:$0x1] =	stream.indirect.gather [hbm4b:s2+s13], $0x20, s17, s13, $0xb8;
	[tilespmem:$0xFE00] =	vst v63  }
0x102: {  	_ =	swait.ge @!p1 [sflag:s5], $0x2EE0  }
0x103: {  	[sflag:s5] =	ssyncset.done @!p1 $0x0  }
0x104: {  	[sflag:s5] =	ssyncadd.s32 @!p1 $0xFFFFD120  }
0x105: {  	_ =	swait.ge @!p1 [sflag:s5], $0x2EE0  }
0x106: {  	[sflag:s5] =	ssyncset.done @!p1 $0x0  }
0x107: {  	[sflag:s5] =	ssyncadd.s32 @!p1 $0xFFFFD120  }
0x108: {  	_ =	swait.ge @!p1 [sflag:s5], $0x1F40  }
0x109: {  	[sflag:s5] =	ssyncset.done @!p1 $0x0  }
0x10a: {  	s30 =	sadd.s32 s1, s10;
	[sflag:s5] =	ssyncadd.s32 @!p1 $0xFFFFE0C0  }
0x10b: {  	[tilespmem:s18], [sflag:$0x5] =	stream.linear.gather [hbm4b:s30+s3], $0x100, $0x38;
	[tilespmem:$0xFE00] =	vst v63  }
0x10c: {  	_ =	swait.ge [sflag:s11], $0x100  }
0x10d: {  	[sflag:s11] =	ssyncset.done $0x0  }
0x10e: {  	s31 =	sadd.s32 s4, s10;
	[sflag:s11] =	ssyncadd.s32 $0xFFFFFF00  }
0x10f: {  	[tilespmem:s19], [sflag:$0x5] =	stream.linear.gather [hbm4b:s31+s3], $0x100, $0x38;
	[tilespmem:$0xFE00] =	vst v63  }
0x110: {  	_ =	swait.ge [sflag:s11], $0x100  }
0x111: {  	[sflag:s11] =	ssyncset.done $0x0  }
0x112: {  	[sflag:s11] =	ssyncadd.s32 $0xFFFFFF00  }
0x113: {  	[tilespmem:s20], [sflag:$0x2] =	stream.indirect.gather [hbm4b:s6+s13], $0x30, s19, s13, $0xb8;
	[tilespmem:$0xFE00] =	vst v63  }
0x114: {  	_ = 	snop  }
0x115: {  	[tilespmem:s21], [sflag:$0x2] =	stream.indirect.gather [hbm4b:s7+s13], $0x30, s18, s13, $0xb8;
	[tilespmem:$0xFE00] =	vst v63  }
0x116: {  	s4 =	rddreg [dreg:$0x9]  }
0x117: {  	[tilespmem:s22], [sflag:$0x2] =	stream.indirect.gather [hbm4b:s2+s13], $0x20, s18, s13, $0xb8;
	[tilespmem:$0xFE00] =	vst v63  }
0x118: {  	s5 =	rddreg [dreg:$0x8]  }
0x119: {  	[tilespmem:s4], [sflag:$0x2] =	stream.indirect.gather [hbm4b:s6+s13], $0x30, s5, s13, $0xb8;
	[tilespmem:$0xFE00] =	vst v63  }
0x11a: {  	s8 =	rddreg [dreg:$0xa]  }
0x11b: {  	[tilespmem:s8], [sflag:$0x2] =	stream.indirect.gather [hbm4b:s7+s13], $0x30, s23, s13, $0xb8;
	[tilespmem:$0xFE00] =	vst v63  }
0x11c: {  	s29 =	rddreg [dreg:$0xb]  }
0x11d: {  	[tilespmem:s29], [sflag:$0x2] =	stream.indirect.gather [hbm4b:s2+s13], $0x20, s23, s13, $0xb8;
	[tilespmem:$0xFE00] =	vst v63  }
0x11e: {  	_ =	swait.ge [sflag:s24], $0x1770  }
0x11f: {  	[sflag:s24] =	ssyncset.done $0x0  }
0x120: {  	[sflag:s24] =	ssyncadd.s32 $0xFFFFE890  }
0x121: {  	_ =	swait.ge [sflag:s24], $0x1770  }
0x122: {  	[sflag:s24] =	ssyncset.done $0x0  }
0x123: {  	[sflag:s24] =	ssyncadd.s32 $0xFFFFE890  }
0x124: {  	_ =	swait.ge [sflag:s24], $0xFA0  }
0x125: {  	[sflag:s24] =	ssyncset.done $0x0  }
0x126: {  	[sflag:s24] =	ssyncadd.s32 $0xFFFFF060  }
0x127: {  	_ =	swait.ge [sflag:s24], $0x1770  }
0x128: {  	[sflag:s24] =	ssyncset.done $0x0  }
0x129: {  	[sflag:s24] =	ssyncadd.s32 $0xFFFFE890  }
0x12a: {  	_ =	swait.ge [sflag:s24], $0x1770  }
0x12b: {  	[sflag:s24] =	ssyncset.done $0x0  }
0x12c: {  	[sflag:s24] =	ssyncadd.s32 $0xFFFFE890  }
0x12d: {  	_ =	swait.ge [sflag:s24], $0xFA0  }
0x12e: {  	s30 =	rddreg [dreg:$0x3];
	[sflag:s24] =	ssyncset.done $0x0  }
0x12f: {  	[sflag:s24] =	ssyncadd.s32 $0xFFFFF060;
	s0 =	sadd.s32 s0, s30  }
0x130: {  	[hbm4b:s0+s25] =	stream.strided.scatter [tilespmem:s14], [sflag:$0x3], $0x2EE0, s17, s25, $0x38;
	[tilespmem:$0xFE00] =	vst v63  }
0x131: {  	s1 =	sadd.s32 $0x6, s0  }
0x132: {  	[hbm4b:s1+s25] =	stream.strided.scatter [tilespmem:s15], [sflag:$0x3], $0x2EE0, s17, s25, $0x38;
	[tilespmem:$0xFE00] =	vst v63  }
0x133: {  	s31 =	sadd.s32 $0xC, s0  }
0x134: {  	[hbm4b:s31+s26] =	stream.strided.scatter [tilespmem:s16], [sflag:$0x3], $0x1F40, s17, s26, $0x38;
	[tilespmem:$0xFE00] =	vst v63  }
0x135: {  	_ =	swait.ge [sflag:s28], $0x1770  }
0x136: {  	[sflag:s28] =	ssyncset.done $0x0  }
0x137: {  	[sflag:s28] =	ssyncadd.s32 $0xFFFFE890  }
0x138: {  	_ =	swait.ge [sflag:s28], $0x1770  }
0x139: {  	[sflag:s28] =	ssyncset.done $0x0  }
0x13a: {  	[sflag:s28] =	ssyncadd.s32 $0xFFFFE890  }
0x13b: {  	_ =	swait.ge [sflag:s28], $0xFA0  }
0x13c: {  	[sflag:s28] =	ssyncset.done $0x0  }
0x13d: {  	[sflag:s28] =	ssyncadd.s32 $0xFFFFF060  }
0x13e: {  	_ =	swait.ge [sflag:s28], $0x1770  }
0x13f: {  	[sflag:s28] =	ssyncset.done $0x0  }
0x140: {  	[sflag:s28] =	ssyncadd.s32 $0xFFFFE890  }
0x141: {  	_ =	swait.ge [sflag:s28], $0x1770  }
0x142: {  	[sflag:s28] =	ssyncset.done $0x0  }
0x143: {  	[sflag:s28] =	ssyncadd.s32 $0xFFFFE890  }
0x144: {  	_ =	swait.ge [sflag:s28], $0xFA0  }
0x145: {  	[sflag:s28] =	ssyncset.done $0x0  }
0x146: {  	s4 =	sadd.s32 $0xFA0, s0;
	[sflag:s28] =	ssyncadd.s32 $0xFFFFF060  }
0x147: {  	[hbm4b:s4+s25] =	stream.strided.scatter [tilespmem:s20], [sflag:$0x4], $0x2EE0, s17, s25, $0x38;
	[tilespmem:$0xFE00] =	vst v63  }
0x148: {  	s5 =	sadd.s32 $0xFA6, s0  }
0x149: {  	[hbm4b:s5+s25] =	stream.strided.scatter [tilespmem:s21], [sflag:$0x4], $0x2EE0, s17, s25, $0x38;
	[tilespmem:$0xFE00] =	vst v63  }
0x14a: {  	s8 =	simm.s32 $0x3;
	s0 =	sadd.s32 $0xFAC, s0  }
0x14b: {  	[hbm4b:s0+s26] =	stream.strided.scatter [tilespmem:s22], [sflag:$0x4], $0x1F40, s17, s26, $0x38;
	[tilespmem:$0xFE00] =	vst v63  }
0x14c: {  	_ =	swait.ge [sflag:s8], $0x2EE0  }
0x14d: {  	[sflag:s8] =	ssyncset.done $0x0  }
0x14e: {  	[sflag:s8] =	ssyncadd.s32 $0xFFFFD120  }
0x14f: {  	_ =	swait.ge [sflag:s8], $0x2EE0  }
0x150: {  	[sflag:s8] =	ssyncset.done $0x0  }
0x151: {  	[sflag:s8] =	ssyncadd.s32 $0xFFFFD120  }
0x152: {  	_ =	swait.ge [sflag:s8], $0x1F40  }
0x153: {  	[sflag:s8] =	ssyncset.done $0x0  }
0x154: {  	s29 =	simm.s32 $0x4;
	[sflag:s8] =	ssyncadd.s32 $0xFFFFE0C0  }
0x155: {  	_ =	swait.ge [sflag:s29], $0x2EE0  }
0x156: {  	[sflag:s29] =	ssyncset.done $0x0  }
0x157: {  	[sflag:s29] =	ssyncadd.s32 $0xFFFFD120  }
0x158: {  	_ =	swait.ge [sflag:s29], $0x2EE0  }
0x159: {  	[sflag:s29] =	ssyncset.done $0x0  }
0x15a: {  	[sflag:s29] =	ssyncadd.s32 $0xFFFFD120  }
0x15b: {  	_ =	swait.ge [sflag:s29], $0x1F40  }
0x15c: {  	s30 =	rddreg [dreg:$0xf]  }
0x15d: {  	s31 =	rddreg [dreg:$0xe];
	s4 =	sadd.s32 $0x1, s30  }
0x15e: {  	p0 =	sne.s32 s4, s31  }
.Ltmp1:
0x15f: {  	_ = 	snop;
	(pc) =	sbr.rel @p0 .LBB2_1-.Ltmp1, $3  }
0x160: {  	_ =	sdelay $0x1  }
0x161: {  	[sflag:s29] =	ssyncset.done $0x0  }
0x162: {  	[sflag:s29] =	ssyncadd.s32 $0xFFFFE0C0  }
0x163: {  	_ =	sfence.sel $0x180000  }
0x164: {  	[bflag:$0x0] =	sbarrier.arrive $0xFFFF  }
0x165: {  	_ =	strace $0x90000047  }
0x166: {  	s0 =	stileid.u32;
	[bflag:$0x2] =	sbarrier.arrive $0xFFFF  }
0x167: {  	p0 =	sne.s32 s0, $0x0;
	s0 =	rddreg [dreg:$0x2]  }
0x168: {  	s0 =	sadd.s32 @!p0 $0x100000, s0  }
0x169: {  	[sflag:s0] =	ssyncadd.tile.s32 @!p0 $0x1;
	_ =	shalt  }
.Lfunc_end2:
_tile_overlayer_lowered:
.L_overlay_start_2:
0x16a: {  	(tag) =	ssettag $0x2  }
0x16b: {  	s0 =	rddreg [dreg:$0x0];
	s2 =	stileid.u32  }
0x16c: {  	s1 =	rddreg [dreg:$0x1];
	p0 =	sne.s32 s2, $0x0  }
0x16d: {  	s3 =	rddreg [dreg:$0x2];
	[bflag:$0x3] =	sbarrier.arrive $0xFFFF;
	s2 =	simm.s32 @!p0 $0x1C05  }
0x16e: {  	[timem:s3], [sflag:s2] =	dma.local @!p0 [hbm:s0], s1  }
0x16f: {  	s0 =	simm.s32 @!p0 $0x5  }
0x170: {  	_ =	swait.ge @!p0 [sflag:s0], s1  }
0x171: {  	s1 =	ssub.s32 @!p0 $0x0, s1;
	[sflag:s0] =	ssyncset.done @!p0 $0x0  }
0x172: {  	[sflag:s0] =	ssyncadd.s32 @!p0 s1  }
0x173: {  	[bflag:$0x3] =	sbarrier.arrive $0xFFFF  }
0x174: {  	_ =	shalt  }

// kernel: kernel.15.cloned.1.call-start
scs
__scs_entry_jumppad:
0x0: {  	(pc) =	sbr.rel $0x88, $3  }
0x1: {  	(tag) =	ssettag $0x0;
	lr =	simm.s32 $0x1  }
0x2: {  	[smem:$0x3F97] =	sst lr;
	_ =	strace $0xD0000000  }
0x3: {  	_ = 	snop  }
0x4: {  	_ = 	snop  }
0x5: {  	_ = 	snop  }
0x6: {  	_ = 	snop  }
0x7: {  	_ = 	snop  }
__scs_overlays_trampoline_lowered:
0x8: {  	[smem:$0x3FA6] =	sst s0  }
0x9: {  	[smem:$0x3FA7] =	sst s1  }
0xa: {  	[smem:$0x3FA8] =	sst s2  }
0xb: {  	[smem:$0x3FA9] =	sst s3  }
0xc: {  	[smem:$0x3FAA] =	sst s4  }
0xd: {  	[smem:$0x3FAB] =	sst s5  }
0xe: {  	[smem:$0x3FAC] =	sst s6  }
0xf: {  	[smem:$0x3FAD] =	sst s7  }
0x10: {  	[smem:$0x3FAE] =	sst s8  }
0x11: {  	[smem:$0x3FAF] =	sst s9;
	s0 =	simm.s32 @!p0 $0x0  }
0x12: {  	s1 =	sld [smem:$0x3F95];
	s0 =	simm.s32 @p0 $0x1  }
0x13: {  	[smem:$0x3FB0] =	sst s0;
	s0 =	simm.s32 @!p1 $0x0  }
0x14: {  	s2 =	sld [smem:$0x3F94];
	s0 =	simm.s32 @p1 $0x1  }
0x15: {  	[smem:$0x3FB1] =	sst s0;
	s0 =	simm.s32 @!p2 $0x0  }
0x16: {  	s3 =	sld [smem:$0x3FDB];
	s0 =	simm.s32 @p2 $0x1  }
0x17: {  	s4 =	simm.s32 $0x1BF5;
	[smem:$0x3FB3] =	sst s0  }
0x18: {  	s0 =	sld [smem:$0x3F96];
	_ =	swait.ge [sflag:s4], $0x0  }
0x19: {  	s7 =	sld [smem:$0x3F97]  }
0x1a: {  	s8 =	sadd.s32 $0xFFFFE003, lr  }
0x1b: {  	s9 =	sadd.s32 $0xFFFFFEF7, lr;
	s5 =	simm.s32 $0xFFFFFFFF;
	p2 =	slt.u32 s8, $0xFFFFF086  }
0x1c: {  	p1 =	slt.u32 s9, $0xF7A;
	s5 =	simm.s32 @!p2 $0x0  }
0x1d: {  	s5 =	simm.s32 @p1 $0x1;
	p0 =	seq.s32 s7, s2  }
0x1e: {  	s7 =	smul.u32 @!p0 $0xF7A, s2;
	p2 =	seq.s32 @!p0 s5, $0x0  }
0x1f: {  	s9 =	smul.u32 $0xF7A, s1;
	s8 =	simm.s32 @!p0 $0x1BF5;
	p2 =	por !p2, p0  }
0x20: {  	[sflag:s8] =	ssyncset.s32 @!p0 $0xFFFFF086;
	s6 =	sadd.s32 @!p0 s3, s7;
	s7 =	simm.s32 @!p0 $0x108  }
0x21: {  	s3 =	sadd.s32 s3, s9;
	s6 =	sadd.s32 @!p0 $0x88, s6;
	s7 =	simm.s32 @p2 $0x1082  }
0x22: {  	[simem:s7], [sflag:s8] =	dma.local @!p0 [hbm:s6], $0xF7A  }
0x23: {  	s9 =	sor.u32 $0xD0000000, s2;
	s6 =	simm.s32 $0x108;
	_ =	swait.ge @!p0 [sflag:s8], $0x0  }
0x24: {  	s3 =	sadd.s32 $0x88, s3;
	s6 =	simm.s32 @!p1 $0x1082;
	[sflag:s4] =	ssyncset.s32 $0xFFFFF086  }
0x25: {  	[simem:s6], [sflag:s4] =	dma.local [hbm:s3], $0xF7A  }
0x26: {  	[smem:$0x3F97] =	sst s1;
	(tag) =	ssettag s2;
	_ =	strace s9  }
0x27: {  	s1 =	sld [smem:$0x3FA7]  }
0x28: {  	s2 =	sld [smem:$0x3FA8]  }
0x29: {  	s4 =	sld [smem:$0x3FAA]  }
0x2a: {  	p0 =	seq.s32 s5, $0x0;
	s5 =	sld [smem:$0x3FAB]  }
0x2b: {  	s6 =	sld [smem:$0x3FAC]  }
0x2c: {  	s7 =	sld [smem:$0x3FAD]  }
0x2d: {  	s3 =	simm.s32 $0x108;
	s8 =	sld [smem:$0x3FAE]  }
0x2e: {  	s3 =	simm.s32 @!p0 $0x1082;
	s9 =	sld [smem:$0x3FAF]  }
0x2f: {  	lr =	sadd.s32 s0, s3;
	s0 =	sld [smem:$0x3FA6]  }
0x30: {  	s3 =	sld [smem:$0x3FA9]  }
0x31: {  	[smem:$0x3FB2] =	sst s10  }
0x32: {  	s10 =	sld [smem:$0x3FB0];
	_ =	sdelay $0x3  }
0x33: {  	p0 =	seq.s32 s10, $0x1;
	s10 =	sld [smem:$0x3FB2];
	_ =	sdelay $0x3  }
0x34: {  	[smem:$0x3FB2] =	sst s10  }
0x35: {  	s10 =	sld [smem:$0x3FB1];
	_ =	sdelay $0x3  }
0x36: {  	p1 =	seq.s32 s10, $0x1;
	s10 =	sld [smem:$0x3FB2];
	_ =	sdelay $0x3  }
0x37: {  	[smem:$0x3FB2] =	sst s10  }
0x38: {  	s10 =	sld [smem:$0x3FB3]  }
0x39: {  	_ = 	snop;
	(pc) =	sbr.ind lr, $3  }
0x3a: {  	_ = 	snop  }
0x3b: {  	_ = 	snop  }
0x3c: {  	p2 =	seq.s32 s10, $0x1;
	s10 =	sld [smem:$0x3FB2]  }
0x3d: {  	_ =	shalt  }
0x3e: {  	_ =	shalt  }
0x3f: {  	_ =	shalt  }
0x40: {  	_ =	shalt  }
0x41: {  	_ =	shalt  }
0x42: {  	_ =	shalt  }
0x43: {  	_ =	shalt  }
0x44: {  	_ =	shalt  }
0x45: {  	_ =	shalt  }
0x46: {  	_ =	shalt  }
0x47: {  	_ =	shalt  }
0x48: {  	_ =	shalt  }
0x49: {  	_ =	shalt  }
0x4a: {  	_ =	shalt  }
0x4b: {  	_ =	shalt  }
0x4c: {  	_ =	shalt  }
0x4d: {  	_ =	shalt  }
0x4e: {  	_ =	shalt  }
0x4f: {  	_ =	shalt  }
0x50: {  	_ =	shalt  }
0x51: {  	_ =	shalt  }
0x52: {  	_ =	shalt  }
0x53: {  	_ =	shalt  }
0x54: {  	_ =	shalt  }
0x55: {  	_ =	shalt  }
0x56: {  	_ =	shalt  }
0x57: {  	_ =	shalt  }
0x58: {  	_ =	shalt  }
0x59: {  	_ =	shalt  }
0x5a: {  	_ =	shalt  }
0x5b: {  	_ =	shalt  }
0x5c: {  	_ =	shalt  }
0x5d: {  	_ =	shalt  }
0x5e: {  	_ =	shalt  }
0x5f: {  	_ =	shalt  }
0x60: {  	_ =	shalt  }
0x61: {  	_ =	shalt  }
0x62: {  	_ =	shalt  }
0x63: {  	_ =	shalt  }
0x64: {  	_ =	shalt  }
0x65: {  	_ =	shalt  }
0x66: {  	_ =	shalt  }
0x67: {  	_ =	shalt  }
0x68: {  	_ =	shalt  }
0x69: {  	_ =	shalt  }
0x6a: {  	_ =	shalt  }
0x6b: {  	_ =	shalt  }
0x6c: {  	_ =	shalt  }
0x6d: {  	_ =	shalt  }
0x6e: {  	_ =	shalt  }
0x6f: {  	_ =	shalt  }
0x70: {  	_ =	shalt  }
0x71: {  	_ =	shalt  }
0x72: {  	_ =	shalt  }
0x73: {  	_ =	shalt  }
0x74: {  	_ =	shalt  }
0x75: {  	_ =	shalt  }
0x76: {  	_ =	shalt  }
0x77: {  	_ =	shalt  }
0x78: {  	_ =	shalt  }
0x79: {  	_ =	shalt  }
0x7a: {  	_ =	shalt  }
0x7b: {  	_ =	shalt  }
0x7c: {  	_ =	shalt  }
0x7d: {  	_ =	shalt  }
0x7e: {  	_ =	shalt  }
0x7f: {  	_ =	shalt  }
0x80: {  	_ =	shalt  }
0x81: {  	_ =	shalt  }
0x82: {  	_ =	shalt  }
0x83: {  	_ =	shalt  }
0x84: {  	_ =	shalt  }
0x85: {  	_ =	shalt  }
0x86: {  	_ =	shalt  }
0x87: {  	_ =	shalt  }
.Lfunc_end0:
.L_simem_size_0:
called_computation.1_lowered:
.L_overlay_start_0:
0x88: {  	s2 =	sld [smem:$0x3FD9]  }
0x89: {  	s3 =	sld [smem:$0x3FFE];
	_ =	sdelay $0x1  }
0x8a: {  	s1 =	srdreg.scid  }
0x8b: {  	s0 =	sand.u32 $0x1, s1  }
0x8c: {  	s16 =	sshll.u32 s0, $0xA;
	s2 =	sadd.s32 s3, s2  }
0x8d: {  	s2 =	sadd.s32 s2, s16  }
0x8e: {  	[smem:$0x3FBE] =	sst s2  }
0x8f: {  	_ = 	snop  }
0x90: {  	(tm) =	ssettm $0x1  }
0x91: {  	s17 =	sld [smem:$0x3FFB];
	_ =	sdelay $0x3  }
0x92: {  	_ =	strace s17  }
0x93: {  	s2 =	sld [smem:$0x3FFC];
	_ =	sdelay $0x3  }
0x94: {  	_ =	strace s2  }
0x95: {  	s2 =	sld [smem:$0x3FFD];
	_ =	sdelay $0x3  }
0x96: {  	_ =	strace s2  }
0x97: {  	_ =	strace $0x8FFFFFFF  }
0x98: {  	s18 =	sld [smem:$0x3FDB];
	_ =	sdelay $0x1  }
0x99: {  	s19 =	simm.s32 $_scs_section_size  }
0x9a: {  	s4 =	simm.s32 $_size__tile_overlayer_lowered;
	s5 =	simm.s32 $_tile_overlayer_lowered  }
0x9b: {  	s22 =	simm.s32 $0x1BFF;
	s21 =	sshll.u32 s5, $0x1;
	s2 =	sadd.s32 s19, s18  }
0x9c: {  	s6 =	simm.s32 $0x0;
	s20 =	sshll.u32 s4, $0x1;
	s4 =	sadd.s32 s21, s2  }
0x9d: {  	[timem:s6], [sflag:s22] =	dma.local [hbm:s4], s20  }
0x9e: {  	_ =	swait.ge [sflag:s22], s20  }
0x9f: {  	s3 =	ssub.s32 $0x0, s20;
	[sflag:s22] =	ssyncset.done $0x0  }
0xa0: {  	[sflag:s22] =	ssyncadd.s32 s3;
	_ =	sdelay $0x1  }
0xa1: {  	s23 =	simm.s32 $0x1B8B  }
0xa2: {  	_ =	swait.ge [sflag:s23], $0x1  }
0xa3: {  	[sflag:s23] =	ssyncset.done $0x0  }
0xa4: {  	s25 =	simm.s32 $0x1B8E;
	s24 =	sld [smem:$0x3FFE];
	[sflag:s23] =	ssyncadd.s32 $0xFFFFFFFF  }
0xa5: {  	s26 =	simm.s32 $execute0_lowered;
	[smem:$0x3FD2] =	sst s25  }
0xa6: {  	s4 =	sshll.u32 s26, $0x1;
	_ =	strace $0x80000049;
	[dreg:$0x1] =	wrdreg $0xFFFFFFFF  }
0xa7: {  	s28 =	simm.s32 $_size_execute0_lowered;
	s2 =	sadd.s32 s2, s4;
	[dreg:$0x0] =	wrdreg $0x0  }
0xa8: {  	s4 =	sshll.u32 s28, $0x1;
	[dreg:$0x2] =	wrdreg s2  }
0xa9: {  	[dreg:$0x3] =	wrdreg s4  }
0xaa: {  	[dreg:$0x4] =	wrdreg $0xC0  }
0xab: {  	_ =	task [dreg:s6], $0x5FFFF  }
0xac: {  	[dreg:$0x1] =	wrdreg $0xFFFFFFFF  }
0xad: {  	[dreg:$0x0] =	wrdreg $0x60  }
0xae: {  	[dreg:$0x2] =	wrdreg s24  }
0xaf: {  	[dreg:$0x3] =	wrdreg $0xBF800  }
0xb0: {  	[dreg:$0x4] =	wrdreg $0x9  }
0xb1: {  	_ =	task.clear_ibuf [dreg:s6], $0x5FFFF;
	_ =	strace $0x90000049  }
0xb2: {  	s29 =	simm.s32 $0x9;
	_ =	strace $0x8000004B  }
0xb3: {  	_ =	swait.ge [sflag:s29], $0x1  }
0xb4: {  	[sflag:s29] =	ssyncadd.s32 $0xFFFFFFFF  }
0xb5: {  	_ =	strace $0x9000004B  }
0xb6: {  	_ =	sfence  }
0xb7: {  	s30 =	sld [smem:$0x0];
	_ =	sdelay $0x2  }
0xb8: {  	s31 =	sshll.u32 s1, $0xD;
	s1 =	sshrl.u32 s1, $0x2  }
0xb9: {  	s3 =	sand.u32 $0x4000, s31;
	s1 =	sadd.s32 s1, s30  }
0xba: {  	s0 =	sor.u32 s3, s0;
	s1 =	sshll.u32 s1, $0x11  }
0xbb: {  	s0 =	sor.u32 s1, s0  }
0xbc: {  	s0 =	sadd.s32 $0x8F2B, s0  }
0xbd: {  	[sflag:s0] =	ssyncadd.remote.s32 $0x1  }
0xbe: {  	_ =	sfence.sel $0xFFFF  }
0xbf: {  	[dreg:$0x0] =	wrdreg $0xFFFFFFFF;
	(pc) =	sbr.abs _section_cstart, $3  }
0xc0: {  	[dreg:$0x1] =	wrdreg $0xFFFFFFFF  }
0xc1: {  	_ =	task.clear_ibuf [dreg:s6], $0x2FFFF;
	_ =	strace $0x9FFFFFFF  }
0xc2: {  	(tm) =	ssettm $0x7FFFFFFF  }
0xc3: {  	_ =	shalt  }
tec
execute0_lowered:
.L_overlay_start_1:
0x0: {  	(tag) =	ssettag $0x1  }
0x1: {  	s0 =	rddreg [dreg:$0x0]  }
0x2: {  	s2 =	rddreg [dreg:$0x1];
	s11 =	stileid.u32  }
0x3: {  	s1 =	srdreg.scid;
	s3 =	simm.s32 $0x0;
	s4 =	smul.u32 $0x61A80, s11  }
0x4: {  	s26 =	simm.s32 $0x1B70;
	s28 =	simm.s32 $0x380;
	s6 =	smul.u32 $0x493E, s11  }
0x5: {  	s29 =	simm.s32 $0xA810;
	s30 =	simm.s32 $0x3;
	s8 =	smul.u32 $0x933C0, s11  }
0x6: {  	s31 =	simm.s32 $0x0;
	s1 =	sand.u32 $0x1, s1;
	s10 =	smul.u32 $0x6400, s11  }
0x7: {  	[smem:$0x7FF] =	sst s3;
	s7 =	sadd.s32 $0xDD8800, s0;
	s16 =	smul.u32 $0x927C0, s11  }
0x8: {  	s12 =	sadd.s32 $0xC6800, s0;
	p0 =	sgt.u32 s11, $0x7;
	s5 =	smul.u32 $0x249F0, s1  }
0x9: {  	_ =	strace $0x8000004A;
	s9 =	ssub.s32 $0x2, s1;
	[dreg:$0x8] =	wrdreg s12  }
0xa: {  	s1 =	smul.u32 $0xC8000, s1;
	s12 =	simm.s32 $0x80;
	[dreg:$0x7] =	wrdreg s26  }
0xb: {  	s26 =	simm.s32 $0x7930;
	s4 =	sadd.s32 s4, s0;
	s13 =	sshrl.u32 s9, $0x1  }
0xc: {  	s15 =	sshrl.u32 s8, $0x2;
	s18 =	sshrl.u32 s16, $0x2;
	s16 =	simm.s32 $0x300  }
0xd: {  	s5 =	sadd.s32 s6, s5;
	s14 =	ssub.s32 s9, s13;
	s1 =	sadd.s32 s10, s1  }
0xe: {  	s9 =	sadd.s32 s15, s2;
	s25 =	sadd.s32 s18, s2;
	s10 =	simm.s32 $0x100  }
0xf: {  	s13 =	simm.s32 $0x400;
	s15 =	simm.s32 $0x200;
	s18 =	simm.s32 $0x90A0  }
0x10: {  	s0 =	sadd.s32 s5, s0;
	s17 =	sadd.s32 $0x64100, s1;
	s19 =	sor.u32 $0x100, s1  }
0x11: {  	s22 =	sadd.s32 $0x64000, s1;
	s5 =	smax.u32 s14, $0x1;
	s1 =	sshrl.u32 s1, $0x3  }
0x12: {  	s14 =	simm.s32 $0x32E0;
	s0 =	sadd.s32 $0xCB200, s0;
	s20 =	sshrl.u32 s19, $0x3  }
0x13: {  	[dreg:$0xa] =	wrdreg s5;
	s23 =	sshrl.u32 s22, $0x3;
	s24 =	sadd.s32 s1, s7  }
0x14: {  	s5 =	sshll.u32 @!p0 s11, $0x6;
	s1 =	sadd.s32 $0xE0B7A6, s4;
	s11 =	simm.s32 $0x30  }
0x15: {  	s19 =	simm.s32 $0x1;
	s22 =	simm.s32 $0x4A50;
	[dreg:$0x9] =	wrdreg s0  }
0x16: {  	s0 =	sshrl.u32 s17, $0x3;
	s21 =	sadd.s32 s20, s7;
	[dreg:$0x6] =	wrdreg s24  }
0x17: {  	s8 =	sor.u32 @!p0 $0x1C04, s5;
	s0 =	sadd.s32 s0, s7;
	[dreg:$0x4] =	wrdreg s21  }
0x18: {  	s17 =	simm.s32 $0x61C0;
	[dreg:$0x3] =	wrdreg s0;
	s0 =	sadd.s32 s23, s7  }
0x19: {  	s20 =	simm.s32 $0x7D;
	[dreg:$0x5] =	wrdreg s0;
	s0 =	sshrl.u32 @!p0 s9, $0x3  }
0x1a: {  	s24 =	simm.s32 $0x280;
	[dreg:$0xb] =	wrdreg s0;
	s0 =	sshrl.u32 @!p0 s25, $0x3  }
0x1b: {  	s21 =	simm.s32 $0x180;
	s23 =	simm.s32 $0x2;
	[dreg:$0xc] =	wrdreg s0  }
.LBB2_1:
0x1c: {  	s0 =	rddreg [dreg:$0x8]  }
0x1d: {  	s4 =	rddreg [dreg:$0xb]  }
0x1e: {  	[spmem:s4], [sflag:s8] =	dma.local @!p0 [hbm:s0], $0x499E  }
0x1f: {  	s0 =	simm.s32 @!p0 $0x4  }
0x20: {  	_ =	swait.ge @!p0 [sflag:s0], $0x499E  }
0x21: {  	[sflag:s0] =	ssyncset.done @!p0 $0x0  }
0x22: {  	[sflag:s0] =	ssyncadd.s32 @!p0 $0xFFFFB662  }
0x23: {  	[bflag:$0x0] =	sbarrier.arrive $0xFFFF  }
0x24: {  	s4 =	rddreg [dreg:$0x6]  }
0x25: {  	s5 =	rddreg [dreg:$0x5];
	s0 =	sadd.s32 $0x0, s4  }
0x26: {  	[tilespmem:s3], [sflag:$0x1] =	stream.linear.gather [hbm4b:s0+s3], $0x100, $0x38;
	[tilespmem:$0x1E5F8] =	vst v63  }
0x27: {  	s6 =	sadd.s32 $0x0, s5  }
0x28: {  	[tilespmem:s10], [sflag:$0x1] =	stream.linear.gather [hbm4b:s6+s3], $0x100, $0x38;
	[tilespmem:$0x1E5F8] =	vst v63  }
0x29: {  	s7 =	sadd.s32 $0xFFFFF05A, s1  }
0x2a: {  	[tilespmem:s13], [sflag:$0x1] =	stream.strided.gather [hbm4b:s7+s11], $0x2EE0, s12, s11, $0x38;
	[tilespmem:$0x1E5F8] =	vst v63  }
0x2b: {  	s25 =	sadd.s32 $0xFFFFF060, s1;
	s9 =	rddreg [dreg:$0x4]  }
0x2c: {  	[tilespmem:s14], [sflag:$0x1] =	stream.strided.gather [hbm4b:s25+s11], $0x2EE0, s12, s11, $0x38;
	[tilespmem:$0x1E5F8] =	vst v63  }
0x2d: {  	s5 =	rddreg [dreg:$0x3];
	s6 =	sadd.s32 $0x0, s9  }
0x2e: {  	[tilespmem:s15], [sflag:$0x2] =	stream.linear.gather [hbm4b:s6+s3], $0x100, $0x38;
	[tilespmem:$0x1E5F8] =	vst v63  }
0x2f: {  	s7 =	sadd.s32 $0x0, s5  }
0x30: {  	[tilespmem:s16], [sflag:$0x2] =	stream.linear.gather [hbm4b:s7+s3], $0x100, $0x38;
	[tilespmem:$0x1E5F8] =	vst v63  }
0x31: {  	s9 =	sadd.s32 $0xFFFFFFFA, s1  }
0x32: {  	[tilespmem:s17], [sflag:$0x2] =	stream.strided.gather [hbm4b:s9+s11], $0x2EE0, s12, s11, $0x38;
	[tilespmem:$0x1E5F8] =	vst v63  }
0x33: {  	_ = 	snop  }
0x34: {  	[tilespmem:s18], [sflag:$0x2] =	stream.strided.gather [hbm4b:s1+s11], $0x2EE0, s12, s11, $0x38;
	[tilespmem:$0x1E5F8] =	vst v63  }
0x35: {  	_ =	swait.ge [sflag:s19], $0x100  }
0x36: {  	[sflag:s19] =	ssyncset.done $0x0  }
0x37: {  	[sflag:s19] =	ssyncadd.s32 $0xFFFFFF00  }
0x38: {  	_ =	swait.ge [sflag:s19], $0x100  }
0x39: {  	[sflag:s19] =	ssyncset.done $0x0  }
0x3a: {  	[sflag:s19] =	ssyncadd.s32 $0xFFFFFF00  }
0x3b: {  	_ =	swait.ge [sflag:s19], $0x2EE0  }
0x3c: {  	[sflag:s19] =	ssyncset.done $0x0  }
0x3d: {  	[sflag:s19] =	ssyncadd.s32 $0xFFFFD120  }
0x3e: {  	_ =	swait.ge [sflag:s19], $0x2EE0  }
0x3f: {  	[sflag:s19] =	ssyncset.done $0x0  }
0x40: {  	[sflag:s19] =	ssyncadd.s32 $0xFFFFD120  }
0x41: {  	[spmem:s2] =	stream.indirect.scatter.add.f32 [tilespmem:s13], [sflag:$0x3], $0x30, s3, s20, $0xb8;
	[tilespmem:$0x1E5F8] =	vst v63  }
0x42: {  	_ = 	snop  }
0x43: {  	[spmem:s2] =	stream.indirect.scatter.add.f32 [tilespmem:s14], [sflag:$0x3], $0x30, s10, s20, $0xb8;
	[tilespmem:$0x1E5F8] =	vst v63  }
0x44: {  	s25 =	rddreg [dreg:$0x7]  }
0x45: {  	[spmem:s2] =	stream.indirect.scatter.add.f32 [tilespmem:s25], [sflag:$0x3], $0x30, s12, s20, $0xb8;
	[tilespmem:$0x1E5F8] =	vst v63  }
0x46: {  	_ = 	snop  }
0x47: {  	[spmem:s2] =	stream.indirect.scatter.add.f32 [tilespmem:s22], [sflag:$0x3], $0x30, s21, s20, $0xb8;
	[tilespmem:$0x1E5F8] =	vst v63  }
0x48: {  	_ =	swait.ge [sflag:s23], $0x100  }
0x49: {  	[sflag:s23] =	ssyncset.done $0x0  }
0x4a: {  	[sflag:s23] =	ssyncadd.s32 $0xFFFFFF00  }
0x4b: {  	_ =	swait.ge [sflag:s23], $0x100  }
0x4c: {  	[sflag:s23] =	ssyncset.done $0x0  }
0x4d: {  	[sflag:s23] =	ssyncadd.s32 $0xFFFFFF00  }
0x4e: {  	_ =	swait.ge [sflag:s23], $0x2EE0  }
0x4f: {  	[sflag:s23] =	ssyncset.done $0x0  }
0x50: {  	[sflag:s23] =	ssyncadd.s32 $0xFFFFD120  }
0x51: {  	_ =	swait.ge [sflag:s23], $0x2EE0  }
0x52: {  	[sflag:s23] =	ssyncset.done $0x0  }
0x53: {  	[sflag:s23] =	ssyncadd.s32 $0xFFFFD120  }
0x54: {  	[spmem:s2] =	stream.indirect.scatter.add.f32 [tilespmem:s17], [sflag:$0x3], $0x30, s15, s20, $0xb8;
	[tilespmem:$0x1E5F8] =	vst v63  }
0x55: {  	_ = 	snop  }
0x56: {  	[spmem:s2] =	stream.indirect.scatter.add.f32 [tilespmem:s18], [sflag:$0x3], $0x30, s16, s20, $0xb8;
	[tilespmem:$0x1E5F8] =	vst v63  }
0x57: {  	_ = 	snop  }
0x58: {  	[spmem:s2] =	stream.indirect.scatter.add.f32 [tilespmem:s26], [sflag:$0x3], $0x30, s24, s20, $0xb8;
	[tilespmem:$0x1E5F8] =	vst v63  }
0x59: {  	_ = 	snop  }
0x5a: {  	[spmem:s2] =	stream.indirect.scatter.add.f32 [tilespmem:s29], [sflag:$0x3], $0x30, s28, s20, $0xb8;
	[tilespmem:$0x1E5F8] =	vst v63  }
0x5b: {  	_ =	swait.ge [sflag:s30], $0x1770  }
0x5c: {  	[sflag:s30] =	ssyncset.done $0x0  }
0x5d: {  	[sflag:s30] =	ssyncadd.s32 $0xFFFFE890  }
0x5e: {  	_ =	swait.ge [sflag:s30], $0x1770  }
0x5f: {  	[sflag:s30] =	ssyncset.done $0x0  }
0x60: {  	[sflag:s30] =	ssyncadd.s32 $0xFFFFE890  }
0x61: {  	_ =	swait.ge [sflag:s30], $0x1770  }
0x62: {  	[sflag:s30] =	ssyncset.done $0x0  }
0x63: {  	[sflag:s30] =	ssyncadd.s32 $0xFFFFE890  }
0x64: {  	_ =	swait.ge [sflag:s30], $0x1770  }
0x65: {  	[sflag:s30] =	ssyncset.done $0x0  }
0x66: {  	[sflag:s30] =	ssyncadd.s32 $0xFFFFE890  }
0x67: {  	_ =	swait.ge [sflag:s30], $0x1770  }
0x68: {  	[sflag:s30] =	ssyncset.done $0x0  }
0x69: {  	[sflag:s30] =	ssyncadd.s32 $0xFFFFE890  }
0x6a: {  	_ =	swait.ge [sflag:s30], $0x1770  }
0x6b: {  	[sflag:s30] =	ssyncset.done $0x0  }
0x6c: {  	[sflag:s30] =	ssyncadd.s32 $0xFFFFE890  }
0x6d: {  	_ =	swait.ge [sflag:s30], $0x1770  }
0x6e: {  	[sflag:s30] =	ssyncset.done $0x0  }
0x6f: {  	[sflag:s30] =	ssyncadd.s32 $0xFFFFE890  }
0x70: {  	s4 =	simm.s32 $0x80;
	s0 =	simm.s32 $0x40;
	_ =	swait.ge [sflag:s30], $0x1770  }
0x71: {  	s7 =	smov.u32 s1;
	s5 =	rddreg [dreg:$0x6];
	[sflag:s30] =	ssyncset.done $0x0  }
.LBB2_2:
0x72: {  	[sflag:s30] =	ssyncadd.s32 $0xFFFFE890;
	s6 =	rddreg [dreg:$0x5];
	s5 =	sadd.s32 s0, s5  }
0x73: {  	[tilespmem:s3], [sflag:$0x1] =	stream.linear.gather [hbm4b:s5+s3], $0x100, $0x38;
	[tilespmem:$0x1E5F8] =	vst v63  }
0x74: {  	s7 =	sadd.s32 $0x1F40, s7;
	s6 =	sadd.s32 s0, s6  }
0x75: {  	[tilespmem:s10], [sflag:$0x1] =	stream.linear.gather [hbm4b:s6+s3], $0x100, $0x38;
	[tilespmem:$0x1E5F8] =	vst v63  }
0x76: {  	s25 =	sadd.s32 $0xFFFFF05A, s7  }
0x77: {  	[tilespmem:s13], [sflag:$0x1] =	stream.strided.gather [hbm4b:s25+s11], $0x2EE0, s12, s11, $0x38;
	[tilespmem:$0x1E5F8] =	vst v63  }
0x78: {  	s5 =	sadd.s32 $0xFFFFF060, s7;
	s6 =	rddreg [dreg:$0x4]  }
0x79: {  	[tilespmem:s14], [sflag:$0x1] =	stream.strided.gather [hbm4b:s5+s11], $0x2EE0, s12, s11, $0x38;
	[tilespmem:$0x1E5F8] =	vst v63  }
0x7a: {  	s6 =	sadd.s32 s0, s6;
	s25 =	rddreg [dreg:$0x3]  }
0x7b: {  	[tilespmem:s15], [sflag:$0x2] =	stream.linear.gather [hbm4b:s6+s3], $0x100, $0x38;
	[tilespmem:$0x1E5F8] =	vst v63  }
0x7c: {  	s9 =	smov.u32 s4;
	s6 =	sadd.s32 s0, s25  }
0x7d: {  	[tilespmem:s16], [sflag:$0x2] =	stream.linear.gather [hbm4b:s6+s3], $0x100, $0x38;
	[tilespmem:$0x1E5F8] =	vst v63  }
0x7e: {  	s0 =	smov.u32 s9;
	s9 =	sadd.s32 $0xFFFFFFFA, s7  }
0x7f: {  	[tilespmem:s17], [sflag:$0x2] =	stream.strided.gather [hbm4b:s9+s11], $0x2EE0, s12, s11, $0x38;
	[tilespmem:$0x1E5F8] =	vst v63  }
0x80: {  	_ = 	snop  }
0x81: {  	[tilespmem:s18], [sflag:$0x2] =	stream.strided.gather [hbm4b:s7+s11], $0x2EE0, s12, s11, $0x38;
	[tilespmem:$0x1E5F8] =	vst v63  }
0x82: {  	_ =	swait.ge [sflag:s19], $0x100  }
0x83: {  	[sflag:s19] =	ssyncset.done $0x0  }
0x84: {  	[sflag:s19] =	ssyncadd.s32 $0xFFFFFF00  }
0x85: {  	_ =	swait.ge [sflag:s19], $0x100  }
0x86: {  	[sflag:s19] =	ssyncset.done $0x0  }
0x87: {  	[sflag:s19] =	ssyncadd.s32 $0xFFFFFF00  }
0x88: {  	_ =	swait.ge [sflag:s19], $0x2EE0  }
0x89: {  	[sflag:s19] =	ssyncset.done $0x0  }
0x8a: {  	[sflag:s19] =	ssyncadd.s32 $0xFFFFD120  }
0x8b: {  	_ =	swait.ge [sflag:s19], $0x2EE0  }
0x8c: {  	[sflag:s19] =	ssyncset.done $0x0  }
0x8d: {  	[sflag:s19] =	ssyncadd.s32 $0xFFFFD120  }
0x8e: {  	[spmem:s2] =	stream.indirect.scatter.add.f32 [tilespmem:s13], [sflag:$0x3], $0x30, s3, s20, $0xb8;
	[tilespmem:$0x1E5F8] =	vst v63  }
0x8f: {  	_ = 	snop  }
0x90: {  	[spmem:s2] =	stream.indirect.scatter.add.f32 [tilespmem:s14], [sflag:$0x3], $0x30, s10, s20, $0xb8;
	[tilespmem:$0x1E5F8] =	vst v63  }
0x91: {  	s25 =	rddreg [dreg:$0x7]  }
0x92: {  	[spmem:s2] =	stream.indirect.scatter.add.f32 [tilespmem:s25], [sflag:$0x3], $0x30, s12, s20, $0xb8;
	[tilespmem:$0x1E5F8] =	vst v63  }
0x93: {  	_ = 	snop  }
0x94: {  	[spmem:s2] =	stream.indirect.scatter.add.f32 [tilespmem:s22], [sflag:$0x3], $0x30, s21, s20, $0xb8;
	[tilespmem:$0x1E5F8] =	vst v63  }
0x95: {  	_ =	swait.ge [sflag:s23], $0x100  }
0x96: {  	[sflag:s23] =	ssyncset.done $0x0  }
0x97: {  	[sflag:s23] =	ssyncadd.s32 $0xFFFFFF00  }
0x98: {  	_ =	swait.ge [sflag:s23], $0x100  }
0x99: {  	[sflag:s23] =	ssyncset.done $0x0  }
0x9a: {  	[sflag:s23] =	ssyncadd.s32 $0xFFFFFF00  }
0x9b: {  	_ =	swait.ge [sflag:s23], $0x2EE0  }
0x9c: {  	[sflag:s23] =	ssyncset.done $0x0  }
0x9d: {  	[sflag:s23] =	ssyncadd.s32 $0xFFFFD120  }
0x9e: {  	_ =	swait.ge [sflag:s23], $0x2EE0  }
0x9f: {  	[sflag:s23] =	ssyncset.done $0x0  }
0xa0: {  	[sflag:s23] =	ssyncadd.s32 $0xFFFFD120  }
0xa1: {  	[spmem:s2] =	stream.indirect.scatter.add.f32 [tilespmem:s17], [sflag:$0x3], $0x30, s15, s20, $0xb8;
	[tilespmem:$0x1E5F8] =	vst v63  }
0xa2: {  	_ = 	snop  }
0xa3: {  	[spmem:s2] =	stream.indirect.scatter.add.f32 [tilespmem:s18], [sflag:$0x3], $0x30, s16, s20, $0xb8;
	[tilespmem:$0x1E5F8] =	vst v63  }
0xa4: {  	_ = 	snop  }
0xa5: {  	[spmem:s2] =	stream.indirect.scatter.add.f32 [tilespmem:s26], [sflag:$0x3], $0x30, s24, s20, $0xb8;
	[tilespmem:$0x1E5F8] =	vst v63  }
0xa6: {  	_ = 	snop  }
0xa7: {  	[spmem:s2] =	stream.indirect.scatter.add.f32 [tilespmem:s29], [sflag:$0x3], $0x30, s28, s20, $0xb8;
	[tilespmem:$0x1E5F8] =	vst v63  }
0xa8: {  	_ =	swait.ge [sflag:s30], $0x1770  }
0xa9: {  	[sflag:s30] =	ssyncset.done $0x0  }
0xaa: {  	[sflag:s30] =	ssyncadd.s32 $0xFFFFE890  }
0xab: {  	_ =	swait.ge [sflag:s30], $0x1770  }
0xac: {  	[sflag:s30] =	ssyncset.done $0x0  }
0xad: {  	[sflag:s30] =	ssyncadd.s32 $0xFFFFE890  }
0xae: {  	_ =	swait.ge [sflag:s30], $0x1770  }
0xaf: {  	[sflag:s30] =	ssyncset.done $0x0  }
0xb0: {  	[sflag:s30] =	ssyncadd.s32 $0xFFFFE890  }
0xb1: {  	_ =	swait.ge [sflag:s30], $0x1770  }
0xb2: {  	[sflag:s30] =	ssyncset.done $0x0  }
0xb3: {  	[sflag:s30] =	ssyncadd.s32 $0xFFFFE890  }
0xb4: {  	_ =	swait.ge [sflag:s30], $0x1770  }
0xb5: {  	[sflag:s30] =	ssyncset.done $0x0  }
0xb6: {  	[sflag:s30] =	ssyncadd.s32 $0xFFFFE890  }
0xb7: {  	_ =	swait.ge [sflag:s30], $0x1770  }
0xb8: {  	[sflag:s30] =	ssyncset.done $0x0  }
0xb9: {  	p1 =	sne.s32 s4, $0xC40;
	[sflag:s30] =	ssyncadd.s32 $0xFFFFE890  }
.Ltmp0:
0xba: {  	_ =	swait.ge [sflag:s30], $0x1770;
	(pc) =	sbr.rel @p1 .LBB2_2-.Ltmp0, $4  }
0xbb: {  	[sflag:s30] =	ssyncset.done $0x0  }
0xbc: {  	[sflag:s30] =	ssyncadd.s32 $0xFFFFE890  }
0xbd: {  	_ =	swait.ge [sflag:s30], $0x1770  }
0xbe: {  	s4 =	sadd.s32 $0x40, s4;
	s5 =	rddreg [dreg:$0x6];
	[sflag:s30] =	ssyncset.done $0x0  }
0xbf: {  	s4 =	rddreg [dreg:$0x5];
	[sflag:s30] =	ssyncadd.s32 $0xFFFFE890;
	s5 =	sadd.s32 s0, s5  }
0xc0: {  	[tilespmem:s3], [sflag:$0x1] =	stream.linear.gather [hbm4b:s5+s3], $0x100, $0x38;
	[tilespmem:$0x1E5F8] =	vst v63  }
0xc1: {  	s5 =	sadd.s32 $0x1F40, s7;
	s4 =	sadd.s32 s0, s4  }
0xc2: {  	[tilespmem:s10], [sflag:$0x1] =	stream.linear.gather [hbm4b:s4+s3], $0x100, $0x38;
	[tilespmem:$0x1E5F8] =	vst v63  }
0xc3: {  	s7 =	sadd.s32 $0xFFFFF05A, s5  }
0xc4: {  	[tilespmem:s13], [sflag:$0x1] =	stream.strided.gather [hbm4b:s7+s11], $0x2EE0, s12, s11, $0x38;
	[tilespmem:$0x1E5F8] =	vst v63  }
0xc5: {  	s9 =	rddreg [dreg:$0x4];
	s6 =	sadd.s32 $0xFFFFF060, s5  }
0xc6: {  	[tilespmem:s14], [sflag:$0x1] =	stream.strided.gather [hbm4b:s6+s11], $0x2EE0, s12, s11, $0x38;
	[tilespmem:$0x1E5F8] =	vst v63  }
0xc7: {  	s25 =	rddreg [dreg:$0x3];
	s4 =	sadd.s32 s0, s9  }
0xc8: {  	[tilespmem:s15], [sflag:$0x2] =	stream.linear.gather [hbm4b:s4+s3], $0x100, $0x38;
	[tilespmem:$0x1E5F8] =	vst v63  }
0xc9: {  	s6 =	sadd.s32 s0, s25  }
0xca: {  	[tilespmem:s16], [sflag:$0x2] =	stream.linear.gather [hbm4b:s6+s3], $0x100, $0x38;
	[tilespmem:$0x1E5F8] =	vst v63  }
0xcb: {  	s7 =	sadd.s32 $0xFFFFFFFA, s5  }
0xcc: {  	[tilespmem:s17], [sflag:$0x2] =	stream.strided.gather [hbm4b:s7+s11], $0x2EE0, s12, s11, $0x38;
	[tilespmem:$0x1E5F8] =	vst v63  }
0xcd: {  	_ = 	snop  }
0xce: {  	[tilespmem:s18], [sflag:$0x2] =	stream.strided.gather [hbm4b:s5+s11], $0x2EE0, s12, s11, $0x38;
	[tilespmem:$0x1E5F8] =	vst v63  }
0xcf: {  	_ =	swait.ge [sflag:s19], $0x100  }
0xd0: {  	[sflag:s19] =	ssyncset.done $0x0  }
0xd1: {  	[sflag:s19] =	ssyncadd.s32 $0xFFFFFF00  }
0xd2: {  	_ =	swait.ge [sflag:s19], $0x100  }
0xd3: {  	[sflag:s19] =	ssyncset.done $0x0  }
0xd4: {  	[sflag:s19] =	ssyncadd.s32 $0xFFFFFF00  }
0xd5: {  	_ =	swait.ge [sflag:s19], $0x2EE0  }
0xd6: {  	[sflag:s19] =	ssyncset.done $0x0  }
0xd7: {  	[sflag:s19] =	ssyncadd.s32 $0xFFFFD120  }
0xd8: {  	_ =	swait.ge [sflag:s19], $0x2EE0  }
0xd9: {  	[sflag:s19] =	ssyncset.done $0x0  }
0xda: {  	[sflag:s19] =	ssyncadd.s32 $0xFFFFD120  }
0xdb: {  	[spmem:s2] =	stream.indirect.scatter.add.f32 [tilespmem:s13], [sflag:$0x3], $0x30, s3, s20, $0xb8;
	[tilespmem:$0x1E5F8] =	vst v63  }
0xdc: {  	_ = 	snop  }
0xdd: {  	[spmem:s2] =	stream.indirect.scatter.add.f32 [tilespmem:s14], [sflag:$0x3], $0x30, s10, s20, $0xb8;
	[tilespmem:$0x1E5F8] =	vst v63  }
0xde: {  	s9 =	rddreg [dreg:$0x7]  }
0xdf: {  	[spmem:s2] =	stream.indirect.scatter.add.f32 [tilespmem:s9], [sflag:$0x3], $0x30, s12, s20, $0xb8;
	[tilespmem:$0x1E5F8] =	vst v63  }
0xe0: {  	_ = 	snop  }
0xe1: {  	[spmem:s2] =	stream.indirect.scatter.add.f32 [tilespmem:s22], [sflag:$0x3], $0x30, s21, s20, $0xb8;
	[tilespmem:$0x1E5F8] =	vst v63  }
0xe2: {  	_ =	swait.ge [sflag:s23], $0x100  }
0xe3: {  	[sflag:s23] =	ssyncset.done $0x0  }
0xe4: {  	[sflag:s23] =	ssyncadd.s32 $0xFFFFFF00  }
0xe5: {  	_ =	swait.ge [sflag:s23], $0x100  }
0xe6: {  	[sflag:s23] =	ssyncset.done $0x0  }
0xe7: {  	[sflag:s23] =	ssyncadd.s32 $0xFFFFFF00  }
0xe8: {  	_ =	swait.ge [sflag:s23], $0x2EE0  }
0xe9: {  	[sflag:s23] =	ssyncset.done $0x0  }
0xea: {  	[sflag:s23] =	ssyncadd.s32 $0xFFFFD120  }
0xeb: {  	_ =	swait.ge [sflag:s23], $0x2EE0  }
0xec: {  	[sflag:s23] =	ssyncset.done $0x0  }
0xed: {  	[sflag:s23] =	ssyncadd.s32 $0xFFFFD120  }
0xee: {  	[spmem:s2] =	stream.indirect.scatter.add.f32 [tilespmem:s17], [sflag:$0x3], $0x30, s15, s20, $0xb8;
	[tilespmem:$0x1E5F8] =	vst v63  }
0xef: {  	_ = 	snop  }
0xf0: {  	[spmem:s2] =	stream.indirect.scatter.add.f32 [tilespmem:s18], [sflag:$0x3], $0x30, s16, s20, $0xb8;
	[tilespmem:$0x1E5F8] =	vst v63  }
0xf1: {  	_ = 	snop  }
0xf2: {  	[spmem:s2] =	stream.indirect.scatter.add.f32 [tilespmem:s26], [sflag:$0x3], $0x30, s24, s20, $0xb8;
	[tilespmem:$0x1E5F8] =	vst v63  }
0xf3: {  	_ = 	snop  }
0xf4: {  	[spmem:s2] =	stream.indirect.scatter.add.f32 [tilespmem:s29], [sflag:$0x3], $0x30, s28, s20, $0xb8;
	[tilespmem:$0x1E5F8] =	vst v63  }
0xf5: {  	_ =	swait.ge [sflag:s30], $0x1770  }
0xf6: {  	[sflag:s30] =	ssyncset.done $0x0  }
0xf7: {  	[sflag:s30] =	ssyncadd.s32 $0xFFFFE890  }
0xf8: {  	_ =	swait.ge [sflag:s30], $0x1770  }
0xf9: {  	[sflag:s30] =	ssyncset.done $0x0  }
0xfa: {  	[sflag:s30] =	ssyncadd.s32 $0xFFFFE890  }
0xfb: {  	_ =	swait.ge [sflag:s30], $0x1770  }
0xfc: {  	[sflag:s30] =	ssyncset.done $0x0  }
0xfd: {  	[sflag:s30] =	ssyncadd.s32 $0xFFFFE890  }
0xfe: {  	_ =	swait.ge [sflag:s30], $0x1770  }
0xff: {  	[sflag:s30] =	ssyncset.done $0x0  }
0x100: {  	[sflag:s30] =	ssyncadd.s32 $0xFFFFE890  }
0x101: {  	_ =	swait.ge [sflag:s30], $0x1770  }
0x102: {  	[sflag:s30] =	ssyncset.done $0x0  }
0x103: {  	[sflag:s30] =	ssyncadd.s32 $0xFFFFE890  }
0x104: {  	_ =	swait.ge [sflag:s30], $0x1770  }
0x105: {  	[sflag:s30] =	ssyncset.done $0x0  }
0x106: {  	[sflag:s30] =	ssyncadd.s32 $0xFFFFE890  }
0x107: {  	_ =	swait.ge [sflag:s30], $0x1770  }
0x108: {  	[sflag:s30] =	ssyncset.done $0x0  }
0x109: {  	[sflag:s30] =	ssyncadd.s32 $0xFFFFE890  }
0x10a: {  	_ =	swait.ge [sflag:s30], $0x1770  }
0x10b: {  	[sflag:s30] =	ssyncset.done $0x0  }
0x10c: {  	[sflag:s30] =	ssyncadd.s32 $0xFFFFE890  }
0x10d: {  	[bflag:$0x0] =	sbarrier.arrive $0xFFFF  }
0x10e: {  	s0 =	rddreg [dreg:$0x9]  }
0x10f: {  	s4 =	rddreg [dreg:$0xc]  }
0x110: {  	[hbm:s0], [sflag:s8] =	dma.local @!p0 [spmem:s4], $0x493E  }
0x111: {  	s0 =	simm.s32 @!p0 $0x4  }
0x112: {  	_ =	swait.ge @!p0 [sflag:s0], $0x493E  }
0x113: {  	s31 =	sadd.s32 $0x1, s31;
	s25 =	rddreg [dreg:$0xa]  }
0x114: {  	p1 =	sne.s32 s31, s25  }
.Ltmp1:
0x115: {  	_ = 	snop;
	(pc) =	sbr.rel @p1 .LBB2_1-.Ltmp1, $3  }
0x116: {  	_ =	sdelay $0x1  }
0x117: {  	[sflag:s0] =	ssyncset.done @!p0 $0x0  }
0x118: {  	[sflag:s0] =	ssyncadd.s32 @!p0 $0xFFFFB6C2  }
0x119: {  	_ =	sfence.sel $0x180000  }
0x11a: {  	[bflag:$0x0] =	sbarrier.arrive $0xFFFF  }
0x11b: {  	_ =	strace $0x9000004A  }
0x11c: {  	s0 =	stileid.u32;
	[bflag:$0x2] =	sbarrier.arrive $0xFFFF  }
0x11d: {  	p0 =	sne.s32 s0, $0x0;
	s0 =	rddreg [dreg:$0x2]  }
0x11e: {  	s0 =	sadd.s32 @!p0 $0x100000, s0  }
0x11f: {  	[sflag:s0] =	ssyncadd.tile.s32 @!p0 $0x1;
	_ =	shalt  }
.Lfunc_end2:
_tile_overlayer_lowered:
.L_overlay_start_2:
0x120: {  	(tag) =	ssettag $0x2  }
0x121: {  	s0 =	rddreg [dreg:$0x0];
	s2 =	stileid.u32  }
0x122: {  	s1 =	rddreg [dreg:$0x1];
	p0 =	sne.s32 s2, $0x0  }
0x123: {  	s3 =	rddreg [dreg:$0x2];
	[bflag:$0x3] =	sbarrier.arrive $0xFFFF;
	s2 =	simm.s32 @!p0 $0x1C04  }
0x124: {  	[timem:s3], [sflag:s2] =	dma.local @!p0 [hbm:s0], s1  }
0x125: {  	s0 =	simm.s32 @!p0 $0x4  }
0x126: {  	_ =	swait.ge @!p0 [sflag:s0], s1  }
0x127: {  	s1 =	ssub.s32 @!p0 $0x0, s1;
	[sflag:s0] =	ssyncset.done @!p0 $0x0  }
0x128: {  	[sflag:s0] =	ssyncadd.s32 @!p0 s1  }
0x129: {  	[bflag:$0x3] =	sbarrier.arrive $0xFFFF  }
0x12a: {  	_ =	shalt  }

// kernel: kernel.18.cloned.1.call-start
scs
__scs_entry_jumppad:
0x0: {  	(pc) =	sbr.rel $0x88, $3  }
0x1: {  	(tag) =	ssettag $0x0;
	lr =	simm.s32 $0x1  }
0x2: {  	[smem:$0x3F97] =	sst lr;
	_ =	strace $0xD0000000  }
0x3: {  	_ = 	snop  }
0x4: {  	_ = 	snop  }
0x5: {  	_ = 	snop  }
0x6: {  	_ = 	snop  }
0x7: {  	_ = 	snop  }
__scs_overlays_trampoline_lowered:
0x8: {  	[smem:$0x3FA6] =	sst s0  }
0x9: {  	[smem:$0x3FA7] =	sst s1  }
0xa: {  	[smem:$0x3FA8] =	sst s2  }
0xb: {  	[smem:$0x3FA9] =	sst s3  }
0xc: {  	[smem:$0x3FAA] =	sst s4  }
0xd: {  	[smem:$0x3FAB] =	sst s5  }
0xe: {  	[smem:$0x3FAC] =	sst s6  }
0xf: {  	[smem:$0x3FAD] =	sst s7  }
0x10: {  	[smem:$0x3FAE] =	sst s8  }
0x11: {  	[smem:$0x3FAF] =	sst s9;
	s0 =	simm.s32 @!p0 $0x0  }
0x12: {  	s1 =	sld [smem:$0x3F95];
	s0 =	simm.s32 @p0 $0x1  }
0x13: {  	[smem:$0x3FB0] =	sst s0;
	s0 =	simm.s32 @!p1 $0x0  }
0x14: {  	s2 =	sld [smem:$0x3F94];
	s0 =	simm.s32 @p1 $0x1  }
0x15: {  	[smem:$0x3FB1] =	sst s0;
	s0 =	simm.s32 @!p2 $0x0  }
0x16: {  	s3 =	sld [smem:$0x3FDB];
	s0 =	simm.s32 @p2 $0x1  }
0x17: {  	s4 =	simm.s32 $0x1BF5;
	[smem:$0x3FB3] =	sst s0  }
0x18: {  	s0 =	sld [smem:$0x3F96];
	_ =	swait.ge [sflag:s4], $0x0  }
0x19: {  	s7 =	sld [smem:$0x3F97]  }
0x1a: {  	s8 =	sadd.s32 $0xFFFFE003, lr  }
0x1b: {  	s9 =	sadd.s32 $0xFFFFFEF7, lr;
	s5 =	simm.s32 $0xFFFFFFFF;
	p2 =	slt.u32 s8, $0xFFFFF086  }
0x1c: {  	p1 =	slt.u32 s9, $0xF7A;
	s5 =	simm.s32 @!p2 $0x0  }
0x1d: {  	s5 =	simm.s32 @p1 $0x1;
	p0 =	seq.s32 s7, s2  }
0x1e: {  	s7 =	smul.u32 @!p0 $0xF7A, s2;
	p2 =	seq.s32 @!p0 s5, $0x0  }
0x1f: {  	s9 =	smul.u32 $0xF7A, s1;
	s8 =	simm.s32 @!p0 $0x1BF5;
	p2 =	por !p2, p0  }
0x20: {  	[sflag:s8] =	ssyncset.s32 @!p0 $0xFFFFF086;
	s6 =	sadd.s32 @!p0 s3, s7;
	s7 =	simm.s32 @!p0 $0x108  }
0x21: {  	s3 =	sadd.s32 s3, s9;
	s6 =	sadd.s32 @!p0 $0x88, s6;
	s7 =	simm.s32 @p2 $0x1082  }
0x22: {  	[simem:s7], [sflag:s8] =	dma.local @!p0 [hbm:s6], $0xF7A  }
0x23: {  	s9 =	sor.u32 $0xD0000000, s2;
	s6 =	simm.s32 $0x108;
	_ =	swait.ge @!p0 [sflag:s8], $0x0  }
0x24: {  	s3 =	sadd.s32 $0x88, s3;
	s6 =	simm.s32 @!p1 $0x1082;
	[sflag:s4] =	ssyncset.s32 $0xFFFFF086  }
0x25: {  	[simem:s6], [sflag:s4] =	dma.local [hbm:s3], $0xF7A  }
0x26: {  	[smem:$0x3F97] =	sst s1;
	(tag) =	ssettag s2;
	_ =	strace s9  }
0x27: {  	s1 =	sld [smem:$0x3FA7]  }
0x28: {  	s2 =	sld [smem:$0x3FA8]  }
0x29: {  	s4 =	sld [smem:$0x3FAA]  }
0x2a: {  	p0 =	seq.s32 s5, $0x0;
	s5 =	sld [smem:$0x3FAB]  }
0x2b: {  	s6 =	sld [smem:$0x3FAC]  }
0x2c: {  	s7 =	sld [smem:$0x3FAD]  }
0x2d: {  	s3 =	simm.s32 $0x108;
	s8 =	sld [smem:$0x3FAE]  }
0x2e: {  	s3 =	simm.s32 @!p0 $0x1082;
	s9 =	sld [smem:$0x3FAF]  }
0x2f: {  	lr =	sadd.s32 s0, s3;
	s0 =	sld [smem:$0x3FA6]  }
0x30: {  	s3 =	sld [smem:$0x3FA9]  }
0x31: {  	[smem:$0x3FB2] =	sst s10  }
0x32: {  	s10 =	sld [smem:$0x3FB0];
	_ =	sdelay $0x3  }
0x33: {  	p0 =	seq.s32 s10, $0x1;
	s10 =	sld [smem:$0x3FB2];
	_ =	sdelay $0x3  }
0x34: {  	[smem:$0x3FB2] =	sst s10  }
0x35: {  	s10 =	sld [smem:$0x3FB1];
	_ =	sdelay $0x3  }
0x36: {  	p1 =	seq.s32 s10, $0x1;
	s10 =	sld [smem:$0x3FB2];
	_ =	sdelay $0x3  }
0x37: {  	[smem:$0x3FB2] =	sst s10  }
0x38: {  	s10 =	sld [smem:$0x3FB3]  }
0x39: {  	_ = 	snop;
	(pc) =	sbr.ind lr, $3  }
0x3a: {  	_ = 	snop  }
0x3b: {  	_ = 	snop  }
0x3c: {  	p2 =	seq.s32 s10, $0x1;
	s10 =	sld [smem:$0x3FB2]  }
0x3d: {  	_ =	shalt  }
0x3e: {  	_ =	shalt  }
0x3f: {  	_ =	shalt  }
0x40: {  	_ =	shalt  }
0x41: {  	_ =	shalt  }
0x42: {  	_ =	shalt  }
0x43: {  	_ =	shalt  }
0x44: {  	_ =	shalt  }
0x45: {  	_ =	shalt  }
0x46: {  	_ =	shalt  }
0x47: {  	_ =	shalt  }
0x48: {  	_ =	shalt  }
0x49: {  	_ =	shalt  }
0x4a: {  	_ =	shalt  }
0x4b: {  	_ =	shalt  }
0x4c: {  	_ =	shalt  }
0x4d: {  	_ =	shalt  }
0x4e: {  	_ =	shalt  }
0x4f: {  	_ =	shalt  }
0x50: {  	_ =	shalt  }
0x51: {  	_ =	shalt  }
0x52: {  	_ =	shalt  }
0x53: {  	_ =	shalt  }
0x54: {  	_ =	shalt  }
0x55: {  	_ =	shalt  }
0x56: {  	_ =	shalt  }
0x57: {  	_ =	shalt  }
0x58: {  	_ =	shalt  }
0x59: {  	_ =	shalt  }
0x5a: {  	_ =	shalt  }
0x5b: {  	_ =	shalt  }
0x5c: {  	_ =	shalt  }
0x5d: {  	_ =	shalt  }
0x5e: {  	_ =	shalt  }
0x5f: {  	_ =	shalt  }
0x60: {  	_ =	shalt  }
0x61: {  	_ =	shalt  }
0x62: {  	_ =	shalt  }
0x63: {  	_ =	shalt  }
0x64: {  	_ =	shalt  }
0x65: {  	_ =	shalt  }
0x66: {  	_ =	shalt  }
0x67: {  	_ =	shalt  }
0x68: {  	_ =	shalt  }
0x69: {  	_ =	shalt  }
0x6a: {  	_ =	shalt  }
0x6b: {  	_ =	shalt  }
0x6c: {  	_ =	shalt  }
0x6d: {  	_ =	shalt  }
0x6e: {  	_ =	shalt  }
0x6f: {  	_ =	shalt  }
0x70: {  	_ =	shalt  }
0x71: {  	_ =	shalt  }
0x72: {  	_ =	shalt  }
0x73: {  	_ =	shalt  }
0x74: {  	_ =	shalt  }
0x75: {  	_ =	shalt  }
0x76: {  	_ =	shalt  }
0x77: {  	_ =	shalt  }
0x78: {  	_ =	shalt  }
0x79: {  	_ =	shalt  }
0x7a: {  	_ =	shalt  }
0x7b: {  	_ =	shalt  }
0x7c: {  	_ =	shalt  }
0x7d: {  	_ =	shalt  }
0x7e: {  	_ =	shalt  }
0x7f: {  	_ =	shalt  }
0x80: {  	_ =	shalt  }
0x81: {  	_ =	shalt  }
0x82: {  	_ =	shalt  }
0x83: {  	_ =	shalt  }
0x84: {  	_ =	shalt  }
0x85: {  	_ =	shalt  }
0x86: {  	_ =	shalt  }
0x87: {  	_ =	shalt  }
.Lfunc_end0:
.L_simem_size_0:
called_computation.2_lowered:
.L_overlay_start_0:
0x88: {  	s2 =	sld [smem:$0x3FD9]  }
0x89: {  	s3 =	sld [smem:$0x3FFE];
	_ =	sdelay $0x1  }
0x8a: {  	s1 =	srdreg.scid  }
0x8b: {  	s0 =	sand.u32 $0x1, s1  }
0x8c: {  	s17 =	sshll.u32 s0, $0xA;
	s2 =	sadd.s32 s3, s2  }
0x8d: {  	s2 =	sadd.s32 s2, s17  }
0x8e: {  	[smem:$0x3FBE] =	sst s2  }
0x8f: {  	_ = 	snop  }
0x90: {  	s2 =	sld [smem:$0x3FD0];
	(tm) =	ssettm $0x1  }
0x91: {  	s18 =	sld [smem:$0x3FFB];
	_ =	sdelay $0x3  }
0x92: {  	_ =	strace s18  }
0x93: {  	s3 =	sld [smem:$0x3FFC];
	_ =	sdelay $0x3  }
0x94: {  	_ =	strace s3  }
0x95: {  	s3 =	sld [smem:$0x3FFD];
	_ =	sdelay $0x3  }
0x96: {  	_ =	strace s3  }
0x97: {  	_ =	strace $0x8FFFFFFF  }
0x98: {  	s19 =	sld [smem:$0x3FDB];
	_ =	sdelay $0x1  }
0x99: {  	s4 =	simm.s32 $_scs_section_size  }
0x9a: {  	s5 =	simm.s32 $_size__tile_overlayer_lowered;
	s6 =	simm.s32 $_tile_overlayer_lowered  }
0x9b: {  	s22 =	simm.s32 $0x1BFF;
	s21 =	sshll.u32 s6, $0x1;
	s3 =	sadd.s32 s4, s19  }
0x9c: {  	s7 =	simm.s32 $0x0;
	s20 =	sshll.u32 s5, $0x1;
	s5 =	sadd.s32 s21, s3  }
0x9d: {  	[timem:s7], [sflag:s22] =	dma.local [hbm:s5], s20  }
0x9e: {  	_ =	swait.ge [sflag:s22], s20  }
0x9f: {  	s4 =	ssub.s32 $0x0, s20;
	[sflag:s22] =	ssyncset.done $0x0  }
0xa0: {  	[sflag:s22] =	ssyncadd.s32 s4;
	_ =	sdelay $0x1  }
0xa1: {  	s23 =	simm.s32 $0x1B8B  }
0xa2: {  	_ =	swait.ge [sflag:s23], $0x1  }
0xa3: {  	[sflag:s23] =	ssyncset.done $0x0  }
0xa4: {  	s25 =	simm.s32 $0x1B8E;
	s24 =	sld [smem:$0x3FFE];
	[sflag:s23] =	ssyncadd.s32 $0xFFFFFFFF  }
0xa5: {  	s26 =	simm.s32 $execute0_lowered;
	[smem:$0x3FD2] =	sst s25  }
0xa6: {  	s5 =	sshll.u32 s26, $0x1;
	_ =	strace $0x8000004C;
	[dreg:$0x1] =	wrdreg $0xFFFFFFFF  }
0xa7: {  	s28 =	simm.s32 $_size_execute0_lowered;
	s3 =	sadd.s32 s3, s5;
	[dreg:$0x0] =	wrdreg $0x0  }
0xa8: {  	s5 =	sshll.u32 s28, $0x1;
	[dreg:$0x2] =	wrdreg s3  }
0xa9: {  	[dreg:$0x3] =	wrdreg s5  }
0xaa: {  	[dreg:$0x4] =	wrdreg $0xC0  }
0xab: {  	_ =	task [dreg:s7], $0x5FFFF  }
0xac: {  	[dreg:$0x1] =	wrdreg $0xFFFFFFFF  }
0xad: {  	[dreg:$0x0] =	wrdreg $0x60  }
0xae: {  	[dreg:$0x2] =	wrdreg s24  }
0xaf: {  	[dreg:$0x3] =	wrdreg s2  }
0xb0: {  	[dreg:$0x4] =	wrdreg $0x9  }
0xb1: {  	_ =	task.clear_ibuf [dreg:s7], $0x5FFFF;
	_ =	strace $0x9000004C  }
0xb2: {  	s29 =	simm.s32 $0x9;
	_ =	strace $0x8000004E  }
0xb3: {  	_ =	swait.ge [sflag:s29], $0x1  }
0xb4: {  	[sflag:s29] =	ssyncadd.s32 $0xFFFFFFFF  }
0xb5: {  	_ =	strace $0x9000004E  }
0xb6: {  	_ =	sfence  }
0xb7: {  	s30 =	sld [smem:$0x0];
	_ =	sdelay $0x2  }
0xb8: {  	s31 =	sshll.u32 s1, $0xD;
	s1 =	sshrl.u32 s1, $0x2  }
0xb9: {  	s3 =	sand.u32 $0x4000, s31;
	s1 =	sadd.s32 s1, s30  }
0xba: {  	s0 =	sor.u32 s3, s0;
	s1 =	sshll.u32 s1, $0x11  }
0xbb: {  	s0 =	sor.u32 s1, s0  }
0xbc: {  	s0 =	sadd.s32 $0x8F2B, s0  }
0xbd: {  	[sflag:s0] =	ssyncadd.remote.s32 $0x1  }
0xbe: {  	_ =	sfence.sel $0xFFFF  }
0xbf: {  	[dreg:$0x0] =	wrdreg $0xFFFFFFFF;
	(pc) =	sbr.abs _section_cstart, $3  }
0xc0: {  	[dreg:$0x1] =	wrdreg $0xFFFFFFFF  }
0xc1: {  	_ =	task.clear_ibuf [dreg:s7], $0x2FFFF;
	_ =	strace $0x9FFFFFFF  }
0xc2: {  	(tm) =	ssettm $0x7FFFFFFF  }
0xc3: {  	_ =	shalt  }
tec
execute0_lowered:
.L_overlay_start_1:
0x0: {  	(tag) =	ssettag $0x1  }
0x1: {  	s0 =	rddreg [dreg:$0x0]  }
0x2: {  	s2 =	rddreg [dreg:$0x1]  }
0x3: {  	s3 =	simm.s32 $0x0;
	s5 =	stileid.u32;
	s4 =	srdreg.scid  }
0x4: {  	s11 =	simm.s32 $0x5;
	s12 =	simm.s32 $0x100;
	s22 =	simm.s32 $0x180  }
0x5: {  	s13 =	simm.s32 $0x7D;
	s23 =	simm.s32 $0x1B70;
	s14 =	simm.s32 $0x400  }
0x6: {  	s24 =	simm.s32 $0x4A50;
	s15 =	simm.s32 $0x32E0;
	s25 =	simm.s32 $0x7160  }
0x7: {  	s16 =	simm.s32 $0x61C0;
	[smem:$0x7FF] =	sst s3;
	s6 =	sadd.s32 $0x18A800, s0  }
0x8: {  	s19 =	sadd.s32 $0x171800, s0;
	_ =	strace $0x8000004D;
	[dreg:$0xc] =	wrdreg s6  }
0x9: {  	s17 =	simm.s32 $0x80;
	s18 =	simm.s32 $0x200;
	[dreg:$0xd] =	wrdreg s19  }
0xa: {  	s26 =	simm.s32 $0x380;
	s29 =	simm.s32 $0x9870;
	[dreg:$0x4] =	wrdreg s22  }
0xb: {  	s30 =	simm.s32 $0xC750;
	s31 =	simm.s32 $0xEE60;
	[dreg:$0x5] =	wrdreg s23  }
0xc: {  	s28 =	simm.s32 $0x2;
	s1 =	smul.u32 $0xC3500, s5;
	[dreg:$0x6] =	wrdreg s24  }
0xd: {  	s4 =	sand.u32 $0x1, s4;
	s5 =	smul.u32 $0xC800, s5;
	[dreg:$0x7] =	wrdreg s25  }
0xe: {  	s7 =	sadd.s32 $0xCB200, s0;
	s8 =	smul.u32 $0x6400, s4;
	[dreg:$0x8] =	wrdreg s26  }
0xf: {  	s6 =	sadd.s32 $0x114600, s0;
	s9 =	ssub.s32 $0x2, s4;
	[dreg:$0x9] =	wrdreg s29  }
0x10: {  	s4 =	smul.u32 $0x61A80, s4;
	s19 =	simm.s32 $0x300;
	[dreg:$0xa] =	wrdreg s30  }
0x11: {  	s22 =	simm.s32 $0xDEC0;
	s23 =	simm.s32 $0x280;
	[dreg:$0xb] =	wrdreg s31  }
0x12: {  	s24 =	simm.s32 $0x1;
	s25 =	simm.s32 $0x30;
	s20 =	sshrl.u32 s9, $0x1  }
0x13: {  	s26 =	simm.s32 $0x20;
	s0 =	sadd.s32 s1, s0;
	s1 =	ssub.s32 s9, s20  }
0x14: {  	s5 =	sadd.s32 s8, s5;
	s0 =	sadd.s32 s4, s0;
	s20 =	simm.s32 $0x8100  }
0x15: {  	s4 =	simm.s32 $0x0;
	s1 =	smax.u32 s1, $0x1;
	s0 =	sadd.s32 $0x1A3800, s0  }
0x16: {  	s21 =	sor.u32 $0x100, s5;
	s9 =	sshrl.u32 s5, $0x3;
	[dreg:$0xe] =	wrdreg s1  }
0x17: {  	[dreg:$0x3] =	wrdreg s0;
	s10 =	sshrl.u32 s21, $0x3;
	s21 =	simm.s32 $0xAFE0  }
.LBB2_1:
0x18: {  	p0 =	por $0x1, $0x1  }
0x19: {  	[dreg:$0xf] =	wrdreg s4;
	s0 =	simm.s32 @!p0 $0x3  }
0x1a: {  	_ =	swait.ge @!p0 [sflag:s0], $0x2EE0  }
0x1b: {  	[sflag:s0] =	ssyncset.done @!p0 $0x0  }
0x1c: {  	[sflag:s0] =	ssyncadd.s32 @!p0 $0xFFFFD120  }
0x1d: {  	_ =	swait.ge @!p0 [sflag:s0], $0x2EE0  }
0x1e: {  	[sflag:s0] =	ssyncset.done @!p0 $0x0  }
0x1f: {  	[sflag:s0] =	ssyncadd.s32 @!p0 $0xFFFFD120  }
0x20: {  	_ =	swait.ge @!p0 [sflag:s0], $0x1F40  }
0x21: {  	[sflag:s0] =	ssyncset.done @!p0 $0x0;
	s8 =	rddreg [dreg:$0xc]  }
0x22: {  	[sflag:s0] =	ssyncadd.s32 @!p0 $0xFFFFE0C0;
	s1 =	sadd.s32 s8, s9  }
0x23: {  	[tilespmem:s3], [sflag:$0x5] =	stream.linear.gather [hbm4b:s1+s3], $0x100, $0x38;
	[tilespmem:$0xFE00] =	vst v63  }
0x24: {  	_ =	swait.ge [sflag:s11], $0x100  }
0x25: {  	[sflag:s11] =	ssyncset.done $0x0;
	s30 =	rddreg [dreg:$0xd]  }
0x26: {  	[sflag:s11] =	ssyncadd.s32 $0xFFFFFF00;
	s4 =	sadd.s32 s30, s9  }
0x27: {  	[tilespmem:s12], [sflag:$0x5] =	stream.linear.gather [hbm4b:s4+s3], $0x100, $0x38;
	[tilespmem:$0xFE00] =	vst v63  }
0x28: {  	_ =	swait.ge [sflag:s11], $0x100  }
0x29: {  	[sflag:s11] =	ssyncset.done $0x0  }
0x2a: {  	[sflag:s11] =	ssyncadd.s32 $0xFFFFFF00  }
0x2b: {  	[tilespmem:s14], [sflag:$0x1] =	stream.indirect.gather [hbm4b:s6+s13], $0x30, s12, s13, $0xb8;
	[tilespmem:$0xFE00] =	vst v63  }
0x2c: {  	_ = 	snop  }
0x2d: {  	[tilespmem:s15], [sflag:$0x1] =	stream.indirect.gather [hbm4b:s7+s13], $0x30, s3, s13, $0xb8;
	[tilespmem:$0xFE00] =	vst v63  }
0x2e: {  	s5 =	rddreg [dreg:$0x5]  }
0x2f: {  	[tilespmem:s16], [sflag:$0x1] =	stream.indirect.gather [hbm4b:s2+s13], $0x20, s3, s13, $0xb8;
	[tilespmem:$0xFE00] =	vst v63  }
0x30: {  	s1 =	rddreg [dreg:$0x4]  }
0x31: {  	[tilespmem:s5], [sflag:$0x1] =	stream.indirect.gather [hbm4b:s6+s13], $0x30, s1, s13, $0xb8;
	[tilespmem:$0xFE00] =	vst v63  }
0x32: {  	s31 =	rddreg [dreg:$0x6]  }
0x33: {  	[tilespmem:s31], [sflag:$0x1] =	stream.indirect.gather [hbm4b:s7+s13], $0x30, s17, s13, $0xb8;
	[tilespmem:$0xFE00] =	vst v63  }
0x34: {  	s5 =	rddreg [dreg:$0x7];
	s1 =	simm.s32 @!p0 $0x4  }
0x35: {  	[tilespmem:s5], [sflag:$0x1] =	stream.indirect.gather [hbm4b:s2+s13], $0x20, s17, s13, $0xb8;
	[tilespmem:$0xFE00] =	vst v63  }
0x36: {  	_ =	swait.ge @!p0 [sflag:s1], $0x2EE0  }
0x37: {  	[sflag:s1] =	ssyncset.done @!p0 $0x0  }
0x38: {  	[sflag:s1] =	ssyncadd.s32 @!p0 $0xFFFFD120  }
0x39: {  	_ =	swait.ge @!p0 [sflag:s1], $0x2EE0  }
0x3a: {  	[sflag:s1] =	ssyncset.done @!p0 $0x0  }
0x3b: {  	[sflag:s1] =	ssyncadd.s32 @!p0 $0xFFFFD120  }
0x3c: {  	_ =	swait.ge @!p0 [sflag:s1], $0x1F40  }
0x3d: {  	[sflag:s1] =	ssyncset.done @!p0 $0x0  }
0x3e: {  	s31 =	sadd.s32 s8, s10;
	[sflag:s1] =	ssyncadd.s32 @!p0 $0xFFFFE0C0  }
0x3f: {  	[tilespmem:s18], [sflag:$0x5] =	stream.linear.gather [hbm4b:s31+s3], $0x100, $0x38;
	[tilespmem:$0xFE00] =	vst v63  }
0x40: {  	_ =	swait.ge [sflag:s11], $0x100  }
0x41: {  	[sflag:s11] =	ssyncset.done $0x0  }
0x42: {  	s1 =	sadd.s32 s30, s10;
	[sflag:s11] =	ssyncadd.s32 $0xFFFFFF00  }
0x43: {  	[tilespmem:s19], [sflag:$0x5] =	stream.linear.gather [hbm4b:s1+s3], $0x100, $0x38;
	[tilespmem:$0xFE00] =	vst v63  }
0x44: {  	_ =	swait.ge [sflag:s11], $0x100  }
0x45: {  	[sflag:s11] =	ssyncset.done $0x0  }
0x46: {  	[sflag:s11] =	ssyncadd.s32 $0xFFFFFF00  }
0x47: {  	[tilespmem:s20], [sflag:$0x2] =	stream.indirect.gather [hbm4b:s6+s13], $0x30, s19, s13, $0xb8;
	[tilespmem:$0xFE00] =	vst v63  }
0x48: {  	_ = 	snop  }
0x49: {  	[tilespmem:s21], [sflag:$0x2] =	stream.indirect.gather [hbm4b:s7+s13], $0x30, s18, s13, $0xb8;
	[tilespmem:$0xFE00] =	vst v63  }
0x4a: {  	s4 =	rddreg [dreg:$0x9]  }
0x4b: {  	[tilespmem:s22], [sflag:$0x2] =	stream.indirect.gather [hbm4b:s2+s13], $0x20, s18, s13, $0xb8;
	[tilespmem:$0xFE00] =	vst v63  }
0x4c: {  	s5 =	rddreg [dreg:$0x8]  }
0x4d: {  	[tilespmem:s4], [sflag:$0x2] =	stream.indirect.gather [hbm4b:s6+s13], $0x30, s5, s13, $0xb8;
	[tilespmem:$0xFE00] =	vst v63  }
0x4e: {  	s31 =	rddreg [dreg:$0xa]  }
0x4f: {  	[tilespmem:s31], [sflag:$0x2] =	stream.indirect.gather [hbm4b:s7+s13], $0x30, s23, s13, $0xb8;
	[tilespmem:$0xFE00] =	vst v63  }
0x50: {  	s5 =	rddreg [dreg:$0xb]  }
0x51: {  	[tilespmem:s5], [sflag:$0x2] =	stream.indirect.gather [hbm4b:s2+s13], $0x20, s23, s13, $0xb8;
	[tilespmem:$0xFE00] =	vst v63  }
0x52: {  	_ =	swait.ge [sflag:s24], $0x1770  }
0x53: {  	[sflag:s24] =	ssyncset.done $0x0  }
0x54: {  	[sflag:s24] =	ssyncadd.s32 $0xFFFFE890  }
0x55: {  	_ =	swait.ge [sflag:s24], $0x1770  }
0x56: {  	[sflag:s24] =	ssyncset.done $0x0  }
0x57: {  	[sflag:s24] =	ssyncadd.s32 $0xFFFFE890  }
0x58: {  	_ =	swait.ge [sflag:s24], $0xFA0  }
0x59: {  	[sflag:s24] =	ssyncset.done $0x0  }
0x5a: {  	[sflag:s24] =	ssyncadd.s32 $0xFFFFF060  }
0x5b: {  	_ =	swait.ge [sflag:s24], $0x1770  }
0x5c: {  	[sflag:s24] =	ssyncset.done $0x0  }
0x5d: {  	[sflag:s24] =	ssyncadd.s32 $0xFFFFE890  }
0x5e: {  	_ =	swait.ge [sflag:s24], $0x1770  }
0x5f: {  	[sflag:s24] =	ssyncset.done $0x0  }
0x60: {  	[sflag:s24] =	ssyncadd.s32 $0xFFFFE890  }
0x61: {  	_ =	swait.ge [sflag:s24], $0xFA0  }
0x62: {  	s31 =	rddreg [dreg:$0x3];
	[sflag:s24] =	ssyncset.done $0x0  }
0x63: {  	[sflag:s24] =	ssyncadd.s32 $0xFFFFF060;
	s5 =	sadd.s32 $0x0, s31  }
0x64: {  	[hbm4b:s5+s25] =	stream.strided.scatter [tilespmem:s14], [sflag:$0x3], $0x2EE0, s17, s25, $0x38;
	[tilespmem:$0xFE00] =	vst v63  }
0x65: {  	s0 =	sadd.s32 $0x6, s5  }
0x66: {  	[hbm4b:s0+s25] =	stream.strided.scatter [tilespmem:s15], [sflag:$0x3], $0x2EE0, s17, s25, $0x38;
	[tilespmem:$0xFE00] =	vst v63  }
0x67: {  	s1 =	sadd.s32 $0xC, s5  }
0x68: {  	[hbm4b:s1+s26] =	stream.strided.scatter [tilespmem:s16], [sflag:$0x3], $0x1F40, s17, s26, $0x38;
	[tilespmem:$0xFE00] =	vst v63  }
0x69: {  	_ =	swait.ge [sflag:s28], $0x1770  }
0x6a: {  	[sflag:s28] =	ssyncset.done $0x0  }
0x6b: {  	[sflag:s28] =	ssyncadd.s32 $0xFFFFE890  }
0x6c: {  	_ =	swait.ge [sflag:s28], $0x1770  }
0x6d: {  	[sflag:s28] =	ssyncset.done $0x0  }
0x6e: {  	[sflag:s28] =	ssyncadd.s32 $0xFFFFE890  }
0x6f: {  	_ =	swait.ge [sflag:s28], $0xFA0  }
0x70: {  	[sflag:s28] =	ssyncset.done $0x0  }
0x71: {  	[sflag:s28] =	ssyncadd.s32 $0xFFFFF060  }
0x72: {  	_ =	swait.ge [sflag:s28], $0x1770  }
0x73: {  	[sflag:s28] =	ssyncset.done $0x0  }
0x74: {  	[sflag:s28] =	ssyncadd.s32 $0xFFFFE890  }
0x75: {  	_ =	swait.ge [sflag:s28], $0x1770  }
0x76: {  	[sflag:s28] =	ssyncset.done $0x0  }
0x77: {  	[sflag:s28] =	ssyncadd.s32 $0xFFFFE890  }
0x78: {  	p1 =	por $0x0, $0x0;
	_ =	swait.ge [sflag:s28], $0xFA0  }
0x79: {  	s4 =	sadd.s32 $0xFA0, s5;
	s31 =	sadd.s32 $0xFA6, s5;
	[sflag:s28] =	ssyncset.done $0x0  }
0x7a: {  	s29 =	sadd.s32 $0xFAC, s5;
	s5 =	smov.u32 s30;
	[sflag:s28] =	ssyncadd.s32 $0xFFFFF060  }
0x7b: {  	[hbm4b:s4+s25] =	stream.strided.scatter [tilespmem:s20], [sflag:$0x4], $0x2EE0, s17, s25, $0x38;
	[tilespmem:$0xFE00] =	vst v63  }
0x7c: {  	s0 =	simm.s32 $0x1F40;
	s1 =	sadd.s32 $0x40, s8;
	s4 =	simm.s32 $0x3E80  }
0x7d: {  	[hbm4b:s31+s25] =	stream.strided.scatter [tilespmem:s21], [sflag:$0x4], $0x2EE0, s17, s25, $0x38;
	[tilespmem:$0xFE00] =	vst v63  }
.LBB2_2:
0x7e: {  	s30 =	simm.s32 @!p1 $0x3  }
0x7f: {  	[hbm4b:s29+s26] =	stream.strided.scatter [tilespmem:s22], [sflag:$0x4], $0x1F40, s17, s26, $0x38;
	[tilespmem:$0xFE00] =	vst v63  }
0x80: {  	_ =	swait.ge @!p1 [sflag:s30], $0x2EE0  }
0x81: {  	[sflag:s30] =	ssyncset.done @!p1 $0x0  }
0x82: {  	[sflag:s30] =	ssyncadd.s32 @!p1 $0xFFFFD120  }
0x83: {  	_ =	swait.ge @!p1 [sflag:s30], $0x2EE0  }
0x84: {  	[sflag:s30] =	ssyncset.done @!p1 $0x0  }
0x85: {  	[sflag:s30] =	ssyncadd.s32 @!p1 $0xFFFFD120  }
0x86: {  	_ =	swait.ge @!p1 [sflag:s30], $0x1F40  }
0x87: {  	[sflag:s30] =	ssyncset.done @!p1 $0x0  }
0x88: {  	s29 =	sadd.s32 s1, s9;
	[sflag:s30] =	ssyncadd.s32 @!p1 $0xFFFFE0C0  }
0x89: {  	[tilespmem:s3], [sflag:$0x5] =	stream.linear.gather [hbm4b:s29+s3], $0x100, $0x38;
	[tilespmem:$0xFE00] =	vst v63  }
0x8a: {  	_ =	swait.ge [sflag:s11], $0x100  }
0x8b: {  	s5 =	sadd.s32 $0x40, s5;
	[sflag:s11] =	ssyncset.done $0x0  }
0x8c: {  	s29 =	sadd.s32 s5, s9;
	[sflag:s11] =	ssyncadd.s32 $0xFFFFFF00  }
0x8d: {  	[tilespmem:s12], [sflag:$0x5] =	stream.linear.gather [hbm4b:s29+s3], $0x100, $0x38;
	[tilespmem:$0xFE00] =	vst v63  }
0x8e: {  	_ =	swait.ge [sflag:s11], $0x100  }
0x8f: {  	[sflag:s11] =	ssyncset.done $0x0  }
0x90: {  	[sflag:s11] =	ssyncadd.s32 $0xFFFFFF00  }
0x91: {  	[tilespmem:s14], [sflag:$0x1] =	stream.indirect.gather [hbm4b:s6+s13], $0x30, s12, s13, $0xb8;
	[tilespmem:$0xFE00] =	vst v63  }
0x92: {  	_ = 	snop  }
0x93: {  	[tilespmem:s15], [sflag:$0x1] =	stream.indirect.gather [hbm4b:s7+s13], $0x30, s3, s13, $0xb8;
	[tilespmem:$0xFE00] =	vst v63  }
0x94: {  	s29 =	rddreg [dreg:$0x5]  }
0x95: {  	[tilespmem:s16], [sflag:$0x1] =	stream.indirect.gather [hbm4b:s2+s13], $0x20, s3, s13, $0xb8;
	[tilespmem:$0xFE00] =	vst v63  }
0x96: {  	s30 =	rddreg [dreg:$0x4]  }
0x97: {  	[tilespmem:s29], [sflag:$0x1] =	stream.indirect.gather [hbm4b:s6+s13], $0x30, s30, s13, $0xb8;
	[tilespmem:$0xFE00] =	vst v63  }
0x98: {  	s31 =	rddreg [dreg:$0x6]  }
0x99: {  	[tilespmem:s31], [sflag:$0x1] =	stream.indirect.gather [hbm4b:s7+s13], $0x30, s17, s13, $0xb8;
	[tilespmem:$0xFE00] =	vst v63  }
0x9a: {  	s29 =	rddreg [dreg:$0x7];
	s30 =	simm.s32 @!p1 $0x4  }
0x9b: {  	[tilespmem:s29], [sflag:$0x1] =	stream.indirect.gather [hbm4b:s2+s13], $0x20, s17, s13, $0xb8;
	[tilespmem:$0xFE00] =	vst v63  }
0x9c: {  	_ =	swait.ge @!p1 [sflag:s30], $0x2EE0  }
0x9d: {  	[sflag:s30] =	ssyncset.done @!p1 $0x0  }
0x9e: {  	[sflag:s30] =	ssyncadd.s32 @!p1 $0xFFFFD120  }
0x9f: {  	_ =	swait.ge @!p1 [sflag:s30], $0x2EE0  }
0xa0: {  	[sflag:s30] =	ssyncset.done @!p1 $0x0  }
0xa1: {  	[sflag:s30] =	ssyncadd.s32 @!p1 $0xFFFFD120  }
0xa2: {  	_ =	swait.ge @!p1 [sflag:s30], $0x1F40  }
0xa3: {  	[sflag:s30] =	ssyncset.done @!p1 $0x0  }
0xa4: {  	s29 =	sadd.s32 s1, s10;
	[sflag:s30] =	ssyncadd.s32 @!p1 $0xFFFFE0C0  }
0xa5: {  	[tilespmem:s18], [sflag:$0x5] =	stream.linear.gather [hbm4b:s29+s3], $0x100, $0x38;
	[tilespmem:$0xFE00] =	vst v63  }
0xa6: {  	_ =	swait.ge [sflag:s11], $0x100  }
0xa7: {  	[sflag:s11] =	ssyncset.done $0x0  }
0xa8: {  	s29 =	sadd.s32 s5, s10;
	[sflag:s11] =	ssyncadd.s32 $0xFFFFFF00  }
0xa9: {  	[tilespmem:s19], [sflag:$0x5] =	stream.linear.gather [hbm4b:s29+s3], $0x100, $0x38;
	[tilespmem:$0xFE00] =	vst v63  }
0xaa: {  	_ =	swait.ge [sflag:s11], $0x100  }
0xab: {  	[sflag:s11] =	ssyncset.done $0x0  }
0xac: {  	[sflag:s11] =	ssyncadd.s32 $0xFFFFFF00  }
0xad: {  	[tilespmem:s20], [sflag:$0x2] =	stream.indirect.gather [hbm4b:s6+s13], $0x30, s19, s13, $0xb8;
	[tilespmem:$0xFE00] =	vst v63  }
0xae: {  	_ = 	snop  }
0xaf: {  	[tilespmem:s21], [sflag:$0x2] =	stream.indirect.gather [hbm4b:s7+s13], $0x30, s18, s13, $0xb8;
	[tilespmem:$0xFE00] =	vst v63  }
0xb0: {  	s29 =	rddreg [dreg:$0x9]  }
0xb1: {  	[tilespmem:s22], [sflag:$0x2] =	stream.indirect.gather [hbm4b:s2+s13], $0x20, s18, s13, $0xb8;
	[tilespmem:$0xFE00] =	vst v63  }
0xb2: {  	s30 =	rddreg [dreg:$0x8]  }
0xb3: {  	[tilespmem:s29], [sflag:$0x2] =	stream.indirect.gather [hbm4b:s6+s13], $0x30, s30, s13, $0xb8;
	[tilespmem:$0xFE00] =	vst v63  }
0xb4: {  	s31 =	rddreg [dreg:$0xa]  }
0xb5: {  	[tilespmem:s31], [sflag:$0x2] =	stream.indirect.gather [hbm4b:s7+s13], $0x30, s23, s13, $0xb8;
	[tilespmem:$0xFE00] =	vst v63  }
0xb6: {  	s29 =	rddreg [dreg:$0xb]  }
0xb7: {  	[tilespmem:s29], [sflag:$0x2] =	stream.indirect.gather [hbm4b:s2+s13], $0x20, s23, s13, $0xb8;
	[tilespmem:$0xFE00] =	vst v63  }
0xb8: {  	_ =	swait.ge [sflag:s24], $0x1770  }
0xb9: {  	[sflag:s24] =	ssyncset.done $0x0  }
0xba: {  	[sflag:s24] =	ssyncadd.s32 $0xFFFFE890  }
0xbb: {  	_ =	swait.ge [sflag:s24], $0x1770  }
0xbc: {  	[sflag:s24] =	ssyncset.done $0x0  }
0xbd: {  	[sflag:s24] =	ssyncadd.s32 $0xFFFFE890  }
0xbe: {  	_ =	swait.ge [sflag:s24], $0xFA0  }
0xbf: {  	[sflag:s24] =	ssyncset.done $0x0  }
0xc0: {  	[sflag:s24] =	ssyncadd.s32 $0xFFFFF060  }
0xc1: {  	_ =	swait.ge [sflag:s24], $0x1770  }
0xc2: {  	[sflag:s24] =	ssyncset.done $0x0  }
0xc3: {  	[sflag:s24] =	ssyncadd.s32 $0xFFFFE890  }
0xc4: {  	_ =	swait.ge [sflag:s24], $0x1770  }
0xc5: {  	[sflag:s24] =	ssyncset.done $0x0  }
0xc6: {  	[sflag:s24] =	ssyncadd.s32 $0xFFFFE890  }
0xc7: {  	_ =	swait.ge [sflag:s24], $0xFA0  }
0xc8: {  	s29 =	rddreg [dreg:$0x3];
	[sflag:s24] =	ssyncset.done $0x0  }
0xc9: {  	[sflag:s24] =	ssyncadd.s32 $0xFFFFF060;
	s29 =	sadd.s32 s0, s29  }
0xca: {  	[hbm4b:s29+s25] =	stream.strided.scatter [tilespmem:s14], [sflag:$0x3], $0x2EE0, s17, s25, $0x38;
	[tilespmem:$0xFE00] =	vst v63  }
0xcb: {  	s30 =	sadd.s32 $0x6, s29  }
0xcc: {  	[hbm4b:s30+s25] =	stream.strided.scatter [tilespmem:s15], [sflag:$0x3], $0x2EE0, s17, s25, $0x38;
	[tilespmem:$0xFE00] =	vst v63  }
0xcd: {  	s31 =	sadd.s32 $0xC, s29  }
0xce: {  	[hbm4b:s31+s26] =	stream.strided.scatter [tilespmem:s16], [sflag:$0x3], $0x1F40, s17, s26, $0x38;
	[tilespmem:$0xFE00] =	vst v63  }
0xcf: {  	_ =	swait.ge [sflag:s28], $0x1770  }
0xd0: {  	[sflag:s28] =	ssyncset.done $0x0  }
0xd1: {  	[sflag:s28] =	ssyncadd.s32 $0xFFFFE890  }
0xd2: {  	_ =	swait.ge [sflag:s28], $0x1770  }
0xd3: {  	[sflag:s28] =	ssyncset.done $0x0  }
0xd4: {  	[sflag:s28] =	ssyncadd.s32 $0xFFFFE890  }
0xd5: {  	_ =	swait.ge [sflag:s28], $0xFA0  }
0xd6: {  	[sflag:s28] =	ssyncset.done $0x0  }
0xd7: {  	[sflag:s28] =	ssyncadd.s32 $0xFFFFF060  }
0xd8: {  	_ =	swait.ge [sflag:s28], $0x1770  }
0xd9: {  	[sflag:s28] =	ssyncset.done $0x0  }
0xda: {  	[sflag:s28] =	ssyncadd.s32 $0xFFFFE890  }
0xdb: {  	_ =	swait.ge [sflag:s28], $0x1770  }
0xdc: {  	[sflag:s28] =	ssyncset.done $0x0  }
0xdd: {  	s8 =	smov.u32 s4;
	s4 =	sadd.s32 $0x1F40, s4;
	[sflag:s28] =	ssyncadd.s32 $0xFFFFE890  }
0xde: {  	p0 =	sne.s32 s4, $0x61A80;
	_ =	swait.ge [sflag:s28], $0xFA0  }
.Ltmp0:
0xdf: {  	s1 =	sadd.s32 $0x40, s1;
	[sflag:s28] =	ssyncset.done $0x0;
	(pc) =	sbr.rel @p0 .LBB2_2-.Ltmp0, $4  }
0xe0: {  	s0 =	smov.u32 s8;
	s30 =	sadd.s32 $0xFA0, s29;
	[sflag:s28] =	ssyncadd.s32 $0xFFFFF060  }
0xe1: {  	[hbm4b:s30+s25] =	stream.strided.scatter [tilespmem:s20], [sflag:$0x4], $0x2EE0, s17, s25, $0x38;
	[tilespmem:$0xFE00] =	vst v63  }
0xe2: {  	p1 =	seq.s32 s0, $0x0;
	s31 =	sadd.s32 $0xFA6, s29;
	s29 =	sadd.s32 $0xFAC, s29  }
0xe3: {  	[hbm4b:s31+s25] =	stream.strided.scatter [tilespmem:s21], [sflag:$0x4], $0x2EE0, s17, s25, $0x38;
	[tilespmem:$0xFE00] =	vst v63  }
0xe4: {  	s4 =	simm.s32 @!p1 $0x3  }
0xe5: {  	[hbm4b:s29+s26] =	stream.strided.scatter [tilespmem:s22], [sflag:$0x4], $0x1F40, s17, s26, $0x38;
	[tilespmem:$0xFE00] =	vst v63  }
0xe6: {  	_ =	swait.ge @!p1 [sflag:s4], $0x2EE0  }
0xe7: {  	[sflag:s4] =	ssyncset.done @!p1 $0x0  }
0xe8: {  	[sflag:s4] =	ssyncadd.s32 @!p1 $0xFFFFD120  }
0xe9: {  	_ =	swait.ge @!p1 [sflag:s4], $0x2EE0  }
0xea: {  	[sflag:s4] =	ssyncset.done @!p1 $0x0  }
0xeb: {  	[sflag:s4] =	ssyncadd.s32 @!p1 $0xFFFFD120  }
0xec: {  	_ =	swait.ge @!p1 [sflag:s4], $0x1F40  }
0xed: {  	[sflag:s4] =	ssyncset.done @!p1 $0x0  }
0xee: {  	s29 =	sadd.s32 s1, s9;
	[sflag:s4] =	ssyncadd.s32 @!p1 $0xFFFFE0C0  }
0xef: {  	[tilespmem:s3], [sflag:$0x5] =	stream.linear.gather [hbm4b:s29+s3], $0x100, $0x38;
	[tilespmem:$0xFE00] =	vst v63  }
0xf0: {  	_ =	swait.ge [sflag:s11], $0x100  }
0xf1: {  	s4 =	sadd.s32 $0x40, s5;
	[sflag:s11] =	ssyncset.done $0x0  }
0xf2: {  	s5 =	sadd.s32 s4, s9;
	[sflag:s11] =	ssyncadd.s32 $0xFFFFFF00  }
0xf3: {  	[tilespmem:s12], [sflag:$0x5] =	stream.linear.gather [hbm4b:s5+s3], $0x100, $0x38;
	[tilespmem:$0xFE00] =	vst v63  }
0xf4: {  	_ =	swait.ge [sflag:s11], $0x100  }
0xf5: {  	[sflag:s11] =	ssyncset.done $0x0  }
0xf6: {  	[sflag:s11] =	ssyncadd.s32 $0xFFFFFF00  }
0xf7: {  	[tilespmem:s14], [sflag:$0x1] =	stream.indirect.gather [hbm4b:s6+s13], $0x30, s12, s13, $0xb8;
	[tilespmem:$0xFE00] =	vst v63  }
0xf8: {  	_ = 	snop  }
0xf9: {  	[tilespmem:s15], [sflag:$0x1] =	stream.indirect.gather [hbm4b:s7+s13], $0x30, s3, s13, $0xb8;
	[tilespmem:$0xFE00] =	vst v63  }
0xfa: {  	s30 =	rddreg [dreg:$0x5]  }
0xfb: {  	[tilespmem:s16], [sflag:$0x1] =	stream.indirect.gather [hbm4b:s2+s13], $0x20, s3, s13, $0xb8;
	[tilespmem:$0xFE00] =	vst v63  }
0xfc: {  	s8 =	rddreg [dreg:$0x4]  }
0xfd: {  	[tilespmem:s30], [sflag:$0x1] =	stream.indirect.gather [hbm4b:s6+s13], $0x30, s8, s13, $0xb8;
	[tilespmem:$0xFE00] =	vst v63  }
0xfe: {  	s31 =	rddreg [dreg:$0x6]  }
0xff: {  	[tilespmem:s31], [sflag:$0x1] =	stream.indirect.gather [hbm4b:s7+s13], $0x30, s17, s13, $0xb8;
	[tilespmem:$0xFE00] =	vst v63  }
0x100: {  	s5 =	simm.s32 @!p1 $0x4;
	s8 =	rddreg [dreg:$0x7]  }
0x101: {  	[tilespmem:s8], [sflag:$0x1] =	stream.indirect.gather [hbm4b:s2+s13], $0x20, s17, s13, $0xb8;
	[tilespmem:$0xFE00] =	vst v63  }
0x102: {  	_ =	swait.ge @!p1 [sflag:s5], $0x2EE0  }
0x103: {  	[sflag:s5] =	ssyncset.done @!p1 $0x0  }
0x104: {  	[sflag:s5] =	ssyncadd.s32 @!p1 $0xFFFFD120  }
0x105: {  	_ =	swait.ge @!p1 [sflag:s5], $0x2EE0  }
0x106: {  	[sflag:s5] =	ssyncset.done @!p1 $0x0  }
0x107: {  	[sflag:s5] =	ssyncadd.s32 @!p1 $0xFFFFD120  }
0x108: {  	_ =	swait.ge @!p1 [sflag:s5], $0x1F40  }
0x109: {  	[sflag:s5] =	ssyncset.done @!p1 $0x0  }
0x10a: {  	s30 =	sadd.s32 s1, s10;
	[sflag:s5] =	ssyncadd.s32 @!p1 $0xFFFFE0C0  }
0x10b: {  	[tilespmem:s18], [sflag:$0x5] =	stream.linear.gather [hbm4b:s30+s3], $0x100, $0x38;
	[tilespmem:$0xFE00] =	vst v63  }
0x10c: {  	_ =	swait.ge [sflag:s11], $0x100  }
0x10d: {  	[sflag:s11] =	ssyncset.done $0x0  }
0x10e: {  	s31 =	sadd.s32 s4, s10;
	[sflag:s11] =	ssyncadd.s32 $0xFFFFFF00  }
0x10f: {  	[tilespmem:s19], [sflag:$0x5] =	stream.linear.gather [hbm4b:s31+s3], $0x100, $0x38;
	[tilespmem:$0xFE00] =	vst v63  }
0x110: {  	_ =	swait.ge [sflag:s11], $0x100  }
0x111: {  	[sflag:s11] =	ssyncset.done $0x0  }
0x112: {  	[sflag:s11] =	ssyncadd.s32 $0xFFFFFF00  }
0x113: {  	[tilespmem:s20], [sflag:$0x2] =	stream.indirect.gather [hbm4b:s6+s13], $0x30, s19, s13, $0xb8;
	[tilespmem:$0xFE00] =	vst v63  }
0x114: {  	_ = 	snop  }
0x115: {  	[tilespmem:s21], [sflag:$0x2] =	stream.indirect.gather [hbm4b:s7+s13], $0x30, s18, s13, $0xb8;
	[tilespmem:$0xFE00] =	vst v63  }
0x116: {  	s4 =	rddreg [dreg:$0x9]  }
0x117: {  	[tilespmem:s22], [sflag:$0x2] =	stream.indirect.gather [hbm4b:s2+s13], $0x20, s18, s13, $0xb8;
	[tilespmem:$0xFE00] =	vst v63  }
0x118: {  	s5 =	rddreg [dreg:$0x8]  }
0x119: {  	[tilespmem:s4], [sflag:$0x2] =	stream.indirect.gather [hbm4b:s6+s13], $0x30, s5, s13, $0xb8;
	[tilespmem:$0xFE00] =	vst v63  }
0x11a: {  	s8 =	rddreg [dreg:$0xa]  }
0x11b: {  	[tilespmem:s8], [sflag:$0x2] =	stream.indirect.gather [hbm4b:s7+s13], $0x30, s23, s13, $0xb8;
	[tilespmem:$0xFE00] =	vst v63  }
0x11c: {  	s29 =	rddreg [dreg:$0xb]  }
0x11d: {  	[tilespmem:s29], [sflag:$0x2] =	stream.indirect.gather [hbm4b:s2+s13], $0x20, s23, s13, $0xb8;
	[tilespmem:$0xFE00] =	vst v63  }
0x11e: {  	_ =	swait.ge [sflag:s24], $0x1770  }
0x11f: {  	[sflag:s24] =	ssyncset.done $0x0  }
0x120: {  	[sflag:s24] =	ssyncadd.s32 $0xFFFFE890  }
0x121: {  	_ =	swait.ge [sflag:s24], $0x1770  }
0x122: {  	[sflag:s24] =	ssyncset.done $0x0  }
0x123: {  	[sflag:s24] =	ssyncadd.s32 $0xFFFFE890  }
0x124: {  	_ =	swait.ge [sflag:s24], $0xFA0  }
0x125: {  	[sflag:s24] =	ssyncset.done $0x0  }
0x126: {  	[sflag:s24] =	ssyncadd.s32 $0xFFFFF060  }
0x127: {  	_ =	swait.ge [sflag:s24], $0x1770  }
0x128: {  	[sflag:s24] =	ssyncset.done $0x0  }
0x129: {  	[sflag:s24] =	ssyncadd.s32 $0xFFFFE890  }
0x12a: {  	_ =	swait.ge [sflag:s24], $0x1770  }
0x12b: {  	[sflag:s24] =	ssyncset.done $0x0  }
0x12c: {  	[sflag:s24] =	ssyncadd.s32 $0xFFFFE890  }
0x12d: {  	_ =	swait.ge [sflag:s24], $0xFA0  }
0x12e: {  	s30 =	rddreg [dreg:$0x3];
	[sflag:s24] =	ssyncset.done $0x0  }
0x12f: {  	[sflag:s24] =	ssyncadd.s32 $0xFFFFF060;
	s0 =	sadd.s32 s0, s30  }
0x130: {  	[hbm4b:s0+s25] =	stream.strided.scatter [tilespmem:s14], [sflag:$0x3], $0x2EE0, s17, s25, $0x38;
	[tilespmem:$0xFE00] =	vst v63  }
0x131: {  	s1 =	sadd.s32 $0x6, s0  }
0x132: {  	[hbm4b:s1+s25] =	stream.strided.scatter [tilespmem:s15], [sflag:$0x3], $0x2EE0, s17, s25, $0x38;
	[tilespmem:$0xFE00] =	vst v63  }
0x133: {  	s31 =	sadd.s32 $0xC, s0  }
0x134: {  	[hbm4b:s31+s26] =	stream.strided.scatter [tilespmem:s16], [sflag:$0x3], $0x1F40, s17, s26, $0x38;
	[tilespmem:$0xFE00] =	vst v63  }
0x135: {  	_ =	swait.ge [sflag:s28], $0x1770  }
0x136: {  	[sflag:s28] =	ssyncset.done $0x0  }
0x137: {  	[sflag:s28] =	ssyncadd.s32 $0xFFFFE890  }
0x138: {  	_ =	swait.ge [sflag:s28], $0x1770  }
0x139: {  	[sflag:s28] =	ssyncset.done $0x0  }
0x13a: {  	[sflag:s28] =	ssyncadd.s32 $0xFFFFE890  }
0x13b: {  	_ =	swait.ge [sflag:s28], $0xFA0  }
0x13c: {  	[sflag:s28] =	ssyncset.done $0x0  }
0x13d: {  	[sflag:s28] =	ssyncadd.s32 $0xFFFFF060  }
0x13e: {  	_ =	swait.ge [sflag:s28], $0x1770  }
0x13f: {  	[sflag:s28] =	ssyncset.done $0x0  }
0x140: {  	[sflag:s28] =	ssyncadd.s32 $0xFFFFE890  }
0x141: {  	_ =	swait.ge [sflag:s28], $0x1770  }
0x142: {  	[sflag:s28] =	ssyncset.done $0x0  }
0x143: {  	[sflag:s28] =	ssyncadd.s32 $0xFFFFE890  }
0x144: {  	_ =	swait.ge [sflag:s28], $0xFA0  }
0x145: {  	[sflag:s28] =	ssyncset.done $0x0  }
0x146: {  	s4 =	sadd.s32 $0xFA0, s0;
	[sflag:s28] =	ssyncadd.s32 $0xFFFFF060  }
0x147: {  	[hbm4b:s4+s25] =	stream.strided.scatter [tilespmem:s20], [sflag:$0x4], $0x2EE0, s17, s25, $0x38;
	[tilespmem:$0xFE00] =	vst v63  }
0x148: {  	s5 =	sadd.s32 $0xFA6, s0  }
0x149: {  	[hbm4b:s5+s25] =	stream.strided.scatter [tilespmem:s21], [sflag:$0x4], $0x2EE0, s17, s25, $0x38;
	[tilespmem:$0xFE00] =	vst v63  }
0x14a: {  	s8 =	simm.s32 $0x3;
	s0 =	sadd.s32 $0xFAC, s0  }
0x14b: {  	[hbm4b:s0+s26] =	stream.strided.scatter [tilespmem:s22], [sflag:$0x4], $0x1F40, s17, s26, $0x38;
	[tilespmem:$0xFE00] =	vst v63  }
0x14c: {  	_ =	swait.ge [sflag:s8], $0x2EE0  }
0x14d: {  	[sflag:s8] =	ssyncset.done $0x0  }
0x14e: {  	[sflag:s8] =	ssyncadd.s32 $0xFFFFD120  }
0x14f: {  	_ =	swait.ge [sflag:s8], $0x2EE0  }
0x150: {  	[sflag:s8] =	ssyncset.done $0x0  }
0x151: {  	[sflag:s8] =	ssyncadd.s32 $0xFFFFD120  }
0x152: {  	_ =	swait.ge [sflag:s8], $0x1F40  }
0x153: {  	[sflag:s8] =	ssyncset.done $0x0  }
0x154: {  	s29 =	simm.s32 $0x4;
	[sflag:s8] =	ssyncadd.s32 $0xFFFFE0C0  }
0x155: {  	_ =	swait.ge [sflag:s29], $0x2EE0  }
0x156: {  	[sflag:s29] =	ssyncset.done $0x0  }
0x157: {  	[sflag:s29] =	ssyncadd.s32 $0xFFFFD120  }
0x158: {  	_ =	swait.ge [sflag:s29], $0x2EE0  }
0x159: {  	[sflag:s29] =	ssyncset.done $0x0  }
0x15a: {  	[sflag:s29] =	ssyncadd.s32 $0xFFFFD120  }
0x15b: {  	_ =	swait.ge [sflag:s29], $0x1F40  }
0x15c: {  	s30 =	rddreg [dreg:$0xf]  }
0x15d: {  	s31 =	rddreg [dreg:$0xe];
	s4 =	sadd.s32 $0x1, s30  }
0x15e: {  	p0 =	sne.s32 s4, s31  }
.Ltmp1:
0x15f: {  	_ = 	snop;
	(pc) =	sbr.rel @p0 .LBB2_1-.Ltmp1, $3  }
0x160: {  	_ =	sdelay $0x1  }
0x161: {  	[sflag:s29] =	ssyncset.done $0x0  }
0x162: {  	[sflag:s29] =	ssyncadd.s32 $0xFFFFE0C0  }
0x163: {  	_ =	sfence.sel $0x180000  }
0x164: {  	[bflag:$0x0] =	sbarrier.arrive $0xFFFF  }
0x165: {  	_ =	strace $0x9000004D  }
0x166: {  	s0 =	stileid.u32;
	[bflag:$0x2] =	sbarrier.arrive $0xFFFF  }
0x167: {  	p0 =	sne.s32 s0, $0x0;
	s0 =	rddreg [dreg:$0x2]  }
0x168: {  	s0 =	sadd.s32 @!p0 $0x100000, s0  }
0x169: {  	[sflag:s0] =	ssyncadd.tile.s32 @!p0 $0x1;
	_ =	shalt  }
.Lfunc_end2:
_tile_overlayer_lowered:
.L_overlay_start_2:
0x16a: {  	(tag) =	ssettag $0x2  }
0x16b: {  	s0 =	rddreg [dreg:$0x0];
	s2 =	stileid.u32  }
0x16c: {  	s1 =	rddreg [dreg:$0x1];
	p0 =	sne.s32 s2, $0x0  }
0x16d: {  	s3 =	rddreg [dreg:$0x2];
	[bflag:$0x3] =	sbarrier.arrive $0xFFFF;
	s2 =	simm.s32 @!p0 $0x1C05  }
0x16e: {  	[timem:s3], [sflag:s2] =	dma.local @!p0 [hbm:s0], s1  }
0x16f: {  	s0 =	simm.s32 @!p0 $0x5  }
0x170: {  	_ =	swait.ge @!p0 [sflag:s0], s1  }
0x171: {  	s1 =	ssub.s32 @!p0 $0x0, s1;
	[sflag:s0] =	ssyncset.done @!p0 $0x0  }
0x172: {  	[sflag:s0] =	ssyncadd.s32 @!p0 s1  }
0x173: {  	[bflag:$0x3] =	sbarrier.arrive $0xFFFF  }
0x174: {  	_ =	shalt  }

// kernel: kernel.21.cloned.1.call-start
scs
__scs_entry_jumppad:
0x0: {  	(pc) =	sbr.rel $0x88, $3  }
0x1: {  	(tag) =	ssettag $0x0;
	lr =	simm.s32 $0x1  }
0x2: {  	[smem:$0x3F97] =	sst lr;
	_ =	strace $0xD0000000  }
0x3: {  	_ = 	snop  }
0x4: {  	_ = 	snop  }
0x5: {  	_ = 	snop  }
0x6: {  	_ = 	snop  }
0x7: {  	_ = 	snop  }
__scs_overlays_trampoline_lowered:
0x8: {  	[smem:$0x3FA6] =	sst s0  }
0x9: {  	[smem:$0x3FA7] =	sst s1  }
0xa: {  	[smem:$0x3FA8] =	sst s2  }
0xb: {  	[smem:$0x3FA9] =	sst s3  }
0xc: {  	[smem:$0x3FAA] =	sst s4  }
0xd: {  	[smem:$0x3FAB] =	sst s5  }
0xe: {  	[smem:$0x3FAC] =	sst s6  }
0xf: {  	[smem:$0x3FAD] =	sst s7  }
0x10: {  	[smem:$0x3FAE] =	sst s8  }
0x11: {  	[smem:$0x3FAF] =	sst s9;
	s0 =	simm.s32 @!p0 $0x0  }
0x12: {  	s1 =	sld [smem:$0x3F95];
	s0 =	simm.s32 @p0 $0x1  }
0x13: {  	[smem:$0x3FB0] =	sst s0;
	s0 =	simm.s32 @!p1 $0x0  }
0x14: {  	s2 =	sld [smem:$0x3F94];
	s0 =	simm.s32 @p1 $0x1  }
0x15: {  	[smem:$0x3FB1] =	sst s0;
	s0 =	simm.s32 @!p2 $0x0  }
0x16: {  	s3 =	sld [smem:$0x3FDB];
	s0 =	simm.s32 @p2 $0x1  }
0x17: {  	s4 =	simm.s32 $0x1BF5;
	[smem:$0x3FB3] =	sst s0  }
0x18: {  	s0 =	sld [smem:$0x3F96];
	_ =	swait.ge [sflag:s4], $0x0  }
0x19: {  	s7 =	sld [smem:$0x3F97]  }
0x1a: {  	s8 =	sadd.s32 $0xFFFFE003, lr  }
0x1b: {  	s9 =	sadd.s32 $0xFFFFFEF7, lr;
	s5 =	simm.s32 $0xFFFFFFFF;
	p2 =	slt.u32 s8, $0xFFFFF086  }
0x1c: {  	p1 =	slt.u32 s9, $0xF7A;
	s5 =	simm.s32 @!p2 $0x0  }
0x1d: {  	s5 =	simm.s32 @p1 $0x1;
	p0 =	seq.s32 s7, s2  }
0x1e: {  	s7 =	smul.u32 @!p0 $0xF7A, s2;
	p2 =	seq.s32 @!p0 s5, $0x0  }
0x1f: {  	s9 =	smul.u32 $0xF7A, s1;
	s8 =	simm.s32 @!p0 $0x1BF5;
	p2 =	por !p2, p0  }
0x20: {  	[sflag:s8] =	ssyncset.s32 @!p0 $0xFFFFF086;
	s6 =	sadd.s32 @!p0 s3, s7;
	s7 =	simm.s32 @!p0 $0x108  }
0x21: {  	s3 =	sadd.s32 s3, s9;
	s6 =	sadd.s32 @!p0 $0x88, s6;
	s7 =	simm.s32 @p2 $0x1082  }
0x22: {  	[simem:s7], [sflag:s8] =	dma.local @!p0 [hbm:s6], $0xF7A  }
0x23: {  	s9 =	sor.u32 $0xD0000000, s2;
	s6 =	simm.s32 $0x108;
	_ =	swait.ge @!p0 [sflag:s8], $0x0  }
0x24: {  	s3 =	sadd.s32 $0x88, s3;
	s6 =	simm.s32 @!p1 $0x1082;
	[sflag:s4] =	ssyncset.s32 $0xFFFFF086  }
0x25: {  	[simem:s6], [sflag:s4] =	dma.local [hbm:s3], $0xF7A  }
0x26: {  	[smem:$0x3F97] =	sst s1;
	(tag) =	ssettag s2;
	_ =	strace s9  }
0x27: {  	s1 =	sld [smem:$0x3FA7]  }
0x28: {  	s2 =	sld [smem:$0x3FA8]  }
0x29: {  	s4 =	sld [smem:$0x3FAA]  }
0x2a: {  	p0 =	seq.s32 s5, $0x0;
	s5 =	sld [smem:$0x3FAB]  }
0x2b: {  	s6 =	sld [smem:$0x3FAC]  }
0x2c: {  	s7 =	sld [smem:$0x3FAD]  }
0x2d: {  	s3 =	simm.s32 $0x108;
	s8 =	sld [smem:$0x3FAE]  }
0x2e: {  	s3 =	simm.s32 @!p0 $0x1082;
	s9 =	sld [smem:$0x3FAF]  }
0x2f: {  	lr =	sadd.s32 s0, s3;
	s0 =	sld [smem:$0x3FA6]  }
0x30: {  	s3 =	sld [smem:$0x3FA9]  }
0x31: {  	[smem:$0x3FB2] =	sst s10  }
0x32: {  	s10 =	sld [smem:$0x3FB0];
	_ =	sdelay $0x3  }
0x33: {  	p0 =	seq.s32 s10, $0x1;
	s10 =	sld [smem:$0x3FB2];
	_ =	sdelay $0x3  }
0x34: {  	[smem:$0x3FB2] =	sst s10  }
0x35: {  	s10 =	sld [smem:$0x3FB1];
	_ =	sdelay $0x3  }
0x36: {  	p1 =	seq.s32 s10, $0x1;
	s10 =	sld [smem:$0x3FB2];
	_ =	sdelay $0x3  }
0x37: {  	[smem:$0x3FB2] =	sst s10  }
0x38: {  	s10 =	sld [smem:$0x3FB3]  }
0x39: {  	_ = 	snop;
	(pc) =	sbr.ind lr, $3  }
0x3a: {  	_ = 	snop  }
0x3b: {  	_ = 	snop  }
0x3c: {  	p2 =	seq.s32 s10, $0x1;
	s10 =	sld [smem:$0x3FB2]  }
0x3d: {  	_ =	shalt  }
0x3e: {  	_ =	shalt  }
0x3f: {  	_ =	shalt  }
0x40: {  	_ =	shalt  }
0x41: {  	_ =	shalt  }
0x42: {  	_ =	shalt  }
0x43: {  	_ =	shalt  }
0x44: {  	_ =	shalt  }
0x45: {  	_ =	shalt  }
0x46: {  	_ =	shalt  }
0x47: {  	_ =	shalt  }
0x48: {  	_ =	shalt  }
0x49: {  	_ =	shalt  }
0x4a: {  	_ =	shalt  }
0x4b: {  	_ =	shalt  }
0x4c: {  	_ =	shalt  }
0x4d: {  	_ =	shalt  }
0x4e: {  	_ =	shalt  }
0x4f: {  	_ =	shalt  }
0x50: {  	_ =	shalt  }
0x51: {  	_ =	shalt  }
0x52: {  	_ =	shalt  }
0x53: {  	_ =	shalt  }
0x54: {  	_ =	shalt  }
0x55: {  	_ =	shalt  }
0x56: {  	_ =	shalt  }
0x57: {  	_ =	shalt  }
0x58: {  	_ =	shalt  }
0x59: {  	_ =	shalt  }
0x5a: {  	_ =	shalt  }
0x5b: {  	_ =	shalt  }
0x5c: {  	_ =	shalt  }
0x5d: {  	_ =	shalt  }
0x5e: {  	_ =	shalt  }
0x5f: {  	_ =	shalt  }
0x60: {  	_ =	shalt  }
0x61: {  	_ =	shalt  }
0x62: {  	_ =	shalt  }
0x63: {  	_ =	shalt  }
0x64: {  	_ =	shalt  }
0x65: {  	_ =	shalt  }
0x66: {  	_ =	shalt  }
0x67: {  	_ =	shalt  }
0x68: {  	_ =	shalt  }
0x69: {  	_ =	shalt  }
0x6a: {  	_ =	shalt  }
0x6b: {  	_ =	shalt  }
0x6c: {  	_ =	shalt  }
0x6d: {  	_ =	shalt  }
0x6e: {  	_ =	shalt  }
0x6f: {  	_ =	shalt  }
0x70: {  	_ =	shalt  }
0x71: {  	_ =	shalt  }
0x72: {  	_ =	shalt  }
0x73: {  	_ =	shalt  }
0x74: {  	_ =	shalt  }
0x75: {  	_ =	shalt  }
0x76: {  	_ =	shalt  }
0x77: {  	_ =	shalt  }
0x78: {  	_ =	shalt  }
0x79: {  	_ =	shalt  }
0x7a: {  	_ =	shalt  }
0x7b: {  	_ =	shalt  }
0x7c: {  	_ =	shalt  }
0x7d: {  	_ =	shalt  }
0x7e: {  	_ =	shalt  }
0x7f: {  	_ =	shalt  }
0x80: {  	_ =	shalt  }
0x81: {  	_ =	shalt  }
0x82: {  	_ =	shalt  }
0x83: {  	_ =	shalt  }
0x84: {  	_ =	shalt  }
0x85: {  	_ =	shalt  }
0x86: {  	_ =	shalt  }
0x87: {  	_ =	shalt  }
.Lfunc_end0:
.L_simem_size_0:
called_computation.3_lowered:
.L_overlay_start_0:
0x88: {  	s2 =	sld [smem:$0x3FD9]  }
0x89: {  	s3 =	sld [smem:$0x3FFE];
	_ =	sdelay $0x1  }
0x8a: {  	s1 =	srdreg.scid  }
0x8b: {  	s0 =	sand.u32 $0x1, s1  }
0x8c: {  	s16 =	sshll.u32 s0, $0xA;
	s2 =	sadd.s32 s3, s2  }
0x8d: {  	s2 =	sadd.s32 s2, s16  }
0x8e: {  	[smem:$0x3FBE] =	sst s2  }
0x8f: {  	_ = 	snop  }
0x90: {  	(tm) =	ssettm $0x1  }
0x91: {  	s17 =	sld [smem:$0x3FFB];
	_ =	sdelay $0x3  }
0x92: {  	_ =	strace s17  }
0x93: {  	s2 =	sld [smem:$0x3FFC];
	_ =	sdelay $0x3  }
0x94: {  	_ =	strace s2  }
0x95: {  	s2 =	sld [smem:$0x3FFD];
	_ =	sdelay $0x3  }
0x96: {  	_ =	strace s2  }
0x97: {  	_ =	strace $0x8FFFFFFF  }
0x98: {  	s18 =	sld [smem:$0x3FDB];
	_ =	sdelay $0x1  }
0x99: {  	s19 =	simm.s32 $_scs_section_size  }
0x9a: {  	s4 =	simm.s32 $_size__tile_overlayer_lowered;
	s5 =	simm.s32 $_tile_overlayer_lowered  }
0x9b: {  	s22 =	simm.s32 $0x1BFF;
	s21 =	sshll.u32 s5, $0x1;
	s2 =	sadd.s32 s19, s18  }
0x9c: {  	s6 =	simm.s32 $0x0;
	s20 =	sshll.u32 s4, $0x1;
	s4 =	sadd.s32 s21, s2  }
0x9d: {  	[timem:s6], [sflag:s22] =	dma.local [hbm:s4], s20  }
0x9e: {  	_ =	swait.ge [sflag:s22], s20  }
0x9f: {  	s3 =	ssub.s32 $0x0, s20;
	[sflag:s22] =	ssyncset.done $0x0  }
0xa0: {  	[sflag:s22] =	ssyncadd.s32 s3;
	_ =	sdelay $0x1  }
0xa1: {  	s23 =	simm.s32 $0x1B8B  }
0xa2: {  	_ =	swait.ge [sflag:s23], $0x1  }
0xa3: {  	[sflag:s23] =	ssyncset.done $0x0  }
0xa4: {  	s25 =	simm.s32 $0x1B8E;
	s24 =	sld [smem:$0x3FFE];
	[sflag:s23] =	ssyncadd.s32 $0xFFFFFFFF  }
0xa5: {  	s26 =	simm.s32 $execute0_lowered;
	[smem:$0x3FD2] =	sst s25  }
0xa6: {  	s4 =	sshll.u32 s26, $0x1;
	_ =	strace $0x8000004F;
	[dreg:$0x1] =	wrdreg $0xFFFFFFFF  }
0xa7: {  	s28 =	simm.s32 $_size_execute0_lowered;
	s2 =	sadd.s32 s2, s4;
	[dreg:$0x0] =	wrdreg $0x0  }
0xa8: {  	s4 =	sshll.u32 s28, $0x1;
	[dreg:$0x2] =	wrdreg s2  }
0xa9: {  	[dreg:$0x3] =	wrdreg s4  }
0xaa: {  	[dreg:$0x4] =	wrdreg $0xC0  }
0xab: {  	_ =	task [dreg:s6], $0x5FFFF  }
0xac: {  	[dreg:$0x1] =	wrdreg $0xFFFFFFFF  }
0xad: {  	[dreg:$0x0] =	wrdreg $0x60  }
0xae: {  	[dreg:$0x2] =	wrdreg s24  }
0xaf: {  	[dreg:$0x3] =	wrdreg $0xBF800  }
0xb0: {  	[dreg:$0x4] =	wrdreg $0x9  }
0xb1: {  	_ =	task.clear_ibuf [dreg:s6], $0x5FFFF;
	_ =	strace $0x9000004F  }
0xb2: {  	s29 =	simm.s32 $0x9;
	_ =	strace $0x80000051  }
0xb3: {  	_ =	swait.ge [sflag:s29], $0x1  }
0xb4: {  	[sflag:s29] =	ssyncadd.s32 $0xFFFFFFFF  }
0xb5: {  	_ =	strace $0x90000051  }
0xb6: {  	_ =	sfence  }
0xb7: {  	s30 =	sld [smem:$0x0];
	_ =	sdelay $0x2  }
0xb8: {  	s31 =	sshll.u32 s1, $0xD;
	s1 =	sshrl.u32 s1, $0x2  }
0xb9: {  	s3 =	sand.u32 $0x4000, s31;
	s1 =	sadd.s32 s1, s30  }
0xba: {  	s0 =	sor.u32 s3, s0;
	s1 =	sshll.u32 s1, $0x11  }
0xbb: {  	s0 =	sor.u32 s1, s0  }
0xbc: {  	s0 =	sadd.s32 $0x8F2B, s0  }
0xbd: {  	[sflag:s0] =	ssyncadd.remote.s32 $0x1  }
0xbe: {  	_ =	sfence.sel $0xFFFF  }
0xbf: {  	[dreg:$0x0] =	wrdreg $0xFFFFFFFF;
	(pc) =	sbr.abs _section_cstart, $3  }
0xc0: {  	[dreg:$0x1] =	wrdreg $0xFFFFFFFF  }
0xc1: {  	_ =	task.clear_ibuf [dreg:s6], $0x2FFFF;
	_ =	strace $0x9FFFFFFF  }
0xc2: {  	(tm) =	ssettm $0x7FFFFFFF  }
0xc3: {  	_ =	shalt  }
tec
execute0_lowered:
.L_overlay_start_1:
0x0: {  	(tag) =	ssettag $0x1  }
0x1: {  	s0 =	rddreg [dreg:$0x0]  }
0x2: {  	s2 =	rddreg [dreg:$0x1];
	s11 =	stileid.u32  }
0x3: {  	s1 =	srdreg.scid;
	s3 =	simm.s32 $0x0;
	s4 =	smul.u32 $0x61A80, s11  }
0x4: {  	s26 =	simm.s32 $0x1B70;
	s28 =	simm.s32 $0x380;
	s6 =	smul.u32 $0x493E, s11  }
0x5: {  	s29 =	simm.s32 $0xA810;
	s30 =	simm.s32 $0x3;
	s8 =	smul.u32 $0x933C0, s11  }
0x6: {  	s31 =	simm.s32 $0x0;
	s1 =	sand.u32 $0x1, s1;
	s10 =	smul.u32 $0x6400, s11  }
0x7: {  	[smem:$0x7FF] =	sst s3;
	s7 =	sadd.s32 $0xDD8800, s0;
	s16 =	smul.u32 $0x927C0, s11  }
0x8: {  	s12 =	sadd.s32 $0xC6800, s0;
	p0 =	sgt.u32 s11, $0x7;
	s5 =	smul.u32 $0x249F0, s1  }
0x9: {  	_ =	strace $0x80000050;
	s9 =	ssub.s32 $0x2, s1;
	[dreg:$0x8] =	wrdreg s12  }
0xa: {  	s1 =	smul.u32 $0xC8000, s1;
	s12 =	simm.s32 $0x80;
	[dreg:$0x7] =	wrdreg s26  }
0xb: {  	s26 =	simm.s32 $0x7930;
	s4 =	sadd.s32 s4, s0;
	s13 =	sshrl.u32 s9, $0x1  }
0xc: {  	s15 =	sshrl.u32 s8, $0x2;
	s18 =	sshrl.u32 s16, $0x2;
	s16 =	simm.s32 $0x300  }
0xd: {  	s5 =	sadd.s32 s6, s5;
	s14 =	ssub.s32 s9, s13;
	s1 =	sadd.s32 s10, s1  }
0xe: {  	s9 =	sadd.s32 s15, s2;
	s25 =	sadd.s32 s18, s2;
	s10 =	simm.s32 $0x100  }
0xf: {  	s13 =	simm.s32 $0x400;
	s15 =	simm.s32 $0x200;
	s18 =	simm.s32 $0x90A0  }
0x10: {  	s0 =	sadd.s32 s5, s0;
	s17 =	sadd.s32 $0x64100, s1;
	s19 =	sor.u32 $0x100, s1  }
0x11: {  	s22 =	sadd.s32 $0x64000, s1;
	s5 =	smax.u32 s14, $0x1;
	s1 =	sshrl.u32 s1, $0x3  }
0x12: {  	s14 =	simm.s32 $0x32E0;
	s0 =	sadd.s32 $0x3200, s0;
	s20 =	sshrl.u32 s19, $0x3  }
0x13: {  	[dreg:$0xa] =	wrdreg s5;
	s23 =	sshrl.u32 s22, $0x3;
	s24 =	sadd.s32 s1, s7  }
0x14: {  	s5 =	sshll.u32 @!p0 s11, $0x6;
	s1 =	sadd.s32 $0xE0B7A6, s4;
	s11 =	simm.s32 $0x30  }
0x15: {  	s19 =	simm.s32 $0x1;
	s22 =	simm.s32 $0x4A50;
	[dreg:$0x9] =	wrdreg s0  }
0x16: {  	s0 =	sshrl.u32 s17, $0x3;
	s21 =	sadd.s32 s20, s7;
	[dreg:$0x6] =	wrdreg s24  }
0x17: {  	s8 =	sor.u32 @!p0 $0x1C04, s5;
	s0 =	sadd.s32 s0, s7;
	[dreg:$0x4] =	wrdreg s21  }
0x18: {  	s17 =	simm.s32 $0x61C0;
	[dreg:$0x3] =	wrdreg s0;
	s0 =	sadd.s32 s23, s7  }
0x19: {  	s20 =	simm.s32 $0x7D;
	[dreg:$0x5] =	wrdreg s0;
	s0 =	sshrl.u32 @!p0 s9, $0x3  }
0x1a: {  	s24 =	simm.s32 $0x280;
	[dreg:$0xb] =	wrdreg s0;
	s0 =	sshrl.u32 @!p0 s25, $0x3  }
0x1b: {  	s21 =	simm.s32 $0x180;
	s23 =	simm.s32 $0x2;
	[dreg:$0xc] =	wrdreg s0  }
.LBB2_1:
0x1c: {  	s0 =	rddreg [dreg:$0x8]  }
0x1d: {  	s4 =	rddreg [dreg:$0xb]  }
0x1e: {  	[spmem:s4], [sflag:s8] =	dma.local @!p0 [hbm:s0], $0x499E  }
0x1f: {  	s0 =	simm.s32 @!p0 $0x4  }
0x20: {  	_ =	swait.ge @!p0 [sflag:s0], $0x499E  }
0x21: {  	[sflag:s0] =	ssyncset.done @!p0 $0x0  }
0x22: {  	[sflag:s0] =	ssyncadd.s32 @!p0 $0xFFFFB662  }
0x23: {  	[bflag:$0x0] =	sbarrier.arrive $0xFFFF  }
0x24: {  	s4 =	rddreg [dreg:$0x6]  }
0x25: {  	s5 =	rddreg [dreg:$0x5];
	s0 =	sadd.s32 $0x0, s4  }
0x26: {  	[tilespmem:s3], [sflag:$0x1] =	stream.linear.gather [hbm4b:s0+s3], $0x100, $0x38;
	[tilespmem:$0x1E5F8] =	vst v63  }
0x27: {  	s6 =	sadd.s32 $0x0, s5  }
0x28: {  	[tilespmem:s10], [sflag:$0x1] =	stream.linear.gather [hbm4b:s6+s3], $0x100, $0x38;
	[tilespmem:$0x1E5F8] =	vst v63  }
0x29: {  	s7 =	sadd.s32 $0xFFFFF05A, s1  }
0x2a: {  	[tilespmem:s13], [sflag:$0x1] =	stream.strided.gather [hbm4b:s7+s11], $0x2EE0, s12, s11, $0x38;
	[tilespmem:$0x1E5F8] =	vst v63  }
0x2b: {  	s25 =	sadd.s32 $0xFFFFF060, s1;
	s9 =	rddreg [dreg:$0x4]  }
0x2c: {  	[tilespmem:s14], [sflag:$0x1] =	stream.strided.gather [hbm4b:s25+s11], $0x2EE0, s12, s11, $0x38;
	[tilespmem:$0x1E5F8] =	vst v63  }
0x2d: {  	s5 =	rddreg [dreg:$0x3];
	s6 =	sadd.s32 $0x0, s9  }
0x2e: {  	[tilespmem:s15], [sflag:$0x2] =	stream.linear.gather [hbm4b:s6+s3], $0x100, $0x38;
	[tilespmem:$0x1E5F8] =	vst v63  }
0x2f: {  	s7 =	sadd.s32 $0x0, s5  }
0x30: {  	[tilespmem:s16], [sflag:$0x2] =	stream.linear.gather [hbm4b:s7+s3], $0x100, $0x38;
	[tilespmem:$0x1E5F8] =	vst v63  }
0x31: {  	s9 =	sadd.s32 $0xFFFFFFFA, s1  }
0x32: {  	[tilespmem:s17], [sflag:$0x2] =	stream.strided.gather [hbm4b:s9+s11], $0x2EE0, s12, s11, $0x38;
	[tilespmem:$0x1E5F8] =	vst v63  }
0x33: {  	_ = 	snop  }
0x34: {  	[tilespmem:s18], [sflag:$0x2] =	stream.strided.gather [hbm4b:s1+s11], $0x2EE0, s12, s11, $0x38;
	[tilespmem:$0x1E5F8] =	vst v63  }
0x35: {  	_ =	swait.ge [sflag:s19], $0x100  }
0x36: {  	[sflag:s19] =	ssyncset.done $0x0  }
0x37: {  	[sflag:s19] =	ssyncadd.s32 $0xFFFFFF00  }
0x38: {  	_ =	swait.ge [sflag:s19], $0x100  }
0x39: {  	[sflag:s19] =	ssyncset.done $0x0  }
0x3a: {  	[sflag:s19] =	ssyncadd.s32 $0xFFFFFF00  }
0x3b: {  	_ =	swait.ge [sflag:s19], $0x2EE0  }
0x3c: {  	[sflag:s19] =	ssyncset.done $0x0  }
0x3d: {  	[sflag:s19] =	ssyncadd.s32 $0xFFFFD120  }
0x3e: {  	_ =	swait.ge [sflag:s19], $0x2EE0  }
0x3f: {  	[sflag:s19] =	ssyncset.done $0x0  }
0x40: {  	[sflag:s19] =	ssyncadd.s32 $0xFFFFD120  }
0x41: {  	[spmem:s2] =	stream.indirect.scatter.add.f32 [tilespmem:s13], [sflag:$0x3], $0x30, s3, s20, $0xb8;
	[tilespmem:$0x1E5F8] =	vst v63  }
0x42: {  	_ = 	snop  }
0x43: {  	[spmem:s2] =	stream.indirect.scatter.add.f32 [tilespmem:s14], [sflag:$0x3], $0x30, s10, s20, $0xb8;
	[tilespmem:$0x1E5F8] =	vst v63  }
0x44: {  	s25 =	rddreg [dreg:$0x7]  }
0x45: {  	[spmem:s2] =	stream.indirect.scatter.add.f32 [tilespmem:s25], [sflag:$0x3], $0x30, s12, s20, $0xb8;
	[tilespmem:$0x1E5F8] =	vst v63  }
0x46: {  	_ = 	snop  }
0x47: {  	[spmem:s2] =	stream.indirect.scatter.add.f32 [tilespmem:s22], [sflag:$0x3], $0x30, s21, s20, $0xb8;
	[tilespmem:$0x1E5F8] =	vst v63  }
0x48: {  	_ =	swait.ge [sflag:s23], $0x100  }
0x49: {  	[sflag:s23] =	ssyncset.done $0x0  }
0x4a: {  	[sflag:s23] =	ssyncadd.s32 $0xFFFFFF00  }
0x4b: {  	_ =	swait.ge [sflag:s23], $0x100  }
0x4c: {  	[sflag:s23] =	ssyncset.done $0x0  }
0x4d: {  	[sflag:s23] =	ssyncadd.s32 $0xFFFFFF00  }
0x4e: {  	_ =	swait.ge [sflag:s23], $0x2EE0  }
0x4f: {  	[sflag:s23] =	ssyncset.done $0x0  }
0x50: {  	[sflag:s23] =	ssyncadd.s32 $0xFFFFD120  }
0x51: {  	_ =	swait.ge [sflag:s23], $0x2EE0  }
0x52: {  	[sflag:s23] =	ssyncset.done $0x0  }
0x53: {  	[sflag:s23] =	ssyncadd.s32 $0xFFFFD120  }
0x54: {  	[spmem:s2] =	stream.indirect.scatter.add.f32 [tilespmem:s17], [sflag:$0x3], $0x30, s15, s20, $0xb8;
	[tilespmem:$0x1E5F8] =	vst v63  }
0x55: {  	_ = 	snop  }
0x56: {  	[spmem:s2] =	stream.indirect.scatter.add.f32 [tilespmem:s18], [sflag:$0x3], $0x30, s16, s20, $0xb8;
	[tilespmem:$0x1E5F8] =	vst v63  }
0x57: {  	_ = 	snop  }
0x58: {  	[spmem:s2] =	stream.indirect.scatter.add.f32 [tilespmem:s26], [sflag:$0x3], $0x30, s24, s20, $0xb8;
	[tilespmem:$0x1E5F8] =	vst v63  }
0x59: {  	_ = 	snop  }
0x5a: {  	[spmem:s2] =	stream.indirect.scatter.add.f32 [tilespmem:s29], [sflag:$0x3], $0x30, s28, s20, $0xb8;
	[tilespmem:$0x1E5F8] =	vst v63  }
0x5b: {  	_ =	swait.ge [sflag:s30], $0x1770  }
0x5c: {  	[sflag:s30] =	ssyncset.done $0x0  }
0x5d: {  	[sflag:s30] =	ssyncadd.s32 $0xFFFFE890  }
0x5e: {  	_ =	swait.ge [sflag:s30], $0x1770  }
0x5f: {  	[sflag:s30] =	ssyncset.done $0x0  }
0x60: {  	[sflag:s30] =	ssyncadd.s32 $0xFFFFE890  }
0x61: {  	_ =	swait.ge [sflag:s30], $0x1770  }
0x62: {  	[sflag:s30] =	ssyncset.done $0x0  }
0x63: {  	[sflag:s30] =	ssyncadd.s32 $0xFFFFE890  }
0x64: {  	_ =	swait.ge [sflag:s30], $0x1770  }
0x65: {  	[sflag:s30] =	ssyncset.done $0x0  }
0x66: {  	[sflag:s30] =	ssyncadd.s32 $0xFFFFE890  }
0x67: {  	_ =	swait.ge [sflag:s30], $0x1770  }
0x68: {  	[sflag:s30] =	ssyncset.done $0x0  }
0x69: {  	[sflag:s30] =	ssyncadd.s32 $0xFFFFE890  }
0x6a: {  	_ =	swait.ge [sflag:s30], $0x1770  }
0x6b: {  	[sflag:s30] =	ssyncset.done $0x0  }
0x6c: {  	[sflag:s30] =	ssyncadd.s32 $0xFFFFE890  }
0x6d: {  	_ =	swait.ge [sflag:s30], $0x1770  }
0x6e: {  	[sflag:s30] =	ssyncset.done $0x0  }
0x6f: {  	[sflag:s30] =	ssyncadd.s32 $0xFFFFE890  }
0x70: {  	s4 =	simm.s32 $0x80;
	s0 =	simm.s32 $0x40;
	_ =	swait.ge [sflag:s30], $0x1770  }
0x71: {  	s7 =	smov.u32 s1;
	s5 =	rddreg [dreg:$0x6];
	[sflag:s30] =	ssyncset.done $0x0  }
.LBB2_2:
0x72: {  	[sflag:s30] =	ssyncadd.s32 $0xFFFFE890;
	s6 =	rddreg [dreg:$0x5];
	s5 =	sadd.s32 s0, s5  }
0x73: {  	[tilespmem:s3], [sflag:$0x1] =	stream.linear.gather [hbm4b:s5+s3], $0x100, $0x38;
	[tilespmem:$0x1E5F8] =	vst v63  }
0x74: {  	s7 =	sadd.s32 $0x1F40, s7;
	s6 =	sadd.s32 s0, s6  }
0x75: {  	[tilespmem:s10], [sflag:$0x1] =	stream.linear.gather [hbm4b:s6+s3], $0x100, $0x38;
	[tilespmem:$0x1E5F8] =	vst v63  }
0x76: {  	s25 =	sadd.s32 $0xFFFFF05A, s7  }
0x77: {  	[tilespmem:s13], [sflag:$0x1] =	stream.strided.gather [hbm4b:s25+s11], $0x2EE0, s12, s11, $0x38;
	[tilespmem:$0x1E5F8] =	vst v63  }
0x78: {  	s5 =	sadd.s32 $0xFFFFF060, s7;
	s6 =	rddreg [dreg:$0x4]  }
0x79: {  	[tilespmem:s14], [sflag:$0x1] =	stream.strided.gather [hbm4b:s5+s11], $0x2EE0, s12, s11, $0x38;
	[tilespmem:$0x1E5F8] =	vst v63  }
0x7a: {  	s6 =	sadd.s32 s0, s6;
	s25 =	rddreg [dreg:$0x3]  }
0x7b: {  	[tilespmem:s15], [sflag:$0x2] =	stream.linear.gather [hbm4b:s6+s3], $0x100, $0x38;
	[tilespmem:$0x1E5F8] =	vst v63  }
0x7c: {  	s9 =	smov.u32 s4;
	s6 =	sadd.s32 s0, s25  }
0x7d: {  	[tilespmem:s16], [sflag:$0x2] =	stream.linear.gather [hbm4b:s6+s3], $0x100, $0x38;
	[tilespmem:$0x1E5F8] =	vst v63  }
0x7e: {  	s0 =	smov.u32 s9;
	s9 =	sadd.s32 $0xFFFFFFFA, s7  }
0x7f: {  	[tilespmem:s17], [sflag:$0x2] =	stream.strided.gather [hbm4b:s9+s11], $0x2EE0, s12, s11, $0x38;
	[tilespmem:$0x1E5F8] =	vst v63  }
0x80: {  	_ = 	snop  }
0x81: {  	[tilespmem:s18], [sflag:$0x2] =	stream.strided.gather [hbm4b:s7+s11], $0x2EE0, s12, s11, $0x38;
	[tilespmem:$0x1E5F8] =	vst v63  }
0x82: {  	_ =	swait.ge [sflag:s19], $0x100  }
0x83: {  	[sflag:s19] =	ssyncset.done $0x0  }
0x84: {  	[sflag:s19] =	ssyncadd.s32 $0xFFFFFF00  }
0x85: {  	_ =	swait.ge [sflag:s19], $0x100  }
0x86: {  	[sflag:s19] =	ssyncset.done $0x0  }
0x87: {  	[sflag:s19] =	ssyncadd.s32 $0xFFFFFF00  }
0x88: {  	_ =	swait.ge [sflag:s19], $0x2EE0  }
0x89: {  	[sflag:s19] =	ssyncset.done $0x0  }
0x8a: {  	[sflag:s19] =	ssyncadd.s32 $0xFFFFD120  }
0x8b: {  	_ =	swait.ge [sflag:s19], $0x2EE0  }
0x8c: {  	[sflag:s19] =	ssyncset.done $0x0  }
0x8d: {  	[sflag:s19] =	ssyncadd.s32 $0xFFFFD120  }
0x8e: {  	[spmem:s2] =	stream.indirect.scatter.add.f32 [tilespmem:s13], [sflag:$0x3], $0x30, s3, s20, $0xb8;
	[tilespmem:$0x1E5F8] =	vst v63  }
0x8f: {  	_ = 	snop  }
0x90: {  	[spmem:s2] =	stream.indirect.scatter.add.f32 [tilespmem:s14], [sflag:$0x3], $0x30, s10, s20, $0xb8;
	[tilespmem:$0x1E5F8] =	vst v63  }
0x91: {  	s25 =	rddreg [dreg:$0x7]  }
0x92: {  	[spmem:s2] =	stream.indirect.scatter.add.f32 [tilespmem:s25], [sflag:$0x3], $0x30, s12, s20, $0xb8;
	[tilespmem:$0x1E5F8] =	vst v63  }
0x93: {  	_ = 	snop  }
0x94: {  	[spmem:s2] =	stream.indirect.scatter.add.f32 [tilespmem:s22], [sflag:$0x3], $0x30, s21, s20, $0xb8;
	[tilespmem:$0x1E5F8] =	vst v63  }
0x95: {  	_ =	swait.ge [sflag:s23], $0x100  }
0x96: {  	[sflag:s23] =	ssyncset.done $0x0  }
0x97: {  	[sflag:s23] =	ssyncadd.s32 $0xFFFFFF00  }
0x98: {  	_ =	swait.ge [sflag:s23], $0x100  }
0x99: {  	[sflag:s23] =	ssyncset.done $0x0  }
0x9a: {  	[sflag:s23] =	ssyncadd.s32 $0xFFFFFF00  }
0x9b: {  	_ =	swait.ge [sflag:s23], $0x2EE0  }
0x9c: {  	[sflag:s23] =	ssyncset.done $0x0  }
0x9d: {  	[sflag:s23] =	ssyncadd.s32 $0xFFFFD120  }
0x9e: {  	_ =	swait.ge [sflag:s23], $0x2EE0  }
0x9f: {  	[sflag:s23] =	ssyncset.done $0x0  }
0xa0: {  	[sflag:s23] =	ssyncadd.s32 $0xFFFFD120  }
0xa1: {  	[spmem:s2] =	stream.indirect.scatter.add.f32 [tilespmem:s17], [sflag:$0x3], $0x30, s15, s20, $0xb8;
	[tilespmem:$0x1E5F8] =	vst v63  }
0xa2: {  	_ = 	snop  }
0xa3: {  	[spmem:s2] =	stream.indirect.scatter.add.f32 [tilespmem:s18], [sflag:$0x3], $0x30, s16, s20, $0xb8;
	[tilespmem:$0x1E5F8] =	vst v63  }
0xa4: {  	_ = 	snop  }
0xa5: {  	[spmem:s2] =	stream.indirect.scatter.add.f32 [tilespmem:s26], [sflag:$0x3], $0x30, s24, s20, $0xb8;
	[tilespmem:$0x1E5F8] =	vst v63  }
0xa6: {  	_ = 	snop  }
0xa7: {  	[spmem:s2] =	stream.indirect.scatter.add.f32 [tilespmem:s29], [sflag:$0x3], $0x30, s28, s20, $0xb8;
	[tilespmem:$0x1E5F8] =	vst v63  }
0xa8: {  	_ =	swait.ge [sflag:s30], $0x1770  }
0xa9: {  	[sflag:s30] =	ssyncset.done $0x0  }
0xaa: {  	[sflag:s30] =	ssyncadd.s32 $0xFFFFE890  }
0xab: {  	_ =	swait.ge [sflag:s30], $0x1770  }
0xac: {  	[sflag:s30] =	ssyncset.done $0x0  }
0xad: {  	[sflag:s30] =	ssyncadd.s32 $0xFFFFE890  }
0xae: {  	_ =	swait.ge [sflag:s30], $0x1770  }
0xaf: {  	[sflag:s30] =	ssyncset.done $0x0  }
0xb0: {  	[sflag:s30] =	ssyncadd.s32 $0xFFFFE890  }
0xb1: {  	_ =	swait.ge [sflag:s30], $0x1770  }
0xb2: {  	[sflag:s30] =	ssyncset.done $0x0  }
0xb3: {  	[sflag:s30] =	ssyncadd.s32 $0xFFFFE890  }
0xb4: {  	_ =	swait.ge [sflag:s30], $0x1770  }
0xb5: {  	[sflag:s30] =	ssyncset.done $0x0  }
0xb6: {  	[sflag:s30] =	ssyncadd.s32 $0xFFFFE890  }
0xb7: {  	_ =	swait.ge [sflag:s30], $0x1770  }
0xb8: {  	[sflag:s30] =	ssyncset.done $0x0  }
0xb9: {  	p1 =	sne.s32 s4, $0xC40;
	[sflag:s30] =	ssyncadd.s32 $0xFFFFE890  }
.Ltmp0:
0xba: {  	_ =	swait.ge [sflag:s30], $0x1770;
	(pc) =	sbr.rel @p1 .LBB2_2-.Ltmp0, $4  }
0xbb: {  	[sflag:s30] =	ssyncset.done $0x0  }
0xbc: {  	[sflag:s30] =	ssyncadd.s32 $0xFFFFE890  }
0xbd: {  	_ =	swait.ge [sflag:s30], $0x1770  }
0xbe: {  	s4 =	sadd.s32 $0x40, s4;
	s5 =	rddreg [dreg:$0x6];
	[sflag:s30] =	ssyncset.done $0x0  }
0xbf: {  	s4 =	rddreg [dreg:$0x5];
	[sflag:s30] =	ssyncadd.s32 $0xFFFFE890;
	s5 =	sadd.s32 s0, s5  }
0xc0: {  	[tilespmem:s3], [sflag:$0x1] =	stream.linear.gather [hbm4b:s5+s3], $0x100, $0x38;
	[tilespmem:$0x1E5F8] =	vst v63  }
0xc1: {  	s5 =	sadd.s32 $0x1F40, s7;
	s4 =	sadd.s32 s0, s4  }
0xc2: {  	[tilespmem:s10], [sflag:$0x1] =	stream.linear.gather [hbm4b:s4+s3], $0x100, $0x38;
	[tilespmem:$0x1E5F8] =	vst v63  }
0xc3: {  	s7 =	sadd.s32 $0xFFFFF05A, s5  }
0xc4: {  	[tilespmem:s13], [sflag:$0x1] =	stream.strided.gather [hbm4b:s7+s11], $0x2EE0, s12, s11, $0x38;
	[tilespmem:$0x1E5F8] =	vst v63  }
0xc5: {  	s9 =	rddreg [dreg:$0x4];
	s6 =	sadd.s32 $0xFFFFF060, s5  }
0xc6: {  	[tilespmem:s14], [sflag:$0x1] =	stream.strided.gather [hbm4b:s6+s11], $0x2EE0, s12, s11, $0x38;
	[tilespmem:$0x1E5F8] =	vst v63  }
0xc7: {  	s25 =	rddreg [dreg:$0x3];
	s4 =	sadd.s32 s0, s9  }
0xc8: {  	[tilespmem:s15], [sflag:$0x2] =	stream.linear.gather [hbm4b:s4+s3], $0x100, $0x38;
	[tilespmem:$0x1E5F8] =	vst v63  }
0xc9: {  	s6 =	sadd.s32 s0, s25  }
0xca: {  	[tilespmem:s16], [sflag:$0x2] =	stream.linear.gather [hbm4b:s6+s3], $0x100, $0x38;
	[tilespmem:$0x1E5F8] =	vst v63  }
0xcb: {  	s7 =	sadd.s32 $0xFFFFFFFA, s5  }
0xcc: {  	[tilespmem:s17], [sflag:$0x2] =	stream.strided.gather [hbm4b:s7+s11], $0x2EE0, s12, s11, $0x38;
	[tilespmem:$0x1E5F8] =	vst v63  }
0xcd: {  	_ = 	snop  }
0xce: {  	[tilespmem:s18], [sflag:$0x2] =	stream.strided.gather [hbm4b:s5+s11], $0x2EE0, s12, s11, $0x38;
	[tilespmem:$0x1E5F8] =	vst v63  }
0xcf: {  	_ =	swait.ge [sflag:s19], $0x100  }
0xd0: {  	[sflag:s19] =	ssyncset.done $0x0  }
0xd1: {  	[sflag:s19] =	ssyncadd.s32 $0xFFFFFF00  }
0xd2: {  	_ =	swait.ge [sflag:s19], $0x100  }
0xd3: {  	[sflag:s19] =	ssyncset.done $0x0  }
0xd4: {  	[sflag:s19] =	ssyncadd.s32 $0xFFFFFF00  }
0xd5: {  	_ =	swait.ge [sflag:s19], $0x2EE0  }
0xd6: {  	[sflag:s19] =	ssyncset.done $0x0  }
0xd7: {  	[sflag:s19] =	ssyncadd.s32 $0xFFFFD120  }
0xd8: {  	_ =	swait.ge [sflag:s19], $0x2EE0  }
0xd9: {  	[sflag:s19] =	ssyncset.done $0x0  }
0xda: {  	[sflag:s19] =	ssyncadd.s32 $0xFFFFD120  }
0xdb: {  	[spmem:s2] =	stream.indirect.scatter.add.f32 [tilespmem:s13], [sflag:$0x3], $0x30, s3, s20, $0xb8;
	[tilespmem:$0x1E5F8] =	vst v63  }
0xdc: {  	_ = 	snop  }
0xdd: {  	[spmem:s2] =	stream.indirect.scatter.add.f32 [tilespmem:s14], [sflag:$0x3], $0x30, s10, s20, $0xb8;
	[tilespmem:$0x1E5F8] =	vst v63  }
0xde: {  	s9 =	rddreg [dreg:$0x7]  }
0xdf: {  	[spmem:s2] =	stream.indirect.scatter.add.f32 [tilespmem:s9], [sflag:$0x3], $0x30, s12, s20, $0xb8;
	[tilespmem:$0x1E5F8] =	vst v63  }
0xe0: {  	_ = 	snop  }
0xe1: {  	[spmem:s2] =	stream.indirect.scatter.add.f32 [tilespmem:s22], [sflag:$0x3], $0x30, s21, s20, $0xb8;
	[tilespmem:$0x1E5F8] =	vst v63  }
0xe2: {  	_ =	swait.ge [sflag:s23], $0x100  }
0xe3: {  	[sflag:s23] =	ssyncset.done $0x0  }
0xe4: {  	[sflag:s23] =	ssyncadd.s32 $0xFFFFFF00  }
0xe5: {  	_ =	swait.ge [sflag:s23], $0x100  }
0xe6: {  	[sflag:s23] =	ssyncset.done $0x0  }
0xe7: {  	[sflag:s23] =	ssyncadd.s32 $0xFFFFFF00  }
0xe8: {  	_ =	swait.ge [sflag:s23], $0x2EE0  }
0xe9: {  	[sflag:s23] =	ssyncset.done $0x0  }
0xea: {  	[sflag:s23] =	ssyncadd.s32 $0xFFFFD120  }
0xeb: {  	_ =	swait.ge [sflag:s23], $0x2EE0  }
0xec: {  	[sflag:s23] =	ssyncset.done $0x0  }
0xed: {  	[sflag:s23] =	ssyncadd.s32 $0xFFFFD120  }
0xee: {  	[spmem:s2] =	stream.indirect.scatter.add.f32 [tilespmem:s17], [sflag:$0x3], $0x30, s15, s20, $0xb8;
	[tilespmem:$0x1E5F8] =	vst v63  }
0xef: {  	_ = 	snop  }
0xf0: {  	[spmem:s2] =	stream.indirect.scatter.add.f32 [tilespmem:s18], [sflag:$0x3], $0x30, s16, s20, $0xb8;
	[tilespmem:$0x1E5F8] =	vst v63  }
0xf1: {  	_ = 	snop  }
0xf2: {  	[spmem:s2] =	stream.indirect.scatter.add.f32 [tilespmem:s26], [sflag:$0x3], $0x30, s24, s20, $0xb8;
	[tilespmem:$0x1E5F8] =	vst v63  }
0xf3: {  	_ = 	snop  }
0xf4: {  	[spmem:s2] =	stream.indirect.scatter.add.f32 [tilespmem:s29], [sflag:$0x3], $0x30, s28, s20, $0xb8;
	[tilespmem:$0x1E5F8] =	vst v63  }
0xf5: {  	_ =	swait.ge [sflag:s30], $0x1770  }
0xf6: {  	[sflag:s30] =	ssyncset.done $0x0  }
0xf7: {  	[sflag:s30] =	ssyncadd.s32 $0xFFFFE890  }
0xf8: {  	_ =	swait.ge [sflag:s30], $0x1770  }
0xf9: {  	[sflag:s30] =	ssyncset.done $0x0  }
0xfa: {  	[sflag:s30] =	ssyncadd.s32 $0xFFFFE890  }
0xfb: {  	_ =	swait.ge [sflag:s30], $0x1770  }
0xfc: {  	[sflag:s30] =	ssyncset.done $0x0  }
0xfd: {  	[sflag:s30] =	ssyncadd.s32 $0xFFFFE890  }
0xfe: {  	_ =	swait.ge [sflag:s30], $0x1770  }
0xff: {  	[sflag:s30] =	ssyncset.done $0x0  }
0x100: {  	[sflag:s30] =	ssyncadd.s32 $0xFFFFE890  }
0x101: {  	_ =	swait.ge [sflag:s30], $0x1770  }
0x102: {  	[sflag:s30] =	ssyncset.done $0x0  }
0x103: {  	[sflag:s30] =	ssyncadd.s32 $0xFFFFE890  }
0x104: {  	_ =	swait.ge [sflag:s30], $0x1770  }
0x105: {  	[sflag:s30] =	ssyncset.done $0x0  }
0x106: {  	[sflag:s30] =	ssyncadd.s32 $0xFFFFE890  }
0x107: {  	_ =	swait.ge [sflag:s30], $0x1770  }
0x108: {  	[sflag:s30] =	ssyncset.done $0x0  }
0x109: {  	[sflag:s30] =	ssyncadd.s32 $0xFFFFE890  }
0x10a: {  	_ =	swait.ge [sflag:s30], $0x1770  }
0x10b: {  	[sflag:s30] =	ssyncset.done $0x0  }
0x10c: {  	[sflag:s30] =	ssyncadd.s32 $0xFFFFE890  }
0x10d: {  	[bflag:$0x0] =	sbarrier.arrive $0xFFFF  }
0x10e: {  	s0 =	rddreg [dreg:$0x9]  }
0x10f: {  	s4 =	rddreg [dreg:$0xc]  }
0x110: {  	[hbm:s0], [sflag:s8] =	dma.local @!p0 [spmem:s4], $0x493E  }
0x111: {  	s0 =	simm.s32 @!p0 $0x4  }
0x112: {  	_ =	swait.ge @!p0 [sflag:s0], $0x493E  }
0x113: {  	s31 =	sadd.s32 $0x1, s31;
	s25 =	rddreg [dreg:$0xa]  }
0x114: {  	p1 =	sne.s32 s31, s25  }
.Ltmp1:
0x115: {  	_ = 	snop;
	(pc) =	sbr.rel @p1 .LBB2_1-.Ltmp1, $3  }
0x116: {  	_ =	sdelay $0x1  }
0x117: {  	[sflag:s0] =	ssyncset.done @!p0 $0x0  }
0x118: {  	[sflag:s0] =	ssyncadd.s32 @!p0 $0xFFFFB6C2  }
0x119: {  	_ =	sfence.sel $0x180000  }
0x11a: {  	[bflag:$0x0] =	sbarrier.arrive $0xFFFF  }
0x11b: {  	_ =	strace $0x90000050  }
0x11c: {  	s0 =	stileid.u32;
	[bflag:$0x2] =	sbarrier.arrive $0xFFFF  }
0x11d: {  	p0 =	sne.s32 s0, $0x0;
	s0 =	rddreg [dreg:$0x2]  }
0x11e: {  	s0 =	sadd.s32 @!p0 $0x100000, s0  }
0x11f: {  	[sflag:s0] =	ssyncadd.tile.s32 @!p0 $0x1;
	_ =	shalt  }
.Lfunc_end2:
_tile_overlayer_lowered:
.L_overlay_start_2:
0x120: {  	(tag) =	ssettag $0x2  }
0x121: {  	s0 =	rddreg [dreg:$0x0];
	s2 =	stileid.u32  }
0x122: {  	s1 =	rddreg [dreg:$0x1];
	p0 =	sne.s32 s2, $0x0  }
0x123: {  	s3 =	rddreg [dreg:$0x2];
	[bflag:$0x3] =	sbarrier.arrive $0xFFFF;
	s2 =	simm.s32 @!p0 $0x1C04  }
0x124: {  	[timem:s3], [sflag:s2] =	dma.local @!p0 [hbm:s0], s1  }
0x125: {  	s0 =	simm.s32 @!p0 $0x4  }
0x126: {  	_ =	swait.ge @!p0 [sflag:s0], s1  }
0x127: {  	s1 =	ssub.s32 @!p0 $0x0, s1;
	[sflag:s0] =	ssyncset.done @!p0 $0x0  }
0x128: {  	[sflag:s0] =	ssyncadd.s32 @!p0 s1  }
0x129: {  	[bflag:$0x3] =	sbarrier.arrive $0xFFFF  }
0x12a: {  	_ =	shalt  }

</sc_bundles>
